<compile_context>
chip_gen: v7x
topology: tpu7x:2x2x1
jax: 0.10.2.dev20260603
libtpu: 0.0.44.dev20260713+nightly
codegen_flags: <defaults>
</compile_context>

<pallas_src>
import functools

import jax
import jax.numpy as jnp
from jax import lax
from jax.experimental import pallas as pl
from jax.experimental.pallas import tpu as pltpu
from jax.experimental.pallas import tpu_sc as plsc

N = 10000
E = 320000
F = 128
HF = 64
B = 128

NW = 32
CHUNK = 80
NCHUNK = E // (NW * CHUNK)
CH2 = 125
NCHUNK2 = E // (16 * CH2)
STAGE = (80, 80)
NBUF = 4
SL = 624
TAIL = N - 16 * SL
RB = B // 16

_mesh = plsc.VectorSubcoreMesh(core_axis_name="c", subcore_axis_name="s")


def _slice_copy(src, dst, sid):
    pltpu.sync_copy(src.at[pl.ds(sid * SL, SL)], dst.at[pl.ds(sid * SL, SL)])

    @pl.when(sid == 15)
    def _():
        pltpu.sync_copy(src.at[pl.ds(16 * SL, TAIL)],
                        dst.at[pl.ds(16 * SL, TAIL)])


@functools.partial(
    pl.kernel,
    out_type=(jax.ShapeDtypeStruct((2, N, 16), jnp.float32),
              jax.ShapeDtypeStruct((B, F), jnp.float32)),
    mesh=_mesh,
    scratch_types=[
        pltpu.VMEM((NCHUNK, CHUNK), jnp.int32),
        pltpu.VMEM((CHUNK, 16), jnp.float32),
        pltpu.VMEM_SHARED((N, 16), jnp.float32),
        pltpu.VMEM((RB,), jnp.int32),
        pltpu.VMEM((RB, F), jnp.float32),
        pltpu.SemaphoreType.DMA,
        pltpu.SemaphoreType.DMA,
    ],
)
def _sc_deg_roots(x_hbm, dst_hbm, ridx_hbm, z16_hbm, ones_hbm,
                  degp_hbm, roots_hbm,
                  dst_v, ones_v, acc_sh, ridx_v, rrow_v, rsem, sem):
    cid = lax.axis_index("c")
    sid = lax.axis_index("s")
    wid = cid * 16 + sid
    pltpu.sync_copy(dst_hbm.at[wid], dst_v)
    pltpu.sync_copy(ones_hbm, ones_v)
    _slice_copy(z16_hbm, acc_sh, sid)
    plsc.subcore_barrier()

    @pl.when(cid == 0)
    def _():
        pltpu.sync_copy(ridx_hbm.at[pl.ds(sid * RB, RB)], ridx_v)
        pltpu.async_copy(x_hbm.at[ridx_v], rrow_v, rsem).wait()
        pltpu.sync_copy(rrow_v, roots_hbm.at[pl.ds(sid * RB, RB)])

    for i in range(8):
        pltpu.async_copy(ones_v, acc_sh.at[dst_v.at[i]], sem, add=True)

    @pl.loop(8, NCHUNK)
    def _(j):
        pltpu.make_async_copy(ones_v, acc_sh.at[dst_v.at[j - 8]],
                              sem).wait()
        pltpu.async_copy(ones_v, acc_sh.at[dst_v.at[j]], sem, add=True)

    @pl.loop(0, 8)
    def _(j):
        pltpu.make_async_copy(ones_v, acc_sh.at[dst_v.at[NCHUNK - 8 + j]],
                              sem).wait()

    plsc.subcore_barrier()
    _slice_copy(acc_sh, degp_hbm.at[cid], sid)


def _make_sc_agg(with_roots):
    out_type = [jax.ShapeDtypeStruct((N, F), jnp.float32)]
    scratch = (
        [pltpu.VMEM((STAGE[0], CH2), jnp.int32),
         pltpu.VMEM((STAGE[0], CH2), jnp.int32)]
        + [pltpu.VMEM((CH2, HF), jnp.float32)] * NBUF
        + [pltpu.VMEM_SHARED((N, HF), jnp.float32)]
        + [pltpu.SemaphoreType.DMA] * (2 * NBUF)
    )
    if with_roots:
        out_type.append(jax.ShapeDtypeStruct((B, F), jnp.float32))
        scratch += [pltpu.VMEM((RB,), jnp.int32),
                    pltpu.VMEM((RB, F), jnp.float32),
                    pltpu.SemaphoreType.DMA]

    def body(refs):
        if with_roots:
            (g_hbm, src_hbm, dst_hbm, z_hbm, tab_hbm, ridx_hbm,
             agg_hbm, roots_hbm) = refs[:8]
            rest = refs[8:]
            ridx_v, rrow_v, sem2 = rest[-3:]
            rest = rest[:-3]
        else:
            (g_hbm, src_hbm, dst_hbm, z_hbm, agg_hbm) = refs[:5]
            rest = refs[5:]
        src_v, dst_v = rest[0], rest[1]
        bufs = rest[2:2 + NBUF]
        acc_sh = rest[2 + NBUF]
        gsems = rest[3 + NBUF:3 + 2 * NBUF]
        ssems = rest[3 + 2 * NBUF:3 + 3 * NBUF]
        cid = lax.axis_index("c")
        sid = lax.axis_index("s")
        gtab = g_hbm
        _slice_copy(z_hbm, acc_sh, sid)
        plsc.subcore_barrier()

        if with_roots:
            @pl.when(cid == 0)
            def _():
                pltpu.sync_copy(ridx_hbm.at[pl.ds(sid * RB, RB)], ridx_v)
                pltpu.async_copy(tab_hbm.at[ridx_v], rrow_v, sem2).wait()
                pltpu.sync_copy(rrow_v, roots_hbm.at[pl.ds(sid * RB, RB)])

        def wait_g(i, j):
            pltpu.make_async_copy(gtab.at[src_v.at[j]], bufs[i],
                                  gsems[i]).wait()

        def wait_s(i, j):
            pltpu.make_async_copy(bufs[i], acc_sh.at[dst_v.at[j]],
                                  ssems[i]).wait()

        off = 0
        for ln in STAGE:
            pltpu.sync_copy(src_hbm.at[cid, sid, pl.ds(off, ln)],
                            src_v.at[pl.ds(0, ln)])
            pltpu.sync_copy(dst_hbm.at[sid, pl.ds(off, ln)],
                            dst_v.at[pl.ds(0, ln)])

            for i in range(NBUF):
                pltpu.async_copy(gtab.at[src_v.at[i]], bufs[i], gsems[i])

            @pl.loop(0, ln - NBUF, step=NBUF)
            def _(j):
                for i in range(NBUF):
                    wait_g(i, j + i)
                    pltpu.async_copy(bufs[i], acc_sh.at[dst_v.at[j + i]],
                                     ssems[i], add=True)
                for i in range(NBUF):
                    wait_s(i, j + i)
                    pltpu.async_copy(gtab.at[src_v.at[j + NBUF + i]],
                                     bufs[i], gsems[i])

            for i in range(NBUF):
                wait_g(i, ln - NBUF + i)
                pltpu.async_copy(bufs[i], acc_sh.at[dst_v.at[ln - NBUF + i]],
                                 ssems[i], add=True)
            for i in range(NBUF):
                wait_s(i, ln - NBUF + i)

            off += ln

        plsc.subcore_barrier()
        pltpu.sync_copy(
            acc_sh.at[pl.ds(sid * SL, SL)],
            agg_hbm.at[pl.ds(sid * SL, SL), pl.ds(cid * HF, HF)])

        @pl.when(sid == 15)
        def _():
            pltpu.sync_copy(
                acc_sh.at[pl.ds(16 * SL, TAIL)],
                agg_hbm.at[pl.ds(16 * SL, TAIL), pl.ds(cid * HF, HF)])

    def entry(*refs):
        body(refs)

    return pl.kernel(entry,
                     out_type=tuple(out_type) if with_roots else out_type[0],
                     mesh=_mesh, scratch_types=scratch,
                     compiler_params=pltpu.CompilerParams(
                         use_tc_tiling_on_sc=False))


_sc_agg = _make_sc_agg(False)
_sc_agg_roots = _make_sc_agg(True)


BM = 1000


def _mm_body(x_ref, w_ref, o_ref):
    o_ref[...] = jnp.dot(x_ref[...], w_ref[...],
                         preferred_element_type=jnp.float32)


def _matmul(x, w):
    n, k = x.shape
    m = w.shape[1]
    return pl.pallas_call(
        _mm_body,
        grid=(n // BM,),
        in_specs=[pl.BlockSpec((BM, k), lambda i: (i, 0)),
                  pl.BlockSpec((k, m), lambda i: (0, 0))],
        out_specs=pl.BlockSpec((BM, m), lambda i: (i, 0)),
        out_shape=jax.ShapeDtypeStruct((n, m), jnp.float32),
    )(x, w)


def _k2_body(degp_ref, h1m_ref, dinv_ref, g1_ref):
    v = degp_ref[...]
    deg = v[0, :, 0:1] + v[1, :, 0:1] + 1.0
    dinv = lax.rsqrt(deg)
    dinv_ref[...] = dinv
    g1_ref[...] = dinv * h1m_ref[...]


def _k2(degp, h1m):
    return pl.pallas_call(
        _k2_body,
        grid=(N // BM,),
        in_specs=[pl.BlockSpec((2, BM, 16), lambda i: (0, i, 0)),
                  pl.BlockSpec((BM, F), lambda i: (i, 0))],
        out_specs=[pl.BlockSpec((BM, 1), lambda i: (i, 0)),
                   pl.BlockSpec((BM, F), lambda i: (i, 0))],
        out_shape=[jax.ShapeDtypeStruct((N, 1), jnp.float32),
                   jax.ShapeDtypeStruct((N, F), jnp.float32)],
    )(degp, h1m)


def _k3_body(aggp_ref, h1m_ref, dinv_ref, b1_ref, batch_ref, w2a_ref,
             roots_ref, w2b_ref, h1b_ref, h2m_ref, g2_ref):
    agg = aggp_ref[...]
    dinv = dinv_ref[...]
    h1m = h1m_ref[...]
    h1b = dinv * agg + (dinv * dinv) * h1m + b1_ref[...]
    h1b_ref[...] = h1b
    r1 = jax.nn.relu(h1b)
    q = jnp.dot(jax.nn.relu(roots_ref[...]), w2b_ref[...],
                preferred_element_type=jnp.float32)
    oh = (batch_ref[...] ==
          lax.broadcasted_iota(jnp.int32, (BM, B), 1)).astype(jnp.float32)
    h2m = (jnp.dot(r1, w2a_ref[...], preferred_element_type=jnp.float32)
           + jnp.dot(oh, q, preferred_element_type=jnp.float32))
    h2m_ref[...] = h2m
    g2_ref[...] = dinv * h2m


def _k3(aggp, h1m, dinv, b1r, batch2d, w2a, roots1, w2b):
    return pl.pallas_call(
        _k3_body,
        grid=(N // BM,),
        in_specs=[pl.BlockSpec((BM, F), lambda i: (i, 0)),
                  pl.BlockSpec((BM, F), lambda i: (i, 0)),
                  pl.BlockSpec((BM, 1), lambda i: (i, 0)),
                  pl.BlockSpec((1, F), lambda i: (0, 0)),
                  pl.BlockSpec((BM, 1), lambda i: (i, 0)),
                  pl.BlockSpec((F, F), lambda i: (0, 0)),
                  pl.BlockSpec((B, F), lambda i: (0, 0)),
                  pl.BlockSpec((F, F), lambda i: (0, 0))],
        out_specs=[pl.BlockSpec((BM, F), lambda i: (i, 0)),
                   pl.BlockSpec((BM, F), lambda i: (i, 0)),
                   pl.BlockSpec((BM, F), lambda i: (i, 0))],
        out_shape=[jax.ShapeDtypeStruct((N, F), jnp.float32),
                   jax.ShapeDtypeStruct((N, F), jnp.float32),
                   jax.ShapeDtypeStruct((N, F), jnp.float32)],
    )(aggp, h1m, dinv, b1r, batch2d, w2a, roots1, w2b)


def _k5_body(aggp_ref, h2m_ref, dinv_ref, b2_ref, batch_ref, x2r_ref,
             o_ref, sums_ref, cnt_ref):
    i = pl.program_id(0)
    agg = aggp_ref[...]
    dinv = dinv_ref[...]
    h2b = dinv * agg + (dinv * dinv) * h2m_ref[...] + b2_ref[...]
    r2 = jax.nn.relu(h2b)
    oh = (batch_ref[...] ==
          lax.broadcasted_iota(jnp.int32, (BM, B), 1)).astype(jnp.float32)
    part = lax.dot_general(oh, r2, (((0,), (0,)), ((), ())),
                           preferred_element_type=jnp.float32)
    ones = jnp.ones((BM, 1), jnp.float32)
    cntp = lax.dot_general(oh, ones, (((0,), (0,)), ((), ())),
                           preferred_element_type=jnp.float32)

    @pl.when(i == 0)
    def _():
        sums_ref[...] = jnp.zeros_like(sums_ref)
        cnt_ref[...] = jnp.zeros_like(cnt_ref)

    sums_ref[...] += part
    cnt_ref[...] += cntp

    @pl.when(i == N // BM - 1)
    def _():
        cnt = cnt_ref[...]
        o_ref[:, :F] = sums_ref[...] / jnp.maximum(cnt, 1.0)
        o_ref[:, F:] = jnp.where(cnt > 0.0, x2r_ref[...], 0.0)


def _k5(aggp2, h2m, dinv, b2r, batch2d, x2roots):
    return pl.pallas_call(
        _k5_body,
        grid=(N // BM,),
        in_specs=[pl.BlockSpec((BM, F), lambda i: (i, 0)),
                  pl.BlockSpec((BM, F), lambda i: (i, 0)),
                  pl.BlockSpec((BM, 1), lambda i: (i, 0)),
                  pl.BlockSpec((1, F), lambda i: (0, 0)),
                  pl.BlockSpec((BM, 1), lambda i: (i, 0)),
                  pl.BlockSpec((B, F), lambda i: (0, 0))],
        out_specs=pl.BlockSpec((B, 2 * F), lambda i: (0, 0)),
        out_shape=jax.ShapeDtypeStruct((B, 2 * F), jnp.float32),
        scratch_shapes=[pltpu.VMEM((B, F), jnp.float32),
                        pltpu.VMEM((B, 1), jnp.float32)],
    )(aggp2, h2m, dinv, b2r, batch2d, x2roots)


def kernel(x, edge_index, batch, root_index, W1, b1, W2, b2):
    src = edge_index[0].astype(jnp.int32)
    dst = edge_index[1].astype(jnp.int32)
    dst3_32 = dst.reshape(NW, NCHUNK, CHUNK)
    dst3_16 = dst.reshape(16, NCHUNK2, CH2)
    src_sc = jnp.stack([src + src, src + src + 1]).reshape(2, 16, NCHUNK2, CH2)
    batch2d = batch.astype(jnp.int32).reshape(N, 1)
    ridx = root_index.astype(jnp.int32)
    b1r = b1.reshape(1, F)
    b2r = b2.reshape(1, F)
    w2a = W2[:F, :]
    w2b = W2[F:, :]
    z64 = jnp.zeros((N, HF), jnp.float32)
    z16 = jnp.zeros((N, 16), jnp.float32)
    ones16 = jnp.ones((CHUNK, 16), jnp.float32)

    x = x.astype(jnp.float32)
    h1m = _matmul(x, W1)
    degp, roots1 = _sc_deg_roots(x, dst3_32, ridx, z16, ones16)
    src_sc, _ = lax.optimization_barrier((src_sc, h1m))
    dinv, g1 = _k2(degp, h1m)
    aggp1 = _sc_agg(g1.reshape(2 * N, HF), src_sc, dst3_16, z64)
    h1b, h2m, g2 = _k3(aggp1, h1m, dinv, b1r, batch2d, w2a,
                       roots1, w2b)
    aggp2, x2roots = _sc_agg_roots(g2.reshape(2 * N, HF), src_sc, dst3_16,
                                   z64, h1b, ridx)
    return _k5(aggp2, h2m, dinv, b2r, batch2d, x2roots)

# --- scband reference (transcript-rebuilt; emitter-appended) ---
"""Pipeline reference for scband-tdrumor-gcn-78847009620360 (READ-ONLY COPY).

The authoritative reference and input builder live on the scoring server;
editing this copy changes nothing except your own understanding.
"""

import jax, jax.numpy as jnp
import numpy as np

N = 10000
E = 320000
F_IN = 128
HID = 128
OUT = 128
B = 128


def gcn_conv(x, edge_index, W, b, num_nodes):
    # PyG GCNConv: add self-loops, symmetric normalization, scatter-add aggregate
    src = edge_index[0]
    dst = edge_index[1]
    loop = jnp.arange(num_nodes, dtype=edge_index.dtype)
    src = jnp.concatenate([src, loop])
    dst = jnp.concatenate([dst, loop])
    h = x @ W
    deg = jnp.zeros((num_nodes,), h.dtype).at[dst].add(1.0)
    dinv = jnp.where(deg > 0, 1.0 / jnp.sqrt(deg), 0.0)
    norm = dinv[src] * dinv[dst]
    msg = h[src] * norm[:, None]
    out = jnp.zeros((num_nodes, W.shape[1]), h.dtype).at[dst].add(msg)
    return out + b


def setup_inputs(seed: int = 0):
    key = jax.random.key(seed)
    ks = jax.random.split(key, 8)
    x = jax.random.normal(ks[0], (N, F_IN), dtype=jnp.float32)
    edge_index = jax.random.randint(ks[1], (2, E), 0, N, dtype=jnp.int64)
    batch = jnp.sort(jax.random.randint(ks[2], (N,), 0, B, dtype=jnp.int64))
    root_index = jax.random.randint(ks[3], (B,), 0, N, dtype=jnp.int64)
    W1 = jax.random.normal(ks[4], (F_IN, HID), dtype=jnp.float32) * 0.05
    b1 = jnp.zeros((HID,), dtype=jnp.float32)
    W2 = jax.random.normal(ks[5], (HID + F_IN, OUT), dtype=jnp.float32) * 0.05
    b2 = jnp.zeros((OUT,), dtype=jnp.float32)
    return {"x": x, "edge_index": edge_index, "batch": batch,
            "root_index": root_index, "W1": W1, "b1": b1, "W2": W2, "b2": b2}


def reference(x, edge_index, batch, root_index, W1, b1, W2, b2):
    num_nodes = x.shape[0]
    num_graphs = root_index.shape[0]
    x1 = x.astype(jnp.float32)
    h = gcn_conv(x1, edge_index, W1, b1, num_nodes)
    x2 = h
    # root_extend[n] = x1[root_index[batch[n]]]  (vectorized form of per-batch loop)
    root_extend = jnp.take(jnp.take(x1, root_index, axis=0), batch, axis=0)
    h = jnp.concatenate([h, root_extend], axis=1)
    h = jax.nn.relu(h)
    # F.dropout with training=False -> identity (eval mode)
    h = gcn_conv(h, edge_index, W2, b2, num_nodes)
    h = jax.nn.relu(h)
    root_extend2 = jnp.take(jnp.take(x2, root_index, axis=0), batch, axis=0)
    h = jnp.concatenate([h, root_extend2], axis=1)
    # scatter_mean over batch ids
    sums = jax.ops.segment_sum(h, batch, num_segments=num_graphs)
    counts = jax.ops.segment_sum(jnp.ones((num_nodes,), h.dtype), batch, num_segments=num_graphs)
    out = sums / jnp.clip(counts, 1.0)[:, None]
    return out

if __name__ == "__main__":
    import jax
    _d = setup_inputs()
    print(jax.jit(kernel)(*tuple(_d.values())))

</pallas_src>

<mosaic_0001>
#map = affine_map<(d0, d1) -> (0, 0)>
#map1 = affine_map<(d0, d1) -> (0, 0, 0)>
#map2 = affine_map<(d0, d1) -> (0)>
module attributes {stable_mosaic.version = 14 : i64} {
  func.func @_sc_deg_roots(%arg0: i32, %arg1: i32, %arg2: memref<10000x128xf32, #tpu.memory_space<hbm>>, %arg3: memref<32x125x80xi32, #tpu.memory_space<hbm>>, %arg4: memref<128xi32, #tpu.memory_space<hbm>>, %arg5: memref<10000x16xf32, #tpu.memory_space<hbm>>, %arg6: memref<80x16xf32, #tpu.memory_space<hbm>>, %arg7: memref<2x10000x16xf32, #tpu.memory_space<hbm>>, %arg8: memref<128x128xf32, #tpu.memory_space<hbm>>, %arg9: memref<125x80xi32, #tpu.memory_space<vmem>>, %arg10: memref<80x16xf32, #tpu.memory_space<vmem>>, %arg11: memref<10000x16xf32, #tpu.memory_space<vmem_shared>>, %arg12: memref<8xi32, #tpu.memory_space<vmem>>, %arg13: memref<8x128xf32, #tpu.memory_space<vmem>>, %arg14: memref<!tpu.dma_semaphore, #tpu.memory_space<semaphore_mem>>, %arg15: memref<!tpu.dma_semaphore, #tpu.memory_space<semaphore_mem>>) attributes {dimension_semantics = [#tpu.dimension_semantics<core_parallel>, #tpu.dimension_semantics<subcore_parallel>], iteration_bounds = array<i64: 2, 16>, scalar_prefetch = 0 : i64, scratch_operands = 7 : i64, tpu.core_type = #tpu.core_type<sc_vector_subcore>, window_params = [{transform_indices = #map}, {transform_indices = #map1}, {transform_indices = #map2}, {transform_indices = #map}, {transform_indices = #map}, {transform_indices = #map1}, {transform_indices = #map}]} {
    %mul3A = arith.constant 16 : i32
    %mul3A_0 = arith.muli %arg0, %mul3A : i32
    %add3A = arith.addi %mul3A_0, %arg1 : i32
    "tpu.region"() ({
      %run_scoped3A = tpu.sem_alloc : memref<!tpu.dma_semaphore, #tpu.memory_space<semaphore_mem>>
      %dma_start3A_86 = arith.constant 0 : i32
      %dma_start3A_87 = arith.constant 0 : i32
      %dma_start3A_88 = tpu.memref_slice %arg3[%add3A, %dma_start3A_86, %dma_start3A_87] : memref<32x125x80xi32, #tpu.memory_space<hbm>> -> memref<1x125x80xi32, #tpu.memory_space<hbm>>
      %dma_start3A_89 = tpu.memref_squeeze %dma_start3A_88 : memref<1x125x80xi32, #tpu.memory_space<hbm>> -> memref<125x80xi32, #tpu.memory_space<hbm>>
      %dma_start3A_90 = arith.constant 0 : i32
      %dma_start3A_91 = arith.constant 0 : i32
      %dma_start3A_92 = tpu.memref_slice %arg3[%add3A, %dma_start3A_90, %dma_start3A_91] : memref<32x125x80xi32, #tpu.memory_space<hbm>> -> memref<1x125x80xi32, #tpu.memory_space<hbm>>
      %dma_start3A_93 = tpu.memref_squeeze %dma_start3A_92 : memref<1x125x80xi32, #tpu.memory_space<hbm>> -> memref<125x80xi32, #tpu.memory_space<hbm>>
      tpu.enqueue_dma source(%dma_start3A_93 : memref<125x80xi32, #tpu.memory_space<hbm>>) target(%arg9 : memref<125x80xi32, #tpu.memory_space<vmem>>) target_semaphore(%run_scoped3A : memref<!tpu.dma_semaphore, #tpu.memory_space<semaphore_mem>>)
      %dma_wait3A = arith.constant 0 : i32
      %dma_wait3A_94 = arith.constant 0 : i32
      %dma_wait3A_95 = tpu.memref_slice %arg3[%add3A, %dma_wait3A, %dma_wait3A_94] : memref<32x125x80xi32, #tpu.memory_space<hbm>> -> memref<1x125x80xi32, #tpu.memory_space<hbm>>
      %dma_wait3A_96 = tpu.memref_squeeze %dma_wait3A_95 : memref<1x125x80xi32, #tpu.memory_space<hbm>> -> memref<125x80xi32, #tpu.memory_space<hbm>>
      %dma_wait3A_97 = arith.constant 0 : i32
      %dma_wait3A_98 = arith.constant 0 : i32
      %dma_wait3A_99 = tpu.memref_slice %arg3[%add3A, %dma_wait3A_97, %dma_wait3A_98] : memref<32x125x80xi32, #tpu.memory_space<hbm>> -> memref<1x125x80xi32, #tpu.memory_space<hbm>>
      %dma_wait3A_100 = tpu.memref_squeeze %dma_wait3A_99 : memref<1x125x80xi32, #tpu.memory_space<hbm>> -> memref<125x80xi32, #tpu.memory_space<hbm>>
      tpu.wait_dma2 semaphore(%run_scoped3A : memref<!tpu.dma_semaphore, #tpu.memory_space<semaphore_mem>>) src(%dma_wait3A_100 : memref<125x80xi32, #tpu.memory_space<hbm>>) dst(%arg9 : memref<125x80xi32, #tpu.memory_space<vmem>>)
      tpu.yield
    }) : () -> ()
    "tpu.region"() ({
      %run_scoped3A = tpu.sem_alloc : memref<!tpu.dma_semaphore, #tpu.memory_space<semaphore_mem>>
      tpu.enqueue_dma source(%arg6 : memref<80x16xf32, #tpu.memory_space<hbm>>) target(%arg10 : memref<80x16xf32, #tpu.memory_space<vmem>>) target_semaphore(%run_scoped3A : memref<!tpu.dma_semaphore, #tpu.memory_space<semaphore_mem>>)
      tpu.wait_dma2 semaphore(%run_scoped3A : memref<!tpu.dma_semaphore, #tpu.memory_space<semaphore_mem>>) src(%arg6 : memref<80x16xf32, #tpu.memory_space<hbm>>) dst(%arg10 : memref<80x16xf32, #tpu.memory_space<vmem>>)
      tpu.yield
    }) : () -> ()
    %mul3A_1 = arith.constant 624 : i32
    %mul3A_2 = arith.muli %arg1, %mul3A_1 : i32
    %mul3A_3 = arith.constant 624 : i32
    %mul3A_4 = arith.muli %arg1, %mul3A_3 : i32
    "tpu.region"() ({
      %run_scoped3A = tpu.sem_alloc : memref<!tpu.dma_semaphore, #tpu.memory_space<semaphore_mem>>
      %dma_start3A_86 = arith.constant 0 : i32
      %dma_start3A_87 = tpu.memref_slice %arg11[%mul3A_4, %dma_start3A_86] : memref<10000x16xf32, #tpu.memory_space<vmem_shared>> -> memref<624x16xf32, #tpu.memory_space<vmem_shared>>
      %dma_start3A_88 = arith.constant 0 : i32
      %dma_start3A_89 = tpu.memref_slice %arg5[%mul3A_2, %dma_start3A_88] : memref<10000x16xf32, #tpu.memory_space<hbm>> -> memref<624x16xf32, #tpu.memory_space<hbm>>
      tpu.enqueue_dma source(%dma_start3A_89 : memref<624x16xf32, #tpu.memory_space<hbm>>) target(%dma_start3A_87 : memref<624x16xf32, #tpu.memory_space<vmem_shared>>) target_semaphore(%run_scoped3A : memref<!tpu.dma_semaphore, #tpu.memory_space<semaphore_mem>>)
      %dma_wait3A = arith.constant 0 : i32
      %dma_wait3A_90 = tpu.memref_slice %arg11[%mul3A_4, %dma_wait3A] : memref<10000x16xf32, #tpu.memory_space<vmem_shared>> -> memref<624x16xf32, #tpu.memory_space<vmem_shared>>
      %dma_wait3A_91 = arith.constant 0 : i32
      %dma_wait3A_92 = tpu.memref_slice %arg5[%mul3A_2, %dma_wait3A_91] : memref<10000x16xf32, #tpu.memory_space<hbm>> -> memref<624x16xf32, #tpu.memory_space<hbm>>
      tpu.wait_dma2 semaphore(%run_scoped3A : memref<!tpu.dma_semaphore, #tpu.memory_space<semaphore_mem>>) src(%dma_wait3A_92 : memref<624x16xf32, #tpu.memory_space<hbm>>) dst(%dma_wait3A_90 : memref<624x16xf32, #tpu.memory_space<vmem_shared>>)
      tpu.yield
    }) : () -> ()
    %eq3A = arith.constant 15 : i32
    %eq3A_5 = arith.cmpi eq, %arg1, %eq3A : i32
    %convert_element_type3A = arith.extui %eq3A_5 : i1 to i32
    %cond3A = arith.constant 0 : i32
    %cond3A_6 = arith.cmpi ne, %convert_element_type3A, %cond3A : i32
    scf.if %cond3A_6 {
      "tpu.region"() ({
        %run_scoped3A = tpu.sem_alloc : memref<!tpu.dma_semaphore, #tpu.memory_space<semaphore_mem>>
        %dma_start3A_86 = arith.constant 9984 : i32
        %dma_start3A_87 = arith.constant 0 : i32
        %dma_start3A_88 = tpu.memref_slice %arg11[%dma_start3A_86, %dma_start3A_87] : memref<10000x16xf32, #tpu.memory_space<vmem_shared>> -> memref<16x16xf32, #tpu.memory_space<vmem_shared>>
        %dma_start3A_89 = arith.constant 9984 : i32
        %dma_start3A_90 = arith.constant 0 : i32
        %dma_start3A_91 = tpu.memref_slice %arg5[%dma_start3A_89, %dma_start3A_90] : memref<10000x16xf32, #tpu.memory_space<hbm>> -> memref<16x16xf32, #tpu.memory_space<hbm>>
        tpu.enqueue_dma source(%dma_start3A_91 : memref<16x16xf32, #tpu.memory_space<hbm>>) target(%dma_start3A_88 : memref<16x16xf32, #tpu.memory_space<vmem_shared>>) target_semaphore(%run_scoped3A : memref<!tpu.dma_semaphore, #tpu.memory_space<semaphore_mem>>)
        %dma_wait3A = arith.constant 9984 : i32
        %dma_wait3A_92 = arith.constant 0 : i32
        %dma_wait3A_93 = tpu.memref_slice %arg11[%dma_wait3A, %dma_wait3A_92] : memref<10000x16xf32, #tpu.memory_space<vmem_shared>> -> memref<16x16xf32, #tpu.memory_space<vmem_shared>>
        %dma_wait3A_94 = arith.constant 9984 : i32
        %dma_wait3A_95 = arith.constant 0 : i32
        %dma_wait3A_96 = tpu.memref_slice %arg5[%dma_wait3A_94, %dma_wait3A_95] : memref<10000x16xf32, #tpu.memory_space<hbm>> -> memref<16x16xf32, #tpu.memory_space<hbm>>
        tpu.wait_dma2 semaphore(%run_scoped3A : memref<!tpu.dma_semaphore, #tpu.memory_space<semaphore_mem>>) src(%dma_wait3A_96 : memref<16x16xf32, #tpu.memory_space<hbm>>) dst(%dma_wait3A_93 : memref<16x16xf32, #tpu.memory_space<vmem_shared>>)
        tpu.yield
      }) : () -> ()
    } else {
    }
    %barrier3A = arith.constant 0 : index
    tpu.barrier barrier_id(%barrier3A)
    %eq3A_7 = arith.constant 0 : i32
    %eq3A_8 = arith.cmpi eq, %arg0, %eq3A_7 : i32
    %convert_element_type3A_9 = arith.extui %eq3A_8 : i1 to i32
    %cond3A_10 = arith.constant 0 : i32
    %cond3A_11 = arith.cmpi ne, %convert_element_type3A_9, %cond3A_10 : i32
    scf.if %cond3A_11 {
      %mul3A_86 = arith.constant 8 : i32
      %mul3A_87 = arith.muli %arg1, %mul3A_86 : i32
      "tpu.region"() ({
        %run_scoped3A = tpu.sem_alloc : memref<!tpu.dma_semaphore, #tpu.memory_space<semaphore_mem>>
        %dma_start3A_95 = tpu.memref_slice %arg4[%mul3A_87] : memref<128xi32, #tpu.memory_space<hbm>> -> memref<8xi32, #tpu.memory_space<hbm>>
        %dma_start3A_96 = tpu.memref_slice %arg4[%mul3A_87] : memref<128xi32, #tpu.memory_space<hbm>> -> memref<8xi32, #tpu.memory_space<hbm>>
        tpu.enqueue_dma source(%dma_start3A_96 : memref<8xi32, #tpu.memory_space<hbm>>) target(%arg12 : memref<8xi32, #tpu.memory_space<vmem>>) target_semaphore(%run_scoped3A : memref<!tpu.dma_semaphore, #tpu.memory_space<semaphore_mem>>)
        %dma_wait3A_97 = tpu.memref_slice %arg4[%mul3A_87] : memref<128xi32, #tpu.memory_space<hbm>> -> memref<8xi32, #tpu.memory_space<hbm>>
        %dma_wait3A_98 = tpu.memref_slice %arg4[%mul3A_87] : memref<128xi32, #tpu.memory_space<hbm>> -> memref<8xi32, #tpu.memory_space<hbm>>
        tpu.wait_dma2 semaphore(%run_scoped3A : memref<!tpu.dma_semaphore, #tpu.memory_space<semaphore_mem>>) src(%dma_wait3A_98 : memref<8xi32, #tpu.memory_space<hbm>>) dst(%arg12 : memref<8xi32, #tpu.memory_space<vmem>>)
        tpu.yield
      }) : () -> ()
      %dma_start3A_88 = arith.constant 0 : i32
      %dma_start3A_89 = arith.constant 0 : i32
      %dma_start3A_90 = tpu.memref_slice %arg2[%dma_start3A_88, %dma_start3A_89] : memref<10000x128xf32, #tpu.memory_space<hbm>> -> memref<10000x128xf32, #tpu.memory_space<hbm>>
      tpu.enqueue_indirect_dma source(%dma_start3A_90 : memref<10000x128xf32, #tpu.memory_space<hbm>>) target(%arg13 : memref<8x128xf32, #tpu.memory_space<vmem>>) offsets(%arg12 : memref<8xi32, #tpu.memory_space<vmem>>) semaphore(%arg14 : memref<!tpu.dma_semaphore, #tpu.memory_space<semaphore_mem>>)
      %dma_wait3A = arith.constant 0 : i32
      %dma_wait3A_91 = arith.constant 0 : i32
      %dma_wait3A_92 = tpu.memref_slice %arg2[%dma_wait3A, %dma_wait3A_91] : memref<10000x128xf32, #tpu.memory_space<hbm>> -> memref<10000x128xf32, #tpu.memory_space<hbm>>
      tpu.wait_indirect_dma semaphore(%arg14 : memref<!tpu.dma_semaphore, #tpu.memory_space<semaphore_mem>>) src(%dma_wait3A_92 : memref<10000x128xf32, #tpu.memory_space<hbm>>) dst(%arg13 : memref<8x128xf32, #tpu.memory_space<vmem>>)
      %mul3A_93 = arith.constant 8 : i32
      %mul3A_94 = arith.muli %arg1, %mul3A_93 : i32
      "tpu.region"() ({
        %run_scoped3A = tpu.sem_alloc : memref<!tpu.dma_semaphore, #tpu.memory_space<semaphore_mem>>
        %dma_start3A_95 = arith.constant 0 : i32
        %dma_start3A_96 = tpu.memref_slice %arg8[%mul3A_94, %dma_start3A_95] : memref<128x128xf32, #tpu.memory_space<hbm>> -> memref<8x128xf32, #tpu.memory_space<hbm>>
        %dma_start3A_97 = arith.constant 0 : i32
        %dma_start3A_98 = tpu.memref_slice %arg8[%mul3A_94, %dma_start3A_97] : memref<128x128xf32, #tpu.memory_space<hbm>> -> memref<8x128xf32, #tpu.memory_space<hbm>>
        tpu.enqueue_dma source(%arg13 : memref<8x128xf32, #tpu.memory_space<vmem>>) target(%dma_start3A_98 : memref<8x128xf32, #tpu.memory_space<hbm>>) target_semaphore(%run_scoped3A : memref<!tpu.dma_semaphore, #tpu.memory_space<semaphore_mem>>)
        %dma_wait3A_99 = arith.constant 0 : i32
        %dma_wait3A_100 = tpu.memref_slice %arg8[%mul3A_94, %dma_wait3A_99] : memref<128x128xf32, #tpu.memory_space<hbm>> -> memref<8x128xf32, #tpu.memory_space<hbm>>
        %dma_wait3A_101 = arith.constant 0 : i32
        %dma_wait3A_102 = tpu.memref_slice %arg8[%mul3A_94, %dma_wait3A_101] : memref<128x128xf32, #tpu.memory_space<hbm>> -> memref<8x128xf32, #tpu.memory_space<hbm>>
        tpu.wait_dma2 semaphore(%run_scoped3A : memref<!tpu.dma_semaphore, #tpu.memory_space<semaphore_mem>>) src(%arg13 : memref<8x128xf32, #tpu.memory_space<vmem>>) dst(%dma_wait3A_102 : memref<8x128xf32, #tpu.memory_space<hbm>>)
        tpu.yield
      }) : () -> ()
    } else {
    }
    %dma_start3A = arith.constant 0 : i32
    %dma_start3A_12 = arith.constant 0 : i32
    %dma_start3A_13 = tpu.memref_slice %arg9[%dma_start3A, %dma_start3A_12] : memref<125x80xi32, #tpu.memory_space<vmem>> -> memref<1x80xi32, #tpu.memory_space<vmem>>
    %dma_start3A_14 = tpu.memref_squeeze %dma_start3A_13 : memref<1x80xi32, #tpu.memory_space<vmem>> -> memref<80xi32, #tpu.memory_space<vmem>>
    %dma_start3A_15 = arith.constant 0 : i32
    %dma_start3A_16 = arith.constant 0 : i32
    %dma_start3A_17 = tpu.memref_slice %arg11[%dma_start3A_15, %dma_start3A_16] : memref<10000x16xf32, #tpu.memory_space<vmem_shared>> -> memref<10000x16xf32, #tpu.memory_space<vmem_shared>>
    tpu.enqueue_indirect_dma source(%arg10 : memref<80x16xf32, #tpu.memory_space<vmem>>) target(%dma_start3A_17 : memref<10000x16xf32, #tpu.memory_space<vmem_shared>>) offsets(%dma_start3A_14 : memref<80xi32, #tpu.memory_space<vmem>>) semaphore(%arg15 : memref<!tpu.dma_semaphore, #tpu.memory_space<semaphore_mem>>) {add = true}
    %dma_start3A_18 = arith.constant 1 : i32
    %dma_start3A_19 = arith.constant 0 : i32
    %dma_start3A_20 = tpu.memref_slice %arg9[%dma_start3A_18, %dma_start3A_19] : memref<125x80xi32, #tpu.memory_space<vmem>> -> memref<1x80xi32, #tpu.memory_space<vmem>>
    %dma_start3A_21 = tpu.memref_squeeze %dma_start3A_20 : memref<1x80xi32, #tpu.memory_space<vmem>> -> memref<80xi32, #tpu.memory_space<vmem>>
    %dma_start3A_22 = arith.constant 0 : i32
    %dma_start3A_23 = arith.constant 0 : i32
    %dma_start3A_24 = tpu.memref_slice %arg11[%dma_start3A_22, %dma_start3A_23] : memref<10000x16xf32, #tpu.memory_space<vmem_shared>> -> memref<10000x16xf32, #tpu.memory_space<vmem_shared>>
    tpu.enqueue_indirect_dma source(%arg10 : memref<80x16xf32, #tpu.memory_space<vmem>>) target(%dma_start3A_24 : memref<10000x16xf32, #tpu.memory_space<vmem_shared>>) offsets(%dma_start3A_21 : memref<80xi32, #tpu.memory_space<vmem>>) semaphore(%arg15 : memref<!tpu.dma_semaphore, #tpu.memory_space<semaphore_mem>>) {add = true}
    %dma_start3A_25 = arith.constant 2 : i32
    %dma_start3A_26 = arith.constant 0 : i32
    %dma_start3A_27 = tpu.memref_slice %arg9[%dma_start3A_25, %dma_start3A_26] : memref<125x80xi32, #tpu.memory_space<vmem>> -> memref<1x80xi32, #tpu.memory_space<vmem>>
    %dma_start3A_28 = tpu.memref_squeeze %dma_start3A_27 : memref<1x80xi32, #tpu.memory_space<vmem>> -> memref<80xi32, #tpu.memory_space<vmem>>
    %dma_start3A_29 = arith.constant 0 : i32
    %dma_start3A_30 = arith.constant 0 : i32
    %dma_start3A_31 = tpu.memref_slice %arg11[%dma_start3A_29, %dma_start3A_30] : memref<10000x16xf32, #tpu.memory_space<vmem_shared>> -> memref<10000x16xf32, #tpu.memory_space<vmem_shared>>
    tpu.enqueue_indirect_dma source(%arg10 : memref<80x16xf32, #tpu.memory_space<vmem>>) target(%dma_start3A_31 : memref<10000x16xf32, #tpu.memory_space<vmem_shared>>) offsets(%dma_start3A_28 : memref<80xi32, #tpu.memory_space<vmem>>) semaphore(%arg15 : memref<!tpu.dma_semaphore, #tpu.memory_space<semaphore_mem>>) {add = true}
    %dma_start3A_32 = arith.constant 3 : i32
    %dma_start3A_33 = arith.constant 0 : i32
    %dma_start3A_34 = tpu.memref_slice %arg9[%dma_start3A_32, %dma_start3A_33] : memref<125x80xi32, #tpu.memory_space<vmem>> -> memref<1x80xi32, #tpu.memory_space<vmem>>
    %dma_start3A_35 = tpu.memref_squeeze %dma_start3A_34 : memref<1x80xi32, #tpu.memory_space<vmem>> -> memref<80xi32, #tpu.memory_space<vmem>>
    %dma_start3A_36 = arith.constant 0 : i32
    %dma_start3A_37 = arith.constant 0 : i32
    %dma_start3A_38 = tpu.memref_slice %arg11[%dma_start3A_36, %dma_start3A_37] : memref<10000x16xf32, #tpu.memory_space<vmem_shared>> -> memref<10000x16xf32, #tpu.memory_space<vmem_shared>>
    tpu.enqueue_indirect_dma source(%arg10 : memref<80x16xf32, #tpu.memory_space<vmem>>) target(%dma_start3A_38 : memref<10000x16xf32, #tpu.memory_space<vmem_shared>>) offsets(%dma_start3A_35 : memref<80xi32, #tpu.memory_space<vmem>>) semaphore(%arg15 : memref<!tpu.dma_semaphore, #tpu.memory_space<semaphore_mem>>) {add = true}
    %dma_start3A_39 = arith.constant 4 : i32
    %dma_start3A_40 = arith.constant 0 : i32
    %dma_start3A_41 = tpu.memref_slice %arg9[%dma_start3A_39, %dma_start3A_40] : memref<125x80xi32, #tpu.memory_space<vmem>> -> memref<1x80xi32, #tpu.memory_space<vmem>>
    %dma_start3A_42 = tpu.memref_squeeze %dma_start3A_41 : memref<1x80xi32, #tpu.memory_space<vmem>> -> memref<80xi32, #tpu.memory_space<vmem>>
    %dma_start3A_43 = arith.constant 0 : i32
    %dma_start3A_44 = arith.constant 0 : i32
    %dma_start3A_45 = tpu.memref_slice %arg11[%dma_start3A_43, %dma_start3A_44] : memref<10000x16xf32, #tpu.memory_space<vmem_shared>> -> memref<10000x16xf32, #tpu.memory_space<vmem_shared>>
    tpu.enqueue_indirect_dma source(%arg10 : memref<80x16xf32, #tpu.memory_space<vmem>>) target(%dma_start3A_45 : memref<10000x16xf32, #tpu.memory_space<vmem_shared>>) offsets(%dma_start3A_42 : memref<80xi32, #tpu.memory_space<vmem>>) semaphore(%arg15 : memref<!tpu.dma_semaphore, #tpu.memory_space<semaphore_mem>>) {add = true}
    %dma_start3A_46 = arith.constant 5 : i32
    %dma_start3A_47 = arith.constant 0 : i32
    %dma_start3A_48 = tpu.memref_slice %arg9[%dma_start3A_46, %dma_start3A_47] : memref<125x80xi32, #tpu.memory_space<vmem>> -> memref<1x80xi32, #tpu.memory_space<vmem>>
    %dma_start3A_49 = tpu.memref_squeeze %dma_start3A_48 : memref<1x80xi32, #tpu.memory_space<vmem>> -> memref<80xi32, #tpu.memory_space<vmem>>
    %dma_start3A_50 = arith.constant 0 : i32
    %dma_start3A_51 = arith.constant 0 : i32
    %dma_start3A_52 = tpu.memref_slice %arg11[%dma_start3A_50, %dma_start3A_51] : memref<10000x16xf32, #tpu.memory_space<vmem_shared>> -> memref<10000x16xf32, #tpu.memory_space<vmem_shared>>
    tpu.enqueue_indirect_dma source(%arg10 : memref<80x16xf32, #tpu.memory_space<vmem>>) target(%dma_start3A_52 : memref<10000x16xf32, #tpu.memory_space<vmem_shared>>) offsets(%dma_start3A_49 : memref<80xi32, #tpu.memory_space<vmem>>) semaphore(%arg15 : memref<!tpu.dma_semaphore, #tpu.memory_space<semaphore_mem>>) {add = true}
    %dma_start3A_53 = arith.constant 6 : i32
    %dma_start3A_54 = arith.constant 0 : i32
    %dma_start3A_55 = tpu.memref_slice %arg9[%dma_start3A_53, %dma_start3A_54] : memref<125x80xi32, #tpu.memory_space<vmem>> -> memref<1x80xi32, #tpu.memory_space<vmem>>
    %dma_start3A_56 = tpu.memref_squeeze %dma_start3A_55 : memref<1x80xi32, #tpu.memory_space<vmem>> -> memref<80xi32, #tpu.memory_space<vmem>>
    %dma_start3A_57 = arith.constant 0 : i32
    %dma_start3A_58 = arith.constant 0 : i32
    %dma_start3A_59 = tpu.memref_slice %arg11[%dma_start3A_57, %dma_start3A_58] : memref<10000x16xf32, #tpu.memory_space<vmem_shared>> -> memref<10000x16xf32, #tpu.memory_space<vmem_shared>>
    tpu.enqueue_indirect_dma source(%arg10 : memref<80x16xf32, #tpu.memory_space<vmem>>) target(%dma_start3A_59 : memref<10000x16xf32, #tpu.memory_space<vmem_shared>>) offsets(%dma_start3A_56 : memref<80xi32, #tpu.memory_space<vmem>>) semaphore(%arg15 : memref<!tpu.dma_semaphore, #tpu.memory_space<semaphore_mem>>) {add = true}
    %dma_start3A_60 = arith.constant 7 : i32
    %dma_start3A_61 = arith.constant 0 : i32
    %dma_start3A_62 = tpu.memref_slice %arg9[%dma_start3A_60, %dma_start3A_61] : memref<125x80xi32, #tpu.memory_space<vmem>> -> memref<1x80xi32, #tpu.memory_space<vmem>>
    %dma_start3A_63 = tpu.memref_squeeze %dma_start3A_62 : memref<1x80xi32, #tpu.memory_space<vmem>> -> memref<80xi32, #tpu.memory_space<vmem>>
    %dma_start3A_64 = arith.constant 0 : i32
    %dma_start3A_65 = arith.constant 0 : i32
    %dma_start3A_66 = tpu.memref_slice %arg11[%dma_start3A_64, %dma_start3A_65] : memref<10000x16xf32, #tpu.memory_space<vmem_shared>> -> memref<10000x16xf32, #tpu.memory_space<vmem_shared>>
    tpu.enqueue_indirect_dma source(%arg10 : memref<80x16xf32, #tpu.memory_space<vmem>>) target(%dma_start3A_66 : memref<10000x16xf32, #tpu.memory_space<vmem_shared>>) offsets(%dma_start3A_63 : memref<80xi32, #tpu.memory_space<vmem>>) semaphore(%arg15 : memref<!tpu.dma_semaphore, #tpu.memory_space<semaphore_mem>>) {add = true}
    %scan3A = arith.constant 0 : i32
    %scan3A_67 = arith.constant 117 : i32
    %scan3A_68 = arith.addi %scan3A, %scan3A_67 : i32
    %scan3A_69 = arith.constant 1 : i32
    scf.for %scan3A_86 = %scan3A to %scan3A_68 step %scan3A_69  : i32 {
      %mul3A_87 = arith.constant 1 : i32
      %mul3A_88 = arith.muli %scan3A_86, %mul3A_87 : i32
      %add3A_89 = arith.constant 8 : i32
      %add3A_90 = arith.addi %add3A_89, %mul3A_88 : i32
      %sub3A = arith.constant 8 : i32
      %sub3A_91 = arith.subi %add3A_90, %sub3A : i32
      %dma_wait3A = arith.constant 0 : i32
      %dma_wait3A_92 = tpu.memref_slice %arg9[%sub3A_91, %dma_wait3A] : memref<125x80xi32, #tpu.memory_space<vmem>> -> memref<1x80xi32, #tpu.memory_space<vmem>>
      %dma_wait3A_93 = tpu.memref_squeeze %dma_wait3A_92 : memref<1x80xi32, #tpu.memory_space<vmem>> -> memref<80xi32, #tpu.memory_space<vmem>>
      %dma_wait3A_94 = arith.constant 0 : i32
      %dma_wait3A_95 = arith.constant 0 : i32
      %dma_wait3A_96 = tpu.memref_slice %arg11[%dma_wait3A_94, %dma_wait3A_95] : memref<10000x16xf32, #tpu.memory_space<vmem_shared>> -> memref<10000x16xf32, #tpu.memory_space<vmem_shared>>
      tpu.wait_indirect_dma semaphore(%arg15 : memref<!tpu.dma_semaphore, #tpu.memory_space<semaphore_mem>>) src(%arg10 : memref<80x16xf32, #tpu.memory_space<vmem>>) dst(%dma_wait3A_96 : memref<10000x16xf32, #tpu.memory_space<vmem_shared>>)
      %dma_start3A_97 = arith.constant 0 : i32
      %dma_start3A_98 = tpu.memref_slice %arg9[%add3A_90, %dma_start3A_97] : memref<125x80xi32, #tpu.memory_space<vmem>> -> memref<1x80xi32, #tpu.memory_space<vmem>>
      %dma_start3A_99 = tpu.memref_squeeze %dma_start3A_98 : memref<1x80xi32, #tpu.memory_space<vmem>> -> memref<80xi32, #tpu.memory_space<vmem>>
      %dma_start3A_100 = arith.constant 0 : i32
      %dma_start3A_101 = arith.constant 0 : i32
      %dma_start3A_102 = tpu.memref_slice %arg11[%dma_start3A_100, %dma_start3A_101] : memref<10000x16xf32, #tpu.memory_space<vmem_shared>> -> memref<10000x16xf32, #tpu.memory_space<vmem_shared>>
      tpu.enqueue_indirect_dma source(%arg10 : memref<80x16xf32, #tpu.memory_space<vmem>>) target(%dma_start3A_102 : memref<10000x16xf32, #tpu.memory_space<vmem_shared>>) offsets(%dma_start3A_99 : memref<80xi32, #tpu.memory_space<vmem>>) semaphore(%arg15 : memref<!tpu.dma_semaphore, #tpu.memory_space<semaphore_mem>>) {add = true}
    }
    %scan3A_70 = arith.constant 117 : i32
    %scan3A_71 = arith.constant 0 : i32
    %scan3A_72 = arith.constant 8 : i32
    %scan3A_73 = arith.addi %scan3A_71, %scan3A_72 : i32
    %scan3A_74 = arith.constant 1 : i32
    scf.for %scan3A_86 = %scan3A_71 to %scan3A_73 step %scan3A_74  : i32 {
      %mul3A_87 = arith.constant 1 : i32
      %mul3A_88 = arith.muli %scan3A_86, %mul3A_87 : i32
      %add3A_89 = arith.constant 0 : i32
      %add3A_90 = arith.addi %add3A_89, %mul3A_88 : i32
      %add3A_91 = arith.constant 117 : i32
      %add3A_92 = arith.addi %add3A_91, %add3A_90 : i32
      %dma_wait3A = arith.constant 0 : i32
      %dma_wait3A_93 = tpu.memref_slice %arg9[%add3A_92, %dma_wait3A] : memref<125x80xi32, #tpu.memory_space<vmem>> -> memref<1x80xi32, #tpu.memory_space<vmem>>
      %dma_wait3A_94 = tpu.memref_squeeze %dma_wait3A_93 : memref<1x80xi32, #tpu.memory_space<vmem>> -> memref<80xi32, #tpu.memory_space<vmem>>
      %dma_wait3A_95 = arith.constant 0 : i32
      %dma_wait3A_96 = arith.constant 0 : i32
      %dma_wait3A_97 = tpu.memref_slice %arg11[%dma_wait3A_95, %dma_wait3A_96] : memref<10000x16xf32, #tpu.memory_space<vmem_shared>> -> memref<10000x16xf32, #tpu.memory_space<vmem_shared>>
      tpu.wait_indirect_dma semaphore(%arg15 : memref<!tpu.dma_semaphore, #tpu.memory_space<semaphore_mem>>) src(%arg10 : memref<80x16xf32, #tpu.memory_space<vmem>>) dst(%dma_wait3A_97 : memref<10000x16xf32, #tpu.memory_space<vmem_shared>>)
    }
    %scan3A_75 = arith.constant 8 : i32
    %barrier3A_76 = arith.constant 0 : index
    tpu.barrier barrier_id(%barrier3A_76)
    %mul3A_77 = arith.constant 624 : i32
    %mul3A_78 = arith.muli %arg1, %mul3A_77 : i32
    %mul3A_79 = arith.constant 624 : i32
    %mul3A_80 = arith.muli %arg1, %mul3A_79 : i32
    "tpu.region"() ({
      %run_scoped3A = tpu.sem_alloc : memref<!tpu.dma_semaphore, #tpu.memory_space<semaphore_mem>>
      %dma_start3A_86 = arith.constant 0 : i32
      %dma_start3A_87 = arith.constant 0 : i32
      %dma_start3A_88 = tpu.memref_slice %arg7[%arg0, %dma_start3A_86, %dma_start3A_87] : memref<2x10000x16xf32, #tpu.memory_space<hbm>> -> memref<1x10000x16xf32, #tpu.memory_space<hbm>>
      %dma_start3A_89 = tpu.memref_squeeze %dma_start3A_88 : memref<1x10000x16xf32, #tpu.memory_space<hbm>> -> memref<10000x16xf32, #tpu.memory_space<hbm>>
      %dma_start3A_90 = arith.constant 0 : i32
      %dma_start3A_91 = tpu.memref_slice %dma_start3A_89[%mul3A_80, %dma_start3A_90] : memref<10000x16xf32, #tpu.memory_space<hbm>> -> memref<624x16xf32, #tpu.memory_space<hbm>>
      %dma_start3A_92 = arith.constant 0 : i32
      %dma_start3A_93 = tpu.memref_slice %arg11[%mul3A_78, %dma_start3A_92] : memref<10000x16xf32, #tpu.memory_space<vmem_shared>> -> memref<624x16xf32, #tpu.memory_space<vmem_shared>>
      tpu.enqueue_dma source(%dma_start3A_93 : memref<624x16xf32, #tpu.memory_space<vmem_shared>>) target(%dma_start3A_91 : memref<624x16xf32, #tpu.memory_space<hbm>>) target_semaphore(%run_scoped3A : memref<!tpu.dma_semaphore, #tpu.memory_space<semaphore_mem>>)
      %dma_wait3A = arith.constant 0 : i32
      %dma_wait3A_94 = arith.constant 0 : i32
      %dma_wait3A_95 = tpu.memref_slice %arg7[%arg0, %dma_wait3A, %dma_wait3A_94] : memref<2x10000x16xf32, #tpu.memory_space<hbm>> -> memref<1x10000x16xf32, #tpu.memory_space<hbm>>
      %dma_wait3A_96 = tpu.memref_squeeze %dma_wait3A_95 : memref<1x10000x16xf32, #tpu.memory_space<hbm>> -> memref<10000x16xf32, #tpu.memory_space<hbm>>
      %dma_wait3A_97 = arith.constant 0 : i32
      %dma_wait3A_98 = tpu.memref_slice %dma_wait3A_96[%mul3A_80, %dma_wait3A_97] : memref<10000x16xf32, #tpu.memory_space<hbm>> -> memref<624x16xf32, #tpu.memory_space<hbm>>
      %dma_wait3A_99 = arith.constant 0 : i32
      %dma_wait3A_100 = tpu.memref_slice %arg11[%mul3A_78, %dma_wait3A_99] : memref<10000x16xf32, #tpu.memory_space<vmem_shared>> -> memref<624x16xf32, #tpu.memory_space<vmem_shared>>
      tpu.wait_dma2 semaphore(%run_scoped3A : memref<!tpu.dma_semaphore, #tpu.memory_space<semaphore_mem>>) src(%dma_wait3A_100 : memref<624x16xf32, #tpu.memory_space<vmem_shared>>) dst(%dma_wait3A_98 : memref<624x16xf32, #tpu.memory_space<hbm>>)
      tpu.yield
    }) : () -> ()
    %eq3A_81 = arith.constant 15 : i32
    %eq3A_82 = arith.cmpi eq, %arg1, %eq3A_81 : i32
    %convert_element_type3A_83 = arith.extui %eq3A_82 : i1 to i32
    %cond3A_84 = arith.constant 0 : i32
    %cond3A_85 = arith.cmpi ne, %convert_element_type3A_83, %cond3A_84 : i32
    scf.if %cond3A_85 {
      "tpu.region"() ({
        %run_scoped3A = tpu.sem_alloc : memref<!tpu.dma_semaphore, #tpu.memory_space<semaphore_mem>>
        %dma_start3A_86 = arith.constant 0 : i32
        %dma_start3A_87 = arith.constant 0 : i32
        %dma_start3A_88 = tpu.memref_slice %arg7[%arg0, %dma_start3A_86, %dma_start3A_87] : memref<2x10000x16xf32, #tpu.memory_space<hbm>> -> memref<1x10000x16xf32, #tpu.memory_space<hbm>>
        %dma_start3A_89 = tpu.memref_squeeze %dma_start3A_88 : memref<1x10000x16xf32, #tpu.memory_space<hbm>> -> memref<10000x16xf32, #tpu.memory_space<hbm>>
        %dma_start3A_90 = arith.constant 9984 : i32
        %dma_start3A_91 = arith.constant 0 : i32
        %dma_start3A_92 = tpu.memref_slice %dma_start3A_89[%dma_start3A_90, %dma_start3A_91] : memref<10000x16xf32, #tpu.memory_space<hbm>> -> memref<16x16xf32, #tpu.memory_space<hbm>>
        %dma_start3A_93 = arith.constant 9984 : i32
        %dma_start3A_94 = arith.constant 0 : i32
        %dma_start3A_95 = tpu.memref_slice %arg11[%dma_start3A_93, %dma_start3A_94] : memref<10000x16xf32, #tpu.memory_space<vmem_shared>> -> memref<16x16xf32, #tpu.memory_space<vmem_shared>>
        tpu.enqueue_dma source(%dma_start3A_95 : memref<16x16xf32, #tpu.memory_space<vmem_shared>>) target(%dma_start3A_92 : memref<16x16xf32, #tpu.memory_space<hbm>>) target_semaphore(%run_scoped3A : memref<!tpu.dma_semaphore, #tpu.memory_space<semaphore_mem>>)
        %dma_wait3A = arith.constant 0 : i32
        %dma_wait3A_96 = arith.constant 0 : i32
        %dma_wait3A_97 = tpu.memref_slice %arg7[%arg0, %dma_wait3A, %dma_wait3A_96] : memref<2x10000x16xf32, #tpu.memory_space<hbm>> -> memref<1x10000x16xf32, #tpu.memory_space<hbm>>
        %dma_wait3A_98 = tpu.memref_squeeze %dma_wait3A_97 : memref<1x10000x16xf32, #tpu.memory_space<hbm>> -> memref<10000x16xf32, #tpu.memory_space<hbm>>
        %dma_wait3A_99 = arith.constant 9984 : i32
        %dma_wait3A_100 = arith.constant 0 : i32
        %dma_wait3A_101 = tpu.memref_slice %dma_wait3A_98[%dma_wait3A_99, %dma_wait3A_100] : memref<10000x16xf32, #tpu.memory_space<hbm>> -> memref<16x16xf32, #tpu.memory_space<hbm>>
        %dma_wait3A_102 = arith.constant 9984 : i32
        %dma_wait3A_103 = arith.constant 0 : i32
        %dma_wait3A_104 = tpu.memref_slice %arg11[%dma_wait3A_102, %dma_wait3A_103] : memref<10000x16xf32, #tpu.memory_space<vmem_shared>> -> memref<16x16xf32, #tpu.memory_space<vmem_shared>>
        tpu.wait_dma2 semaphore(%run_scoped3A : memref<!tpu.dma_semaphore, #tpu.memory_space<semaphore_mem>>) src(%dma_wait3A_104 : memref<16x16xf32, #tpu.memory_space<vmem_shared>>) dst(%dma_wait3A_101 : memref<16x16xf32, #tpu.memory_space<hbm>>)
        tpu.yield
      }) : () -> ()
    } else {
    }
    return
  }
}

#map = affine_map<(d0, d1) -> (0, 0)>
#map1 = affine_map<(d0, d1) -> (0, 0, 0, 0)>
#map2 = affine_map<(d0, d1) -> (0, 0, 0)>
module attributes {stable_mosaic.version = 14 : i64} {
  func.func @entry(%arg0: i32, %arg1: i32, %arg2: memref<20000x64xf32, #tpu.memory_space<hbm>>, %arg3: memref<2x16x160x125xi32, #tpu.memory_space<hbm>>, %arg4: memref<16x160x125xi32, #tpu.memory_space<hbm>>, %arg5: memref<10000x64xf32, #tpu.memory_space<hbm>>, %arg6: memref<10000x128xf32, #tpu.memory_space<hbm>>, %arg7: memref<80x125xi32, #tpu.memory_space<vmem>>, %arg8: memref<80x125xi32, #tpu.memory_space<vmem>>, %arg9: memref<125x64xf32, #tpu.memory_space<vmem>>, %arg10: memref<125x64xf32, #tpu.memory_space<vmem>>, %arg11: memref<125x64xf32, #tpu.memory_space<vmem>>, %arg12: memref<125x64xf32, #tpu.memory_space<vmem>>, %arg13: memref<10000x64xf32, #tpu.memory_space<vmem_shared>>, %arg14: memref<!tpu.dma_semaphore, #tpu.memory_space<semaphore_mem>>, %arg15: memref<!tpu.dma_semaphore, #tpu.memory_space<semaphore_mem>>, %arg16: memref<!tpu.dma_semaphore, #tpu.memory_space<semaphore_mem>>, %arg17: memref<!tpu.dma_semaphore, #tpu.memory_space<semaphore_mem>>, %arg18: memref<!tpu.dma_semaphore, #tpu.memory_space<semaphore_mem>>, %arg19: memref<!tpu.dma_semaphore, #tpu.memory_space<semaphore_mem>>, %arg20: memref<!tpu.dma_semaphore, #tpu.memory_space<semaphore_mem>>, %arg21: memref<!tpu.dma_semaphore, #tpu.memory_space<semaphore_mem>>) attributes {dimension_semantics = [#tpu.dimension_semantics<core_parallel>, #tpu.dimension_semantics<subcore_parallel>], iteration_bounds = array<i64: 2, 16>, scalar_prefetch = 0 : i64, scratch_operands = 15 : i64, tpu.core_type = #tpu.core_type<sc_vector_subcore>, window_params = [{transform_indices = #map}, {transform_indices = #map1}, {transform_indices = #map2}, {transform_indices = #map}, {transform_indices = #map}]} {
    %mul3A = arith.constant 624 : i32
    %mul3A_0 = arith.muli %arg1, %mul3A : i32
    %mul3A_1 = arith.constant 624 : i32
    %mul3A_2 = arith.muli %arg1, %mul3A_1 : i32
    "tpu.region"() ({
      %run_scoped3A = tpu.sem_alloc : memref<!tpu.dma_semaphore, #tpu.memory_space<semaphore_mem>>
      %dma_start3A_248 = arith.constant 0 : i32
      %dma_start3A_249 = tpu.memref_slice %arg13[%mul3A_2, %dma_start3A_248] : memref<10000x64xf32, #tpu.memory_space<vmem_shared>> -> memref<624x64xf32, #tpu.memory_space<vmem_shared>>
      %dma_start3A_250 = arith.constant 0 : i32
      %dma_start3A_251 = tpu.memref_slice %arg5[%mul3A_0, %dma_start3A_250] : memref<10000x64xf32, #tpu.memory_space<hbm>> -> memref<624x64xf32, #tpu.memory_space<hbm>>
      tpu.enqueue_dma source(%dma_start3A_251 : memref<624x64xf32, #tpu.memory_space<hbm>>) target(%dma_start3A_249 : memref<624x64xf32, #tpu.memory_space<vmem_shared>>) target_semaphore(%run_scoped3A : memref<!tpu.dma_semaphore, #tpu.memory_space<semaphore_mem>>)
      %dma_wait3A_252 = arith.constant 0 : i32
      %dma_wait3A_253 = tpu.memref_slice %arg13[%mul3A_2, %dma_wait3A_252] : memref<10000x64xf32, #tpu.memory_space<vmem_shared>> -> memref<624x64xf32, #tpu.memory_space<vmem_shared>>
      %dma_wait3A_254 = arith.constant 0 : i32
      %dma_wait3A_255 = tpu.memref_slice %arg5[%mul3A_0, %dma_wait3A_254] : memref<10000x64xf32, #tpu.memory_space<hbm>> -> memref<624x64xf32, #tpu.memory_space<hbm>>
      tpu.wait_dma2 semaphore(%run_scoped3A : memref<!tpu.dma_semaphore, #tpu.memory_space<semaphore_mem>>) src(%dma_wait3A_255 : memref<624x64xf32, #tpu.memory_space<hbm>>) dst(%dma_wait3A_253 : memref<624x64xf32, #tpu.memory_space<vmem_shared>>)
      tpu.yield
    }) : () -> ()
    %eq3A = arith.constant 15 : i32
    %eq3A_3 = arith.cmpi eq, %arg1, %eq3A : i32
    %convert_element_type3A = arith.extui %eq3A_3 : i1 to i32
    %cond3A = arith.constant 0 : i32
    %cond3A_4 = arith.cmpi ne, %convert_element_type3A, %cond3A : i32
    scf.if %cond3A_4 {
      "tpu.region"() ({
        %run_scoped3A = tpu.sem_alloc : memref<!tpu.dma_semaphore, #tpu.memory_space<semaphore_mem>>
        %dma_start3A_248 = arith.constant 9984 : i32
        %dma_start3A_249 = arith.constant 0 : i32
        %dma_start3A_250 = tpu.memref_slice %arg13[%dma_start3A_248, %dma_start3A_249] : memref<10000x64xf32, #tpu.memory_space<vmem_shared>> -> memref<16x64xf32, #tpu.memory_space<vmem_shared>>
        %dma_start3A_251 = arith.constant 9984 : i32
        %dma_start3A_252 = arith.constant 0 : i32
        %dma_start3A_253 = tpu.memref_slice %arg5[%dma_start3A_251, %dma_start3A_252] : memref<10000x64xf32, #tpu.memory_space<hbm>> -> memref<16x64xf32, #tpu.memory_space<hbm>>
        tpu.enqueue_dma source(%dma_start3A_253 : memref<16x64xf32, #tpu.memory_space<hbm>>) target(%dma_start3A_250 : memref<16x64xf32, #tpu.memory_space<vmem_shared>>) target_semaphore(%run_scoped3A : memref<!tpu.dma_semaphore, #tpu.memory_space<semaphore_mem>>)
        %dma_wait3A_254 = arith.constant 9984 : i32
        %dma_wait3A_255 = arith.constant 0 : i32
        %dma_wait3A_256 = tpu.memref_slice %arg13[%dma_wait3A_254, %dma_wait3A_255] : memref<10000x64xf32, #tpu.memory_space<vmem_shared>> -> memref<16x64xf32, #tpu.memory_space<vmem_shared>>
        %dma_wait3A_257 = arith.constant 9984 : i32
        %dma_wait3A_258 = arith.constant 0 : i32
        %dma_wait3A_259 = tpu.memref_slice %arg5[%dma_wait3A_257, %dma_wait3A_258] : memref<10000x64xf32, #tpu.memory_space<hbm>> -> memref<16x64xf32, #tpu.memory_space<hbm>>
        tpu.wait_dma2 semaphore(%run_scoped3A : memref<!tpu.dma_semaphore, #tpu.memory_space<semaphore_mem>>) src(%dma_wait3A_259 : memref<16x64xf32, #tpu.memory_space<hbm>>) dst(%dma_wait3A_256 : memref<16x64xf32, #tpu.memory_space<vmem_shared>>)
        tpu.yield
      }) : () -> ()
    } else {
    }
    %barrier3A = arith.constant 0 : index
    tpu.barrier barrier_id(%barrier3A)
    "tpu.region"() ({
      %run_scoped3A = tpu.sem_alloc : memref<!tpu.dma_semaphore, #tpu.memory_space<semaphore_mem>>
      %dma_start3A_248 = arith.constant 0 : i32
      %dma_start3A_249 = arith.constant 0 : i32
      %dma_start3A_250 = tpu.memref_slice %arg7[%dma_start3A_248, %dma_start3A_249] : memref<80x125xi32, #tpu.memory_space<vmem>> -> memref<80x125xi32, #tpu.memory_space<vmem>>
      %dma_start3A_251 = arith.constant 0 : i32
      %dma_start3A_252 = arith.constant 0 : i32
      %dma_start3A_253 = tpu.memref_slice %arg3[%arg0, %arg1, %dma_start3A_251, %dma_start3A_252] : memref<2x16x160x125xi32, #tpu.memory_space<hbm>> -> memref<1x1x80x125xi32, #tpu.memory_space<hbm>>
      %dma_start3A_254 = tpu.memref_squeeze %dma_start3A_253 : memref<1x1x80x125xi32, #tpu.memory_space<hbm>> -> memref<80x125xi32, #tpu.memory_space<hbm>>
      %dma_start3A_255 = arith.constant 0 : i32
      %dma_start3A_256 = arith.constant 0 : i32
      %dma_start3A_257 = tpu.memref_slice %arg7[%dma_start3A_255, %dma_start3A_256] : memref<80x125xi32, #tpu.memory_space<vmem>> -> memref<80x125xi32, #tpu.memory_space<vmem>>
      %dma_start3A_258 = arith.constant 0 : i32
      %dma_start3A_259 = arith.constant 0 : i32
      %dma_start3A_260 = tpu.memref_slice %arg3[%arg0, %arg1, %dma_start3A_258, %dma_start3A_259] : memref<2x16x160x125xi32, #tpu.memory_space<hbm>> -> memref<1x1x80x125xi32, #tpu.memory_space<hbm>>
      %dma_start3A_261 = tpu.memref_squeeze %dma_start3A_260 : memref<1x1x80x125xi32, #tpu.memory_space<hbm>> -> memref<80x125xi32, #tpu.memory_space<hbm>>
      tpu.enqueue_dma source(%dma_start3A_261 : memref<80x125xi32, #tpu.memory_space<hbm>>) target(%dma_start3A_257 : memref<80x125xi32, #tpu.memory_space<vmem>>) target_semaphore(%run_scoped3A : memref<!tpu.dma_semaphore, #tpu.memory_space<semaphore_mem>>)
      %dma_wait3A_262 = arith.constant 0 : i32
      %dma_wait3A_263 = arith.constant 0 : i32
      %dma_wait3A_264 = tpu.memref_slice %arg7[%dma_wait3A_262, %dma_wait3A_263] : memref<80x125xi32, #tpu.memory_space<vmem>> -> memref<80x125xi32, #tpu.memory_space<vmem>>
      %dma_wait3A_265 = arith.constant 0 : i32
      %dma_wait3A_266 = arith.constant 0 : i32
      %dma_wait3A_267 = tpu.memref_slice %arg3[%arg0, %arg1, %dma_wait3A_265, %dma_wait3A_266] : memref<2x16x160x125xi32, #tpu.memory_space<hbm>> -> memref<1x1x80x125xi32, #tpu.memory_space<hbm>>
      %dma_wait3A_268 = tpu.memref_squeeze %dma_wait3A_267 : memref<1x1x80x125xi32, #tpu.memory_space<hbm>> -> memref<80x125xi32, #tpu.memory_space<hbm>>
      %dma_wait3A_269 = arith.constant 0 : i32
      %dma_wait3A_270 = arith.constant 0 : i32
      %dma_wait3A_271 = tpu.memref_slice %arg7[%dma_wait3A_269, %dma_wait3A_270] : memref<80x125xi32, #tpu.memory_space<vmem>> -> memref<80x125xi32, #tpu.memory_space<vmem>>
      %dma_wait3A_272 = arith.constant 0 : i32
      %dma_wait3A_273 = arith.constant 0 : i32
      %dma_wait3A_274 = tpu.memref_slice %arg3[%arg0, %arg1, %dma_wait3A_272, %dma_wait3A_273] : memref<2x16x160x125xi32, #tpu.memory_space<hbm>> -> memref<1x1x80x125xi32, #tpu.memory_space<hbm>>
      %dma_wait3A_275 = tpu.memref_squeeze %dma_wait3A_274 : memref<1x1x80x125xi32, #tpu.memory_space<hbm>> -> memref<80x125xi32, #tpu.memory_space<hbm>>
      tpu.wait_dma2 semaphore(%run_scoped3A : memref<!tpu.dma_semaphore, #tpu.memory_space<semaphore_mem>>) src(%dma_wait3A_275 : memref<80x125xi32, #tpu.memory_space<hbm>>) dst(%dma_wait3A_271 : memref<80x125xi32, #tpu.memory_space<vmem>>)
      tpu.yield
    }) : () -> ()
    "tpu.region"() ({
      %run_scoped3A = tpu.sem_alloc : memref<!tpu.dma_semaphore, #tpu.memory_space<semaphore_mem>>
      %dma_start3A_248 = arith.constant 0 : i32
      %dma_start3A_249 = arith.constant 0 : i32
      %dma_start3A_250 = tpu.memref_slice %arg8[%dma_start3A_248, %dma_start3A_249] : memref<80x125xi32, #tpu.memory_space<vmem>> -> memref<80x125xi32, #tpu.memory_space<vmem>>
      %dma_start3A_251 = arith.constant 0 : i32
      %dma_start3A_252 = arith.constant 0 : i32
      %dma_start3A_253 = tpu.memref_slice %arg4[%arg1, %dma_start3A_251, %dma_start3A_252] : memref<16x160x125xi32, #tpu.memory_space<hbm>> -> memref<1x80x125xi32, #tpu.memory_space<hbm>>
      %dma_start3A_254 = tpu.memref_squeeze %dma_start3A_253 : memref<1x80x125xi32, #tpu.memory_space<hbm>> -> memref<80x125xi32, #tpu.memory_space<hbm>>
      %dma_start3A_255 = arith.constant 0 : i32
      %dma_start3A_256 = arith.constant 0 : i32
      %dma_start3A_257 = tpu.memref_slice %arg8[%dma_start3A_255, %dma_start3A_256] : memref<80x125xi32, #tpu.memory_space<vmem>> -> memref<80x125xi32, #tpu.memory_space<vmem>>
      %dma_start3A_258 = arith.constant 0 : i32
      %dma_start3A_259 = arith.constant 0 : i32
      %dma_start3A_260 = tpu.memref_slice %arg4[%arg1, %dma_start3A_258, %dma_start3A_259] : memref<16x160x125xi32, #tpu.memory_space<hbm>> -> memref<1x80x125xi32, #tpu.memory_space<hbm>>
      %dma_start3A_261 = tpu.memref_squeeze %dma_start3A_260 : memref<1x80x125xi32, #tpu.memory_space<hbm>> -> memref<80x125xi32, #tpu.memory_space<hbm>>
      tpu.enqueue_dma source(%dma_start3A_261 : memref<80x125xi32, #tpu.memory_space<hbm>>) target(%dma_start3A_257 : memref<80x125xi32, #tpu.memory_space<vmem>>) target_semaphore(%run_scoped3A : memref<!tpu.dma_semaphore, #tpu.memory_space<semaphore_mem>>)
      %dma_wait3A_262 = arith.constant 0 : i32
      %dma_wait3A_263 = arith.constant 0 : i32
      %dma_wait3A_264 = tpu.memref_slice %arg8[%dma_wait3A_262, %dma_wait3A_263] : memref<80x125xi32, #tpu.memory_space<vmem>> -> memref<80x125xi32, #tpu.memory_space<vmem>>
      %dma_wait3A_265 = arith.constant 0 : i32
      %dma_wait3A_266 = arith.constant 0 : i32
      %dma_wait3A_267 = tpu.memref_slice %arg4[%arg1, %dma_wait3A_265, %dma_wait3A_266] : memref<16x160x125xi32, #tpu.memory_space<hbm>> -> memref<1x80x125xi32, #tpu.memory_space<hbm>>
      %dma_wait3A_268 = tpu.memref_squeeze %dma_wait3A_267 : memref<1x80x125xi32, #tpu.memory_space<hbm>> -> memref<80x125xi32, #tpu.memory_space<hbm>>
      %dma_wait3A_269 = arith.constant 0 : i32
      %dma_wait3A_270 = arith.constant 0 : i32
      %dma_wait3A_271 = tpu.memref_slice %arg8[%dma_wait3A_269, %dma_wait3A_270] : memref<80x125xi32, #tpu.memory_space<vmem>> -> memref<80x125xi32, #tpu.memory_space<vmem>>
      %dma_wait3A_272 = arith.constant 0 : i32
      %dma_wait3A_273 = arith.constant 0 : i32
      %dma_wait3A_274 = tpu.memref_slice %arg4[%arg1, %dma_wait3A_272, %dma_wait3A_273] : memref<16x160x125xi32, #tpu.memory_space<hbm>> -> memref<1x80x125xi32, #tpu.memory_space<hbm>>
      %dma_wait3A_275 = tpu.memref_squeeze %dma_wait3A_274 : memref<1x80x125xi32, #tpu.memory_space<hbm>> -> memref<80x125xi32, #tpu.memory_space<hbm>>
      tpu.wait_dma2 semaphore(%run_scoped3A : memref<!tpu.dma_semaphore, #tpu.memory_space<semaphore_mem>>) src(%dma_wait3A_275 : memref<80x125xi32, #tpu.memory_space<hbm>>) dst(%dma_wait3A_271 : memref<80x125xi32, #tpu.memory_space<vmem>>)
      tpu.yield
    }) : () -> ()
    %dma_start3A = arith.constant 0 : i32
    %dma_start3A_5 = arith.constant 0 : i32
    %dma_start3A_6 = tpu.memref_slice %arg7[%dma_start3A, %dma_start3A_5] : memref<80x125xi32, #tpu.memory_space<vmem>> -> memref<1x125xi32, #tpu.memory_space<vmem>>
    %dma_start3A_7 = tpu.memref_squeeze %dma_start3A_6 : memref<1x125xi32, #tpu.memory_space<vmem>> -> memref<125xi32, #tpu.memory_space<vmem>>
    %dma_start3A_8 = arith.constant 0 : i32
    %dma_start3A_9 = arith.constant 0 : i32
    %dma_start3A_10 = tpu.memref_slice %arg2[%dma_start3A_8, %dma_start3A_9] : memref<20000x64xf32, #tpu.memory_space<hbm>> -> memref<20000x64xf32, #tpu.memory_space<hbm>>
    tpu.enqueue_indirect_dma source(%dma_start3A_10 : memref<20000x64xf32, #tpu.memory_space<hbm>>) target(%arg9 : memref<125x64xf32, #tpu.memory_space<vmem>>) offsets(%dma_start3A_7 : memref<125xi32, #tpu.memory_space<vmem>>) semaphore(%arg14 : memref<!tpu.dma_semaphore, #tpu.memory_space<semaphore_mem>>)
    %dma_start3A_11 = arith.constant 1 : i32
    %dma_start3A_12 = arith.constant 0 : i32
    %dma_start3A_13 = tpu.memref_slice %arg7[%dma_start3A_11, %dma_start3A_12] : memref<80x125xi32, #tpu.memory_space<vmem>> -> memref<1x125xi32, #tpu.memory_space<vmem>>
    %dma_start3A_14 = tpu.memref_squeeze %dma_start3A_13 : memref<1x125xi32, #tpu.memory_space<vmem>> -> memref<125xi32, #tpu.memory_space<vmem>>
    %dma_start3A_15 = arith.constant 0 : i32
    %dma_start3A_16 = arith.constant 0 : i32
    %dma_start3A_17 = tpu.memref_slice %arg2[%dma_start3A_15, %dma_start3A_16] : memref<20000x64xf32, #tpu.memory_space<hbm>> -> memref<20000x64xf32, #tpu.memory_space<hbm>>
    tpu.enqueue_indirect_dma source(%dma_start3A_17 : memref<20000x64xf32, #tpu.memory_space<hbm>>) target(%arg10 : memref<125x64xf32, #tpu.memory_space<vmem>>) offsets(%dma_start3A_14 : memref<125xi32, #tpu.memory_space<vmem>>) semaphore(%arg15 : memref<!tpu.dma_semaphore, #tpu.memory_space<semaphore_mem>>)
    %dma_start3A_18 = arith.constant 2 : i32
    %dma_start3A_19 = arith.constant 0 : i32
    %dma_start3A_20 = tpu.memref_slice %arg7[%dma_start3A_18, %dma_start3A_19] : memref<80x125xi32, #tpu.memory_space<vmem>> -> memref<1x125xi32, #tpu.memory_space<vmem>>
    %dma_start3A_21 = tpu.memref_squeeze %dma_start3A_20 : memref<1x125xi32, #tpu.memory_space<vmem>> -> memref<125xi32, #tpu.memory_space<vmem>>
    %dma_start3A_22 = arith.constant 0 : i32
    %dma_start3A_23 = arith.constant 0 : i32
    %dma_start3A_24 = tpu.memref_slice %arg2[%dma_start3A_22, %dma_start3A_23] : memref<20000x64xf32, #tpu.memory_space<hbm>> -> memref<20000x64xf32, #tpu.memory_space<hbm>>
    tpu.enqueue_indirect_dma source(%dma_start3A_24 : memref<20000x64xf32, #tpu.memory_space<hbm>>) target(%arg11 : memref<125x64xf32, #tpu.memory_space<vmem>>) offsets(%dma_start3A_21 : memref<125xi32, #tpu.memory_space<vmem>>) semaphore(%arg16 : memref<!tpu.dma_semaphore, #tpu.memory_space<semaphore_mem>>)
    %dma_start3A_25 = arith.constant 3 : i32
    %dma_start3A_26 = arith.constant 0 : i32
    %dma_start3A_27 = tpu.memref_slice %arg7[%dma_start3A_25, %dma_start3A_26] : memref<80x125xi32, #tpu.memory_space<vmem>> -> memref<1x125xi32, #tpu.memory_space<vmem>>
    %dma_start3A_28 = tpu.memref_squeeze %dma_start3A_27 : memref<1x125xi32, #tpu.memory_space<vmem>> -> memref<125xi32, #tpu.memory_space<vmem>>
    %dma_start3A_29 = arith.constant 0 : i32
    %dma_start3A_30 = arith.constant 0 : i32
    %dma_start3A_31 = tpu.memref_slice %arg2[%dma_start3A_29, %dma_start3A_30] : memref<20000x64xf32, #tpu.memory_space<hbm>> -> memref<20000x64xf32, #tpu.memory_space<hbm>>
    tpu.enqueue_indirect_dma source(%dma_start3A_31 : memref<20000x64xf32, #tpu.memory_space<hbm>>) target(%arg12 : memref<125x64xf32, #tpu.memory_space<vmem>>) offsets(%dma_start3A_28 : memref<125xi32, #tpu.memory_space<vmem>>) semaphore(%arg17 : memref<!tpu.dma_semaphore, #tpu.memory_space<semaphore_mem>>)
    %scan3A = arith.constant 0 : i32
    %scan3A_32 = arith.constant 19 : i32
    %scan3A_33 = arith.addi %scan3A, %scan3A_32 : i32
    %scan3A_34 = arith.constant 1 : i32
    scf.for %scan3A_248 = %scan3A to %scan3A_33 step %scan3A_34  : i32 {
      %mul3A_249 = arith.constant 4 : i32
      %mul3A_250 = arith.muli %scan3A_248, %mul3A_249 : i32
      %add3A = arith.constant 0 : i32
      %add3A_251 = arith.addi %add3A, %mul3A_250 : i32
      %add3A_252 = arith.constant 0 : i32
      %add3A_253 = arith.addi %add3A_251, %add3A_252 : i32
      %dma_wait3A_254 = arith.constant 0 : i32
      %dma_wait3A_255 = tpu.memref_slice %arg7[%add3A_253, %dma_wait3A_254] : memref<80x125xi32, #tpu.memory_space<vmem>> -> memref<1x125xi32, #tpu.memory_space<vmem>>
      %dma_wait3A_256 = tpu.memref_squeeze %dma_wait3A_255 : memref<1x125xi32, #tpu.memory_space<vmem>> -> memref<125xi32, #tpu.memory_space<vmem>>
      %dma_wait3A_257 = arith.constant 0 : i32
      %dma_wait3A_258 = arith.constant 0 : i32
      %dma_wait3A_259 = tpu.memref_slice %arg2[%dma_wait3A_257, %dma_wait3A_258] : memref<20000x64xf32, #tpu.memory_space<hbm>> -> memref<20000x64xf32, #tpu.memory_space<hbm>>
      tpu.wait_indirect_dma semaphore(%arg14 : memref<!tpu.dma_semaphore, #tpu.memory_space<semaphore_mem>>) src(%dma_wait3A_259 : memref<20000x64xf32, #tpu.memory_space<hbm>>) dst(%arg9 : memref<125x64xf32, #tpu.memory_space<vmem>>)
      %add3A_260 = arith.constant 0 : i32
      %add3A_261 = arith.addi %add3A_251, %add3A_260 : i32
      %dma_start3A_262 = arith.constant 0 : i32
      %dma_start3A_263 = tpu.memref_slice %arg8[%add3A_261, %dma_start3A_262] : memref<80x125xi32, #tpu.memory_space<vmem>> -> memref<1x125xi32, #tpu.memory_space<vmem>>
      %dma_start3A_264 = tpu.memref_squeeze %dma_start3A_263 : memref<1x125xi32, #tpu.memory_space<vmem>> -> memref<125xi32, #tpu.memory_space<vmem>>
      %dma_start3A_265 = arith.constant 0 : i32
      %dma_start3A_266 = arith.constant 0 : i32
      %dma_start3A_267 = tpu.memref_slice %arg13[%dma_start3A_265, %dma_start3A_266] : memref<10000x64xf32, #tpu.memory_space<vmem_shared>> -> memref<10000x64xf32, #tpu.memory_space<vmem_shared>>
      tpu.enqueue_indirect_dma source(%arg9 : memref<125x64xf32, #tpu.memory_space<vmem>>) target(%dma_start3A_267 : memref<10000x64xf32, #tpu.memory_space<vmem_shared>>) offsets(%dma_start3A_264 : memref<125xi32, #tpu.memory_space<vmem>>) semaphore(%arg18 : memref<!tpu.dma_semaphore, #tpu.memory_space<semaphore_mem>>) {add = true}
      %add3A_268 = arith.constant 1 : i32
      %add3A_269 = arith.addi %add3A_251, %add3A_268 : i32
      %dma_wait3A_270 = arith.constant 0 : i32
      %dma_wait3A_271 = tpu.memref_slice %arg7[%add3A_269, %dma_wait3A_270] : memref<80x125xi32, #tpu.memory_space<vmem>> -> memref<1x125xi32, #tpu.memory_space<vmem>>
      %dma_wait3A_272 = tpu.memref_squeeze %dma_wait3A_271 : memref<1x125xi32, #tpu.memory_space<vmem>> -> memref<125xi32, #tpu.memory_space<vmem>>
      %dma_wait3A_273 = arith.constant 0 : i32
      %dma_wait3A_274 = arith.constant 0 : i32
      %dma_wait3A_275 = tpu.memref_slice %arg2[%dma_wait3A_273, %dma_wait3A_274] : memref<20000x64xf32, #tpu.memory_space<hbm>> -> memref<20000x64xf32, #tpu.memory_space<hbm>>
      tpu.wait_indirect_dma semaphore(%arg15 : memref<!tpu.dma_semaphore, #tpu.memory_space<semaphore_mem>>) src(%dma_wait3A_275 : memref<20000x64xf32, #tpu.memory_space<hbm>>) dst(%arg10 : memref<125x64xf32, #tpu.memory_space<vmem>>)
      %add3A_276 = arith.constant 1 : i32
      %add3A_277 = arith.addi %add3A_251, %add3A_276 : i32
      %dma_start3A_278 = arith.constant 0 : i32
      %dma_start3A_279 = tpu.memref_slice %arg8[%add3A_277, %dma_start3A_278] : memref<80x125xi32, #tpu.memory_space<vmem>> -> memref<1x125xi32, #tpu.memory_space<vmem>>
      %dma_start3A_280 = tpu.memref_squeeze %dma_start3A_279 : memref<1x125xi32, #tpu.memory_space<vmem>> -> memref<125xi32, #tpu.memory_space<vmem>>
      %dma_start3A_281 = arith.constant 0 : i32
      %dma_start3A_282 = arith.constant 0 : i32
      %dma_start3A_283 = tpu.memref_slice %arg13[%dma_start3A_281, %dma_start3A_282] : memref<10000x64xf32, #tpu.memory_space<vmem_shared>> -> memref<10000x64xf32, #tpu.memory_space<vmem_shared>>
      tpu.enqueue_indirect_dma source(%arg10 : memref<125x64xf32, #tpu.memory_space<vmem>>) target(%dma_start3A_283 : memref<10000x64xf32, #tpu.memory_space<vmem_shared>>) offsets(%dma_start3A_280 : memref<125xi32, #tpu.memory_space<vmem>>) semaphore(%arg19 : memref<!tpu.dma_semaphore, #tpu.memory_space<semaphore_mem>>) {add = true}
      %add3A_284 = arith.constant 2 : i32
      %add3A_285 = arith.addi %add3A_251, %add3A_284 : i32
      %dma_wait3A_286 = arith.constant 0 : i32
      %dma_wait3A_287 = tpu.memref_slice %arg7[%add3A_285, %dma_wait3A_286] : memref<80x125xi32, #tpu.memory_space<vmem>> -> memref<1x125xi32, #tpu.memory_space<vmem>>
      %dma_wait3A_288 = tpu.memref_squeeze %dma_wait3A_287 : memref<1x125xi32, #tpu.memory_space<vmem>> -> memref<125xi32, #tpu.memory_space<vmem>>
      %dma_wait3A_289 = arith.constant 0 : i32
      %dma_wait3A_290 = arith.constant 0 : i32
      %dma_wait3A_291 = tpu.memref_slice %arg2[%dma_wait3A_289, %dma_wait3A_290] : memref<20000x64xf32, #tpu.memory_space<hbm>> -> memref<20000x64xf32, #tpu.memory_space<hbm>>
      tpu.wait_indirect_dma semaphore(%arg16 : memref<!tpu.dma_semaphore, #tpu.memory_space<semaphore_mem>>) src(%dma_wait3A_291 : memref<20000x64xf32, #tpu.memory_space<hbm>>) dst(%arg11 : memref<125x64xf32, #tpu.memory_space<vmem>>)
      %add3A_292 = arith.constant 2 : i32
      %add3A_293 = arith.addi %add3A_251, %add3A_292 : i32
      %dma_start3A_294 = arith.constant 0 : i32
      %dma_start3A_295 = tpu.memref_slice %arg8[%add3A_293, %dma_start3A_294] : memref<80x125xi32, #tpu.memory_space<vmem>> -> memref<1x125xi32, #tpu.memory_space<vmem>>
      %dma_start3A_296 = tpu.memref_squeeze %dma_start3A_295 : memref<1x125xi32, #tpu.memory_space<vmem>> -> memref<125xi32, #tpu.memory_space<vmem>>
      %dma_start3A_297 = arith.constant 0 : i32
      %dma_start3A_298 = arith.constant 0 : i32
      %dma_start3A_299 = tpu.memref_slice %arg13[%dma_start3A_297, %dma_start3A_298] : memref<10000x64xf32, #tpu.memory_space<vmem_shared>> -> memref<10000x64xf32, #tpu.memory_space<vmem_shared>>
      tpu.enqueue_indirect_dma source(%arg11 : memref<125x64xf32, #tpu.memory_space<vmem>>) target(%dma_start3A_299 : memref<10000x64xf32, #tpu.memory_space<vmem_shared>>) offsets(%dma_start3A_296 : memref<125xi32, #tpu.memory_space<vmem>>) semaphore(%arg20 : memref<!tpu.dma_semaphore, #tpu.memory_space<semaphore_mem>>) {add = true}
      %add3A_300 = arith.constant 3 : i32
      %add3A_301 = arith.addi %add3A_251, %add3A_300 : i32
      %dma_wait3A_302 = arith.constant 0 : i32
      %dma_wait3A_303 = tpu.memref_slice %arg7[%add3A_301, %dma_wait3A_302] : memref<80x125xi32, #tpu.memory_space<vmem>> -> memref<1x125xi32, #tpu.memory_space<vmem>>
      %dma_wait3A_304 = tpu.memref_squeeze %dma_wait3A_303 : memref<1x125xi32, #tpu.memory_space<vmem>> -> memref<125xi32, #tpu.memory_space<vmem>>
      %dma_wait3A_305 = arith.constant 0 : i32
      %dma_wait3A_306 = arith.constant 0 : i32
      %dma_wait3A_307 = tpu.memref_slice %arg2[%dma_wait3A_305, %dma_wait3A_306] : memref<20000x64xf32, #tpu.memory_space<hbm>> -> memref<20000x64xf32, #tpu.memory_space<hbm>>
      tpu.wait_indirect_dma semaphore(%arg17 : memref<!tpu.dma_semaphore, #tpu.memory_space<semaphore_mem>>) src(%dma_wait3A_307 : memref<20000x64xf32, #tpu.memory_space<hbm>>) dst(%arg12 : memref<125x64xf32, #tpu.memory_space<vmem>>)
      %add3A_308 = arith.constant 3 : i32
      %add3A_309 = arith.addi %add3A_251, %add3A_308 : i32
      %dma_start3A_310 = arith.constant 0 : i32
      %dma_start3A_311 = tpu.memref_slice %arg8[%add3A_309, %dma_start3A_310] : memref<80x125xi32, #tpu.memory_space<vmem>> -> memref<1x125xi32, #tpu.memory_space<vmem>>
      %dma_start3A_312 = tpu.memref_squeeze %dma_start3A_311 : memref<1x125xi32, #tpu.memory_space<vmem>> -> memref<125xi32, #tpu.memory_space<vmem>>
      %dma_start3A_313 = arith.constant 0 : i32
      %dma_start3A_314 = arith.constant 0 : i32
      %dma_start3A_315 = tpu.memref_slice %arg13[%dma_start3A_313, %dma_start3A_314] : memref<10000x64xf32, #tpu.memory_space<vmem_shared>> -> memref<10000x64xf32, #tpu.memory_space<vmem_shared>>
      tpu.enqueue_indirect_dma source(%arg12 : memref<125x64xf32, #tpu.memory_space<vmem>>) target(%dma_start3A_315 : memref<10000x64xf32, #tpu.memory_space<vmem_shared>>) offsets(%dma_start3A_312 : memref<125xi32, #tpu.memory_space<vmem>>) semaphore(%arg21 : memref<!tpu.dma_semaphore, #tpu.memory_space<semaphore_mem>>) {add = true}
      %add3A_316 = arith.constant 0 : i32
      %add3A_317 = arith.addi %add3A_251, %add3A_316 : i32
      %dma_wait3A_318 = arith.constant 0 : i32
      %dma_wait3A_319 = tpu.memref_slice %arg8[%add3A_317, %dma_wait3A_318] : memref<80x125xi32, #tpu.memory_space<vmem>> -> memref<1x125xi32, #tpu.memory_space<vmem>>
      %dma_wait3A_320 = tpu.memref_squeeze %dma_wait3A_319 : memref<1x125xi32, #tpu.memory_space<vmem>> -> memref<125xi32, #tpu.memory_space<vmem>>
      %dma_wait3A_321 = arith.constant 0 : i32
      %dma_wait3A_322 = arith.constant 0 : i32
      %dma_wait3A_323 = tpu.memref_slice %arg13[%dma_wait3A_321, %dma_wait3A_322] : memref<10000x64xf32, #tpu.memory_space<vmem_shared>> -> memref<10000x64xf32, #tpu.memory_space<vmem_shared>>
      tpu.wait_indirect_dma semaphore(%arg18 : memref<!tpu.dma_semaphore, #tpu.memory_space<semaphore_mem>>) src(%arg9 : memref<125x64xf32, #tpu.memory_space<vmem>>) dst(%dma_wait3A_323 : memref<10000x64xf32, #tpu.memory_space<vmem_shared>>)
      %add3A_324 = arith.constant 4 : i32
      %add3A_325 = arith.addi %add3A_251, %add3A_324 : i32
      %add3A_326 = arith.constant 0 : i32
      %add3A_327 = arith.addi %add3A_325, %add3A_326 : i32
      %dma_start3A_328 = arith.constant 0 : i32
      %dma_start3A_329 = tpu.memref_slice %arg7[%add3A_327, %dma_start3A_328] : memref<80x125xi32, #tpu.memory_space<vmem>> -> memref<1x125xi32, #tpu.memory_space<vmem>>
      %dma_start3A_330 = tpu.memref_squeeze %dma_start3A_329 : memref<1x125xi32, #tpu.memory_space<vmem>> -> memref<125xi32, #tpu.memory_space<vmem>>
      %dma_start3A_331 = arith.constant 0 : i32
      %dma_start3A_332 = arith.constant 0 : i32
      %dma_start3A_333 = tpu.memref_slice %arg2[%dma_start3A_331, %dma_start3A_332] : memref<20000x64xf32, #tpu.memory_space<hbm>> -> memref<20000x64xf32, #tpu.memory_space<hbm>>
      tpu.enqueue_indirect_dma source(%dma_start3A_333 : memref<20000x64xf32, #tpu.memory_space<hbm>>) target(%arg9 : memref<125x64xf32, #tpu.memory_space<vmem>>) offsets(%dma_start3A_330 : memref<125xi32, #tpu.memory_space<vmem>>) semaphore(%arg14 : memref<!tpu.dma_semaphore, #tpu.memory_space<semaphore_mem>>)
      %add3A_334 = arith.constant 1 : i32
      %add3A_335 = arith.addi %add3A_251, %add3A_334 : i32
      %dma_wait3A_336 = arith.constant 0 : i32
      %dma_wait3A_337 = tpu.memref_slice %arg8[%add3A_335, %dma_wait3A_336] : memref<80x125xi32, #tpu.memory_space<vmem>> -> memref<1x125xi32, #tpu.memory_space<vmem>>
      %dma_wait3A_338 = tpu.memref_squeeze %dma_wait3A_337 : memref<1x125xi32, #tpu.memory_space<vmem>> -> memref<125xi32, #tpu.memory_space<vmem>>
      %dma_wait3A_339 = arith.constant 0 : i32
      %dma_wait3A_340 = arith.constant 0 : i32
      %dma_wait3A_341 = tpu.memref_slice %arg13[%dma_wait3A_339, %dma_wait3A_340] : memref<10000x64xf32, #tpu.memory_space<vmem_shared>> -> memref<10000x64xf32, #tpu.memory_space<vmem_shared>>
      tpu.wait_indirect_dma semaphore(%arg19 : memref<!tpu.dma_semaphore, #tpu.memory_space<semaphore_mem>>) src(%arg10 : memref<125x64xf32, #tpu.memory_space<vmem>>) dst(%dma_wait3A_341 : memref<10000x64xf32, #tpu.memory_space<vmem_shared>>)
      %add3A_342 = arith.constant 4 : i32
      %add3A_343 = arith.addi %add3A_251, %add3A_342 : i32
      %add3A_344 = arith.constant 1 : i32
      %add3A_345 = arith.addi %add3A_343, %add3A_344 : i32
      %dma_start3A_346 = arith.constant 0 : i32
      %dma_start3A_347 = tpu.memref_slice %arg7[%add3A_345, %dma_start3A_346] : memref<80x125xi32, #tpu.memory_space<vmem>> -> memref<1x125xi32, #tpu.memory_space<vmem>>
      %dma_start3A_348 = tpu.memref_squeeze %dma_start3A_347 : memref<1x125xi32, #tpu.memory_space<vmem>> -> memref<125xi32, #tpu.memory_space<vmem>>
      %dma_start3A_349 = arith.constant 0 : i32
      %dma_start3A_350 = arith.constant 0 : i32
      %dma_start3A_351 = tpu.memref_slice %arg2[%dma_start3A_349, %dma_start3A_350] : memref<20000x64xf32, #tpu.memory_space<hbm>> -> memref<20000x64xf32, #tpu.memory_space<hbm>>
      tpu.enqueue_indirect_dma source(%dma_start3A_351 : memref<20000x64xf32, #tpu.memory_space<hbm>>) target(%arg10 : memref<125x64xf32, #tpu.memory_space<vmem>>) offsets(%dma_start3A_348 : memref<125xi32, #tpu.memory_space<vmem>>) semaphore(%arg15 : memref<!tpu.dma_semaphore, #tpu.memory_space<semaphore_mem>>)
      %add3A_352 = arith.constant 2 : i32
      %add3A_353 = arith.addi %add3A_251, %add3A_352 : i32
      %dma_wait3A_354 = arith.constant 0 : i32
      %dma_wait3A_355 = tpu.memref_slice %arg8[%add3A_353, %dma_wait3A_354] : memref<80x125xi32, #tpu.memory_space<vmem>> -> memref<1x125xi32, #tpu.memory_space<vmem>>
      %dma_wait3A_356 = tpu.memref_squeeze %dma_wait3A_355 : memref<1x125xi32, #tpu.memory_space<vmem>> -> memref<125xi32, #tpu.memory_space<vmem>>
      %dma_wait3A_357 = arith.constant 0 : i32
      %dma_wait3A_358 = arith.constant 0 : i32
      %dma_wait3A_359 = tpu.memref_slice %arg13[%dma_wait3A_357, %dma_wait3A_358] : memref<10000x64xf32, #tpu.memory_space<vmem_shared>> -> memref<10000x64xf32, #tpu.memory_space<vmem_shared>>
      tpu.wait_indirect_dma semaphore(%arg20 : memref<!tpu.dma_semaphore, #tpu.memory_space<semaphore_mem>>) src(%arg11 : memref<125x64xf32, #tpu.memory_space<vmem>>) dst(%dma_wait3A_359 : memref<10000x64xf32, #tpu.memory_space<vmem_shared>>)
      %add3A_360 = arith.constant 4 : i32
      %add3A_361 = arith.addi %add3A_251, %add3A_360 : i32
      %add3A_362 = arith.constant 2 : i32
      %add3A_363 = arith.addi %add3A_361, %add3A_362 : i32
      %dma_start3A_364 = arith.constant 0 : i32
      %dma_start3A_365 = tpu.memref_slice %arg7[%add3A_363, %dma_start3A_364] : memref<80x125xi32, #tpu.memory_space<vmem>> -> memref<1x125xi32, #tpu.memory_space<vmem>>
      %dma_start3A_366 = tpu.memref_squeeze %dma_start3A_365 : memref<1x125xi32, #tpu.memory_space<vmem>> -> memref<125xi32, #tpu.memory_space<vmem>>
      %dma_start3A_367 = arith.constant 0 : i32
      %dma_start3A_368 = arith.constant 0 : i32
      %dma_start3A_369 = tpu.memref_slice %arg2[%dma_start3A_367, %dma_start3A_368] : memref<20000x64xf32, #tpu.memory_space<hbm>> -> memref<20000x64xf32, #tpu.memory_space<hbm>>
      tpu.enqueue_indirect_dma source(%dma_start3A_369 : memref<20000x64xf32, #tpu.memory_space<hbm>>) target(%arg11 : memref<125x64xf32, #tpu.memory_space<vmem>>) offsets(%dma_start3A_366 : memref<125xi32, #tpu.memory_space<vmem>>) semaphore(%arg16 : memref<!tpu.dma_semaphore, #tpu.memory_space<semaphore_mem>>)
      %add3A_370 = arith.constant 3 : i32
      %add3A_371 = arith.addi %add3A_251, %add3A_370 : i32
      %dma_wait3A_372 = arith.constant 0 : i32
      %dma_wait3A_373 = tpu.memref_slice %arg8[%add3A_371, %dma_wait3A_372] : memref<80x125xi32, #tpu.memory_space<vmem>> -> memref<1x125xi32, #tpu.memory_space<vmem>>
      %dma_wait3A_374 = tpu.memref_squeeze %dma_wait3A_373 : memref<1x125xi32, #tpu.memory_space<vmem>> -> memref<125xi32, #tpu.memory_space<vmem>>
      %dma_wait3A_375 = arith.constant 0 : i32
      %dma_wait3A_376 = arith.constant 0 : i32
      %dma_wait3A_377 = tpu.memref_slice %arg13[%dma_wait3A_375, %dma_wait3A_376] : memref<10000x64xf32, #tpu.memory_space<vmem_shared>> -> memref<10000x64xf32, #tpu.memory_space<vmem_shared>>
      tpu.wait_indirect_dma semaphore(%arg21 : memref<!tpu.dma_semaphore, #tpu.memory_space<semaphore_mem>>) src(%arg12 : memref<125x64xf32, #tpu.memory_space<vmem>>) dst(%dma_wait3A_377 : memref<10000x64xf32, #tpu.memory_space<vmem_shared>>)
      %add3A_378 = arith.constant 4 : i32
      %add3A_379 = arith.addi %add3A_251, %add3A_378 : i32
      %add3A_380 = arith.constant 3 : i32
      %add3A_381 = arith.addi %add3A_379, %add3A_380 : i32
      %dma_start3A_382 = arith.constant 0 : i32
      %dma_start3A_383 = tpu.memref_slice %arg7[%add3A_381, %dma_start3A_382] : memref<80x125xi32, #tpu.memory_space<vmem>> -> memref<1x125xi32, #tpu.memory_space<vmem>>
      %dma_start3A_384 = tpu.memref_squeeze %dma_start3A_383 : memref<1x125xi32, #tpu.memory_space<vmem>> -> memref<125xi32, #tpu.memory_space<vmem>>
      %dma_start3A_385 = arith.constant 0 : i32
      %dma_start3A_386 = arith.constant 0 : i32
      %dma_start3A_387 = tpu.memref_slice %arg2[%dma_start3A_385, %dma_start3A_386] : memref<20000x64xf32, #tpu.memory_space<hbm>> -> memref<20000x64xf32, #tpu.memory_space<hbm>>
      tpu.enqueue_indirect_dma source(%dma_start3A_387 : memref<20000x64xf32, #tpu.memory_space<hbm>>) target(%arg12 : memref<125x64xf32, #tpu.memory_space<vmem>>) offsets(%dma_start3A_384 : memref<125xi32, #tpu.memory_space<vmem>>) semaphore(%arg17 : memref<!tpu.dma_semaphore, #tpu.memory_space<semaphore_mem>>)
    }
    %scan3A_35 = arith.constant 19 : i32
    %dma_wait3A = arith.constant 76 : i32
    %dma_wait3A_36 = arith.constant 0 : i32
    %dma_wait3A_37 = tpu.memref_slice %arg7[%dma_wait3A, %dma_wait3A_36] : memref<80x125xi32, #tpu.memory_space<vmem>> -> memref<1x125xi32, #tpu.memory_space<vmem>>
    %dma_wait3A_38 = tpu.memref_squeeze %dma_wait3A_37 : memref<1x125xi32, #tpu.memory_space<vmem>> -> memref<125xi32, #tpu.memory_space<vmem>>
    %dma_wait3A_39 = arith.constant 0 : i32
    %dma_wait3A_40 = arith.constant 0 : i32
    %dma_wait3A_41 = tpu.memref_slice %arg2[%dma_wait3A_39, %dma_wait3A_40] : memref<20000x64xf32, #tpu.memory_space<hbm>> -> memref<20000x64xf32, #tpu.memory_space<hbm>>
    tpu.wait_indirect_dma semaphore(%arg14 : memref<!tpu.dma_semaphore, #tpu.memory_space<semaphore_mem>>) src(%dma_wait3A_41 : memref<20000x64xf32, #tpu.memory_space<hbm>>) dst(%arg9 : memref<125x64xf32, #tpu.memory_space<vmem>>)
    %dma_start3A_42 = arith.constant 76 : i32
    %dma_start3A_43 = arith.constant 0 : i32
    %dma_start3A_44 = tpu.memref_slice %arg8[%dma_start3A_42, %dma_start3A_43] : memref<80x125xi32, #tpu.memory_space<vmem>> -> memref<1x125xi32, #tpu.memory_space<vmem>>
    %dma_start3A_45 = tpu.memref_squeeze %dma_start3A_44 : memref<1x125xi32, #tpu.memory_space<vmem>> -> memref<125xi32, #tpu.memory_space<vmem>>
    %dma_start3A_46 = arith.constant 0 : i32
    %dma_start3A_47 = arith.constant 0 : i32
    %dma_start3A_48 = tpu.memref_slice %arg13[%dma_start3A_46, %dma_start3A_47] : memref<10000x64xf32, #tpu.memory_space<vmem_shared>> -> memref<10000x64xf32, #tpu.memory_space<vmem_shared>>
    tpu.enqueue_indirect_dma source(%arg9 : memref<125x64xf32, #tpu.memory_space<vmem>>) target(%dma_start3A_48 : memref<10000x64xf32, #tpu.memory_space<vmem_shared>>) offsets(%dma_start3A_45 : memref<125xi32, #tpu.memory_space<vmem>>) semaphore(%arg18 : memref<!tpu.dma_semaphore, #tpu.memory_space<semaphore_mem>>) {add = true}
    %dma_wait3A_49 = arith.constant 77 : i32
    %dma_wait3A_50 = arith.constant 0 : i32
    %dma_wait3A_51 = tpu.memref_slice %arg7[%dma_wait3A_49, %dma_wait3A_50] : memref<80x125xi32, #tpu.memory_space<vmem>> -> memref<1x125xi32, #tpu.memory_space<vmem>>
    %dma_wait3A_52 = tpu.memref_squeeze %dma_wait3A_51 : memref<1x125xi32, #tpu.memory_space<vmem>> -> memref<125xi32, #tpu.memory_space<vmem>>
    %dma_wait3A_53 = arith.constant 0 : i32
    %dma_wait3A_54 = arith.constant 0 : i32
    %dma_wait3A_55 = tpu.memref_slice %arg2[%dma_wait3A_53, %dma_wait3A_54] : memref<20000x64xf32, #tpu.memory_space<hbm>> -> memref<20000x64xf32, #tpu.memory_space<hbm>>
    tpu.wait_indirect_dma semaphore(%arg15 : memref<!tpu.dma_semaphore, #tpu.memory_space<semaphore_mem>>) src(%dma_wait3A_55 : memref<20000x64xf32, #tpu.memory_space<hbm>>) dst(%arg10 : memref<125x64xf32, #tpu.memory_space<vmem>>)
    %dma_start3A_56 = arith.constant 77 : i32
    %dma_start3A_57 = arith.constant 0 : i32
    %dma_start3A_58 = tpu.memref_slice %arg8[%dma_start3A_56, %dma_start3A_57] : memref<80x125xi32, #tpu.memory_space<vmem>> -> memref<1x125xi32, #tpu.memory_space<vmem>>
    %dma_start3A_59 = tpu.memref_squeeze %dma_start3A_58 : memref<1x125xi32, #tpu.memory_space<vmem>> -> memref<125xi32, #tpu.memory_space<vmem>>
    %dma_start3A_60 = arith.constant 0 : i32
    %dma_start3A_61 = arith.constant 0 : i32
    %dma_start3A_62 = tpu.memref_slice %arg13[%dma_start3A_60, %dma_start3A_61] : memref<10000x64xf32, #tpu.memory_space<vmem_shared>> -> memref<10000x64xf32, #tpu.memory_space<vmem_shared>>
    tpu.enqueue_indirect_dma source(%arg10 : memref<125x64xf32, #tpu.memory_space<vmem>>) target(%dma_start3A_62 : memref<10000x64xf32, #tpu.memory_space<vmem_shared>>) offsets(%dma_start3A_59 : memref<125xi32, #tpu.memory_space<vmem>>) semaphore(%arg19 : memref<!tpu.dma_semaphore, #tpu.memory_space<semaphore_mem>>) {add = true}
    %dma_wait3A_63 = arith.constant 78 : i32
    %dma_wait3A_64 = arith.constant 0 : i32
    %dma_wait3A_65 = tpu.memref_slice %arg7[%dma_wait3A_63, %dma_wait3A_64] : memref<80x125xi32, #tpu.memory_space<vmem>> -> memref<1x125xi32, #tpu.memory_space<vmem>>
    %dma_wait3A_66 = tpu.memref_squeeze %dma_wait3A_65 : memref<1x125xi32, #tpu.memory_space<vmem>> -> memref<125xi32, #tpu.memory_space<vmem>>
    %dma_wait3A_67 = arith.constant 0 : i32
    %dma_wait3A_68 = arith.constant 0 : i32
    %dma_wait3A_69 = tpu.memref_slice %arg2[%dma_wait3A_67, %dma_wait3A_68] : memref<20000x64xf32, #tpu.memory_space<hbm>> -> memref<20000x64xf32, #tpu.memory_space<hbm>>
    tpu.wait_indirect_dma semaphore(%arg16 : memref<!tpu.dma_semaphore, #tpu.memory_space<semaphore_mem>>) src(%dma_wait3A_69 : memref<20000x64xf32, #tpu.memory_space<hbm>>) dst(%arg11 : memref<125x64xf32, #tpu.memory_space<vmem>>)
    %dma_start3A_70 = arith.constant 78 : i32
    %dma_start3A_71 = arith.constant 0 : i32
    %dma_start3A_72 = tpu.memref_slice %arg8[%dma_start3A_70, %dma_start3A_71] : memref<80x125xi32, #tpu.memory_space<vmem>> -> memref<1x125xi32, #tpu.memory_space<vmem>>
    %dma_start3A_73 = tpu.memref_squeeze %dma_start3A_72 : memref<1x125xi32, #tpu.memory_space<vmem>> -> memref<125xi32, #tpu.memory_space<vmem>>
    %dma_start3A_74 = arith.constant 0 : i32
    %dma_start3A_75 = arith.constant 0 : i32
    %dma_start3A_76 = tpu.memref_slice %arg13[%dma_start3A_74, %dma_start3A_75] : memref<10000x64xf32, #tpu.memory_space<vmem_shared>> -> memref<10000x64xf32, #tpu.memory_space<vmem_shared>>
    tpu.enqueue_indirect_dma source(%arg11 : memref<125x64xf32, #tpu.memory_space<vmem>>) target(%dma_start3A_76 : memref<10000x64xf32, #tpu.memory_space<vmem_shared>>) offsets(%dma_start3A_73 : memref<125xi32, #tpu.memory_space<vmem>>) semaphore(%arg20 : memref<!tpu.dma_semaphore, #tpu.memory_space<semaphore_mem>>) {add = true}
    %dma_wait3A_77 = arith.constant 79 : i32
    %dma_wait3A_78 = arith.constant 0 : i32
    %dma_wait3A_79 = tpu.memref_slice %arg7[%dma_wait3A_77, %dma_wait3A_78] : memref<80x125xi32, #tpu.memory_space<vmem>> -> memref<1x125xi32, #tpu.memory_space<vmem>>
    %dma_wait3A_80 = tpu.memref_squeeze %dma_wait3A_79 : memref<1x125xi32, #tpu.memory_space<vmem>> -> memref<125xi32, #tpu.memory_space<vmem>>
    %dma_wait3A_81 = arith.constant 0 : i32
    %dma_wait3A_82 = arith.constant 0 : i32
    %dma_wait3A_83 = tpu.memref_slice %arg2[%dma_wait3A_81, %dma_wait3A_82] : memref<20000x64xf32, #tpu.memory_space<hbm>> -> memref<20000x64xf32, #tpu.memory_space<hbm>>
    tpu.wait_indirect_dma semaphore(%arg17 : memref<!tpu.dma_semaphore, #tpu.memory_space<semaphore_mem>>) src(%dma_wait3A_83 : memref<20000x64xf32, #tpu.memory_space<hbm>>) dst(%arg12 : memref<125x64xf32, #tpu.memory_space<vmem>>)
    %dma_start3A_84 = arith.constant 79 : i32
    %dma_start3A_85 = arith.constant 0 : i32
    %dma_start3A_86 = tpu.memref_slice %arg8[%dma_start3A_84, %dma_start3A_85] : memref<80x125xi32, #tpu.memory_space<vmem>> -> memref<1x125xi32, #tpu.memory_space<vmem>>
    %dma_start3A_87 = tpu.memref_squeeze %dma_start3A_86 : memref<1x125xi32, #tpu.memory_space<vmem>> -> memref<125xi32, #tpu.memory_space<vmem>>
    %dma_start3A_88 = arith.constant 0 : i32
    %dma_start3A_89 = arith.constant 0 : i32
    %dma_start3A_90 = tpu.memref_slice %arg13[%dma_start3A_88, %dma_start3A_89] : memref<10000x64xf32, #tpu.memory_space<vmem_shared>> -> memref<10000x64xf32, #tpu.memory_space<vmem_shared>>
    tpu.enqueue_indirect_dma source(%arg12 : memref<125x64xf32, #tpu.memory_space<vmem>>) target(%dma_start3A_90 : memref<10000x64xf32, #tpu.memory_space<vmem_shared>>) offsets(%dma_start3A_87 : memref<125xi32, #tpu.memory_space<vmem>>) semaphore(%arg21 : memref<!tpu.dma_semaphore, #tpu.memory_space<semaphore_mem>>) {add = true}
    %dma_wait3A_91 = arith.constant 76 : i32
    %dma_wait3A_92 = arith.constant 0 : i32
    %dma_wait3A_93 = tpu.memref_slice %arg8[%dma_wait3A_91, %dma_wait3A_92] : memref<80x125xi32, #tpu.memory_space<vmem>> -> memref<1x125xi32, #tpu.memory_space<vmem>>
    %dma_wait3A_94 = tpu.memref_squeeze %dma_wait3A_93 : memref<1x125xi32, #tpu.memory_space<vmem>> -> memref<125xi32, #tpu.memory_space<vmem>>
    %dma_wait3A_95 = arith.constant 0 : i32
    %dma_wait3A_96 = arith.constant 0 : i32
    %dma_wait3A_97 = tpu.memref_slice %arg13[%dma_wait3A_95, %dma_wait3A_96] : memref<10000x64xf32, #tpu.memory_space<vmem_shared>> -> memref<10000x64xf32, #tpu.memory_space<vmem_shared>>
    tpu.wait_indirect_dma semaphore(%arg18 : memref<!tpu.dma_semaphore, #tpu.memory_space<semaphore_mem>>) src(%arg9 : memref<125x64xf32, #tpu.memory_space<vmem>>) dst(%dma_wait3A_97 : memref<10000x64xf32, #tpu.memory_space<vmem_shared>>)
    %dma_wait3A_98 = arith.constant 77 : i32
    %dma_wait3A_99 = arith.constant 0 : i32
    %dma_wait3A_100 = tpu.memref_slice %arg8[%dma_wait3A_98, %dma_wait3A_99] : memref<80x125xi32, #tpu.memory_space<vmem>> -> memref<1x125xi32, #tpu.memory_space<vmem>>
    %dma_wait3A_101 = tpu.memref_squeeze %dma_wait3A_100 : memref<1x125xi32, #tpu.memory_space<vmem>> -> memref<125xi32, #tpu.memory_space<vmem>>
    %dma_wait3A_102 = arith.constant 0 : i32
    %dma_wait3A_103 = arith.constant 0 : i32
    %dma_wait3A_104 = tpu.memref_slice %arg13[%dma_wait3A_102, %dma_wait3A_103] : memref<10000x64xf32, #tpu.memory_space<vmem_shared>> -> memref<10000x64xf32, #tpu.memory_space<vmem_shared>>
    tpu.wait_indirect_dma semaphore(%arg19 : memref<!tpu.dma_semaphore, #tpu.memory_space<semaphore_mem>>) src(%arg10 : memref<125x64xf32, #tpu.memory_space<vmem>>) dst(%dma_wait3A_104 : memref<10000x64xf32, #tpu.memory_space<vmem_shared>>)
    %dma_wait3A_105 = arith.constant 78 : i32
    %dma_wait3A_106 = arith.constant 0 : i32
    %dma_wait3A_107 = tpu.memref_slice %arg8[%dma_wait3A_105, %dma_wait3A_106] : memref<80x125xi32, #tpu.memory_space<vmem>> -> memref<1x125xi32, #tpu.memory_space<vmem>>
    %dma_wait3A_108 = tpu.memref_squeeze %dma_wait3A_107 : memref<1x125xi32, #tpu.memory_space<vmem>> -> memref<125xi32, #tpu.memory_space<vmem>>
    %dma_wait3A_109 = arith.constant 0 : i32
    %dma_wait3A_110 = arith.constant 0 : i32
    %dma_wait3A_111 = tpu.memref_slice %arg13[%dma_wait3A_109, %dma_wait3A_110] : memref<10000x64xf32, #tpu.memory_space<vmem_shared>> -> memref<10000x64xf32, #tpu.memory_space<vmem_shared>>
    tpu.wait_indirect_dma semaphore(%arg20 : memref<!tpu.dma_semaphore, #tpu.memory_space<semaphore_mem>>) src(%arg11 : memref<125x64xf32, #tpu.memory_space<vmem>>) dst(%dma_wait3A_111 : memref<10000x64xf32, #tpu.memory_space<vmem_shared>>)
    %dma_wait3A_112 = arith.constant 79 : i32
    %dma_wait3A_113 = arith.constant 0 : i32
    %dma_wait3A_114 = tpu.memref_slice %arg8[%dma_wait3A_112, %dma_wait3A_113] : memref<80x125xi32, #tpu.memory_space<vmem>> -> memref<1x125xi32, #tpu.memory_space<vmem>>
    %dma_wait3A_115 = tpu.memref_squeeze %dma_wait3A_114 : memref<1x125xi32, #tpu.memory_space<vmem>> -> memref<125xi32, #tpu.memory_space<vmem>>
    %dma_wait3A_116 = arith.constant 0 : i32
    %dma_wait3A_117 = arith.constant 0 : i32
    %dma_wait3A_118 = tpu.memref_slice %arg13[%dma_wait3A_116, %dma_wait3A_117] : memref<10000x64xf32, #tpu.memory_space<vmem_shared>> -> memref<10000x64xf32, #tpu.memory_space<vmem_shared>>
    tpu.wait_indirect_dma semaphore(%arg21 : memref<!tpu.dma_semaphore, #tpu.memory_space<semaphore_mem>>) src(%arg12 : memref<125x64xf32, #tpu.memory_space<vmem>>) dst(%dma_wait3A_118 : memref<10000x64xf32, #tpu.memory_space<vmem_shared>>)
    "tpu.region"() ({
      %run_scoped3A = tpu.sem_alloc : memref<!tpu.dma_semaphore, #tpu.memory_space<semaphore_mem>>
      %dma_start3A_248 = arith.constant 0 : i32
      %dma_start3A_249 = arith.constant 0 : i32
      %dma_start3A_250 = tpu.memref_slice %arg7[%dma_start3A_248, %dma_start3A_249] : memref<80x125xi32, #tpu.memory_space<vmem>> -> memref<80x125xi32, #tpu.memory_space<vmem>>
      %dma_start3A_251 = arith.constant 80 : i32
      %dma_start3A_252 = arith.constant 0 : i32
      %dma_start3A_253 = tpu.memref_slice %arg3[%arg0, %arg1, %dma_start3A_251, %dma_start3A_252] : memref<2x16x160x125xi32, #tpu.memory_space<hbm>> -> memref<1x1x80x125xi32, #tpu.memory_space<hbm>>
      %dma_start3A_254 = tpu.memref_squeeze %dma_start3A_253 : memref<1x1x80x125xi32, #tpu.memory_space<hbm>> -> memref<80x125xi32, #tpu.memory_space<hbm>>
      %dma_start3A_255 = arith.constant 0 : i32
      %dma_start3A_256 = arith.constant 0 : i32
      %dma_start3A_257 = tpu.memref_slice %arg7[%dma_start3A_255, %dma_start3A_256] : memref<80x125xi32, #tpu.memory_space<vmem>> -> memref<80x125xi32, #tpu.memory_space<vmem>>
      %dma_start3A_258 = arith.constant 80 : i32
      %dma_start3A_259 = arith.constant 0 : i32
      %dma_start3A_260 = tpu.memref_slice %arg3[%arg0, %arg1, %dma_start3A_258, %dma_start3A_259] : memref<2x16x160x125xi32, #tpu.memory_space<hbm>> -> memref<1x1x80x125xi32, #tpu.memory_space<hbm>>
      %dma_start3A_261 = tpu.memref_squeeze %dma_start3A_260 : memref<1x1x80x125xi32, #tpu.memory_space<hbm>> -> memref<80x125xi32, #tpu.memory_space<hbm>>
      tpu.enqueue_dma source(%dma_start3A_261 : memref<80x125xi32, #tpu.memory_space<hbm>>) target(%dma_start3A_257 : memref<80x125xi32, #tpu.memory_space<vmem>>) target_semaphore(%run_scoped3A : memref<!tpu.dma_semaphore, #tpu.memory_space<semaphore_mem>>)
      %dma_wait3A_262 = arith.constant 0 : i32
      %dma_wait3A_263 = arith.constant 0 : i32
      %dma_wait3A_264 = tpu.memref_slice %arg7[%dma_wait3A_262, %dma_wait3A_263] : memref<80x125xi32, #tpu.memory_space<vmem>> -> memref<80x125xi32, #tpu.memory_space<vmem>>
      %dma_wait3A_265 = arith.constant 80 : i32
      %dma_wait3A_266 = arith.constant 0 : i32
      %dma_wait3A_267 = tpu.memref_slice %arg3[%arg0, %arg1, %dma_wait3A_265, %dma_wait3A_266] : memref<2x16x160x125xi32, #tpu.memory_space<hbm>> -> memref<1x1x80x125xi32, #tpu.memory_space<hbm>>
      %dma_wait3A_268 = tpu.memref_squeeze %dma_wait3A_267 : memref<1x1x80x125xi32, #tpu.memory_space<hbm>> -> memref<80x125xi32, #tpu.memory_space<hbm>>
      %dma_wait3A_269 = arith.constant 0 : i32
      %dma_wait3A_270 = arith.constant 0 : i32
      %dma_wait3A_271 = tpu.memref_slice %arg7[%dma_wait3A_269, %dma_wait3A_270] : memref<80x125xi32, #tpu.memory_space<vmem>> -> memref<80x125xi32, #tpu.memory_space<vmem>>
      %dma_wait3A_272 = arith.constant 80 : i32
      %dma_wait3A_273 = arith.constant 0 : i32
      %dma_wait3A_274 = tpu.memref_slice %arg3[%arg0, %arg1, %dma_wait3A_272, %dma_wait3A_273] : memref<2x16x160x125xi32, #tpu.memory_space<hbm>> -> memref<1x1x80x125xi32, #tpu.memory_space<hbm>>
      %dma_wait3A_275 = tpu.memref_squeeze %dma_wait3A_274 : memref<1x1x80x125xi32, #tpu.memory_space<hbm>> -> memref<80x125xi32, #tpu.memory_space<hbm>>
      tpu.wait_dma2 semaphore(%run_scoped3A : memref<!tpu.dma_semaphore, #tpu.memory_space<semaphore_mem>>) src(%dma_wait3A_275 : memref<80x125xi32, #tpu.memory_space<hbm>>) dst(%dma_wait3A_271 : memref<80x125xi32, #tpu.memory_space<vmem>>)
      tpu.yield
    }) : () -> ()
    "tpu.region"() ({
      %run_scoped3A = tpu.sem_alloc : memref<!tpu.dma_semaphore, #tpu.memory_space<semaphore_mem>>
      %dma_start3A_248 = arith.constant 0 : i32
      %dma_start3A_249 = arith.constant 0 : i32
      %dma_start3A_250 = tpu.memref_slice %arg8[%dma_start3A_248, %dma_start3A_249] : memref<80x125xi32, #tpu.memory_space<vmem>> -> memref<80x125xi32, #tpu.memory_space<vmem>>
      %dma_start3A_251 = arith.constant 80 : i32
      %dma_start3A_252 = arith.constant 0 : i32
      %dma_start3A_253 = tpu.memref_slice %arg4[%arg1, %dma_start3A_251, %dma_start3A_252] : memref<16x160x125xi32, #tpu.memory_space<hbm>> -> memref<1x80x125xi32, #tpu.memory_space<hbm>>
      %dma_start3A_254 = tpu.memref_squeeze %dma_start3A_253 : memref<1x80x125xi32, #tpu.memory_space<hbm>> -> memref<80x125xi32, #tpu.memory_space<hbm>>
      %dma_start3A_255 = arith.constant 0 : i32
      %dma_start3A_256 = arith.constant 0 : i32
      %dma_start3A_257 = tpu.memref_slice %arg8[%dma_start3A_255, %dma_start3A_256] : memref<80x125xi32, #tpu.memory_space<vmem>> -> memref<80x125xi32, #tpu.memory_space<vmem>>
      %dma_start3A_258 = arith.constant 80 : i32
      %dma_start3A_259 = arith.constant 0 : i32
      %dma_start3A_260 = tpu.memref_slice %arg4[%arg1, %dma_start3A_258, %dma_start3A_259] : memref<16x160x125xi32, #tpu.memory_space<hbm>> -> memref<1x80x125xi32, #tpu.memory_space<hbm>>
      %dma_start3A_261 = tpu.memref_squeeze %dma_start3A_260 : memref<1x80x125xi32, #tpu.memory_space<hbm>> -> memref<80x125xi32, #tpu.memory_space<hbm>>
      tpu.enqueue_dma source(%dma_start3A_261 : memref<80x125xi32, #tpu.memory_space<hbm>>) target(%dma_start3A_257 : memref<80x125xi32, #tpu.memory_space<vmem>>) target_semaphore(%run_scoped3A : memref<!tpu.dma_semaphore, #tpu.memory_space<semaphore_mem>>)
      %dma_wait3A_262 = arith.constant 0 : i32
      %dma_wait3A_263 = arith.constant 0 : i32
      %dma_wait3A_264 = tpu.memref_slice %arg8[%dma_wait3A_262, %dma_wait3A_263] : memref<80x125xi32, #tpu.memory_space<vmem>> -> memref<80x125xi32, #tpu.memory_space<vmem>>
      %dma_wait3A_265 = arith.constant 80 : i32
      %dma_wait3A_266 = arith.constant 0 : i32
      %dma_wait3A_267 = tpu.memref_slice %arg4[%arg1, %dma_wait3A_265, %dma_wait3A_266] : memref<16x160x125xi32, #tpu.memory_space<hbm>> -> memref<1x80x125xi32, #tpu.memory_space<hbm>>
      %dma_wait3A_268 = tpu.memref_squeeze %dma_wait3A_267 : memref<1x80x125xi32, #tpu.memory_space<hbm>> -> memref<80x125xi32, #tpu.memory_space<hbm>>
      %dma_wait3A_269 = arith.constant 0 : i32
      %dma_wait3A_270 = arith.constant 0 : i32
      %dma_wait3A_271 = tpu.memref_slice %arg8[%dma_wait3A_269, %dma_wait3A_270] : memref<80x125xi32, #tpu.memory_space<vmem>> -> memref<80x125xi32, #tpu.memory_space<vmem>>
      %dma_wait3A_272 = arith.constant 80 : i32
      %dma_wait3A_273 = arith.constant 0 : i32
      %dma_wait3A_274 = tpu.memref_slice %arg4[%arg1, %dma_wait3A_272, %dma_wait3A_273] : memref<16x160x125xi32, #tpu.memory_space<hbm>> -> memref<1x80x125xi32, #tpu.memory_space<hbm>>
      %dma_wait3A_275 = tpu.memref_squeeze %dma_wait3A_274 : memref<1x80x125xi32, #tpu.memory_space<hbm>> -> memref<80x125xi32, #tpu.memory_space<hbm>>
      tpu.wait_dma2 semaphore(%run_scoped3A : memref<!tpu.dma_semaphore, #tpu.memory_space<semaphore_mem>>) src(%dma_wait3A_275 : memref<80x125xi32, #tpu.memory_space<hbm>>) dst(%dma_wait3A_271 : memref<80x125xi32, #tpu.memory_space<vmem>>)
      tpu.yield
    }) : () -> ()
    %dma_start3A_119 = arith.constant 0 : i32
    %dma_start3A_120 = arith.constant 0 : i32
    %dma_start3A_121 = tpu.memref_slice %arg7[%dma_start3A_119, %dma_start3A_120] : memref<80x125xi32, #tpu.memory_space<vmem>> -> memref<1x125xi32, #tpu.memory_space<vmem>>
    %dma_start3A_122 = tpu.memref_squeeze %dma_start3A_121 : memref<1x125xi32, #tpu.memory_space<vmem>> -> memref<125xi32, #tpu.memory_space<vmem>>
    %dma_start3A_123 = arith.constant 0 : i32
    %dma_start3A_124 = arith.constant 0 : i32
    %dma_start3A_125 = tpu.memref_slice %arg2[%dma_start3A_123, %dma_start3A_124] : memref<20000x64xf32, #tpu.memory_space<hbm>> -> memref<20000x64xf32, #tpu.memory_space<hbm>>
    tpu.enqueue_indirect_dma source(%dma_start3A_125 : memref<20000x64xf32, #tpu.memory_space<hbm>>) target(%arg9 : memref<125x64xf32, #tpu.memory_space<vmem>>) offsets(%dma_start3A_122 : memref<125xi32, #tpu.memory_space<vmem>>) semaphore(%arg14 : memref<!tpu.dma_semaphore, #tpu.memory_space<semaphore_mem>>)
    %dma_start3A_126 = arith.constant 1 : i32
    %dma_start3A_127 = arith.constant 0 : i32
    %dma_start3A_128 = tpu.memref_slice %arg7[%dma_start3A_126, %dma_start3A_127] : memref<80x125xi32, #tpu.memory_space<vmem>> -> memref<1x125xi32, #tpu.memory_space<vmem>>
    %dma_start3A_129 = tpu.memref_squeeze %dma_start3A_128 : memref<1x125xi32, #tpu.memory_space<vmem>> -> memref<125xi32, #tpu.memory_space<vmem>>
    %dma_start3A_130 = arith.constant 0 : i32
    %dma_start3A_131 = arith.constant 0 : i32
    %dma_start3A_132 = tpu.memref_slice %arg2[%dma_start3A_130, %dma_start3A_131] : memref<20000x64xf32, #tpu.memory_space<hbm>> -> memref<20000x64xf32, #tpu.memory_space<hbm>>
    tpu.enqueue_indirect_dma source(%dma_start3A_132 : memref<20000x64xf32, #tpu.memory_space<hbm>>) target(%arg10 : memref<125x64xf32, #tpu.memory_space<vmem>>) offsets(%dma_start3A_129 : memref<125xi32, #tpu.memory_space<vmem>>) semaphore(%arg15 : memref<!tpu.dma_semaphore, #tpu.memory_space<semaphore_mem>>)
    %dma_start3A_133 = arith.constant 2 : i32
    %dma_start3A_134 = arith.constant 0 : i32
    %dma_start3A_135 = tpu.memref_slice %arg7[%dma_start3A_133, %dma_start3A_134] : memref<80x125xi32, #tpu.memory_space<vmem>> -> memref<1x125xi32, #tpu.memory_space<vmem>>
    %dma_start3A_136 = tpu.memref_squeeze %dma_start3A_135 : memref<1x125xi32, #tpu.memory_space<vmem>> -> memref<125xi32, #tpu.memory_space<vmem>>
    %dma_start3A_137 = arith.constant 0 : i32
    %dma_start3A_138 = arith.constant 0 : i32
    %dma_start3A_139 = tpu.memref_slice %arg2[%dma_start3A_137, %dma_start3A_138] : memref<20000x64xf32, #tpu.memory_space<hbm>> -> memref<20000x64xf32, #tpu.memory_space<hbm>>
    tpu.enqueue_indirect_dma source(%dma_start3A_139 : memref<20000x64xf32, #tpu.memory_space<hbm>>) target(%arg11 : memref<125x64xf32, #tpu.memory_space<vmem>>) offsets(%dma_start3A_136 : memref<125xi32, #tpu.memory_space<vmem>>) semaphore(%arg16 : memref<!tpu.dma_semaphore, #tpu.memory_space<semaphore_mem>>)
    %dma_start3A_140 = arith.constant 3 : i32
    %dma_start3A_141 = arith.constant 0 : i32
    %dma_start3A_142 = tpu.memref_slice %arg7[%dma_start3A_140, %dma_start3A_141] : memref<80x125xi32, #tpu.memory_space<vmem>> -> memref<1x125xi32, #tpu.memory_space<vmem>>
    %dma_start3A_143 = tpu.memref_squeeze %dma_start3A_142 : memref<1x125xi32, #tpu.memory_space<vmem>> -> memref<125xi32, #tpu.memory_space<vmem>>
    %dma_start3A_144 = arith.constant 0 : i32
    %dma_start3A_145 = arith.constant 0 : i32
    %dma_start3A_146 = tpu.memref_slice %arg2[%dma_start3A_144, %dma_start3A_145] : memref<20000x64xf32, #tpu.memory_space<hbm>> -> memref<20000x64xf32, #tpu.memory_space<hbm>>
    tpu.enqueue_indirect_dma source(%dma_start3A_146 : memref<20000x64xf32, #tpu.memory_space<hbm>>) target(%arg12 : memref<125x64xf32, #tpu.memory_space<vmem>>) offsets(%dma_start3A_143 : memref<125xi32, #tpu.memory_space<vmem>>) semaphore(%arg17 : memref<!tpu.dma_semaphore, #tpu.memory_space<semaphore_mem>>)
    %scan3A_147 = arith.constant 0 : i32
    %scan3A_148 = arith.constant 19 : i32
    %scan3A_149 = arith.addi %scan3A_147, %scan3A_148 : i32
    %scan3A_150 = arith.constant 1 : i32
    scf.for %scan3A_248 = %scan3A_147 to %scan3A_149 step %scan3A_150  : i32 {
      %mul3A_249 = arith.constant 4 : i32
      %mul3A_250 = arith.muli %scan3A_248, %mul3A_249 : i32
      %add3A = arith.constant 0 : i32
      %add3A_251 = arith.addi %add3A, %mul3A_250 : i32
      %add3A_252 = arith.constant 0 : i32
      %add3A_253 = arith.addi %add3A_251, %add3A_252 : i32
      %dma_wait3A_254 = arith.constant 0 : i32
      %dma_wait3A_255 = tpu.memref_slice %arg7[%add3A_253, %dma_wait3A_254] : memref<80x125xi32, #tpu.memory_space<vmem>> -> memref<1x125xi32, #tpu.memory_space<vmem>>
      %dma_wait3A_256 = tpu.memref_squeeze %dma_wait3A_255 : memref<1x125xi32, #tpu.memory_space<vmem>> -> memref<125xi32, #tpu.memory_space<vmem>>
      %dma_wait3A_257 = arith.constant 0 : i32
      %dma_wait3A_258 = arith.constant 0 : i32
      %dma_wait3A_259 = tpu.memref_slice %arg2[%dma_wait3A_257, %dma_wait3A_258] : memref<20000x64xf32, #tpu.memory_space<hbm>> -> memref<20000x64xf32, #tpu.memory_space<hbm>>
      tpu.wait_indirect_dma semaphore(%arg14 : memref<!tpu.dma_semaphore, #tpu.memory_space<semaphore_mem>>) src(%dma_wait3A_259 : memref<20000x64xf32, #tpu.memory_space<hbm>>) dst(%arg9 : memref<125x64xf32, #tpu.memory_space<vmem>>)
      %add3A_260 = arith.constant 0 : i32
      %add3A_261 = arith.addi %add3A_251, %add3A_260 : i32
      %dma_start3A_262 = arith.constant 0 : i32
      %dma_start3A_263 = tpu.memref_slice %arg8[%add3A_261, %dma_start3A_262] : memref<80x125xi32, #tpu.memory_space<vmem>> -> memref<1x125xi32, #tpu.memory_space<vmem>>
      %dma_start3A_264 = tpu.memref_squeeze %dma_start3A_263 : memref<1x125xi32, #tpu.memory_space<vmem>> -> memref<125xi32, #tpu.memory_space<vmem>>
      %dma_start3A_265 = arith.constant 0 : i32
      %dma_start3A_266 = arith.constant 0 : i32
      %dma_start3A_267 = tpu.memref_slice %arg13[%dma_start3A_265, %dma_start3A_266] : memref<10000x64xf32, #tpu.memory_space<vmem_shared>> -> memref<10000x64xf32, #tpu.memory_space<vmem_shared>>
      tpu.enqueue_indirect_dma source(%arg9 : memref<125x64xf32, #tpu.memory_space<vmem>>) target(%dma_start3A_267 : memref<10000x64xf32, #tpu.memory_space<vmem_shared>>) offsets(%dma_start3A_264 : memref<125xi32, #tpu.memory_space<vmem>>) semaphore(%arg18 : memref<!tpu.dma_semaphore, #tpu.memory_space<semaphore_mem>>) {add = true}
      %add3A_268 = arith.constant 1 : i32
      %add3A_269 = arith.addi %add3A_251, %add3A_268 : i32
      %dma_wait3A_270 = arith.constant 0 : i32
      %dma_wait3A_271 = tpu.memref_slice %arg7[%add3A_269, %dma_wait3A_270] : memref<80x125xi32, #tpu.memory_space<vmem>> -> memref<1x125xi32, #tpu.memory_space<vmem>>
      %dma_wait3A_272 = tpu.memref_squeeze %dma_wait3A_271 : memref<1x125xi32, #tpu.memory_space<vmem>> -> memref<125xi32, #tpu.memory_space<vmem>>
      %dma_wait3A_273 = arith.constant 0 : i32
      %dma_wait3A_274 = arith.constant 0 : i32
      %dma_wait3A_275 = tpu.memref_slice %arg2[%dma_wait3A_273, %dma_wait3A_274] : memref<20000x64xf32, #tpu.memory_space<hbm>> -> memref<20000x64xf32, #tpu.memory_space<hbm>>
      tpu.wait_indirect_dma semaphore(%arg15 : memref<!tpu.dma_semaphore, #tpu.memory_space<semaphore_mem>>) src(%dma_wait3A_275 : memref<20000x64xf32, #tpu.memory_space<hbm>>) dst(%arg10 : memref<125x64xf32, #tpu.memory_space<vmem>>)
      %add3A_276 = arith.constant 1 : i32
      %add3A_277 = arith.addi %add3A_251, %add3A_276 : i32
      %dma_start3A_278 = arith.constant 0 : i32
      %dma_start3A_279 = tpu.memref_slice %arg8[%add3A_277, %dma_start3A_278] : memref<80x125xi32, #tpu.memory_space<vmem>> -> memref<1x125xi32, #tpu.memory_space<vmem>>
      %dma_start3A_280 = tpu.memref_squeeze %dma_start3A_279 : memref<1x125xi32, #tpu.memory_space<vmem>> -> memref<125xi32, #tpu.memory_space<vmem>>
      %dma_start3A_281 = arith.constant 0 : i32
      %dma_start3A_282 = arith.constant 0 : i32
      %dma_start3A_283 = tpu.memref_slice %arg13[%dma_start3A_281, %dma_start3A_282] : memref<10000x64xf32, #tpu.memory_space<vmem_shared>> -> memref<10000x64xf32, #tpu.memory_space<vmem_shared>>
      tpu.enqueue_indirect_dma source(%arg10 : memref<125x64xf32, #tpu.memory_space<vmem>>) target(%dma_start3A_283 : memref<10000x64xf32, #tpu.memory_space<vmem_shared>>) offsets(%dma_start3A_280 : memref<125xi32, #tpu.memory_space<vmem>>) semaphore(%arg19 : memref<!tpu.dma_semaphore, #tpu.memory_space<semaphore_mem>>) {add = true}
      %add3A_284 = arith.constant 2 : i32
      %add3A_285 = arith.addi %add3A_251, %add3A_284 : i32
      %dma_wait3A_286 = arith.constant 0 : i32
      %dma_wait3A_287 = tpu.memref_slice %arg7[%add3A_285, %dma_wait3A_286] : memref<80x125xi32, #tpu.memory_space<vmem>> -> memref<1x125xi32, #tpu.memory_space<vmem>>
      %dma_wait3A_288 = tpu.memref_squeeze %dma_wait3A_287 : memref<1x125xi32, #tpu.memory_space<vmem>> -> memref<125xi32, #tpu.memory_space<vmem>>
      %dma_wait3A_289 = arith.constant 0 : i32
      %dma_wait3A_290 = arith.constant 0 : i32
      %dma_wait3A_291 = tpu.memref_slice %arg2[%dma_wait3A_289, %dma_wait3A_290] : memref<20000x64xf32, #tpu.memory_space<hbm>> -> memref<20000x64xf32, #tpu.memory_space<hbm>>
      tpu.wait_indirect_dma semaphore(%arg16 : memref<!tpu.dma_semaphore, #tpu.memory_space<semaphore_mem>>) src(%dma_wait3A_291 : memref<20000x64xf32, #tpu.memory_space<hbm>>) dst(%arg11 : memref<125x64xf32, #tpu.memory_space<vmem>>)
      %add3A_292 = arith.constant 2 : i32
      %add3A_293 = arith.addi %add3A_251, %add3A_292 : i32
      %dma_start3A_294 = arith.constant 0 : i32
      %dma_start3A_295 = tpu.memref_slice %arg8[%add3A_293, %dma_start3A_294] : memref<80x125xi32, #tpu.memory_space<vmem>> -> memref<1x125xi32, #tpu.memory_space<vmem>>
      %dma_start3A_296 = tpu.memref_squeeze %dma_start3A_295 : memref<1x125xi32, #tpu.memory_space<vmem>> -> memref<125xi32, #tpu.memory_space<vmem>>
      %dma_start3A_297 = arith.constant 0 : i32
      %dma_start3A_298 = arith.constant 0 : i32
      %dma_start3A_299 = tpu.memref_slice %arg13[%dma_start3A_297, %dma_start3A_298] : memref<10000x64xf32, #tpu.memory_space<vmem_shared>> -> memref<10000x64xf32, #tpu.memory_space<vmem_shared>>
      tpu.enqueue_indirect_dma source(%arg11 : memref<125x64xf32, #tpu.memory_space<vmem>>) target(%dma_start3A_299 : memref<10000x64xf32, #tpu.memory_space<vmem_shared>>) offsets(%dma_start3A_296 : memref<125xi32, #tpu.memory_space<vmem>>) semaphore(%arg20 : memref<!tpu.dma_semaphore, #tpu.memory_space<semaphore_mem>>) {add = true}
      %add3A_300 = arith.constant 3 : i32
      %add3A_301 = arith.addi %add3A_251, %add3A_300 : i32
      %dma_wait3A_302 = arith.constant 0 : i32
      %dma_wait3A_303 = tpu.memref_slice %arg7[%add3A_301, %dma_wait3A_302] : memref<80x125xi32, #tpu.memory_space<vmem>> -> memref<1x125xi32, #tpu.memory_space<vmem>>
      %dma_wait3A_304 = tpu.memref_squeeze %dma_wait3A_303 : memref<1x125xi32, #tpu.memory_space<vmem>> -> memref<125xi32, #tpu.memory_space<vmem>>
      %dma_wait3A_305 = arith.constant 0 : i32
      %dma_wait3A_306 = arith.constant 0 : i32
      %dma_wait3A_307 = tpu.memref_slice %arg2[%dma_wait3A_305, %dma_wait3A_306] : memref<20000x64xf32, #tpu.memory_space<hbm>> -> memref<20000x64xf32, #tpu.memory_space<hbm>>
      tpu.wait_indirect_dma semaphore(%arg17 : memref<!tpu.dma_semaphore, #tpu.memory_space<semaphore_mem>>) src(%dma_wait3A_307 : memref<20000x64xf32, #tpu.memory_space<hbm>>) dst(%arg12 : memref<125x64xf32, #tpu.memory_space<vmem>>)
      %add3A_308 = arith.constant 3 : i32
      %add3A_309 = arith.addi %add3A_251, %add3A_308 : i32
      %dma_start3A_310 = arith.constant 0 : i32
      %dma_start3A_311 = tpu.memref_slice %arg8[%add3A_309, %dma_start3A_310] : memref<80x125xi32, #tpu.memory_space<vmem>> -> memref<1x125xi32, #tpu.memory_space<vmem>>
      %dma_start3A_312 = tpu.memref_squeeze %dma_start3A_311 : memref<1x125xi32, #tpu.memory_space<vmem>> -> memref<125xi32, #tpu.memory_space<vmem>>
      %dma_start3A_313 = arith.constant 0 : i32
      %dma_start3A_314 = arith.constant 0 : i32
      %dma_start3A_315 = tpu.memref_slice %arg13[%dma_start3A_313, %dma_start3A_314] : memref<10000x64xf32, #tpu.memory_space<vmem_shared>> -> memref<10000x64xf32, #tpu.memory_space<vmem_shared>>
      tpu.enqueue_indirect_dma source(%arg12 : memref<125x64xf32, #tpu.memory_space<vmem>>) target(%dma_start3A_315 : memref<10000x64xf32, #tpu.memory_space<vmem_shared>>) offsets(%dma_start3A_312 : memref<125xi32, #tpu.memory_space<vmem>>) semaphore(%arg21 : memref<!tpu.dma_semaphore, #tpu.memory_space<semaphore_mem>>) {add = true}
      %add3A_316 = arith.constant 0 : i32
      %add3A_317 = arith.addi %add3A_251, %add3A_316 : i32
      %dma_wait3A_318 = arith.constant 0 : i32
      %dma_wait3A_319 = tpu.memref_slice %arg8[%add3A_317, %dma_wait3A_318] : memref<80x125xi32, #tpu.memory_space<vmem>> -> memref<1x125xi32, #tpu.memory_space<vmem>>
      %dma_wait3A_320 = tpu.memref_squeeze %dma_wait3A_319 : memref<1x125xi32, #tpu.memory_space<vmem>> -> memref<125xi32, #tpu.memory_space<vmem>>
      %dma_wait3A_321 = arith.constant 0 : i32
      %dma_wait3A_322 = arith.constant 0 : i32
      %dma_wait3A_323 = tpu.memref_slice %arg13[%dma_wait3A_321, %dma_wait3A_322] : memref<10000x64xf32, #tpu.memory_space<vmem_shared>> -> memref<10000x64xf32, #tpu.memory_space<vmem_shared>>
      tpu.wait_indirect_dma semaphore(%arg18 : memref<!tpu.dma_semaphore, #tpu.memory_space<semaphore_mem>>) src(%arg9 : memref<125x64xf32, #tpu.memory_space<vmem>>) dst(%dma_wait3A_323 : memref<10000x64xf32, #tpu.memory_space<vmem_shared>>)
      %add3A_324 = arith.constant 4 : i32
      %add3A_325 = arith.addi %add3A_251, %add3A_324 : i32
      %add3A_326 = arith.constant 0 : i32
      %add3A_327 = arith.addi %add3A_325, %add3A_326 : i32
      %dma_start3A_328 = arith.constant 0 : i32
      %dma_start3A_329 = tpu.memref_slice %arg7[%add3A_327, %dma_start3A_328] : memref<80x125xi32, #tpu.memory_space<vmem>> -> memref<1x125xi32, #tpu.memory_space<vmem>>
      %dma_start3A_330 = tpu.memref_squeeze %dma_start3A_329 : memref<1x125xi32, #tpu.memory_space<vmem>> -> memref<125xi32, #tpu.memory_space<vmem>>
      %dma_start3A_331 = arith.constant 0 : i32
      %dma_start3A_332 = arith.constant 0 : i32
      %dma_start3A_333 = tpu.memref_slice %arg2[%dma_start3A_331, %dma_start3A_332] : memref<20000x64xf32, #tpu.memory_space<hbm>> -> memref<20000x64xf32, #tpu.memory_space<hbm>>
      tpu.enqueue_indirect_dma source(%dma_start3A_333 : memref<20000x64xf32, #tpu.memory_space<hbm>>) target(%arg9 : memref<125x64xf32, #tpu.memory_space<vmem>>) offsets(%dma_start3A_330 : memref<125xi32, #tpu.memory_space<vmem>>) semaphore(%arg14 : memref<!tpu.dma_semaphore, #tpu.memory_space<semaphore_mem>>)
      %add3A_334 = arith.constant 1 : i32
      %add3A_335 = arith.addi %add3A_251, %add3A_334 : i32
      %dma_wait3A_336 = arith.constant 0 : i32
      %dma_wait3A_337 = tpu.memref_slice %arg8[%add3A_335, %dma_wait3A_336] : memref<80x125xi32, #tpu.memory_space<vmem>> -> memref<1x125xi32, #tpu.memory_space<vmem>>
      %dma_wait3A_338 = tpu.memref_squeeze %dma_wait3A_337 : memref<1x125xi32, #tpu.memory_space<vmem>> -> memref<125xi32, #tpu.memory_space<vmem>>
      %dma_wait3A_339 = arith.constant 0 : i32
      %dma_wait3A_340 = arith.constant 0 : i32
      %dma_wait3A_341 = tpu.memref_slice %arg13[%dma_wait3A_339, %dma_wait3A_340] : memref<10000x64xf32, #tpu.memory_space<vmem_shared>> -> memref<10000x64xf32, #tpu.memory_space<vmem_shared>>
      tpu.wait_indirect_dma semaphore(%arg19 : memref<!tpu.dma_semaphore, #tpu.memory_space<semaphore_mem>>) src(%arg10 : memref<125x64xf32, #tpu.memory_space<vmem>>) dst(%dma_wait3A_341 : memref<10000x64xf32, #tpu.memory_space<vmem_shared>>)
      %add3A_342 = arith.constant 4 : i32
      %add3A_343 = arith.addi %add3A_251, %add3A_342 : i32
      %add3A_344 = arith.constant 1 : i32
      %add3A_345 = arith.addi %add3A_343, %add3A_344 : i32
      %dma_start3A_346 = arith.constant 0 : i32
      %dma_start3A_347 = tpu.memref_slice %arg7[%add3A_345, %dma_start3A_346] : memref<80x125xi32, #tpu.memory_space<vmem>> -> memref<1x125xi32, #tpu.memory_space<vmem>>
      %dma_start3A_348 = tpu.memref_squeeze %dma_start3A_347 : memref<1x125xi32, #tpu.memory_space<vmem>> -> memref<125xi32, #tpu.memory_space<vmem>>
      %dma_start3A_349 = arith.constant 0 : i32
      %dma_start3A_350 = arith.constant 0 : i32
      %dma_start3A_351 = tpu.memref_slice %arg2[%dma_start3A_349, %dma_start3A_350] : memref<20000x64xf32, #tpu.memory_space<hbm>> -> memref<20000x64xf32, #tpu.memory_space<hbm>>
      tpu.enqueue_indirect_dma source(%dma_start3A_351 : memref<20000x64xf32, #tpu.memory_space<hbm>>) target(%arg10 : memref<125x64xf32, #tpu.memory_space<vmem>>) offsets(%dma_start3A_348 : memref<125xi32, #tpu.memory_space<vmem>>) semaphore(%arg15 : memref<!tpu.dma_semaphore, #tpu.memory_space<semaphore_mem>>)
      %add3A_352 = arith.constant 2 : i32
      %add3A_353 = arith.addi %add3A_251, %add3A_352 : i32
      %dma_wait3A_354 = arith.constant 0 : i32
      %dma_wait3A_355 = tpu.memref_slice %arg8[%add3A_353, %dma_wait3A_354] : memref<80x125xi32, #tpu.memory_space<vmem>> -> memref<1x125xi32, #tpu.memory_space<vmem>>
      %dma_wait3A_356 = tpu.memref_squeeze %dma_wait3A_355 : memref<1x125xi32, #tpu.memory_space<vmem>> -> memref<125xi32, #tpu.memory_space<vmem>>
      %dma_wait3A_357 = arith.constant 0 : i32
      %dma_wait3A_358 = arith.constant 0 : i32
      %dma_wait3A_359 = tpu.memref_slice %arg13[%dma_wait3A_357, %dma_wait3A_358] : memref<10000x64xf32, #tpu.memory_space<vmem_shared>> -> memref<10000x64xf32, #tpu.memory_space<vmem_shared>>
      tpu.wait_indirect_dma semaphore(%arg20 : memref<!tpu.dma_semaphore, #tpu.memory_space<semaphore_mem>>) src(%arg11 : memref<125x64xf32, #tpu.memory_space<vmem>>) dst(%dma_wait3A_359 : memref<10000x64xf32, #tpu.memory_space<vmem_shared>>)
      %add3A_360 = arith.constant 4 : i32
      %add3A_361 = arith.addi %add3A_251, %add3A_360 : i32
      %add3A_362 = arith.constant 2 : i32
      %add3A_363 = arith.addi %add3A_361, %add3A_362 : i32
      %dma_start3A_364 = arith.constant 0 : i32
      %dma_start3A_365 = tpu.memref_slice %arg7[%add3A_363, %dma_start3A_364] : memref<80x125xi32, #tpu.memory_space<vmem>> -> memref<1x125xi32, #tpu.memory_space<vmem>>
      %dma_start3A_366 = tpu.memref_squeeze %dma_start3A_365 : memref<1x125xi32, #tpu.memory_space<vmem>> -> memref<125xi32, #tpu.memory_space<vmem>>
      %dma_start3A_367 = arith.constant 0 : i32
      %dma_start3A_368 = arith.constant 0 : i32
      %dma_start3A_369 = tpu.memref_slice %arg2[%dma_start3A_367, %dma_start3A_368] : memref<20000x64xf32, #tpu.memory_space<hbm>> -> memref<20000x64xf32, #tpu.memory_space<hbm>>
      tpu.enqueue_indirect_dma source(%dma_start3A_369 : memref<20000x64xf32, #tpu.memory_space<hbm>>) target(%arg11 : memref<125x64xf32, #tpu.memory_space<vmem>>) offsets(%dma_start3A_366 : memref<125xi32, #tpu.memory_space<vmem>>) semaphore(%arg16 : memref<!tpu.dma_semaphore, #tpu.memory_space<semaphore_mem>>)
      %add3A_370 = arith.constant 3 : i32
      %add3A_371 = arith.addi %add3A_251, %add3A_370 : i32
      %dma_wait3A_372 = arith.constant 0 : i32
      %dma_wait3A_373 = tpu.memref_slice %arg8[%add3A_371, %dma_wait3A_372] : memref<80x125xi32, #tpu.memory_space<vmem>> -> memref<1x125xi32, #tpu.memory_space<vmem>>
      %dma_wait3A_374 = tpu.memref_squeeze %dma_wait3A_373 : memref<1x125xi32, #tpu.memory_space<vmem>> -> memref<125xi32, #tpu.memory_space<vmem>>
      %dma_wait3A_375 = arith.constant 0 : i32
      %dma_wait3A_376 = arith.constant 0 : i32
      %dma_wait3A_377 = tpu.memref_slice %arg13[%dma_wait3A_375, %dma_wait3A_376] : memref<10000x64xf32, #tpu.memory_space<vmem_shared>> -> memref<10000x64xf32, #tpu.memory_space<vmem_shared>>
      tpu.wait_indirect_dma semaphore(%arg21 : memref<!tpu.dma_semaphore, #tpu.memory_space<semaphore_mem>>) src(%arg12 : memref<125x64xf32, #tpu.memory_space<vmem>>) dst(%dma_wait3A_377 : memref<10000x64xf32, #tpu.memory_space<vmem_shared>>)
      %add3A_378 = arith.constant 4 : i32
      %add3A_379 = arith.addi %add3A_251, %add3A_378 : i32
      %add3A_380 = arith.constant 3 : i32
      %add3A_381 = arith.addi %add3A_379, %add3A_380 : i32
      %dma_start3A_382 = arith.constant 0 : i32
      %dma_start3A_383 = tpu.memref_slice %arg7[%add3A_381, %dma_start3A_382] : memref<80x125xi32, #tpu.memory_space<vmem>> -> memref<1x125xi32, #tpu.memory_space<vmem>>
      %dma_start3A_384 = tpu.memref_squeeze %dma_start3A_383 : memref<1x125xi32, #tpu.memory_space<vmem>> -> memref<125xi32, #tpu.memory_space<vmem>>
      %dma_start3A_385 = arith.constant 0 : i32
      %dma_start3A_386 = arith.constant 0 : i32
      %dma_start3A_387 = tpu.memref_slice %arg2[%dma_start3A_385, %dma_start3A_386] : memref<20000x64xf32, #tpu.memory_space<hbm>> -> memref<20000x64xf32, #tpu.memory_space<hbm>>
      tpu.enqueue_indirect_dma source(%dma_start3A_387 : memref<20000x64xf32, #tpu.memory_space<hbm>>) target(%arg12 : memref<125x64xf32, #tpu.memory_space<vmem>>) offsets(%dma_start3A_384 : memref<125xi32, #tpu.memory_space<vmem>>) semaphore(%arg17 : memref<!tpu.dma_semaphore, #tpu.memory_space<semaphore_mem>>)
    }
    %scan3A_151 = arith.constant 19 : i32
    %dma_wait3A_152 = arith.constant 76 : i32
    %dma_wait3A_153 = arith.constant 0 : i32
    %dma_wait3A_154 = tpu.memref_slice %arg7[%dma_wait3A_152, %dma_wait3A_153] : memref<80x125xi32, #tpu.memory_space<vmem>> -> memref<1x125xi32, #tpu.memory_space<vmem>>
    %dma_wait3A_155 = tpu.memref_squeeze %dma_wait3A_154 : memref<1x125xi32, #tpu.memory_space<vmem>> -> memref<125xi32, #tpu.memory_space<vmem>>
    %dma_wait3A_156 = arith.constant 0 : i32
    %dma_wait3A_157 = arith.constant 0 : i32
    %dma_wait3A_158 = tpu.memref_slice %arg2[%dma_wait3A_156, %dma_wait3A_157] : memref<20000x64xf32, #tpu.memory_space<hbm>> -> memref<20000x64xf32, #tpu.memory_space<hbm>>
    tpu.wait_indirect_dma semaphore(%arg14 : memref<!tpu.dma_semaphore, #tpu.memory_space<semaphore_mem>>) src(%dma_wait3A_158 : memref<20000x64xf32, #tpu.memory_space<hbm>>) dst(%arg9 : memref<125x64xf32, #tpu.memory_space<vmem>>)
    %dma_start3A_159 = arith.constant 76 : i32
    %dma_start3A_160 = arith.constant 0 : i32
    %dma_start3A_161 = tpu.memref_slice %arg8[%dma_start3A_159, %dma_start3A_160] : memref<80x125xi32, #tpu.memory_space<vmem>> -> memref<1x125xi32, #tpu.memory_space<vmem>>
    %dma_start3A_162 = tpu.memref_squeeze %dma_start3A_161 : memref<1x125xi32, #tpu.memory_space<vmem>> -> memref<125xi32, #tpu.memory_space<vmem>>
    %dma_start3A_163 = arith.constant 0 : i32
    %dma_start3A_164 = arith.constant 0 : i32
    %dma_start3A_165 = tpu.memref_slice %arg13[%dma_start3A_163, %dma_start3A_164] : memref<10000x64xf32, #tpu.memory_space<vmem_shared>> -> memref<10000x64xf32, #tpu.memory_space<vmem_shared>>
    tpu.enqueue_indirect_dma source(%arg9 : memref<125x64xf32, #tpu.memory_space<vmem>>) target(%dma_start3A_165 : memref<10000x64xf32, #tpu.memory_space<vmem_shared>>) offsets(%dma_start3A_162 : memref<125xi32, #tpu.memory_space<vmem>>) semaphore(%arg18 : memref<!tpu.dma_semaphore, #tpu.memory_space<semaphore_mem>>) {add = true}
    %dma_wait3A_166 = arith.constant 77 : i32
    %dma_wait3A_167 = arith.constant 0 : i32
    %dma_wait3A_168 = tpu.memref_slice %arg7[%dma_wait3A_166, %dma_wait3A_167] : memref<80x125xi32, #tpu.memory_space<vmem>> -> memref<1x125xi32, #tpu.memory_space<vmem>>
    %dma_wait3A_169 = tpu.memref_squeeze %dma_wait3A_168 : memref<1x125xi32, #tpu.memory_space<vmem>> -> memref<125xi32, #tpu.memory_space<vmem>>
    %dma_wait3A_170 = arith.constant 0 : i32
    %dma_wait3A_171 = arith.constant 0 : i32
    %dma_wait3A_172 = tpu.memref_slice %arg2[%dma_wait3A_170, %dma_wait3A_171] : memref<20000x64xf32, #tpu.memory_space<hbm>> -> memref<20000x64xf32, #tpu.memory_space<hbm>>
    tpu.wait_indirect_dma semaphore(%arg15 : memref<!tpu.dma_semaphore, #tpu.memory_space<semaphore_mem>>) src(%dma_wait3A_172 : memref<20000x64xf32, #tpu.memory_space<hbm>>) dst(%arg10 : memref<125x64xf32, #tpu.memory_space<vmem>>)
    %dma_start3A_173 = arith.constant 77 : i32
    %dma_start3A_174 = arith.constant 0 : i32
    %dma_start3A_175 = tpu.memref_slice %arg8[%dma_start3A_173, %dma_start3A_174] : memref<80x125xi32, #tpu.memory_space<vmem>> -> memref<1x125xi32, #tpu.memory_space<vmem>>
    %dma_start3A_176 = tpu.memref_squeeze %dma_start3A_175 : memref<1x125xi32, #tpu.memory_space<vmem>> -> memref<125xi32, #tpu.memory_space<vmem>>
    %dma_start3A_177 = arith.constant 0 : i32
    %dma_start3A_178 = arith.constant 0 : i32
    %dma_start3A_179 = tpu.memref_slice %arg13[%dma_start3A_177, %dma_start3A_178] : memref<10000x64xf32, #tpu.memory_space<vmem_shared>> -> memref<10000x64xf32, #tpu.memory_space<vmem_shared>>
    tpu.enqueue_indirect_dma source(%arg10 : memref<125x64xf32, #tpu.memory_space<vmem>>) target(%dma_start3A_179 : memref<10000x64xf32, #tpu.memory_space<vmem_shared>>) offsets(%dma_start3A_176 : memref<125xi32, #tpu.memory_space<vmem>>) semaphore(%arg19 : memref<!tpu.dma_semaphore, #tpu.memory_space<semaphore_mem>>) {add = true}
    %dma_wait3A_180 = arith.constant 78 : i32
    %dma_wait3A_181 = arith.constant 0 : i32
    %dma_wait3A_182 = tpu.memref_slice %arg7[%dma_wait3A_180, %dma_wait3A_181] : memref<80x125xi32, #tpu.memory_space<vmem>> -> memref<1x125xi32, #tpu.memory_space<vmem>>
    %dma_wait3A_183 = tpu.memref_squeeze %dma_wait3A_182 : memref<1x125xi32, #tpu.memory_space<vmem>> -> memref<125xi32, #tpu.memory_space<vmem>>
    %dma_wait3A_184 = arith.constant 0 : i32
    %dma_wait3A_185 = arith.constant 0 : i32
    %dma_wait3A_186 = tpu.memref_slice %arg2[%dma_wait3A_184, %dma_wait3A_185] : memref<20000x64xf32, #tpu.memory_space<hbm>> -> memref<20000x64xf32, #tpu.memory_space<hbm>>
    tpu.wait_indirect_dma semaphore(%arg16 : memref<!tpu.dma_semaphore, #tpu.memory_space<semaphore_mem>>) src(%dma_wait3A_186 : memref<20000x64xf32, #tpu.memory_space<hbm>>) dst(%arg11 : memref<125x64xf32, #tpu.memory_space<vmem>>)
    %dma_start3A_187 = arith.constant 78 : i32
    %dma_start3A_188 = arith.constant 0 : i32
    %dma_start3A_189 = tpu.memref_slice %arg8[%dma_start3A_187, %dma_start3A_188] : memref<80x125xi32, #tpu.memory_space<vmem>> -> memref<1x125xi32, #tpu.memory_space<vmem>>
    %dma_start3A_190 = tpu.memref_squeeze %dma_start3A_189 : memref<1x125xi32, #tpu.memory_space<vmem>> -> memref<125xi32, #tpu.memory_space<vmem>>
    %dma_start3A_191 = arith.constant 0 : i32
    %dma_start3A_192 = arith.constant 0 : i32
    %dma_start3A_193 = tpu.memref_slice %arg13[%dma_start3A_191, %dma_start3A_192] : memref<10000x64xf32, #tpu.memory_space<vmem_shared>> -> memref<10000x64xf32, #tpu.memory_space<vmem_shared>>
    tpu.enqueue_indirect_dma source(%arg11 : memref<125x64xf32, #tpu.memory_space<vmem>>) target(%dma_start3A_193 : memref<10000x64xf32, #tpu.memory_space<vmem_shared>>) offsets(%dma_start3A_190 : memref<125xi32, #tpu.memory_space<vmem>>) semaphore(%arg20 : memref<!tpu.dma_semaphore, #tpu.memory_space<semaphore_mem>>) {add = true}
    %dma_wait3A_194 = arith.constant 79 : i32
    %dma_wait3A_195 = arith.constant 0 : i32
    %dma_wait3A_196 = tpu.memref_slice %arg7[%dma_wait3A_194, %dma_wait3A_195] : memref<80x125xi32, #tpu.memory_space<vmem>> -> memref<1x125xi32, #tpu.memory_space<vmem>>
    %dma_wait3A_197 = tpu.memref_squeeze %dma_wait3A_196 : memref<1x125xi32, #tpu.memory_space<vmem>> -> memref<125xi32, #tpu.memory_space<vmem>>
    %dma_wait3A_198 = arith.constant 0 : i32
    %dma_wait3A_199 = arith.constant 0 : i32
    %dma_wait3A_200 = tpu.memref_slice %arg2[%dma_wait3A_198, %dma_wait3A_199] : memref<20000x64xf32, #tpu.memory_space<hbm>> -> memref<20000x64xf32, #tpu.memory_space<hbm>>
    tpu.wait_indirect_dma semaphore(%arg17 : memref<!tpu.dma_semaphore, #tpu.memory_space<semaphore_mem>>) src(%dma_wait3A_200 : memref<20000x64xf32, #tpu.memory_space<hbm>>) dst(%arg12 : memref<125x64xf32, #tpu.memory_space<vmem>>)
    %dma_start3A_201 = arith.constant 79 : i32
    %dma_start3A_202 = arith.constant 0 : i32
    %dma_start3A_203 = tpu.memref_slice %arg8[%dma_start3A_201, %dma_start3A_202] : memref<80x125xi32, #tpu.memory_space<vmem>> -> memref<1x125xi32, #tpu.memory_space<vmem>>
    %dma_start3A_204 = tpu.memref_squeeze %dma_start3A_203 : memref<1x125xi32, #tpu.memory_space<vmem>> -> memref<125xi32, #tpu.memory_space<vmem>>
    %dma_start3A_205 = arith.constant 0 : i32
    %dma_start3A_206 = arith.constant 0 : i32
    %dma_start3A_207 = tpu.memref_slice %arg13[%dma_start3A_205, %dma_start3A_206] : memref<10000x64xf32, #tpu.memory_space<vmem_shared>> -> memref<10000x64xf32, #tpu.memory_space<vmem_shared>>
    tpu.enqueue_indirect_dma source(%arg12 : memref<125x64xf32, #tpu.memory_space<vmem>>) target(%dma_start3A_207 : memref<10000x64xf32, #tpu.memory_space<vmem_shared>>) offsets(%dma_start3A_204 : memref<125xi32, #tpu.memory_space<vmem>>) semaphore(%arg21 : memref<!tpu.dma_semaphore, #tpu.memory_space<semaphore_mem>>) {add = true}
    %dma_wait3A_208 = arith.constant 76 : i32
    %dma_wait3A_209 = arith.constant 0 : i32
    %dma_wait3A_210 = tpu.memref_slice %arg8[%dma_wait3A_208, %dma_wait3A_209] : memref<80x125xi32, #tpu.memory_space<vmem>> -> memref<1x125xi32, #tpu.memory_space<vmem>>
    %dma_wait3A_211 = tpu.memref_squeeze %dma_wait3A_210 : memref<1x125xi32, #tpu.memory_space<vmem>> -> memref<125xi32, #tpu.memory_space<vmem>>
    %dma_wait3A_212 = arith.constant 0 : i32
    %dma_wait3A_213 = arith.constant 0 : i32
    %dma_wait3A_214 = tpu.memref_slice %arg13[%dma_wait3A_212, %dma_wait3A_213] : memref<10000x64xf32, #tpu.memory_space<vmem_shared>> -> memref<10000x64xf32, #tpu.memory_space<vmem_shared>>
    tpu.wait_indirect_dma semaphore(%arg18 : memref<!tpu.dma_semaphore, #tpu.memory_space<semaphore_mem>>) src(%arg9 : memref<125x64xf32, #tpu.memory_space<vmem>>) dst(%dma_wait3A_214 : memref<10000x64xf32, #tpu.memory_space<vmem_shared>>)
    %dma_wait3A_215 = arith.constant 77 : i32
    %dma_wait3A_216 = arith.constant 0 : i32
    %dma_wait3A_217 = tpu.memref_slice %arg8[%dma_wait3A_215, %dma_wait3A_216] : memref<80x125xi32, #tpu.memory_space<vmem>> -> memref<1x125xi32, #tpu.memory_space<vmem>>
    %dma_wait3A_218 = tpu.memref_squeeze %dma_wait3A_217 : memref<1x125xi32, #tpu.memory_space<vmem>> -> memref<125xi32, #tpu.memory_space<vmem>>
    %dma_wait3A_219 = arith.constant 0 : i32
    %dma_wait3A_220 = arith.constant 0 : i32
    %dma_wait3A_221 = tpu.memref_slice %arg13[%dma_wait3A_219, %dma_wait3A_220] : memref<10000x64xf32, #tpu.memory_space<vmem_shared>> -> memref<10000x64xf32, #tpu.memory_space<vmem_shared>>
    tpu.wait_indirect_dma semaphore(%arg19 : memref<!tpu.dma_semaphore, #tpu.memory_space<semaphore_mem>>) src(%arg10 : memref<125x64xf32, #tpu.memory_space<vmem>>) dst(%dma_wait3A_221 : memref<10000x64xf32, #tpu.memory_space<vmem_shared>>)
    %dma_wait3A_222 = arith.constant 78 : i32
    %dma_wait3A_223 = arith.constant 0 : i32
    %dma_wait3A_224 = tpu.memref_slice %arg8[%dma_wait3A_222, %dma_wait3A_223] : memref<80x125xi32, #tpu.memory_space<vmem>> -> memref<1x125xi32, #tpu.memory_space<vmem>>
    %dma_wait3A_225 = tpu.memref_squeeze %dma_wait3A_224 : memref<1x125xi32, #tpu.memory_space<vmem>> -> memref<125xi32, #tpu.memory_space<vmem>>
    %dma_wait3A_226 = arith.constant 0 : i32
    %dma_wait3A_227 = arith.constant 0 : i32
    %dma_wait3A_228 = tpu.memref_slice %arg13[%dma_wait3A_226, %dma_wait3A_227] : memref<10000x64xf32, #tpu.memory_space<vmem_shared>> -> memref<10000x64xf32, #tpu.memory_space<vmem_shared>>
    tpu.wait_indirect_dma semaphore(%arg20 : memref<!tpu.dma_semaphore, #tpu.memory_space<semaphore_mem>>) src(%arg11 : memref<125x64xf32, #tpu.memory_space<vmem>>) dst(%dma_wait3A_228 : memref<10000x64xf32, #tpu.memory_space<vmem_shared>>)
    %dma_wait3A_229 = arith.constant 79 : i32
    %dma_wait3A_230 = arith.constant 0 : i32
    %dma_wait3A_231 = tpu.memref_slice %arg8[%dma_wait3A_229, %dma_wait3A_230] : memref<80x125xi32, #tpu.memory_space<vmem>> -> memref<1x125xi32, #tpu.memory_space<vmem>>
    %dma_wait3A_232 = tpu.memref_squeeze %dma_wait3A_231 : memref<1x125xi32, #tpu.memory_space<vmem>> -> memref<125xi32, #tpu.memory_space<vmem>>
    %dma_wait3A_233 = arith.constant 0 : i32
    %dma_wait3A_234 = arith.constant 0 : i32
    %dma_wait3A_235 = tpu.memref_slice %arg13[%dma_wait3A_233, %dma_wait3A_234] : memref<10000x64xf32, #tpu.memory_space<vmem_shared>> -> memref<10000x64xf32, #tpu.memory_space<vmem_shared>>
    tpu.wait_indirect_dma semaphore(%arg21 : memref<!tpu.dma_semaphore, #tpu.memory_space<semaphore_mem>>) src(%arg12 : memref<125x64xf32, #tpu.memory_space<vmem>>) dst(%dma_wait3A_235 : memref<10000x64xf32, #tpu.memory_space<vmem_shared>>)
    %barrier3A_236 = arith.constant 0 : index
    tpu.barrier barrier_id(%barrier3A_236)
    %mul3A_237 = arith.constant 624 : i32
    %mul3A_238 = arith.muli %arg1, %mul3A_237 : i32
    %mul3A_239 = arith.constant 624 : i32
    %mul3A_240 = arith.muli %arg1, %mul3A_239 : i32
    %mul3A_241 = arith.constant 64 : i32
    %mul3A_242 = arith.muli %arg0, %mul3A_241 : i32
    "tpu.region"() ({
      %run_scoped3A = tpu.sem_alloc : memref<!tpu.dma_semaphore, #tpu.memory_space<semaphore_mem>>
      %dma_start3A_248 = tpu.memref_slice %arg6[%mul3A_240, %mul3A_242] : memref<10000x128xf32, #tpu.memory_space<hbm>> -> memref<624x64xf32, #tpu.memory_space<hbm>>
      %dma_start3A_249 = arith.constant 0 : i32
      %dma_start3A_250 = tpu.memref_slice %arg13[%mul3A_238, %dma_start3A_249] : memref<10000x64xf32, #tpu.memory_space<vmem_shared>> -> memref<624x64xf32, #tpu.memory_space<vmem_shared>>
      tpu.enqueue_dma source(%dma_start3A_250 : memref<624x64xf32, #tpu.memory_space<vmem_shared>>) target(%dma_start3A_248 : memref<624x64xf32, #tpu.memory_space<hbm>>) target_semaphore(%run_scoped3A : memref<!tpu.dma_semaphore, #tpu.memory_space<semaphore_mem>>)
      %dma_wait3A_251 = tpu.memref_slice %arg6[%mul3A_240, %mul3A_242] : memref<10000x128xf32, #tpu.memory_space<hbm>> -> memref<624x64xf32, #tpu.memory_space<hbm>>
      %dma_wait3A_252 = arith.constant 0 : i32
      %dma_wait3A_253 = tpu.memref_slice %arg13[%mul3A_238, %dma_wait3A_252] : memref<10000x64xf32, #tpu.memory_space<vmem_shared>> -> memref<624x64xf32, #tpu.memory_space<vmem_shared>>
      tpu.wait_dma2 semaphore(%run_scoped3A : memref<!tpu.dma_semaphore, #tpu.memory_space<semaphore_mem>>) src(%dma_wait3A_253 : memref<624x64xf32, #tpu.memory_space<vmem_shared>>) dst(%dma_wait3A_251 : memref<624x64xf32, #tpu.memory_space<hbm>>)
      tpu.yield
    }) : () -> ()
    %eq3A_243 = arith.constant 15 : i32
    %eq3A_244 = arith.cmpi eq, %arg1, %eq3A_243 : i32
    %convert_element_type3A_245 = arith.extui %eq3A_244 : i1 to i32
    %cond3A_246 = arith.constant 0 : i32
    %cond3A_247 = arith.cmpi ne, %convert_element_type3A_245, %cond3A_246 : i32
    scf.if %cond3A_247 {
      %mul3A_248 = arith.constant 64 : i32
      %mul3A_249 = arith.muli %arg0, %mul3A_248 : i32
      "tpu.region"() ({
        %run_scoped3A = tpu.sem_alloc : memref<!tpu.dma_semaphore, #tpu.memory_space<semaphore_mem>>
        %dma_start3A_250 = arith.constant 9984 : i32
        %dma_start3A_251 = tpu.memref_slice %arg6[%dma_start3A_250, %mul3A_249] : memref<10000x128xf32, #tpu.memory_space<hbm>> -> memref<16x64xf32, #tpu.memory_space<hbm>>
        %dma_start3A_252 = arith.constant 9984 : i32
        %dma_start3A_253 = arith.constant 0 : i32
        %dma_start3A_254 = tpu.memref_slice %arg13[%dma_start3A_252, %dma_start3A_253] : memref<10000x64xf32, #tpu.memory_space<vmem_shared>> -> memref<16x64xf32, #tpu.memory_space<vmem_shared>>
        tpu.enqueue_dma source(%dma_start3A_254 : memref<16x64xf32, #tpu.memory_space<vmem_shared>>) target(%dma_start3A_251 : memref<16x64xf32, #tpu.memory_space<hbm>>) target_semaphore(%run_scoped3A : memref<!tpu.dma_semaphore, #tpu.memory_space<semaphore_mem>>)
        %dma_wait3A_255 = arith.constant 9984 : i32
        %dma_wait3A_256 = tpu.memref_slice %arg6[%dma_wait3A_255, %mul3A_249] : memref<10000x128xf32, #tpu.memory_space<hbm>> -> memref<16x64xf32, #tpu.memory_space<hbm>>
        %dma_wait3A_257 = arith.constant 9984 : i32
        %dma_wait3A_258 = arith.constant 0 : i32
        %dma_wait3A_259 = tpu.memref_slice %arg13[%dma_wait3A_257, %dma_wait3A_258] : memref<10000x64xf32, #tpu.memory_space<vmem_shared>> -> memref<16x64xf32, #tpu.memory_space<vmem_shared>>
        tpu.wait_dma2 semaphore(%run_scoped3A : memref<!tpu.dma_semaphore, #tpu.memory_space<semaphore_mem>>) src(%dma_wait3A_259 : memref<16x64xf32, #tpu.memory_space<vmem_shared>>) dst(%dma_wait3A_256 : memref<16x64xf32, #tpu.memory_space<hbm>>)
        tpu.yield
      }) : () -> ()
    } else {
    }
    return
  }
}

#map = affine_map<(d0, d1) -> (0, 0)>
#map1 = affine_map<(d0, d1) -> (0, 0, 0, 0)>
#map2 = affine_map<(d0, d1) -> (0, 0, 0)>
#map3 = affine_map<(d0, d1) -> (0)>
module attributes {stable_mosaic.version = 14 : i64} {
  func.func @entry(%arg0: i32, %arg1: i32, %arg2: memref<20000x64xf32, #tpu.memory_space<hbm>>, %arg3: memref<2x16x160x125xi32, #tpu.memory_space<hbm>>, %arg4: memref<16x160x125xi32, #tpu.memory_space<hbm>>, %arg5: memref<10000x64xf32, #tpu.memory_space<hbm>>, %arg6: memref<10000x128xf32, #tpu.memory_space<hbm>>, %arg7: memref<128xi32, #tpu.memory_space<hbm>>, %arg8: memref<10000x128xf32, #tpu.memory_space<hbm>>, %arg9: memref<128x128xf32, #tpu.memory_space<hbm>>, %arg10: memref<80x125xi32, #tpu.memory_space<vmem>>, %arg11: memref<80x125xi32, #tpu.memory_space<vmem>>, %arg12: memref<125x64xf32, #tpu.memory_space<vmem>>, %arg13: memref<125x64xf32, #tpu.memory_space<vmem>>, %arg14: memref<125x64xf32, #tpu.memory_space<vmem>>, %arg15: memref<125x64xf32, #tpu.memory_space<vmem>>, %arg16: memref<10000x64xf32, #tpu.memory_space<vmem_shared>>, %arg17: memref<!tpu.dma_semaphore, #tpu.memory_space<semaphore_mem>>, %arg18: memref<!tpu.dma_semaphore, #tpu.memory_space<semaphore_mem>>, %arg19: memref<!tpu.dma_semaphore, #tpu.memory_space<semaphore_mem>>, %arg20: memref<!tpu.dma_semaphore, #tpu.memory_space<semaphore_mem>>, %arg21: memref<!tpu.dma_semaphore, #tpu.memory_space<semaphore_mem>>, %arg22: memref<!tpu.dma_semaphore, #tpu.memory_space<semaphore_mem>>, %arg23: memref<!tpu.dma_semaphore, #tpu.memory_space<semaphore_mem>>, %arg24: memref<!tpu.dma_semaphore, #tpu.memory_space<semaphore_mem>>, %arg25: memref<8xi32, #tpu.memory_space<vmem>>, %arg26: memref<8x128xf32, #tpu.memory_space<vmem>>, %arg27: memref<!tpu.dma_semaphore, #tpu.memory_space<semaphore_mem>>) attributes {dimension_semantics = [#tpu.dimension_semantics<core_parallel>, #tpu.dimension_semantics<subcore_parallel>], iteration_bounds = array<i64: 2, 16>, scalar_prefetch = 0 : i64, scratch_operands = 18 : i64, tpu.core_type = #tpu.core_type<sc_vector_subcore>, window_params = [{transform_indices = #map}, {transform_indices = #map1}, {transform_indices = #map2}, {transform_indices = #map}, {transform_indices = #map}, {transform_indices = #map3}, {transform_indices = #map}, {transform_indices = #map}]} {
    %mul3A = arith.constant 624 : i32
    %mul3A_0 = arith.muli %arg1, %mul3A : i32
    %mul3A_1 = arith.constant 624 : i32
    %mul3A_2 = arith.muli %arg1, %mul3A_1 : i32
    "tpu.region"() ({
      %run_scoped3A = tpu.sem_alloc : memref<!tpu.dma_semaphore, #tpu.memory_space<semaphore_mem>>
      %dma_start3A_253 = arith.constant 0 : i32
      %dma_start3A_254 = tpu.memref_slice %arg16[%mul3A_2, %dma_start3A_253] : memref<10000x64xf32, #tpu.memory_space<vmem_shared>> -> memref<624x64xf32, #tpu.memory_space<vmem_shared>>
      %dma_start3A_255 = arith.constant 0 : i32
      %dma_start3A_256 = tpu.memref_slice %arg5[%mul3A_0, %dma_start3A_255] : memref<10000x64xf32, #tpu.memory_space<hbm>> -> memref<624x64xf32, #tpu.memory_space<hbm>>
      tpu.enqueue_dma source(%dma_start3A_256 : memref<624x64xf32, #tpu.memory_space<hbm>>) target(%dma_start3A_254 : memref<624x64xf32, #tpu.memory_space<vmem_shared>>) target_semaphore(%run_scoped3A : memref<!tpu.dma_semaphore, #tpu.memory_space<semaphore_mem>>)
      %dma_wait3A_257 = arith.constant 0 : i32
      %dma_wait3A_258 = tpu.memref_slice %arg16[%mul3A_2, %dma_wait3A_257] : memref<10000x64xf32, #tpu.memory_space<vmem_shared>> -> memref<624x64xf32, #tpu.memory_space<vmem_shared>>
      %dma_wait3A_259 = arith.constant 0 : i32
      %dma_wait3A_260 = tpu.memref_slice %arg5[%mul3A_0, %dma_wait3A_259] : memref<10000x64xf32, #tpu.memory_space<hbm>> -> memref<624x64xf32, #tpu.memory_space<hbm>>
      tpu.wait_dma2 semaphore(%run_scoped3A : memref<!tpu.dma_semaphore, #tpu.memory_space<semaphore_mem>>) src(%dma_wait3A_260 : memref<624x64xf32, #tpu.memory_space<hbm>>) dst(%dma_wait3A_258 : memref<624x64xf32, #tpu.memory_space<vmem_shared>>)
      tpu.yield
    }) : () -> ()
    %eq3A = arith.constant 15 : i32
    %eq3A_3 = arith.cmpi eq, %arg1, %eq3A : i32
    %convert_element_type3A = arith.extui %eq3A_3 : i1 to i32
    %cond3A = arith.constant 0 : i32
    %cond3A_4 = arith.cmpi ne, %convert_element_type3A, %cond3A : i32
    scf.if %cond3A_4 {
      "tpu.region"() ({
        %run_scoped3A = tpu.sem_alloc : memref<!tpu.dma_semaphore, #tpu.memory_space<semaphore_mem>>
        %dma_start3A_253 = arith.constant 9984 : i32
        %dma_start3A_254 = arith.constant 0 : i32
        %dma_start3A_255 = tpu.memref_slice %arg16[%dma_start3A_253, %dma_start3A_254] : memref<10000x64xf32, #tpu.memory_space<vmem_shared>> -> memref<16x64xf32, #tpu.memory_space<vmem_shared>>
        %dma_start3A_256 = arith.constant 9984 : i32
        %dma_start3A_257 = arith.constant 0 : i32
        %dma_start3A_258 = tpu.memref_slice %arg5[%dma_start3A_256, %dma_start3A_257] : memref<10000x64xf32, #tpu.memory_space<hbm>> -> memref<16x64xf32, #tpu.memory_space<hbm>>
        tpu.enqueue_dma source(%dma_start3A_258 : memref<16x64xf32, #tpu.memory_space<hbm>>) target(%dma_start3A_255 : memref<16x64xf32, #tpu.memory_space<vmem_shared>>) target_semaphore(%run_scoped3A : memref<!tpu.dma_semaphore, #tpu.memory_space<semaphore_mem>>)
        %dma_wait3A_259 = arith.constant 9984 : i32
        %dma_wait3A_260 = arith.constant 0 : i32
        %dma_wait3A_261 = tpu.memref_slice %arg16[%dma_wait3A_259, %dma_wait3A_260] : memref<10000x64xf32, #tpu.memory_space<vmem_shared>> -> memref<16x64xf32, #tpu.memory_space<vmem_shared>>
        %dma_wait3A_262 = arith.constant 9984 : i32
        %dma_wait3A_263 = arith.constant 0 : i32
        %dma_wait3A_264 = tpu.memref_slice %arg5[%dma_wait3A_262, %dma_wait3A_263] : memref<10000x64xf32, #tpu.memory_space<hbm>> -> memref<16x64xf32, #tpu.memory_space<hbm>>
        tpu.wait_dma2 semaphore(%run_scoped3A : memref<!tpu.dma_semaphore, #tpu.memory_space<semaphore_mem>>) src(%dma_wait3A_264 : memref<16x64xf32, #tpu.memory_space<hbm>>) dst(%dma_wait3A_261 : memref<16x64xf32, #tpu.memory_space<vmem_shared>>)
        tpu.yield
      }) : () -> ()
    } else {
    }
    %barrier3A = arith.constant 0 : index
    tpu.barrier barrier_id(%barrier3A)
    %eq3A_5 = arith.constant 0 : i32
    %eq3A_6 = arith.cmpi eq, %arg0, %eq3A_5 : i32
    %convert_element_type3A_7 = arith.extui %eq3A_6 : i1 to i32
    %cond3A_8 = arith.constant 0 : i32
    %cond3A_9 = arith.cmpi ne, %convert_element_type3A_7, %cond3A_8 : i32
    scf.if %cond3A_9 {
      %mul3A_253 = arith.constant 8 : i32
      %mul3A_254 = arith.muli %arg1, %mul3A_253 : i32
      "tpu.region"() ({
        %run_scoped3A = tpu.sem_alloc : memref<!tpu.dma_semaphore, #tpu.memory_space<semaphore_mem>>
        %dma_start3A_263 = tpu.memref_slice %arg7[%mul3A_254] : memref<128xi32, #tpu.memory_space<hbm>> -> memref<8xi32, #tpu.memory_space<hbm>>
        %dma_start3A_264 = tpu.memref_slice %arg7[%mul3A_254] : memref<128xi32, #tpu.memory_space<hbm>> -> memref<8xi32, #tpu.memory_space<hbm>>
        tpu.enqueue_dma source(%dma_start3A_264 : memref<8xi32, #tpu.memory_space<hbm>>) target(%arg25 : memref<8xi32, #tpu.memory_space<vmem>>) target_semaphore(%run_scoped3A : memref<!tpu.dma_semaphore, #tpu.memory_space<semaphore_mem>>)
        %dma_wait3A_265 = tpu.memref_slice %arg7[%mul3A_254] : memref<128xi32, #tpu.memory_space<hbm>> -> memref<8xi32, #tpu.memory_space<hbm>>
        %dma_wait3A_266 = tpu.memref_slice %arg7[%mul3A_254] : memref<128xi32, #tpu.memory_space<hbm>> -> memref<8xi32, #tpu.memory_space<hbm>>
        tpu.wait_dma2 semaphore(%run_scoped3A : memref<!tpu.dma_semaphore, #tpu.memory_space<semaphore_mem>>) src(%dma_wait3A_266 : memref<8xi32, #tpu.memory_space<hbm>>) dst(%arg25 : memref<8xi32, #tpu.memory_space<vmem>>)
        tpu.yield
      }) : () -> ()
      %dma_start3A_255 = arith.constant 0 : i32
      %dma_start3A_256 = arith.constant 0 : i32
      %dma_start3A_257 = tpu.memref_slice %arg6[%dma_start3A_255, %dma_start3A_256] : memref<10000x128xf32, #tpu.memory_space<hbm>> -> memref<10000x128xf32, #tpu.memory_space<hbm>>
      tpu.enqueue_indirect_dma source(%dma_start3A_257 : memref<10000x128xf32, #tpu.memory_space<hbm>>) target(%arg26 : memref<8x128xf32, #tpu.memory_space<vmem>>) offsets(%arg25 : memref<8xi32, #tpu.memory_space<vmem>>) semaphore(%arg27 : memref<!tpu.dma_semaphore, #tpu.memory_space<semaphore_mem>>)
      %dma_wait3A_258 = arith.constant 0 : i32
      %dma_wait3A_259 = arith.constant 0 : i32
      %dma_wait3A_260 = tpu.memref_slice %arg6[%dma_wait3A_258, %dma_wait3A_259] : memref<10000x128xf32, #tpu.memory_space<hbm>> -> memref<10000x128xf32, #tpu.memory_space<hbm>>
      tpu.wait_indirect_dma semaphore(%arg27 : memref<!tpu.dma_semaphore, #tpu.memory_space<semaphore_mem>>) src(%dma_wait3A_260 : memref<10000x128xf32, #tpu.memory_space<hbm>>) dst(%arg26 : memref<8x128xf32, #tpu.memory_space<vmem>>)
      %mul3A_261 = arith.constant 8 : i32
      %mul3A_262 = arith.muli %arg1, %mul3A_261 : i32
      "tpu.region"() ({
        %run_scoped3A = tpu.sem_alloc : memref<!tpu.dma_semaphore, #tpu.memory_space<semaphore_mem>>
        %dma_start3A_263 = arith.constant 0 : i32
        %dma_start3A_264 = tpu.memref_slice %arg9[%mul3A_262, %dma_start3A_263] : memref<128x128xf32, #tpu.memory_space<hbm>> -> memref<8x128xf32, #tpu.memory_space<hbm>>
        %dma_start3A_265 = arith.constant 0 : i32
        %dma_start3A_266 = tpu.memref_slice %arg9[%mul3A_262, %dma_start3A_265] : memref<128x128xf32, #tpu.memory_space<hbm>> -> memref<8x128xf32, #tpu.memory_space<hbm>>
        tpu.enqueue_dma source(%arg26 : memref<8x128xf32, #tpu.memory_space<vmem>>) target(%dma_start3A_266 : memref<8x128xf32, #tpu.memory_space<hbm>>) target_semaphore(%run_scoped3A : memref<!tpu.dma_semaphore, #tpu.memory_space<semaphore_mem>>)
        %dma_wait3A_267 = arith.constant 0 : i32
        %dma_wait3A_268 = tpu.memref_slice %arg9[%mul3A_262, %dma_wait3A_267] : memref<128x128xf32, #tpu.memory_space<hbm>> -> memref<8x128xf32, #tpu.memory_space<hbm>>
        %dma_wait3A_269 = arith.constant 0 : i32
        %dma_wait3A_270 = tpu.memref_slice %arg9[%mul3A_262, %dma_wait3A_269] : memref<128x128xf32, #tpu.memory_space<hbm>> -> memref<8x128xf32, #tpu.memory_space<hbm>>
        tpu.wait_dma2 semaphore(%run_scoped3A : memref<!tpu.dma_semaphore, #tpu.memory_space<semaphore_mem>>) src(%arg26 : memref<8x128xf32, #tpu.memory_space<vmem>>) dst(%dma_wait3A_270 : memref<8x128xf32, #tpu.memory_space<hbm>>)
        tpu.yield
      }) : () -> ()
    } else {
    }
    "tpu.region"() ({
      %run_scoped3A = tpu.sem_alloc : memref<!tpu.dma_semaphore, #tpu.memory_space<semaphore_mem>>
      %dma_start3A_253 = arith.constant 0 : i32
      %dma_start3A_254 = arith.constant 0 : i32
      %dma_start3A_255 = tpu.memref_slice %arg10[%dma_start3A_253, %dma_start3A_254] : memref<80x125xi32, #tpu.memory_space<vmem>> -> memref<80x125xi32, #tpu.memory_space<vmem>>
      %dma_start3A_256 = arith.constant 0 : i32
      %dma_start3A_257 = arith.constant 0 : i32
      %dma_start3A_258 = tpu.memref_slice %arg3[%arg0, %arg1, %dma_start3A_256, %dma_start3A_257] : memref<2x16x160x125xi32, #tpu.memory_space<hbm>> -> memref<1x1x80x125xi32, #tpu.memory_space<hbm>>
      %dma_start3A_259 = tpu.memref_squeeze %dma_start3A_258 : memref<1x1x80x125xi32, #tpu.memory_space<hbm>> -> memref<80x125xi32, #tpu.memory_space<hbm>>
      %dma_start3A_260 = arith.constant 0 : i32
      %dma_start3A_261 = arith.constant 0 : i32
      %dma_start3A_262 = tpu.memref_slice %arg10[%dma_start3A_260, %dma_start3A_261] : memref<80x125xi32, #tpu.memory_space<vmem>> -> memref<80x125xi32, #tpu.memory_space<vmem>>
      %dma_start3A_263 = arith.constant 0 : i32
      %dma_start3A_264 = arith.constant 0 : i32
      %dma_start3A_265 = tpu.memref_slice %arg3[%arg0, %arg1, %dma_start3A_263, %dma_start3A_264] : memref<2x16x160x125xi32, #tpu.memory_space<hbm>> -> memref<1x1x80x125xi32, #tpu.memory_space<hbm>>
      %dma_start3A_266 = tpu.memref_squeeze %dma_start3A_265 : memref<1x1x80x125xi32, #tpu.memory_space<hbm>> -> memref<80x125xi32, #tpu.memory_space<hbm>>
      tpu.enqueue_dma source(%dma_start3A_266 : memref<80x125xi32, #tpu.memory_space<hbm>>) target(%dma_start3A_262 : memref<80x125xi32, #tpu.memory_space<vmem>>) target_semaphore(%run_scoped3A : memref<!tpu.dma_semaphore, #tpu.memory_space<semaphore_mem>>)
      %dma_wait3A_267 = arith.constant 0 : i32
      %dma_wait3A_268 = arith.constant 0 : i32
      %dma_wait3A_269 = tpu.memref_slice %arg10[%dma_wait3A_267, %dma_wait3A_268] : memref<80x125xi32, #tpu.memory_space<vmem>> -> memref<80x125xi32, #tpu.memory_space<vmem>>
      %dma_wait3A_270 = arith.constant 0 : i32
      %dma_wait3A_271 = arith.constant 0 : i32
      %dma_wait3A_272 = tpu.memref_slice %arg3[%arg0, %arg1, %dma_wait3A_270, %dma_wait3A_271] : memref<2x16x160x125xi32, #tpu.memory_space<hbm>> -> memref<1x1x80x125xi32, #tpu.memory_space<hbm>>
      %dma_wait3A_273 = tpu.memref_squeeze %dma_wait3A_272 : memref<1x1x80x125xi32, #tpu.memory_space<hbm>> -> memref<80x125xi32, #tpu.memory_space<hbm>>
      %dma_wait3A_274 = arith.constant 0 : i32
      %dma_wait3A_275 = arith.constant 0 : i32
      %dma_wait3A_276 = tpu.memref_slice %arg10[%dma_wait3A_274, %dma_wait3A_275] : memref<80x125xi32, #tpu.memory_space<vmem>> -> memref<80x125xi32, #tpu.memory_space<vmem>>
      %dma_wait3A_277 = arith.constant 0 : i32
      %dma_wait3A_278 = arith.constant 0 : i32
      %dma_wait3A_279 = tpu.memref_slice %arg3[%arg0, %arg1, %dma_wait3A_277, %dma_wait3A_278] : memref<2x16x160x125xi32, #tpu.memory_space<hbm>> -> memref<1x1x80x125xi32, #tpu.memory_space<hbm>>
      %dma_wait3A_280 = tpu.memref_squeeze %dma_wait3A_279 : memref<1x1x80x125xi32, #tpu.memory_space<hbm>> -> memref<80x125xi32, #tpu.memory_space<hbm>>
      tpu.wait_dma2 semaphore(%run_scoped3A : memref<!tpu.dma_semaphore, #tpu.memory_space<semaphore_mem>>) src(%dma_wait3A_280 : memref<80x125xi32, #tpu.memory_space<hbm>>) dst(%dma_wait3A_276 : memref<80x125xi32, #tpu.memory_space<vmem>>)
      tpu.yield
    }) : () -> ()
    "tpu.region"() ({
      %run_scoped3A = tpu.sem_alloc : memref<!tpu.dma_semaphore, #tpu.memory_space<semaphore_mem>>
      %dma_start3A_253 = arith.constant 0 : i32
      %dma_start3A_254 = arith.constant 0 : i32
      %dma_start3A_255 = tpu.memref_slice %arg11[%dma_start3A_253, %dma_start3A_254] : memref<80x125xi32, #tpu.memory_space<vmem>> -> memref<80x125xi32, #tpu.memory_space<vmem>>
      %dma_start3A_256 = arith.constant 0 : i32
      %dma_start3A_257 = arith.constant 0 : i32
      %dma_start3A_258 = tpu.memref_slice %arg4[%arg1, %dma_start3A_256, %dma_start3A_257] : memref<16x160x125xi32, #tpu.memory_space<hbm>> -> memref<1x80x125xi32, #tpu.memory_space<hbm>>
      %dma_start3A_259 = tpu.memref_squeeze %dma_start3A_258 : memref<1x80x125xi32, #tpu.memory_space<hbm>> -> memref<80x125xi32, #tpu.memory_space<hbm>>
      %dma_start3A_260 = arith.constant 0 : i32
      %dma_start3A_261 = arith.constant 0 : i32
      %dma_start3A_262 = tpu.memref_slice %arg11[%dma_start3A_260, %dma_start3A_261] : memref<80x125xi32, #tpu.memory_space<vmem>> -> memref<80x125xi32, #tpu.memory_space<vmem>>
      %dma_start3A_263 = arith.constant 0 : i32
      %dma_start3A_264 = arith.constant 0 : i32
      %dma_start3A_265 = tpu.memref_slice %arg4[%arg1, %dma_start3A_263, %dma_start3A_264] : memref<16x160x125xi32, #tpu.memory_space<hbm>> -> memref<1x80x125xi32, #tpu.memory_space<hbm>>
      %dma_start3A_266 = tpu.memref_squeeze %dma_start3A_265 : memref<1x80x125xi32, #tpu.memory_space<hbm>> -> memref<80x125xi32, #tpu.memory_space<hbm>>
      tpu.enqueue_dma source(%dma_start3A_266 : memref<80x125xi32, #tpu.memory_space<hbm>>) target(%dma_start3A_262 : memref<80x125xi32, #tpu.memory_space<vmem>>) target_semaphore(%run_scoped3A : memref<!tpu.dma_semaphore, #tpu.memory_space<semaphore_mem>>)
      %dma_wait3A_267 = arith.constant 0 : i32
      %dma_wait3A_268 = arith.constant 0 : i32
      %dma_wait3A_269 = tpu.memref_slice %arg11[%dma_wait3A_267, %dma_wait3A_268] : memref<80x125xi32, #tpu.memory_space<vmem>> -> memref<80x125xi32, #tpu.memory_space<vmem>>
      %dma_wait3A_270 = arith.constant 0 : i32
      %dma_wait3A_271 = arith.constant 0 : i32
      %dma_wait3A_272 = tpu.memref_slice %arg4[%arg1, %dma_wait3A_270, %dma_wait3A_271] : memref<16x160x125xi32, #tpu.memory_space<hbm>> -> memref<1x80x125xi32, #tpu.memory_space<hbm>>
      %dma_wait3A_273 = tpu.memref_squeeze %dma_wait3A_272 : memref<1x80x125xi32, #tpu.memory_space<hbm>> -> memref<80x125xi32, #tpu.memory_space<hbm>>
      %dma_wait3A_274 = arith.constant 0 : i32
      %dma_wait3A_275 = arith.constant 0 : i32
      %dma_wait3A_276 = tpu.memref_slice %arg11[%dma_wait3A_274, %dma_wait3A_275] : memref<80x125xi32, #tpu.memory_space<vmem>> -> memref<80x125xi32, #tpu.memory_space<vmem>>
      %dma_wait3A_277 = arith.constant 0 : i32
      %dma_wait3A_278 = arith.constant 0 : i32
      %dma_wait3A_279 = tpu.memref_slice %arg4[%arg1, %dma_wait3A_277, %dma_wait3A_278] : memref<16x160x125xi32, #tpu.memory_space<hbm>> -> memref<1x80x125xi32, #tpu.memory_space<hbm>>
      %dma_wait3A_280 = tpu.memref_squeeze %dma_wait3A_279 : memref<1x80x125xi32, #tpu.memory_space<hbm>> -> memref<80x125xi32, #tpu.memory_space<hbm>>
      tpu.wait_dma2 semaphore(%run_scoped3A : memref<!tpu.dma_semaphore, #tpu.memory_space<semaphore_mem>>) src(%dma_wait3A_280 : memref<80x125xi32, #tpu.memory_space<hbm>>) dst(%dma_wait3A_276 : memref<80x125xi32, #tpu.memory_space<vmem>>)
      tpu.yield
    }) : () -> ()
    %dma_start3A = arith.constant 0 : i32
    %dma_start3A_10 = arith.constant 0 : i32
    %dma_start3A_11 = tpu.memref_slice %arg10[%dma_start3A, %dma_start3A_10] : memref<80x125xi32, #tpu.memory_space<vmem>> -> memref<1x125xi32, #tpu.memory_space<vmem>>
    %dma_start3A_12 = tpu.memref_squeeze %dma_start3A_11 : memref<1x125xi32, #tpu.memory_space<vmem>> -> memref<125xi32, #tpu.memory_space<vmem>>
    %dma_start3A_13 = arith.constant 0 : i32
    %dma_start3A_14 = arith.constant 0 : i32
    %dma_start3A_15 = tpu.memref_slice %arg2[%dma_start3A_13, %dma_start3A_14] : memref<20000x64xf32, #tpu.memory_space<hbm>> -> memref<20000x64xf32, #tpu.memory_space<hbm>>
    tpu.enqueue_indirect_dma source(%dma_start3A_15 : memref<20000x64xf32, #tpu.memory_space<hbm>>) target(%arg12 : memref<125x64xf32, #tpu.memory_space<vmem>>) offsets(%dma_start3A_12 : memref<125xi32, #tpu.memory_space<vmem>>) semaphore(%arg17 : memref<!tpu.dma_semaphore, #tpu.memory_space<semaphore_mem>>)
    %dma_start3A_16 = arith.constant 1 : i32
    %dma_start3A_17 = arith.constant 0 : i32
    %dma_start3A_18 = tpu.memref_slice %arg10[%dma_start3A_16, %dma_start3A_17] : memref<80x125xi32, #tpu.memory_space<vmem>> -> memref<1x125xi32, #tpu.memory_space<vmem>>
    %dma_start3A_19 = tpu.memref_squeeze %dma_start3A_18 : memref<1x125xi32, #tpu.memory_space<vmem>> -> memref<125xi32, #tpu.memory_space<vmem>>
    %dma_start3A_20 = arith.constant 0 : i32
    %dma_start3A_21 = arith.constant 0 : i32
    %dma_start3A_22 = tpu.memref_slice %arg2[%dma_start3A_20, %dma_start3A_21] : memref<20000x64xf32, #tpu.memory_space<hbm>> -> memref<20000x64xf32, #tpu.memory_space<hbm>>
    tpu.enqueue_indirect_dma source(%dma_start3A_22 : memref<20000x64xf32, #tpu.memory_space<hbm>>) target(%arg13 : memref<125x64xf32, #tpu.memory_space<vmem>>) offsets(%dma_start3A_19 : memref<125xi32, #tpu.memory_space<vmem>>) semaphore(%arg18 : memref<!tpu.dma_semaphore, #tpu.memory_space<semaphore_mem>>)
    %dma_start3A_23 = arith.constant 2 : i32
    %dma_start3A_24 = arith.constant 0 : i32
    %dma_start3A_25 = tpu.memref_slice %arg10[%dma_start3A_23, %dma_start3A_24] : memref<80x125xi32, #tpu.memory_space<vmem>> -> memref<1x125xi32, #tpu.memory_space<vmem>>
    %dma_start3A_26 = tpu.memref_squeeze %dma_start3A_25 : memref<1x125xi32, #tpu.memory_space<vmem>> -> memref<125xi32, #tpu.memory_space<vmem>>
    %dma_start3A_27 = arith.constant 0 : i32
    %dma_start3A_28 = arith.constant 0 : i32
    %dma_start3A_29 = tpu.memref_slice %arg2[%dma_start3A_27, %dma_start3A_28] : memref<20000x64xf32, #tpu.memory_space<hbm>> -> memref<20000x64xf32, #tpu.memory_space<hbm>>
    tpu.enqueue_indirect_dma source(%dma_start3A_29 : memref<20000x64xf32, #tpu.memory_space<hbm>>) target(%arg14 : memref<125x64xf32, #tpu.memory_space<vmem>>) offsets(%dma_start3A_26 : memref<125xi32, #tpu.memory_space<vmem>>) semaphore(%arg19 : memref<!tpu.dma_semaphore, #tpu.memory_space<semaphore_mem>>)
    %dma_start3A_30 = arith.constant 3 : i32
    %dma_start3A_31 = arith.constant 0 : i32
    %dma_start3A_32 = tpu.memref_slice %arg10[%dma_start3A_30, %dma_start3A_31] : memref<80x125xi32, #tpu.memory_space<vmem>> -> memref<1x125xi32, #tpu.memory_space<vmem>>
    %dma_start3A_33 = tpu.memref_squeeze %dma_start3A_32 : memref<1x125xi32, #tpu.memory_space<vmem>> -> memref<125xi32, #tpu.memory_space<vmem>>
    %dma_start3A_34 = arith.constant 0 : i32
    %dma_start3A_35 = arith.constant 0 : i32
    %dma_start3A_36 = tpu.memref_slice %arg2[%dma_start3A_34, %dma_start3A_35] : memref<20000x64xf32, #tpu.memory_space<hbm>> -> memref<20000x64xf32, #tpu.memory_space<hbm>>
    tpu.enqueue_indirect_dma source(%dma_start3A_36 : memref<20000x64xf32, #tpu.memory_space<hbm>>) target(%arg15 : memref<125x64xf32, #tpu.memory_space<vmem>>) offsets(%dma_start3A_33 : memref<125xi32, #tpu.memory_space<vmem>>) semaphore(%arg20 : memref<!tpu.dma_semaphore, #tpu.memory_space<semaphore_mem>>)
    %scan3A = arith.constant 0 : i32
    %scan3A_37 = arith.constant 19 : i32
    %scan3A_38 = arith.addi %scan3A, %scan3A_37 : i32
    %scan3A_39 = arith.constant 1 : i32
    scf.for %scan3A_253 = %scan3A to %scan3A_38 step %scan3A_39  : i32 {
      %mul3A_254 = arith.constant 4 : i32
      %mul3A_255 = arith.muli %scan3A_253, %mul3A_254 : i32
      %add3A = arith.constant 0 : i32
      %add3A_256 = arith.addi %add3A, %mul3A_255 : i32
      %add3A_257 = arith.constant 0 : i32
      %add3A_258 = arith.addi %add3A_256, %add3A_257 : i32
      %dma_wait3A_259 = arith.constant 0 : i32
      %dma_wait3A_260 = tpu.memref_slice %arg10[%add3A_258, %dma_wait3A_259] : memref<80x125xi32, #tpu.memory_space<vmem>> -> memref<1x125xi32, #tpu.memory_space<vmem>>
      %dma_wait3A_261 = tpu.memref_squeeze %dma_wait3A_260 : memref<1x125xi32, #tpu.memory_space<vmem>> -> memref<125xi32, #tpu.memory_space<vmem>>
      %dma_wait3A_262 = arith.constant 0 : i32
      %dma_wait3A_263 = arith.constant 0 : i32
      %dma_wait3A_264 = tpu.memref_slice %arg2[%dma_wait3A_262, %dma_wait3A_263] : memref<20000x64xf32, #tpu.memory_space<hbm>> -> memref<20000x64xf32, #tpu.memory_space<hbm>>
      tpu.wait_indirect_dma semaphore(%arg17 : memref<!tpu.dma_semaphore, #tpu.memory_space<semaphore_mem>>) src(%dma_wait3A_264 : memref<20000x64xf32, #tpu.memory_space<hbm>>) dst(%arg12 : memref<125x64xf32, #tpu.memory_space<vmem>>)
      %add3A_265 = arith.constant 0 : i32
      %add3A_266 = arith.addi %add3A_256, %add3A_265 : i32
      %dma_start3A_267 = arith.constant 0 : i32
      %dma_start3A_268 = tpu.memref_slice %arg11[%add3A_266, %dma_start3A_267] : memref<80x125xi32, #tpu.memory_space<vmem>> -> memref<1x125xi32, #tpu.memory_space<vmem>>
      %dma_start3A_269 = tpu.memref_squeeze %dma_start3A_268 : memref<1x125xi32, #tpu.memory_space<vmem>> -> memref<125xi32, #tpu.memory_space<vmem>>
      %dma_start3A_270 = arith.constant 0 : i32
      %dma_start3A_271 = arith.constant 0 : i32
      %dma_start3A_272 = tpu.memref_slice %arg16[%dma_start3A_270, %dma_start3A_271] : memref<10000x64xf32, #tpu.memory_space<vmem_shared>> -> memref<10000x64xf32, #tpu.memory_space<vmem_shared>>
      tpu.enqueue_indirect_dma source(%arg12 : memref<125x64xf32, #tpu.memory_space<vmem>>) target(%dma_start3A_272 : memref<10000x64xf32, #tpu.memory_space<vmem_shared>>) offsets(%dma_start3A_269 : memref<125xi32, #tpu.memory_space<vmem>>) semaphore(%arg21 : memref<!tpu.dma_semaphore, #tpu.memory_space<semaphore_mem>>) {add = true}
      %add3A_273 = arith.constant 1 : i32
      %add3A_274 = arith.addi %add3A_256, %add3A_273 : i32
      %dma_wait3A_275 = arith.constant 0 : i32
      %dma_wait3A_276 = tpu.memref_slice %arg10[%add3A_274, %dma_wait3A_275] : memref<80x125xi32, #tpu.memory_space<vmem>> -> memref<1x125xi32, #tpu.memory_space<vmem>>
      %dma_wait3A_277 = tpu.memref_squeeze %dma_wait3A_276 : memref<1x125xi32, #tpu.memory_space<vmem>> -> memref<125xi32, #tpu.memory_space<vmem>>
      %dma_wait3A_278 = arith.constant 0 : i32
      %dma_wait3A_279 = arith.constant 0 : i32
      %dma_wait3A_280 = tpu.memref_slice %arg2[%dma_wait3A_278, %dma_wait3A_279] : memref<20000x64xf32, #tpu.memory_space<hbm>> -> memref<20000x64xf32, #tpu.memory_space<hbm>>
      tpu.wait_indirect_dma semaphore(%arg18 : memref<!tpu.dma_semaphore, #tpu.memory_space<semaphore_mem>>) src(%dma_wait3A_280 : memref<20000x64xf32, #tpu.memory_space<hbm>>) dst(%arg13 : memref<125x64xf32, #tpu.memory_space<vmem>>)
      %add3A_281 = arith.constant 1 : i32
      %add3A_282 = arith.addi %add3A_256, %add3A_281 : i32
      %dma_start3A_283 = arith.constant 0 : i32
      %dma_start3A_284 = tpu.memref_slice %arg11[%add3A_282, %dma_start3A_283] : memref<80x125xi32, #tpu.memory_space<vmem>> -> memref<1x125xi32, #tpu.memory_space<vmem>>
      %dma_start3A_285 = tpu.memref_squeeze %dma_start3A_284 : memref<1x125xi32, #tpu.memory_space<vmem>> -> memref<125xi32, #tpu.memory_space<vmem>>
      %dma_start3A_286 = arith.constant 0 : i32
      %dma_start3A_287 = arith.constant 0 : i32
      %dma_start3A_288 = tpu.memref_slice %arg16[%dma_start3A_286, %dma_start3A_287] : memref<10000x64xf32, #tpu.memory_space<vmem_shared>> -> memref<10000x64xf32, #tpu.memory_space<vmem_shared>>
      tpu.enqueue_indirect_dma source(%arg13 : memref<125x64xf32, #tpu.memory_space<vmem>>) target(%dma_start3A_288 : memref<10000x64xf32, #tpu.memory_space<vmem_shared>>) offsets(%dma_start3A_285 : memref<125xi32, #tpu.memory_space<vmem>>) semaphore(%arg22 : memref<!tpu.dma_semaphore, #tpu.memory_space<semaphore_mem>>) {add = true}
      %add3A_289 = arith.constant 2 : i32
      %add3A_290 = arith.addi %add3A_256, %add3A_289 : i32
      %dma_wait3A_291 = arith.constant 0 : i32
      %dma_wait3A_292 = tpu.memref_slice %arg10[%add3A_290, %dma_wait3A_291] : memref<80x125xi32, #tpu.memory_space<vmem>> -> memref<1x125xi32, #tpu.memory_space<vmem>>
      %dma_wait3A_293 = tpu.memref_squeeze %dma_wait3A_292 : memref<1x125xi32, #tpu.memory_space<vmem>> -> memref<125xi32, #tpu.memory_space<vmem>>
      %dma_wait3A_294 = arith.constant 0 : i32
      %dma_wait3A_295 = arith.constant 0 : i32
      %dma_wait3A_296 = tpu.memref_slice %arg2[%dma_wait3A_294, %dma_wait3A_295] : memref<20000x64xf32, #tpu.memory_space<hbm>> -> memref<20000x64xf32, #tpu.memory_space<hbm>>
      tpu.wait_indirect_dma semaphore(%arg19 : memref<!tpu.dma_semaphore, #tpu.memory_space<semaphore_mem>>) src(%dma_wait3A_296 : memref<20000x64xf32, #tpu.memory_space<hbm>>) dst(%arg14 : memref<125x64xf32, #tpu.memory_space<vmem>>)
      %add3A_297 = arith.constant 2 : i32
      %add3A_298 = arith.addi %add3A_256, %add3A_297 : i32
      %dma_start3A_299 = arith.constant 0 : i32
      %dma_start3A_300 = tpu.memref_slice %arg11[%add3A_298, %dma_start3A_299] : memref<80x125xi32, #tpu.memory_space<vmem>> -> memref<1x125xi32, #tpu.memory_space<vmem>>
      %dma_start3A_301 = tpu.memref_squeeze %dma_start3A_300 : memref<1x125xi32, #tpu.memory_space<vmem>> -> memref<125xi32, #tpu.memory_space<vmem>>
      %dma_start3A_302 = arith.constant 0 : i32
      %dma_start3A_303 = arith.constant 0 : i32
      %dma_start3A_304 = tpu.memref_slice %arg16[%dma_start3A_302, %dma_start3A_303] : memref<10000x64xf32, #tpu.memory_space<vmem_shared>> -> memref<10000x64xf32, #tpu.memory_space<vmem_shared>>
      tpu.enqueue_indirect_dma source(%arg14 : memref<125x64xf32, #tpu.memory_space<vmem>>) target(%dma_start3A_304 : memref<10000x64xf32, #tpu.memory_space<vmem_shared>>) offsets(%dma_start3A_301 : memref<125xi32, #tpu.memory_space<vmem>>) semaphore(%arg23 : memref<!tpu.dma_semaphore, #tpu.memory_space<semaphore_mem>>) {add = true}
      %add3A_305 = arith.constant 3 : i32
      %add3A_306 = arith.addi %add3A_256, %add3A_305 : i32
      %dma_wait3A_307 = arith.constant 0 : i32
      %dma_wait3A_308 = tpu.memref_slice %arg10[%add3A_306, %dma_wait3A_307] : memref<80x125xi32, #tpu.memory_space<vmem>> -> memref<1x125xi32, #tpu.memory_space<vmem>>
      %dma_wait3A_309 = tpu.memref_squeeze %dma_wait3A_308 : memref<1x125xi32, #tpu.memory_space<vmem>> -> memref<125xi32, #tpu.memory_space<vmem>>
      %dma_wait3A_310 = arith.constant 0 : i32
      %dma_wait3A_311 = arith.constant 0 : i32
      %dma_wait3A_312 = tpu.memref_slice %arg2[%dma_wait3A_310, %dma_wait3A_311] : memref<20000x64xf32, #tpu.memory_space<hbm>> -> memref<20000x64xf32, #tpu.memory_space<hbm>>
      tpu.wait_indirect_dma semaphore(%arg20 : memref<!tpu.dma_semaphore, #tpu.memory_space<semaphore_mem>>) src(%dma_wait3A_312 : memref<20000x64xf32, #tpu.memory_space<hbm>>) dst(%arg15 : memref<125x64xf32, #tpu.memory_space<vmem>>)
      %add3A_313 = arith.constant 3 : i32
      %add3A_314 = arith.addi %add3A_256, %add3A_313 : i32
      %dma_start3A_315 = arith.constant 0 : i32
      %dma_start3A_316 = tpu.memref_slice %arg11[%add3A_314, %dma_start3A_315] : memref<80x125xi32, #tpu.memory_space<vmem>> -> memref<1x125xi32, #tpu.memory_space<vmem>>
      %dma_start3A_317 = tpu.memref_squeeze %dma_start3A_316 : memref<1x125xi32, #tpu.memory_space<vmem>> -> memref<125xi32, #tpu.memory_space<vmem>>
      %dma_start3A_318 = arith.constant 0 : i32
      %dma_start3A_319 = arith.constant 0 : i32
      %dma_start3A_320 = tpu.memref_slice %arg16[%dma_start3A_318, %dma_start3A_319] : memref<10000x64xf32, #tpu.memory_space<vmem_shared>> -> memref<10000x64xf32, #tpu.memory_space<vmem_shared>>
      tpu.enqueue_indirect_dma source(%arg15 : memref<125x64xf32, #tpu.memory_space<vmem>>) target(%dma_start3A_320 : memref<10000x64xf32, #tpu.memory_space<vmem_shared>>) offsets(%dma_start3A_317 : memref<125xi32, #tpu.memory_space<vmem>>) semaphore(%arg24 : memref<!tpu.dma_semaphore, #tpu.memory_space<semaphore_mem>>) {add = true}
      %add3A_321 = arith.constant 0 : i32
      %add3A_322 = arith.addi %add3A_256, %add3A_321 : i32
      %dma_wait3A_323 = arith.constant 0 : i32
      %dma_wait3A_324 = tpu.memref_slice %arg11[%add3A_322, %dma_wait3A_323] : memref<80x125xi32, #tpu.memory_space<vmem>> -> memref<1x125xi32, #tpu.memory_space<vmem>>
      %dma_wait3A_325 = tpu.memref_squeeze %dma_wait3A_324 : memref<1x125xi32, #tpu.memory_space<vmem>> -> memref<125xi32, #tpu.memory_space<vmem>>
      %dma_wait3A_326 = arith.constant 0 : i32
      %dma_wait3A_327 = arith.constant 0 : i32
      %dma_wait3A_328 = tpu.memref_slice %arg16[%dma_wait3A_326, %dma_wait3A_327] : memref<10000x64xf32, #tpu.memory_space<vmem_shared>> -> memref<10000x64xf32, #tpu.memory_space<vmem_shared>>
      tpu.wait_indirect_dma semaphore(%arg21 : memref<!tpu.dma_semaphore, #tpu.memory_space<semaphore_mem>>) src(%arg12 : memref<125x64xf32, #tpu.memory_space<vmem>>) dst(%dma_wait3A_328 : memref<10000x64xf32, #tpu.memory_space<vmem_shared>>)
      %add3A_329 = arith.constant 4 : i32
      %add3A_330 = arith.addi %add3A_256, %add3A_329 : i32
      %add3A_331 = arith.constant 0 : i32
      %add3A_332 = arith.addi %add3A_330, %add3A_331 : i32
      %dma_start3A_333 = arith.constant 0 : i32
      %dma_start3A_334 = tpu.memref_slice %arg10[%add3A_332, %dma_start3A_333] : memref<80x125xi32, #tpu.memory_space<vmem>> -> memref<1x125xi32, #tpu.memory_space<vmem>>
      %dma_start3A_335 = tpu.memref_squeeze %dma_start3A_334 : memref<1x125xi32, #tpu.memory_space<vmem>> -> memref<125xi32, #tpu.memory_space<vmem>>
      %dma_start3A_336 = arith.constant 0 : i32
      %dma_start3A_337 = arith.constant 0 : i32
      %dma_start3A_338 = tpu.memref_slice %arg2[%dma_start3A_336, %dma_start3A_337] : memref<20000x64xf32, #tpu.memory_space<hbm>> -> memref<20000x64xf32, #tpu.memory_space<hbm>>
      tpu.enqueue_indirect_dma source(%dma_start3A_338 : memref<20000x64xf32, #tpu.memory_space<hbm>>) target(%arg12 : memref<125x64xf32, #tpu.memory_space<vmem>>) offsets(%dma_start3A_335 : memref<125xi32, #tpu.memory_space<vmem>>) semaphore(%arg17 : memref<!tpu.dma_semaphore, #tpu.memory_space<semaphore_mem>>)
      %add3A_339 = arith.constant 1 : i32
      %add3A_340 = arith.addi %add3A_256, %add3A_339 : i32
      %dma_wait3A_341 = arith.constant 0 : i32
      %dma_wait3A_342 = tpu.memref_slice %arg11[%add3A_340, %dma_wait3A_341] : memref<80x125xi32, #tpu.memory_space<vmem>> -> memref<1x125xi32, #tpu.memory_space<vmem>>
      %dma_wait3A_343 = tpu.memref_squeeze %dma_wait3A_342 : memref<1x125xi32, #tpu.memory_space<vmem>> -> memref<125xi32, #tpu.memory_space<vmem>>
      %dma_wait3A_344 = arith.constant 0 : i32
      %dma_wait3A_345 = arith.constant 0 : i32
      %dma_wait3A_346 = tpu.memref_slice %arg16[%dma_wait3A_344, %dma_wait3A_345] : memref<10000x64xf32, #tpu.memory_space<vmem_shared>> -> memref<10000x64xf32, #tpu.memory_space<vmem_shared>>
      tpu.wait_indirect_dma semaphore(%arg22 : memref<!tpu.dma_semaphore, #tpu.memory_space<semaphore_mem>>) src(%arg13 : memref<125x64xf32, #tpu.memory_space<vmem>>) dst(%dma_wait3A_346 : memref<10000x64xf32, #tpu.memory_space<vmem_shared>>)
      %add3A_347 = arith.constant 4 : i32
      %add3A_348 = arith.addi %add3A_256, %add3A_347 : i32
      %add3A_349 = arith.constant 1 : i32
      %add3A_350 = arith.addi %add3A_348, %add3A_349 : i32
      %dma_start3A_351 = arith.constant 0 : i32
      %dma_start3A_352 = tpu.memref_slice %arg10[%add3A_350, %dma_start3A_351] : memref<80x125xi32, #tpu.memory_space<vmem>> -> memref<1x125xi32, #tpu.memory_space<vmem>>
      %dma_start3A_353 = tpu.memref_squeeze %dma_start3A_352 : memref<1x125xi32, #tpu.memory_space<vmem>> -> memref<125xi32, #tpu.memory_space<vmem>>
      %dma_start3A_354 = arith.constant 0 : i32
      %dma_start3A_355 = arith.constant 0 : i32
      %dma_start3A_356 = tpu.memref_slice %arg2[%dma_start3A_354, %dma_start3A_355] : memref<20000x64xf32, #tpu.memory_space<hbm>> -> memref<20000x64xf32, #tpu.memory_space<hbm>>
      tpu.enqueue_indirect_dma source(%dma_start3A_356 : memref<20000x64xf32, #tpu.memory_space<hbm>>) target(%arg13 : memref<125x64xf32, #tpu.memory_space<vmem>>) offsets(%dma_start3A_353 : memref<125xi32, #tpu.memory_space<vmem>>) semaphore(%arg18 : memref<!tpu.dma_semaphore, #tpu.memory_space<semaphore_mem>>)
      %add3A_357 = arith.constant 2 : i32
      %add3A_358 = arith.addi %add3A_256, %add3A_357 : i32
      %dma_wait3A_359 = arith.constant 0 : i32
      %dma_wait3A_360 = tpu.memref_slice %arg11[%add3A_358, %dma_wait3A_359] : memref<80x125xi32, #tpu.memory_space<vmem>> -> memref<1x125xi32, #tpu.memory_space<vmem>>
      %dma_wait3A_361 = tpu.memref_squeeze %dma_wait3A_360 : memref<1x125xi32, #tpu.memory_space<vmem>> -> memref<125xi32, #tpu.memory_space<vmem>>
      %dma_wait3A_362 = arith.constant 0 : i32
      %dma_wait3A_363 = arith.constant 0 : i32
      %dma_wait3A_364 = tpu.memref_slice %arg16[%dma_wait3A_362, %dma_wait3A_363] : memref<10000x64xf32, #tpu.memory_space<vmem_shared>> -> memref<10000x64xf32, #tpu.memory_space<vmem_shared>>
      tpu.wait_indirect_dma semaphore(%arg23 : memref<!tpu.dma_semaphore, #tpu.memory_space<semaphore_mem>>) src(%arg14 : memref<125x64xf32, #tpu.memory_space<vmem>>) dst(%dma_wait3A_364 : memref<10000x64xf32, #tpu.memory_space<vmem_shared>>)
      %add3A_365 = arith.constant 4 : i32
      %add3A_366 = arith.addi %add3A_256, %add3A_365 : i32
      %add3A_367 = arith.constant 2 : i32
      %add3A_368 = arith.addi %add3A_366, %add3A_367 : i32
      %dma_start3A_369 = arith.constant 0 : i32
      %dma_start3A_370 = tpu.memref_slice %arg10[%add3A_368, %dma_start3A_369] : memref<80x125xi32, #tpu.memory_space<vmem>> -> memref<1x125xi32, #tpu.memory_space<vmem>>
      %dma_start3A_371 = tpu.memref_squeeze %dma_start3A_370 : memref<1x125xi32, #tpu.memory_space<vmem>> -> memref<125xi32, #tpu.memory_space<vmem>>
      %dma_start3A_372 = arith.constant 0 : i32
      %dma_start3A_373 = arith.constant 0 : i32
      %dma_start3A_374 = tpu.memref_slice %arg2[%dma_start3A_372, %dma_start3A_373] : memref<20000x64xf32, #tpu.memory_space<hbm>> -> memref<20000x64xf32, #tpu.memory_space<hbm>>
      tpu.enqueue_indirect_dma source(%dma_start3A_374 : memref<20000x64xf32, #tpu.memory_space<hbm>>) target(%arg14 : memref<125x64xf32, #tpu.memory_space<vmem>>) offsets(%dma_start3A_371 : memref<125xi32, #tpu.memory_space<vmem>>) semaphore(%arg19 : memref<!tpu.dma_semaphore, #tpu.memory_space<semaphore_mem>>)
      %add3A_375 = arith.constant 3 : i32
      %add3A_376 = arith.addi %add3A_256, %add3A_375 : i32
      %dma_wait3A_377 = arith.constant 0 : i32
      %dma_wait3A_378 = tpu.memref_slice %arg11[%add3A_376, %dma_wait3A_377] : memref<80x125xi32, #tpu.memory_space<vmem>> -> memref<1x125xi32, #tpu.memory_space<vmem>>
      %dma_wait3A_379 = tpu.memref_squeeze %dma_wait3A_378 : memref<1x125xi32, #tpu.memory_space<vmem>> -> memref<125xi32, #tpu.memory_space<vmem>>
      %dma_wait3A_380 = arith.constant 0 : i32
      %dma_wait3A_381 = arith.constant 0 : i32
      %dma_wait3A_382 = tpu.memref_slice %arg16[%dma_wait3A_380, %dma_wait3A_381] : memref<10000x64xf32, #tpu.memory_space<vmem_shared>> -> memref<10000x64xf32, #tpu.memory_space<vmem_shared>>
      tpu.wait_indirect_dma semaphore(%arg24 : memref<!tpu.dma_semaphore, #tpu.memory_space<semaphore_mem>>) src(%arg15 : memref<125x64xf32, #tpu.memory_space<vmem>>) dst(%dma_wait3A_382 : memref<10000x64xf32, #tpu.memory_space<vmem_shared>>)
      %add3A_383 = arith.constant 4 : i32
      %add3A_384 = arith.addi %add3A_256, %add3A_383 : i32
      %add3A_385 = arith.constant 3 : i32
      %add3A_386 = arith.addi %add3A_384, %add3A_385 : i32
      %dma_start3A_387 = arith.constant 0 : i32
      %dma_start3A_388 = tpu.memref_slice %arg10[%add3A_386, %dma_start3A_387] : memref<80x125xi32, #tpu.memory_space<vmem>> -> memref<1x125xi32, #tpu.memory_space<vmem>>
      %dma_start3A_389 = tpu.memref_squeeze %dma_start3A_388 : memref<1x125xi32, #tpu.memory_space<vmem>> -> memref<125xi32, #tpu.memory_space<vmem>>
      %dma_start3A_390 = arith.constant 0 : i32
      %dma_start3A_391 = arith.constant 0 : i32
      %dma_start3A_392 = tpu.memref_slice %arg2[%dma_start3A_390, %dma_start3A_391] : memref<20000x64xf32, #tpu.memory_space<hbm>> -> memref<20000x64xf32, #tpu.memory_space<hbm>>
      tpu.enqueue_indirect_dma source(%dma_start3A_392 : memref<20000x64xf32, #tpu.memory_space<hbm>>) target(%arg15 : memref<125x64xf32, #tpu.memory_space<vmem>>) offsets(%dma_start3A_389 : memref<125xi32, #tpu.memory_space<vmem>>) semaphore(%arg20 : memref<!tpu.dma_semaphore, #tpu.memory_space<semaphore_mem>>)
    }
    %scan3A_40 = arith.constant 19 : i32
    %dma_wait3A = arith.constant 76 : i32
    %dma_wait3A_41 = arith.constant 0 : i32
    %dma_wait3A_42 = tpu.memref_slice %arg10[%dma_wait3A, %dma_wait3A_41] : memref<80x125xi32, #tpu.memory_space<vmem>> -> memref<1x125xi32, #tpu.memory_space<vmem>>
    %dma_wait3A_43 = tpu.memref_squeeze %dma_wait3A_42 : memref<1x125xi32, #tpu.memory_space<vmem>> -> memref<125xi32, #tpu.memory_space<vmem>>
    %dma_wait3A_44 = arith.constant 0 : i32
    %dma_wait3A_45 = arith.constant 0 : i32
    %dma_wait3A_46 = tpu.memref_slice %arg2[%dma_wait3A_44, %dma_wait3A_45] : memref<20000x64xf32, #tpu.memory_space<hbm>> -> memref<20000x64xf32, #tpu.memory_space<hbm>>
    tpu.wait_indirect_dma semaphore(%arg17 : memref<!tpu.dma_semaphore, #tpu.memory_space<semaphore_mem>>) src(%dma_wait3A_46 : memref<20000x64xf32, #tpu.memory_space<hbm>>) dst(%arg12 : memref<125x64xf32, #tpu.memory_space<vmem>>)
    %dma_start3A_47 = arith.constant 76 : i32
    %dma_start3A_48 = arith.constant 0 : i32
    %dma_start3A_49 = tpu.memref_slice %arg11[%dma_start3A_47, %dma_start3A_48] : memref<80x125xi32, #tpu.memory_space<vmem>> -> memref<1x125xi32, #tpu.memory_space<vmem>>
    %dma_start3A_50 = tpu.memref_squeeze %dma_start3A_49 : memref<1x125xi32, #tpu.memory_space<vmem>> -> memref<125xi32, #tpu.memory_space<vmem>>
    %dma_start3A_51 = arith.constant 0 : i32
    %dma_start3A_52 = arith.constant 0 : i32
    %dma_start3A_53 = tpu.memref_slice %arg16[%dma_start3A_51, %dma_start3A_52] : memref<10000x64xf32, #tpu.memory_space<vmem_shared>> -> memref<10000x64xf32, #tpu.memory_space<vmem_shared>>
    tpu.enqueue_indirect_dma source(%arg12 : memref<125x64xf32, #tpu.memory_space<vmem>>) target(%dma_start3A_53 : memref<10000x64xf32, #tpu.memory_space<vmem_shared>>) offsets(%dma_start3A_50 : memref<125xi32, #tpu.memory_space<vmem>>) semaphore(%arg21 : memref<!tpu.dma_semaphore, #tpu.memory_space<semaphore_mem>>) {add = true}
    %dma_wait3A_54 = arith.constant 77 : i32
    %dma_wait3A_55 = arith.constant 0 : i32
    %dma_wait3A_56 = tpu.memref_slice %arg10[%dma_wait3A_54, %dma_wait3A_55] : memref<80x125xi32, #tpu.memory_space<vmem>> -> memref<1x125xi32, #tpu.memory_space<vmem>>
    %dma_wait3A_57 = tpu.memref_squeeze %dma_wait3A_56 : memref<1x125xi32, #tpu.memory_space<vmem>> -> memref<125xi32, #tpu.memory_space<vmem>>
    %dma_wait3A_58 = arith.constant 0 : i32
    %dma_wait3A_59 = arith.constant 0 : i32
    %dma_wait3A_60 = tpu.memref_slice %arg2[%dma_wait3A_58, %dma_wait3A_59] : memref<20000x64xf32, #tpu.memory_space<hbm>> -> memref<20000x64xf32, #tpu.memory_space<hbm>>
    tpu.wait_indirect_dma semaphore(%arg18 : memref<!tpu.dma_semaphore, #tpu.memory_space<semaphore_mem>>) src(%dma_wait3A_60 : memref<20000x64xf32, #tpu.memory_space<hbm>>) dst(%arg13 : memref<125x64xf32, #tpu.memory_space<vmem>>)
    %dma_start3A_61 = arith.constant 77 : i32
    %dma_start3A_62 = arith.constant 0 : i32
    %dma_start3A_63 = tpu.memref_slice %arg11[%dma_start3A_61, %dma_start3A_62] : memref<80x125xi32, #tpu.memory_space<vmem>> -> memref<1x125xi32, #tpu.memory_space<vmem>>
    %dma_start3A_64 = tpu.memref_squeeze %dma_start3A_63 : memref<1x125xi32, #tpu.memory_space<vmem>> -> memref<125xi32, #tpu.memory_space<vmem>>
    %dma_start3A_65 = arith.constant 0 : i32
    %dma_start3A_66 = arith.constant 0 : i32
    %dma_start3A_67 = tpu.memref_slice %arg16[%dma_start3A_65, %dma_start3A_66] : memref<10000x64xf32, #tpu.memory_space<vmem_shared>> -> memref<10000x64xf32, #tpu.memory_space<vmem_shared>>
    tpu.enqueue_indirect_dma source(%arg13 : memref<125x64xf32, #tpu.memory_space<vmem>>) target(%dma_start3A_67 : memref<10000x64xf32, #tpu.memory_space<vmem_shared>>) offsets(%dma_start3A_64 : memref<125xi32, #tpu.memory_space<vmem>>) semaphore(%arg22 : memref<!tpu.dma_semaphore, #tpu.memory_space<semaphore_mem>>) {add = true}
    %dma_wait3A_68 = arith.constant 78 : i32
    %dma_wait3A_69 = arith.constant 0 : i32
    %dma_wait3A_70 = tpu.memref_slice %arg10[%dma_wait3A_68, %dma_wait3A_69] : memref<80x125xi32, #tpu.memory_space<vmem>> -> memref<1x125xi32, #tpu.memory_space<vmem>>
    %dma_wait3A_71 = tpu.memref_squeeze %dma_wait3A_70 : memref<1x125xi32, #tpu.memory_space<vmem>> -> memref<125xi32, #tpu.memory_space<vmem>>
    %dma_wait3A_72 = arith.constant 0 : i32
    %dma_wait3A_73 = arith.constant 0 : i32
    %dma_wait3A_74 = tpu.memref_slice %arg2[%dma_wait3A_72, %dma_wait3A_73] : memref<20000x64xf32, #tpu.memory_space<hbm>> -> memref<20000x64xf32, #tpu.memory_space<hbm>>
    tpu.wait_indirect_dma semaphore(%arg19 : memref<!tpu.dma_semaphore, #tpu.memory_space<semaphore_mem>>) src(%dma_wait3A_74 : memref<20000x64xf32, #tpu.memory_space<hbm>>) dst(%arg14 : memref<125x64xf32, #tpu.memory_space<vmem>>)
    %dma_start3A_75 = arith.constant 78 : i32
    %dma_start3A_76 = arith.constant 0 : i32
    %dma_start3A_77 = tpu.memref_slice %arg11[%dma_start3A_75, %dma_start3A_76] : memref<80x125xi32, #tpu.memory_space<vmem>> -> memref<1x125xi32, #tpu.memory_space<vmem>>
    %dma_start3A_78 = tpu.memref_squeeze %dma_start3A_77 : memref<1x125xi32, #tpu.memory_space<vmem>> -> memref<125xi32, #tpu.memory_space<vmem>>
    %dma_start3A_79 = arith.constant 0 : i32
    %dma_start3A_80 = arith.constant 0 : i32
    %dma_start3A_81 = tpu.memref_slice %arg16[%dma_start3A_79, %dma_start3A_80] : memref<10000x64xf32, #tpu.memory_space<vmem_shared>> -> memref<10000x64xf32, #tpu.memory_space<vmem_shared>>
    tpu.enqueue_indirect_dma source(%arg14 : memref<125x64xf32, #tpu.memory_space<vmem>>) target(%dma_start3A_81 : memref<10000x64xf32, #tpu.memory_space<vmem_shared>>) offsets(%dma_start3A_78 : memref<125xi32, #tpu.memory_space<vmem>>) semaphore(%arg23 : memref<!tpu.dma_semaphore, #tpu.memory_space<semaphore_mem>>) {add = true}
    %dma_wait3A_82 = arith.constant 79 : i32
    %dma_wait3A_83 = arith.constant 0 : i32
    %dma_wait3A_84 = tpu.memref_slice %arg10[%dma_wait3A_82, %dma_wait3A_83] : memref<80x125xi32, #tpu.memory_space<vmem>> -> memref<1x125xi32, #tpu.memory_space<vmem>>
    %dma_wait3A_85 = tpu.memref_squeeze %dma_wait3A_84 : memref<1x125xi32, #tpu.memory_space<vmem>> -> memref<125xi32, #tpu.memory_space<vmem>>
    %dma_wait3A_86 = arith.constant 0 : i32
    %dma_wait3A_87 = arith.constant 0 : i32
    %dma_wait3A_88 = tpu.memref_slice %arg2[%dma_wait3A_86, %dma_wait3A_87] : memref<20000x64xf32, #tpu.memory_space<hbm>> -> memref<20000x64xf32, #tpu.memory_space<hbm>>
    tpu.wait_indirect_dma semaphore(%arg20 : memref<!tpu.dma_semaphore, #tpu.memory_space<semaphore_mem>>) src(%dma_wait3A_88 : memref<20000x64xf32, #tpu.memory_space<hbm>>) dst(%arg15 : memref<125x64xf32, #tpu.memory_space<vmem>>)
    %dma_start3A_89 = arith.constant 79 : i32
    %dma_start3A_90 = arith.constant 0 : i32
    %dma_start3A_91 = tpu.memref_slice %arg11[%dma_start3A_89, %dma_start3A_90] : memref<80x125xi32, #tpu.memory_space<vmem>> -> memref<1x125xi32, #tpu.memory_space<vmem>>
    %dma_start3A_92 = tpu.memref_squeeze %dma_start3A_91 : memref<1x125xi32, #tpu.memory_space<vmem>> -> memref<125xi32, #tpu.memory_space<vmem>>
    %dma_start3A_93 = arith.constant 0 : i32
    %dma_start3A_94 = arith.constant 0 : i32
    %dma_start3A_95 = tpu.memref_slice %arg16[%dma_start3A_93, %dma_start3A_94] : memref<10000x64xf32, #tpu.memory_space<vmem_shared>> -> memref<10000x64xf32, #tpu.memory_space<vmem_shared>>
    tpu.enqueue_indirect_dma source(%arg15 : memref<125x64xf32, #tpu.memory_space<vmem>>) target(%dma_start3A_95 : memref<10000x64xf32, #tpu.memory_space<vmem_shared>>) offsets(%dma_start3A_92 : memref<125xi32, #tpu.memory_space<vmem>>) semaphore(%arg24 : memref<!tpu.dma_semaphore, #tpu.memory_space<semaphore_mem>>) {add = true}
    %dma_wait3A_96 = arith.constant 76 : i32
    %dma_wait3A_97 = arith.constant 0 : i32
    %dma_wait3A_98 = tpu.memref_slice %arg11[%dma_wait3A_96, %dma_wait3A_97] : memref<80x125xi32, #tpu.memory_space<vmem>> -> memref<1x125xi32, #tpu.memory_space<vmem>>
    %dma_wait3A_99 = tpu.memref_squeeze %dma_wait3A_98 : memref<1x125xi32, #tpu.memory_space<vmem>> -> memref<125xi32, #tpu.memory_space<vmem>>
    %dma_wait3A_100 = arith.constant 0 : i32
    %dma_wait3A_101 = arith.constant 0 : i32
    %dma_wait3A_102 = tpu.memref_slice %arg16[%dma_wait3A_100, %dma_wait3A_101] : memref<10000x64xf32, #tpu.memory_space<vmem_shared>> -> memref<10000x64xf32, #tpu.memory_space<vmem_shared>>
    tpu.wait_indirect_dma semaphore(%arg21 : memref<!tpu.dma_semaphore, #tpu.memory_space<semaphore_mem>>) src(%arg12 : memref<125x64xf32, #tpu.memory_space<vmem>>) dst(%dma_wait3A_102 : memref<10000x64xf32, #tpu.memory_space<vmem_shared>>)
    %dma_wait3A_103 = arith.constant 77 : i32
    %dma_wait3A_104 = arith.constant 0 : i32
    %dma_wait3A_105 = tpu.memref_slice %arg11[%dma_wait3A_103, %dma_wait3A_104] : memref<80x125xi32, #tpu.memory_space<vmem>> -> memref<1x125xi32, #tpu.memory_space<vmem>>
    %dma_wait3A_106 = tpu.memref_squeeze %dma_wait3A_105 : memref<1x125xi32, #tpu.memory_space<vmem>> -> memref<125xi32, #tpu.memory_space<vmem>>
    %dma_wait3A_107 = arith.constant 0 : i32
    %dma_wait3A_108 = arith.constant 0 : i32
    %dma_wait3A_109 = tpu.memref_slice %arg16[%dma_wait3A_107, %dma_wait3A_108] : memref<10000x64xf32, #tpu.memory_space<vmem_shared>> -> memref<10000x64xf32, #tpu.memory_space<vmem_shared>>
    tpu.wait_indirect_dma semaphore(%arg22 : memref<!tpu.dma_semaphore, #tpu.memory_space<semaphore_mem>>) src(%arg13 : memref<125x64xf32, #tpu.memory_space<vmem>>) dst(%dma_wait3A_109 : memref<10000x64xf32, #tpu.memory_space<vmem_shared>>)
    %dma_wait3A_110 = arith.constant 78 : i32
    %dma_wait3A_111 = arith.constant 0 : i32
    %dma_wait3A_112 = tpu.memref_slice %arg11[%dma_wait3A_110, %dma_wait3A_111] : memref<80x125xi32, #tpu.memory_space<vmem>> -> memref<1x125xi32, #tpu.memory_space<vmem>>
    %dma_wait3A_113 = tpu.memref_squeeze %dma_wait3A_112 : memref<1x125xi32, #tpu.memory_space<vmem>> -> memref<125xi32, #tpu.memory_space<vmem>>
    %dma_wait3A_114 = arith.constant 0 : i32
    %dma_wait3A_115 = arith.constant 0 : i32
    %dma_wait3A_116 = tpu.memref_slice %arg16[%dma_wait3A_114, %dma_wait3A_115] : memref<10000x64xf32, #tpu.memory_space<vmem_shared>> -> memref<10000x64xf32, #tpu.memory_space<vmem_shared>>
    tpu.wait_indirect_dma semaphore(%arg23 : memref<!tpu.dma_semaphore, #tpu.memory_space<semaphore_mem>>) src(%arg14 : memref<125x64xf32, #tpu.memory_space<vmem>>) dst(%dma_wait3A_116 : memref<10000x64xf32, #tpu.memory_space<vmem_shared>>)
    %dma_wait3A_117 = arith.constant 79 : i32
    %dma_wait3A_118 = arith.constant 0 : i32
    %dma_wait3A_119 = tpu.memref_slice %arg11[%dma_wait3A_117, %dma_wait3A_118] : memref<80x125xi32, #tpu.memory_space<vmem>> -> memref<1x125xi32, #tpu.memory_space<vmem>>
    %dma_wait3A_120 = tpu.memref_squeeze %dma_wait3A_119 : memref<1x125xi32, #tpu.memory_space<vmem>> -> memref<125xi32, #tpu.memory_space<vmem>>
    %dma_wait3A_121 = arith.constant 0 : i32
    %dma_wait3A_122 = arith.constant 0 : i32
    %dma_wait3A_123 = tpu.memref_slice %arg16[%dma_wait3A_121, %dma_wait3A_122] : memref<10000x64xf32, #tpu.memory_space<vmem_shared>> -> memref<10000x64xf32, #tpu.memory_space<vmem_shared>>
    tpu.wait_indirect_dma semaphore(%arg24 : memref<!tpu.dma_semaphore, #tpu.memory_space<semaphore_mem>>) src(%arg15 : memref<125x64xf32, #tpu.memory_space<vmem>>) dst(%dma_wait3A_123 : memref<10000x64xf32, #tpu.memory_space<vmem_shared>>)
    "tpu.region"() ({
      %run_scoped3A = tpu.sem_alloc : memref<!tpu.dma_semaphore, #tpu.memory_space<semaphore_mem>>
      %dma_start3A_253 = arith.constant 0 : i32
      %dma_start3A_254 = arith.constant 0 : i32
      %dma_start3A_255 = tpu.memref_slice %arg10[%dma_start3A_253, %dma_start3A_254] : memref<80x125xi32, #tpu.memory_space<vmem>> -> memref<80x125xi32, #tpu.memory_space<vmem>>
      %dma_start3A_256 = arith.constant 80 : i32
      %dma_start3A_257 = arith.constant 0 : i32
      %dma_start3A_258 = tpu.memref_slice %arg3[%arg0, %arg1, %dma_start3A_256, %dma_start3A_257] : memref<2x16x160x125xi32, #tpu.memory_space<hbm>> -> memref<1x1x80x125xi32, #tpu.memory_space<hbm>>
      %dma_start3A_259 = tpu.memref_squeeze %dma_start3A_258 : memref<1x1x80x125xi32, #tpu.memory_space<hbm>> -> memref<80x125xi32, #tpu.memory_space<hbm>>
      %dma_start3A_260 = arith.constant 0 : i32
      %dma_start3A_261 = arith.constant 0 : i32
      %dma_start3A_262 = tpu.memref_slice %arg10[%dma_start3A_260, %dma_start3A_261] : memref<80x125xi32, #tpu.memory_space<vmem>> -> memref<80x125xi32, #tpu.memory_space<vmem>>
      %dma_start3A_263 = arith.constant 80 : i32
      %dma_start3A_264 = arith.constant 0 : i32
      %dma_start3A_265 = tpu.memref_slice %arg3[%arg0, %arg1, %dma_start3A_263, %dma_start3A_264] : memref<2x16x160x125xi32, #tpu.memory_space<hbm>> -> memref<1x1x80x125xi32, #tpu.memory_space<hbm>>
      %dma_start3A_266 = tpu.memref_squeeze %dma_start3A_265 : memref<1x1x80x125xi32, #tpu.memory_space<hbm>> -> memref<80x125xi32, #tpu.memory_space<hbm>>
      tpu.enqueue_dma source(%dma_start3A_266 : memref<80x125xi32, #tpu.memory_space<hbm>>) target(%dma_start3A_262 : memref<80x125xi32, #tpu.memory_space<vmem>>) target_semaphore(%run_scoped3A : memref<!tpu.dma_semaphore, #tpu.memory_space<semaphore_mem>>)
      %dma_wait3A_267 = arith.constant 0 : i32
      %dma_wait3A_268 = arith.constant 0 : i32
      %dma_wait3A_269 = tpu.memref_slice %arg10[%dma_wait3A_267, %dma_wait3A_268] : memref<80x125xi32, #tpu.memory_space<vmem>> -> memref<80x125xi32, #tpu.memory_space<vmem>>
      %dma_wait3A_270 = arith.constant 80 : i32
      %dma_wait3A_271 = arith.constant 0 : i32
      %dma_wait3A_272 = tpu.memref_slice %arg3[%arg0, %arg1, %dma_wait3A_270, %dma_wait3A_271] : memref<2x16x160x125xi32, #tpu.memory_space<hbm>> -> memref<1x1x80x125xi32, #tpu.memory_space<hbm>>
      %dma_wait3A_273 = tpu.memref_squeeze %dma_wait3A_272 : memref<1x1x80x125xi32, #tpu.memory_space<hbm>> -> memref<80x125xi32, #tpu.memory_space<hbm>>
      %dma_wait3A_274 = arith.constant 0 : i32
      %dma_wait3A_275 = arith.constant 0 : i32
      %dma_wait3A_276 = tpu.memref_slice %arg10[%dma_wait3A_274, %dma_wait3A_275] : memref<80x125xi32, #tpu.memory_space<vmem>> -> memref<80x125xi32, #tpu.memory_space<vmem>>
      %dma_wait3A_277 = arith.constant 80 : i32
      %dma_wait3A_278 = arith.constant 0 : i32
      %dma_wait3A_279 = tpu.memref_slice %arg3[%arg0, %arg1, %dma_wait3A_277, %dma_wait3A_278] : memref<2x16x160x125xi32, #tpu.memory_space<hbm>> -> memref<1x1x80x125xi32, #tpu.memory_space<hbm>>
      %dma_wait3A_280 = tpu.memref_squeeze %dma_wait3A_279 : memref<1x1x80x125xi32, #tpu.memory_space<hbm>> -> memref<80x125xi32, #tpu.memory_space<hbm>>
      tpu.wait_dma2 semaphore(%run_scoped3A : memref<!tpu.dma_semaphore, #tpu.memory_space<semaphore_mem>>) src(%dma_wait3A_280 : memref<80x125xi32, #tpu.memory_space<hbm>>) dst(%dma_wait3A_276 : memref<80x125xi32, #tpu.memory_space<vmem>>)
      tpu.yield
    }) : () -> ()
    "tpu.region"() ({
      %run_scoped3A = tpu.sem_alloc : memref<!tpu.dma_semaphore, #tpu.memory_space<semaphore_mem>>
      %dma_start3A_253 = arith.constant 0 : i32
      %dma_start3A_254 = arith.constant 0 : i32
      %dma_start3A_255 = tpu.memref_slice %arg11[%dma_start3A_253, %dma_start3A_254] : memref<80x125xi32, #tpu.memory_space<vmem>> -> memref<80x125xi32, #tpu.memory_space<vmem>>
      %dma_start3A_256 = arith.constant 80 : i32
      %dma_start3A_257 = arith.constant 0 : i32
      %dma_start3A_258 = tpu.memref_slice %arg4[%arg1, %dma_start3A_256, %dma_start3A_257] : memref<16x160x125xi32, #tpu.memory_space<hbm>> -> memref<1x80x125xi32, #tpu.memory_space<hbm>>
      %dma_start3A_259 = tpu.memref_squeeze %dma_start3A_258 : memref<1x80x125xi32, #tpu.memory_space<hbm>> -> memref<80x125xi32, #tpu.memory_space<hbm>>
      %dma_start3A_260 = arith.constant 0 : i32
      %dma_start3A_261 = arith.constant 0 : i32
      %dma_start3A_262 = tpu.memref_slice %arg11[%dma_start3A_260, %dma_start3A_261] : memref<80x125xi32, #tpu.memory_space<vmem>> -> memref<80x125xi32, #tpu.memory_space<vmem>>
      %dma_start3A_263 = arith.constant 80 : i32
      %dma_start3A_264 = arith.constant 0 : i32
      %dma_start3A_265 = tpu.memref_slice %arg4[%arg1, %dma_start3A_263, %dma_start3A_264] : memref<16x160x125xi32, #tpu.memory_space<hbm>> -> memref<1x80x125xi32, #tpu.memory_space<hbm>>
      %dma_start3A_266 = tpu.memref_squeeze %dma_start3A_265 : memref<1x80x125xi32, #tpu.memory_space<hbm>> -> memref<80x125xi32, #tpu.memory_space<hbm>>
      tpu.enqueue_dma source(%dma_start3A_266 : memref<80x125xi32, #tpu.memory_space<hbm>>) target(%dma_start3A_262 : memref<80x125xi32, #tpu.memory_space<vmem>>) target_semaphore(%run_scoped3A : memref<!tpu.dma_semaphore, #tpu.memory_space<semaphore_mem>>)
      %dma_wait3A_267 = arith.constant 0 : i32
      %dma_wait3A_268 = arith.constant 0 : i32
      %dma_wait3A_269 = tpu.memref_slice %arg11[%dma_wait3A_267, %dma_wait3A_268] : memref<80x125xi32, #tpu.memory_space<vmem>> -> memref<80x125xi32, #tpu.memory_space<vmem>>
      %dma_wait3A_270 = arith.constant 80 : i32
      %dma_wait3A_271 = arith.constant 0 : i32
      %dma_wait3A_272 = tpu.memref_slice %arg4[%arg1, %dma_wait3A_270, %dma_wait3A_271] : memref<16x160x125xi32, #tpu.memory_space<hbm>> -> memref<1x80x125xi32, #tpu.memory_space<hbm>>
      %dma_wait3A_273 = tpu.memref_squeeze %dma_wait3A_272 : memref<1x80x125xi32, #tpu.memory_space<hbm>> -> memref<80x125xi32, #tpu.memory_space<hbm>>
      %dma_wait3A_274 = arith.constant 0 : i32
      %dma_wait3A_275 = arith.constant 0 : i32
      %dma_wait3A_276 = tpu.memref_slice %arg11[%dma_wait3A_274, %dma_wait3A_275] : memref<80x125xi32, #tpu.memory_space<vmem>> -> memref<80x125xi32, #tpu.memory_space<vmem>>
      %dma_wait3A_277 = arith.constant 80 : i32
      %dma_wait3A_278 = arith.constant 0 : i32
      %dma_wait3A_279 = tpu.memref_slice %arg4[%arg1, %dma_wait3A_277, %dma_wait3A_278] : memref<16x160x125xi32, #tpu.memory_space<hbm>> -> memref<1x80x125xi32, #tpu.memory_space<hbm>>
      %dma_wait3A_280 = tpu.memref_squeeze %dma_wait3A_279 : memref<1x80x125xi32, #tpu.memory_space<hbm>> -> memref<80x125xi32, #tpu.memory_space<hbm>>
      tpu.wait_dma2 semaphore(%run_scoped3A : memref<!tpu.dma_semaphore, #tpu.memory_space<semaphore_mem>>) src(%dma_wait3A_280 : memref<80x125xi32, #tpu.memory_space<hbm>>) dst(%dma_wait3A_276 : memref<80x125xi32, #tpu.memory_space<vmem>>)
      tpu.yield
    }) : () -> ()
    %dma_start3A_124 = arith.constant 0 : i32
    %dma_start3A_125 = arith.constant 0 : i32
    %dma_start3A_126 = tpu.memref_slice %arg10[%dma_start3A_124, %dma_start3A_125] : memref<80x125xi32, #tpu.memory_space<vmem>> -> memref<1x125xi32, #tpu.memory_space<vmem>>
    %dma_start3A_127 = tpu.memref_squeeze %dma_start3A_126 : memref<1x125xi32, #tpu.memory_space<vmem>> -> memref<125xi32, #tpu.memory_space<vmem>>
    %dma_start3A_128 = arith.constant 0 : i32
    %dma_start3A_129 = arith.constant 0 : i32
    %dma_start3A_130 = tpu.memref_slice %arg2[%dma_start3A_128, %dma_start3A_129] : memref<20000x64xf32, #tpu.memory_space<hbm>> -> memref<20000x64xf32, #tpu.memory_space<hbm>>
    tpu.enqueue_indirect_dma source(%dma_start3A_130 : memref<20000x64xf32, #tpu.memory_space<hbm>>) target(%arg12 : memref<125x64xf32, #tpu.memory_space<vmem>>) offsets(%dma_start3A_127 : memref<125xi32, #tpu.memory_space<vmem>>) semaphore(%arg17 : memref<!tpu.dma_semaphore, #tpu.memory_space<semaphore_mem>>)
    %dma_start3A_131 = arith.constant 1 : i32
    %dma_start3A_132 = arith.constant 0 : i32
    %dma_start3A_133 = tpu.memref_slice %arg10[%dma_start3A_131, %dma_start3A_132] : memref<80x125xi32, #tpu.memory_space<vmem>> -> memref<1x125xi32, #tpu.memory_space<vmem>>
    %dma_start3A_134 = tpu.memref_squeeze %dma_start3A_133 : memref<1x125xi32, #tpu.memory_space<vmem>> -> memref<125xi32, #tpu.memory_space<vmem>>
    %dma_start3A_135 = arith.constant 0 : i32
    %dma_start3A_136 = arith.constant 0 : i32
    %dma_start3A_137 = tpu.memref_slice %arg2[%dma_start3A_135, %dma_start3A_136] : memref<20000x64xf32, #tpu.memory_space<hbm>> -> memref<20000x64xf32, #tpu.memory_space<hbm>>
    tpu.enqueue_indirect_dma source(%dma_start3A_137 : memref<20000x64xf32, #tpu.memory_space<hbm>>) target(%arg13 : memref<125x64xf32, #tpu.memory_space<vmem>>) offsets(%dma_start3A_134 : memref<125xi32, #tpu.memory_space<vmem>>) semaphore(%arg18 : memref<!tpu.dma_semaphore, #tpu.memory_space<semaphore_mem>>)
    %dma_start3A_138 = arith.constant 2 : i32
    %dma_start3A_139 = arith.constant 0 : i32
    %dma_start3A_140 = tpu.memref_slice %arg10[%dma_start3A_138, %dma_start3A_139] : memref<80x125xi32, #tpu.memory_space<vmem>> -> memref<1x125xi32, #tpu.memory_space<vmem>>
    %dma_start3A_141 = tpu.memref_squeeze %dma_start3A_140 : memref<1x125xi32, #tpu.memory_space<vmem>> -> memref<125xi32, #tpu.memory_space<vmem>>
    %dma_start3A_142 = arith.constant 0 : i32
    %dma_start3A_143 = arith.constant 0 : i32
    %dma_start3A_144 = tpu.memref_slice %arg2[%dma_start3A_142, %dma_start3A_143] : memref<20000x64xf32, #tpu.memory_space<hbm>> -> memref<20000x64xf32, #tpu.memory_space<hbm>>
    tpu.enqueue_indirect_dma source(%dma_start3A_144 : memref<20000x64xf32, #tpu.memory_space<hbm>>) target(%arg14 : memref<125x64xf32, #tpu.memory_space<vmem>>) offsets(%dma_start3A_141 : memref<125xi32, #tpu.memory_space<vmem>>) semaphore(%arg19 : memref<!tpu.dma_semaphore, #tpu.memory_space<semaphore_mem>>)
    %dma_start3A_145 = arith.constant 3 : i32
    %dma_start3A_146 = arith.constant 0 : i32
    %dma_start3A_147 = tpu.memref_slice %arg10[%dma_start3A_145, %dma_start3A_146] : memref<80x125xi32, #tpu.memory_space<vmem>> -> memref<1x125xi32, #tpu.memory_space<vmem>>
    %dma_start3A_148 = tpu.memref_squeeze %dma_start3A_147 : memref<1x125xi32, #tpu.memory_space<vmem>> -> memref<125xi32, #tpu.memory_space<vmem>>
    %dma_start3A_149 = arith.constant 0 : i32
    %dma_start3A_150 = arith.constant 0 : i32
    %dma_start3A_151 = tpu.memref_slice %arg2[%dma_start3A_149, %dma_start3A_150] : memref<20000x64xf32, #tpu.memory_space<hbm>> -> memref<20000x64xf32, #tpu.memory_space<hbm>>
    tpu.enqueue_indirect_dma source(%dma_start3A_151 : memref<20000x64xf32, #tpu.memory_space<hbm>>) target(%arg15 : memref<125x64xf32, #tpu.memory_space<vmem>>) offsets(%dma_start3A_148 : memref<125xi32, #tpu.memory_space<vmem>>) semaphore(%arg20 : memref<!tpu.dma_semaphore, #tpu.memory_space<semaphore_mem>>)
    %scan3A_152 = arith.constant 0 : i32
    %scan3A_153 = arith.constant 19 : i32
    %scan3A_154 = arith.addi %scan3A_152, %scan3A_153 : i32
    %scan3A_155 = arith.constant 1 : i32
    scf.for %scan3A_253 = %scan3A_152 to %scan3A_154 step %scan3A_155  : i32 {
      %mul3A_254 = arith.constant 4 : i32
      %mul3A_255 = arith.muli %scan3A_253, %mul3A_254 : i32
      %add3A = arith.constant 0 : i32
      %add3A_256 = arith.addi %add3A, %mul3A_255 : i32
      %add3A_257 = arith.constant 0 : i32
      %add3A_258 = arith.addi %add3A_256, %add3A_257 : i32
      %dma_wait3A_259 = arith.constant 0 : i32
      %dma_wait3A_260 = tpu.memref_slice %arg10[%add3A_258, %dma_wait3A_259] : memref<80x125xi32, #tpu.memory_space<vmem>> -> memref<1x125xi32, #tpu.memory_space<vmem>>
      %dma_wait3A_261 = tpu.memref_squeeze %dma_wait3A_260 : memref<1x125xi32, #tpu.memory_space<vmem>> -> memref<125xi32, #tpu.memory_space<vmem>>
      %dma_wait3A_262 = arith.constant 0 : i32
      %dma_wait3A_263 = arith.constant 0 : i32
      %dma_wait3A_264 = tpu.memref_slice %arg2[%dma_wait3A_262, %dma_wait3A_263] : memref<20000x64xf32, #tpu.memory_space<hbm>> -> memref<20000x64xf32, #tpu.memory_space<hbm>>
      tpu.wait_indirect_dma semaphore(%arg17 : memref<!tpu.dma_semaphore, #tpu.memory_space<semaphore_mem>>) src(%dma_wait3A_264 : memref<20000x64xf32, #tpu.memory_space<hbm>>) dst(%arg12 : memref<125x64xf32, #tpu.memory_space<vmem>>)
      %add3A_265 = arith.constant 0 : i32
      %add3A_266 = arith.addi %add3A_256, %add3A_265 : i32
      %dma_start3A_267 = arith.constant 0 : i32
      %dma_start3A_268 = tpu.memref_slice %arg11[%add3A_266, %dma_start3A_267] : memref<80x125xi32, #tpu.memory_space<vmem>> -> memref<1x125xi32, #tpu.memory_space<vmem>>
      %dma_start3A_269 = tpu.memref_squeeze %dma_start3A_268 : memref<1x125xi32, #tpu.memory_space<vmem>> -> memref<125xi32, #tpu.memory_space<vmem>>
      %dma_start3A_270 = arith.constant 0 : i32
      %dma_start3A_271 = arith.constant 0 : i32
      %dma_start3A_272 = tpu.memref_slice %arg16[%dma_start3A_270, %dma_start3A_271] : memref<10000x64xf32, #tpu.memory_space<vmem_shared>> -> memref<10000x64xf32, #tpu.memory_space<vmem_shared>>
      tpu.enqueue_indirect_dma source(%arg12 : memref<125x64xf32, #tpu.memory_space<vmem>>) target(%dma_start3A_272 : memref<10000x64xf32, #tpu.memory_space<vmem_shared>>) offsets(%dma_start3A_269 : memref<125xi32, #tpu.memory_space<vmem>>) semaphore(%arg21 : memref<!tpu.dma_semaphore, #tpu.memory_space<semaphore_mem>>) {add = true}
      %add3A_273 = arith.constant 1 : i32
      %add3A_274 = arith.addi %add3A_256, %add3A_273 : i32
      %dma_wait3A_275 = arith.constant 0 : i32
      %dma_wait3A_276 = tpu.memref_slice %arg10[%add3A_274, %dma_wait3A_275] : memref<80x125xi32, #tpu.memory_space<vmem>> -> memref<1x125xi32, #tpu.memory_space<vmem>>
      %dma_wait3A_277 = tpu.memref_squeeze %dma_wait3A_276 : memref<1x125xi32, #tpu.memory_space<vmem>> -> memref<125xi32, #tpu.memory_space<vmem>>
      %dma_wait3A_278 = arith.constant 0 : i32
      %dma_wait3A_279 = arith.constant 0 : i32
      %dma_wait3A_280 = tpu.memref_slice %arg2[%dma_wait3A_278, %dma_wait3A_279] : memref<20000x64xf32, #tpu.memory_space<hbm>> -> memref<20000x64xf32, #tpu.memory_space<hbm>>
      tpu.wait_indirect_dma semaphore(%arg18 : memref<!tpu.dma_semaphore, #tpu.memory_space<semaphore_mem>>) src(%dma_wait3A_280 : memref<20000x64xf32, #tpu.memory_space<hbm>>) dst(%arg13 : memref<125x64xf32, #tpu.memory_space<vmem>>)
      %add3A_281 = arith.constant 1 : i32
      %add3A_282 = arith.addi %add3A_256, %add3A_281 : i32
      %dma_start3A_283 = arith.constant 0 : i32
      %dma_start3A_284 = tpu.memref_slice %arg11[%add3A_282, %dma_start3A_283] : memref<80x125xi32, #tpu.memory_space<vmem>> -> memref<1x125xi32, #tpu.memory_space<vmem>>
      %dma_start3A_285 = tpu.memref_squeeze %dma_start3A_284 : memref<1x125xi32, #tpu.memory_space<vmem>> -> memref<125xi32, #tpu.memory_space<vmem>>
      %dma_start3A_286 = arith.constant 0 : i32
      %dma_start3A_287 = arith.constant 0 : i32
      %dma_start3A_288 = tpu.memref_slice %arg16[%dma_start3A_286, %dma_start3A_287] : memref<10000x64xf32, #tpu.memory_space<vmem_shared>> -> memref<10000x64xf32, #tpu.memory_space<vmem_shared>>
      tpu.enqueue_indirect_dma source(%arg13 : memref<125x64xf32, #tpu.memory_space<vmem>>) target(%dma_start3A_288 : memref<10000x64xf32, #tpu.memory_space<vmem_shared>>) offsets(%dma_start3A_285 : memref<125xi32, #tpu.memory_space<vmem>>) semaphore(%arg22 : memref<!tpu.dma_semaphore, #tpu.memory_space<semaphore_mem>>) {add = true}
      %add3A_289 = arith.constant 2 : i32
      %add3A_290 = arith.addi %add3A_256, %add3A_289 : i32
      %dma_wait3A_291 = arith.constant 0 : i32
      %dma_wait3A_292 = tpu.memref_slice %arg10[%add3A_290, %dma_wait3A_291] : memref<80x125xi32, #tpu.memory_space<vmem>> -> memref<1x125xi32, #tpu.memory_space<vmem>>
      %dma_wait3A_293 = tpu.memref_squeeze %dma_wait3A_292 : memref<1x125xi32, #tpu.memory_space<vmem>> -> memref<125xi32, #tpu.memory_space<vmem>>
      %dma_wait3A_294 = arith.constant 0 : i32
      %dma_wait3A_295 = arith.constant 0 : i32
      %dma_wait3A_296 = tpu.memref_slice %arg2[%dma_wait3A_294, %dma_wait3A_295] : memref<20000x64xf32, #tpu.memory_space<hbm>> -> memref<20000x64xf32, #tpu.memory_space<hbm>>
      tpu.wait_indirect_dma semaphore(%arg19 : memref<!tpu.dma_semaphore, #tpu.memory_space<semaphore_mem>>) src(%dma_wait3A_296 : memref<20000x64xf32, #tpu.memory_space<hbm>>) dst(%arg14 : memref<125x64xf32, #tpu.memory_space<vmem>>)
      %add3A_297 = arith.constant 2 : i32
      %add3A_298 = arith.addi %add3A_256, %add3A_297 : i32
      %dma_start3A_299 = arith.constant 0 : i32
      %dma_start3A_300 = tpu.memref_slice %arg11[%add3A_298, %dma_start3A_299] : memref<80x125xi32, #tpu.memory_space<vmem>> -> memref<1x125xi32, #tpu.memory_space<vmem>>
      %dma_start3A_301 = tpu.memref_squeeze %dma_start3A_300 : memref<1x125xi32, #tpu.memory_space<vmem>> -> memref<125xi32, #tpu.memory_space<vmem>>
      %dma_start3A_302 = arith.constant 0 : i32
      %dma_start3A_303 = arith.constant 0 : i32
      %dma_start3A_304 = tpu.memref_slice %arg16[%dma_start3A_302, %dma_start3A_303] : memref<10000x64xf32, #tpu.memory_space<vmem_shared>> -> memref<10000x64xf32, #tpu.memory_space<vmem_shared>>
      tpu.enqueue_indirect_dma source(%arg14 : memref<125x64xf32, #tpu.memory_space<vmem>>) target(%dma_start3A_304 : memref<10000x64xf32, #tpu.memory_space<vmem_shared>>) offsets(%dma_start3A_301 : memref<125xi32, #tpu.memory_space<vmem>>) semaphore(%arg23 : memref<!tpu.dma_semaphore, #tpu.memory_space<semaphore_mem>>) {add = true}
      %add3A_305 = arith.constant 3 : i32
      %add3A_306 = arith.addi %add3A_256, %add3A_305 : i32
      %dma_wait3A_307 = arith.constant 0 : i32
      %dma_wait3A_308 = tpu.memref_slice %arg10[%add3A_306, %dma_wait3A_307] : memref<80x125xi32, #tpu.memory_space<vmem>> -> memref<1x125xi32, #tpu.memory_space<vmem>>
      %dma_wait3A_309 = tpu.memref_squeeze %dma_wait3A_308 : memref<1x125xi32, #tpu.memory_space<vmem>> -> memref<125xi32, #tpu.memory_space<vmem>>
      %dma_wait3A_310 = arith.constant 0 : i32
      %dma_wait3A_311 = arith.constant 0 : i32
      %dma_wait3A_312 = tpu.memref_slice %arg2[%dma_wait3A_310, %dma_wait3A_311] : memref<20000x64xf32, #tpu.memory_space<hbm>> -> memref<20000x64xf32, #tpu.memory_space<hbm>>
      tpu.wait_indirect_dma semaphore(%arg20 : memref<!tpu.dma_semaphore, #tpu.memory_space<semaphore_mem>>) src(%dma_wait3A_312 : memref<20000x64xf32, #tpu.memory_space<hbm>>) dst(%arg15 : memref<125x64xf32, #tpu.memory_space<vmem>>)
      %add3A_313 = arith.constant 3 : i32
      %add3A_314 = arith.addi %add3A_256, %add3A_313 : i32
      %dma_start3A_315 = arith.constant 0 : i32
      %dma_start3A_316 = tpu.memref_slice %arg11[%add3A_314, %dma_start3A_315] : memref<80x125xi32, #tpu.memory_space<vmem>> -> memref<1x125xi32, #tpu.memory_space<vmem>>
      %dma_start3A_317 = tpu.memref_squeeze %dma_start3A_316 : memref<1x125xi32, #tpu.memory_space<vmem>> -> memref<125xi32, #tpu.memory_space<vmem>>
      %dma_start3A_318 = arith.constant 0 : i32
      %dma_start3A_319 = arith.constant 0 : i32
      %dma_start3A_320 = tpu.memref_slice %arg16[%dma_start3A_318, %dma_start3A_319] : memref<10000x64xf32, #tpu.memory_space<vmem_shared>> -> memref<10000x64xf32, #tpu.memory_space<vmem_shared>>
      tpu.enqueue_indirect_dma source(%arg15 : memref<125x64xf32, #tpu.memory_space<vmem>>) target(%dma_start3A_320 : memref<10000x64xf32, #tpu.memory_space<vmem_shared>>) offsets(%dma_start3A_317 : memref<125xi32, #tpu.memory_space<vmem>>) semaphore(%arg24 : memref<!tpu.dma_semaphore, #tpu.memory_space<semaphore_mem>>) {add = true}
      %add3A_321 = arith.constant 0 : i32
      %add3A_322 = arith.addi %add3A_256, %add3A_321 : i32
      %dma_wait3A_323 = arith.constant 0 : i32
      %dma_wait3A_324 = tpu.memref_slice %arg11[%add3A_322, %dma_wait3A_323] : memref<80x125xi32, #tpu.memory_space<vmem>> -> memref<1x125xi32, #tpu.memory_space<vmem>>
      %dma_wait3A_325 = tpu.memref_squeeze %dma_wait3A_324 : memref<1x125xi32, #tpu.memory_space<vmem>> -> memref<125xi32, #tpu.memory_space<vmem>>
      %dma_wait3A_326 = arith.constant 0 : i32
      %dma_wait3A_327 = arith.constant 0 : i32
      %dma_wait3A_328 = tpu.memref_slice %arg16[%dma_wait3A_326, %dma_wait3A_327] : memref<10000x64xf32, #tpu.memory_space<vmem_shared>> -> memref<10000x64xf32, #tpu.memory_space<vmem_shared>>
      tpu.wait_indirect_dma semaphore(%arg21 : memref<!tpu.dma_semaphore, #tpu.memory_space<semaphore_mem>>) src(%arg12 : memref<125x64xf32, #tpu.memory_space<vmem>>) dst(%dma_wait3A_328 : memref<10000x64xf32, #tpu.memory_space<vmem_shared>>)
      %add3A_329 = arith.constant 4 : i32
      %add3A_330 = arith.addi %add3A_256, %add3A_329 : i32
      %add3A_331 = arith.constant 0 : i32
      %add3A_332 = arith.addi %add3A_330, %add3A_331 : i32
      %dma_start3A_333 = arith.constant 0 : i32
      %dma_start3A_334 = tpu.memref_slice %arg10[%add3A_332, %dma_start3A_333] : memref<80x125xi32, #tpu.memory_space<vmem>> -> memref<1x125xi32, #tpu.memory_space<vmem>>
      %dma_start3A_335 = tpu.memref_squeeze %dma_start3A_334 : memref<1x125xi32, #tpu.memory_space<vmem>> -> memref<125xi32, #tpu.memory_space<vmem>>
      %dma_start3A_336 = arith.constant 0 : i32
      %dma_start3A_337 = arith.constant 0 : i32
      %dma_start3A_338 = tpu.memref_slice %arg2[%dma_start3A_336, %dma_start3A_337] : memref<20000x64xf32, #tpu.memory_space<hbm>> -> memref<20000x64xf32, #tpu.memory_space<hbm>>
      tpu.enqueue_indirect_dma source(%dma_start3A_338 : memref<20000x64xf32, #tpu.memory_space<hbm>>) target(%arg12 : memref<125x64xf32, #tpu.memory_space<vmem>>) offsets(%dma_start3A_335 : memref<125xi32, #tpu.memory_space<vmem>>) semaphore(%arg17 : memref<!tpu.dma_semaphore, #tpu.memory_space<semaphore_mem>>)
      %add3A_339 = arith.constant 1 : i32
      %add3A_340 = arith.addi %add3A_256, %add3A_339 : i32
      %dma_wait3A_341 = arith.constant 0 : i32
      %dma_wait3A_342 = tpu.memref_slice %arg11[%add3A_340, %dma_wait3A_341] : memref<80x125xi32, #tpu.memory_space<vmem>> -> memref<1x125xi32, #tpu.memory_space<vmem>>
      %dma_wait3A_343 = tpu.memref_squeeze %dma_wait3A_342 : memref<1x125xi32, #tpu.memory_space<vmem>> -> memref<125xi32, #tpu.memory_space<vmem>>
      %dma_wait3A_344 = arith.constant 0 : i32
      %dma_wait3A_345 = arith.constant 0 : i32
      %dma_wait3A_346 = tpu.memref_slice %arg16[%dma_wait3A_344, %dma_wait3A_345] : memref<10000x64xf32, #tpu.memory_space<vmem_shared>> -> memref<10000x64xf32, #tpu.memory_space<vmem_shared>>
      tpu.wait_indirect_dma semaphore(%arg22 : memref<!tpu.dma_semaphore, #tpu.memory_space<semaphore_mem>>) src(%arg13 : memref<125x64xf32, #tpu.memory_space<vmem>>) dst(%dma_wait3A_346 : memref<10000x64xf32, #tpu.memory_space<vmem_shared>>)
      %add3A_347 = arith.constant 4 : i32
      %add3A_348 = arith.addi %add3A_256, %add3A_347 : i32
      %add3A_349 = arith.constant 1 : i32
      %add3A_350 = arith.addi %add3A_348, %add3A_349 : i32
      %dma_start3A_351 = arith.constant 0 : i32
      %dma_start3A_352 = tpu.memref_slice %arg10[%add3A_350, %dma_start3A_351] : memref<80x125xi32, #tpu.memory_space<vmem>> -> memref<1x125xi32, #tpu.memory_space<vmem>>
      %dma_start3A_353 = tpu.memref_squeeze %dma_start3A_352 : memref<1x125xi32, #tpu.memory_space<vmem>> -> memref<125xi32, #tpu.memory_space<vmem>>
      %dma_start3A_354 = arith.constant 0 : i32
      %dma_start3A_355 = arith.constant 0 : i32
      %dma_start3A_356 = tpu.memref_slice %arg2[%dma_start3A_354, %dma_start3A_355] : memref<20000x64xf32, #tpu.memory_space<hbm>> -> memref<20000x64xf32, #tpu.memory_space<hbm>>
      tpu.enqueue_indirect_dma source(%dma_start3A_356 : memref<20000x64xf32, #tpu.memory_space<hbm>>) target(%arg13 : memref<125x64xf32, #tpu.memory_space<vmem>>) offsets(%dma_start3A_353 : memref<125xi32, #tpu.memory_space<vmem>>) semaphore(%arg18 : memref<!tpu.dma_semaphore, #tpu.memory_space<semaphore_mem>>)
      %add3A_357 = arith.constant 2 : i32
      %add3A_358 = arith.addi %add3A_256, %add3A_357 : i32
      %dma_wait3A_359 = arith.constant 0 : i32
      %dma_wait3A_360 = tpu.memref_slice %arg11[%add3A_358, %dma_wait3A_359] : memref<80x125xi32, #tpu.memory_space<vmem>> -> memref<1x125xi32, #tpu.memory_space<vmem>>
      %dma_wait3A_361 = tpu.memref_squeeze %dma_wait3A_360 : memref<1x125xi32, #tpu.memory_space<vmem>> -> memref<125xi32, #tpu.memory_space<vmem>>
      %dma_wait3A_362 = arith.constant 0 : i32
      %dma_wait3A_363 = arith.constant 0 : i32
      %dma_wait3A_364 = tpu.memref_slice %arg16[%dma_wait3A_362, %dma_wait3A_363] : memref<10000x64xf32, #tpu.memory_space<vmem_shared>> -> memref<10000x64xf32, #tpu.memory_space<vmem_shared>>
      tpu.wait_indirect_dma semaphore(%arg23 : memref<!tpu.dma_semaphore, #tpu.memory_space<semaphore_mem>>) src(%arg14 : memref<125x64xf32, #tpu.memory_space<vmem>>) dst(%dma_wait3A_364 : memref<10000x64xf32, #tpu.memory_space<vmem_shared>>)
      %add3A_365 = arith.constant 4 : i32
      %add3A_366 = arith.addi %add3A_256, %add3A_365 : i32
      %add3A_367 = arith.constant 2 : i32
      %add3A_368 = arith.addi %add3A_366, %add3A_367 : i32
      %dma_start3A_369 = arith.constant 0 : i32
      %dma_start3A_370 = tpu.memref_slice %arg10[%add3A_368, %dma_start3A_369] : memref<80x125xi32, #tpu.memory_space<vmem>> -> memref<1x125xi32, #tpu.memory_space<vmem>>
      %dma_start3A_371 = tpu.memref_squeeze %dma_start3A_370 : memref<1x125xi32, #tpu.memory_space<vmem>> -> memref<125xi32, #tpu.memory_space<vmem>>
      %dma_start3A_372 = arith.constant 0 : i32
      %dma_start3A_373 = arith.constant 0 : i32
      %dma_start3A_374 = tpu.memref_slice %arg2[%dma_start3A_372, %dma_start3A_373] : memref<20000x64xf32, #tpu.memory_space<hbm>> -> memref<20000x64xf32, #tpu.memory_space<hbm>>
      tpu.enqueue_indirect_dma source(%dma_start3A_374 : memref<20000x64xf32, #tpu.memory_space<hbm>>) target(%arg14 : memref<125x64xf32, #tpu.memory_space<vmem>>) offsets(%dma_start3A_371 : memref<125xi32, #tpu.memory_space<vmem>>) semaphore(%arg19 : memref<!tpu.dma_semaphore, #tpu.memory_space<semaphore_mem>>)
      %add3A_375 = arith.constant 3 : i32
      %add3A_376 = arith.addi %add3A_256, %add3A_375 : i32
      %dma_wait3A_377 = arith.constant 0 : i32
      %dma_wait3A_378 = tpu.memref_slice %arg11[%add3A_376, %dma_wait3A_377] : memref<80x125xi32, #tpu.memory_space<vmem>> -> memref<1x125xi32, #tpu.memory_space<vmem>>
      %dma_wait3A_379 = tpu.memref_squeeze %dma_wait3A_378 : memref<1x125xi32, #tpu.memory_space<vmem>> -> memref<125xi32, #tpu.memory_space<vmem>>
      %dma_wait3A_380 = arith.constant 0 : i32
      %dma_wait3A_381 = arith.constant 0 : i32
      %dma_wait3A_382 = tpu.memref_slice %arg16[%dma_wait3A_380, %dma_wait3A_381] : memref<10000x64xf32, #tpu.memory_space<vmem_shared>> -> memref<10000x64xf32, #tpu.memory_space<vmem_shared>>
      tpu.wait_indirect_dma semaphore(%arg24 : memref<!tpu.dma_semaphore, #tpu.memory_space<semaphore_mem>>) src(%arg15 : memref<125x64xf32, #tpu.memory_space<vmem>>) dst(%dma_wait3A_382 : memref<10000x64xf32, #tpu.memory_space<vmem_shared>>)
      %add3A_383 = arith.constant 4 : i32
      %add3A_384 = arith.addi %add3A_256, %add3A_383 : i32
      %add3A_385 = arith.constant 3 : i32
      %add3A_386 = arith.addi %add3A_384, %add3A_385 : i32
      %dma_start3A_387 = arith.constant 0 : i32
      %dma_start3A_388 = tpu.memref_slice %arg10[%add3A_386, %dma_start3A_387] : memref<80x125xi32, #tpu.memory_space<vmem>> -> memref<1x125xi32, #tpu.memory_space<vmem>>
      %dma_start3A_389 = tpu.memref_squeeze %dma_start3A_388 : memref<1x125xi32, #tpu.memory_space<vmem>> -> memref<125xi32, #tpu.memory_space<vmem>>
      %dma_start3A_390 = arith.constant 0 : i32
      %dma_start3A_391 = arith.constant 0 : i32
      %dma_start3A_392 = tpu.memref_slice %arg2[%dma_start3A_390, %dma_start3A_391] : memref<20000x64xf32, #tpu.memory_space<hbm>> -> memref<20000x64xf32, #tpu.memory_space<hbm>>
      tpu.enqueue_indirect_dma source(%dma_start3A_392 : memref<20000x64xf32, #tpu.memory_space<hbm>>) target(%arg15 : memref<125x64xf32, #tpu.memory_space<vmem>>) offsets(%dma_start3A_389 : memref<125xi32, #tpu.memory_space<vmem>>) semaphore(%arg20 : memref<!tpu.dma_semaphore, #tpu.memory_space<semaphore_mem>>)
    }
    %scan3A_156 = arith.constant 19 : i32
    %dma_wait3A_157 = arith.constant 76 : i32
    %dma_wait3A_158 = arith.constant 0 : i32
    %dma_wait3A_159 = tpu.memref_slice %arg10[%dma_wait3A_157, %dma_wait3A_158] : memref<80x125xi32, #tpu.memory_space<vmem>> -> memref<1x125xi32, #tpu.memory_space<vmem>>
    %dma_wait3A_160 = tpu.memref_squeeze %dma_wait3A_159 : memref<1x125xi32, #tpu.memory_space<vmem>> -> memref<125xi32, #tpu.memory_space<vmem>>
    %dma_wait3A_161 = arith.constant 0 : i32
    %dma_wait3A_162 = arith.constant 0 : i32
    %dma_wait3A_163 = tpu.memref_slice %arg2[%dma_wait3A_161, %dma_wait3A_162] : memref<20000x64xf32, #tpu.memory_space<hbm>> -> memref<20000x64xf32, #tpu.memory_space<hbm>>
    tpu.wait_indirect_dma semaphore(%arg17 : memref<!tpu.dma_semaphore, #tpu.memory_space<semaphore_mem>>) src(%dma_wait3A_163 : memref<20000x64xf32, #tpu.memory_space<hbm>>) dst(%arg12 : memref<125x64xf32, #tpu.memory_space<vmem>>)
    %dma_start3A_164 = arith.constant 76 : i32
    %dma_start3A_165 = arith.constant 0 : i32
    %dma_start3A_166 = tpu.memref_slice %arg11[%dma_start3A_164, %dma_start3A_165] : memref<80x125xi32, #tpu.memory_space<vmem>> -> memref<1x125xi32, #tpu.memory_space<vmem>>
    %dma_start3A_167 = tpu.memref_squeeze %dma_start3A_166 : memref<1x125xi32, #tpu.memory_space<vmem>> -> memref<125xi32, #tpu.memory_space<vmem>>
    %dma_start3A_168 = arith.constant 0 : i32
    %dma_start3A_169 = arith.constant 0 : i32
    %dma_start3A_170 = tpu.memref_slice %arg16[%dma_start3A_168, %dma_start3A_169] : memref<10000x64xf32, #tpu.memory_space<vmem_shared>> -> memref<10000x64xf32, #tpu.memory_space<vmem_shared>>
    tpu.enqueue_indirect_dma source(%arg12 : memref<125x64xf32, #tpu.memory_space<vmem>>) target(%dma_start3A_170 : memref<10000x64xf32, #tpu.memory_space<vmem_shared>>) offsets(%dma_start3A_167 : memref<125xi32, #tpu.memory_space<vmem>>) semaphore(%arg21 : memref<!tpu.dma_semaphore, #tpu.memory_space<semaphore_mem>>) {add = true}
    %dma_wait3A_171 = arith.constant 77 : i32
    %dma_wait3A_172 = arith.constant 0 : i32
    %dma_wait3A_173 = tpu.memref_slice %arg10[%dma_wait3A_171, %dma_wait3A_172] : memref<80x125xi32, #tpu.memory_space<vmem>> -> memref<1x125xi32, #tpu.memory_space<vmem>>
    %dma_wait3A_174 = tpu.memref_squeeze %dma_wait3A_173 : memref<1x125xi32, #tpu.memory_space<vmem>> -> memref<125xi32, #tpu.memory_space<vmem>>
    %dma_wait3A_175 = arith.constant 0 : i32
    %dma_wait3A_176 = arith.constant 0 : i32
    %dma_wait3A_177 = tpu.memref_slice %arg2[%dma_wait3A_175, %dma_wait3A_176] : memref<20000x64xf32, #tpu.memory_space<hbm>> -> memref<20000x64xf32, #tpu.memory_space<hbm>>
    tpu.wait_indirect_dma semaphore(%arg18 : memref<!tpu.dma_semaphore, #tpu.memory_space<semaphore_mem>>) src(%dma_wait3A_177 : memref<20000x64xf32, #tpu.memory_space<hbm>>) dst(%arg13 : memref<125x64xf32, #tpu.memory_space<vmem>>)
    %dma_start3A_178 = arith.constant 77 : i32
    %dma_start3A_179 = arith.constant 0 : i32
    %dma_start3A_180 = tpu.memref_slice %arg11[%dma_start3A_178, %dma_start3A_179] : memref<80x125xi32, #tpu.memory_space<vmem>> -> memref<1x125xi32, #tpu.memory_space<vmem>>
    %dma_start3A_181 = tpu.memref_squeeze %dma_start3A_180 : memref<1x125xi32, #tpu.memory_space<vmem>> -> memref<125xi32, #tpu.memory_space<vmem>>
    %dma_start3A_182 = arith.constant 0 : i32
    %dma_start3A_183 = arith.constant 0 : i32
    %dma_start3A_184 = tpu.memref_slice %arg16[%dma_start3A_182, %dma_start3A_183] : memref<10000x64xf32, #tpu.memory_space<vmem_shared>> -> memref<10000x64xf32, #tpu.memory_space<vmem_shared>>
    tpu.enqueue_indirect_dma source(%arg13 : memref<125x64xf32, #tpu.memory_space<vmem>>) target(%dma_start3A_184 : memref<10000x64xf32, #tpu.memory_space<vmem_shared>>) offsets(%dma_start3A_181 : memref<125xi32, #tpu.memory_space<vmem>>) semaphore(%arg22 : memref<!tpu.dma_semaphore, #tpu.memory_space<semaphore_mem>>) {add = true}
    %dma_wait3A_185 = arith.constant 78 : i32
    %dma_wait3A_186 = arith.constant 0 : i32
    %dma_wait3A_187 = tpu.memref_slice %arg10[%dma_wait3A_185, %dma_wait3A_186] : memref<80x125xi32, #tpu.memory_space<vmem>> -> memref<1x125xi32, #tpu.memory_space<vmem>>
    %dma_wait3A_188 = tpu.memref_squeeze %dma_wait3A_187 : memref<1x125xi32, #tpu.memory_space<vmem>> -> memref<125xi32, #tpu.memory_space<vmem>>
    %dma_wait3A_189 = arith.constant 0 : i32
    %dma_wait3A_190 = arith.constant 0 : i32
    %dma_wait3A_191 = tpu.memref_slice %arg2[%dma_wait3A_189, %dma_wait3A_190] : memref<20000x64xf32, #tpu.memory_space<hbm>> -> memref<20000x64xf32, #tpu.memory_space<hbm>>
    tpu.wait_indirect_dma semaphore(%arg19 : memref<!tpu.dma_semaphore, #tpu.memory_space<semaphore_mem>>) src(%dma_wait3A_191 : memref<20000x64xf32, #tpu.memory_space<hbm>>) dst(%arg14 : memref<125x64xf32, #tpu.memory_space<vmem>>)
    %dma_start3A_192 = arith.constant 78 : i32
    %dma_start3A_193 = arith.constant 0 : i32
    %dma_start3A_194 = tpu.memref_slice %arg11[%dma_start3A_192, %dma_start3A_193] : memref<80x125xi32, #tpu.memory_space<vmem>> -> memref<1x125xi32, #tpu.memory_space<vmem>>
    %dma_start3A_195 = tpu.memref_squeeze %dma_start3A_194 : memref<1x125xi32, #tpu.memory_space<vmem>> -> memref<125xi32, #tpu.memory_space<vmem>>
    %dma_start3A_196 = arith.constant 0 : i32
    %dma_start3A_197 = arith.constant 0 : i32
    %dma_start3A_198 = tpu.memref_slice %arg16[%dma_start3A_196, %dma_start3A_197] : memref<10000x64xf32, #tpu.memory_space<vmem_shared>> -> memref<10000x64xf32, #tpu.memory_space<vmem_shared>>
    tpu.enqueue_indirect_dma source(%arg14 : memref<125x64xf32, #tpu.memory_space<vmem>>) target(%dma_start3A_198 : memref<10000x64xf32, #tpu.memory_space<vmem_shared>>) offsets(%dma_start3A_195 : memref<125xi32, #tpu.memory_space<vmem>>) semaphore(%arg23 : memref<!tpu.dma_semaphore, #tpu.memory_space<semaphore_mem>>) {add = true}
    %dma_wait3A_199 = arith.constant 79 : i32
    %dma_wait3A_200 = arith.constant 0 : i32
    %dma_wait3A_201 = tpu.memref_slice %arg10[%dma_wait3A_199, %dma_wait3A_200] : memref<80x125xi32, #tpu.memory_space<vmem>> -> memref<1x125xi32, #tpu.memory_space<vmem>>
    %dma_wait3A_202 = tpu.memref_squeeze %dma_wait3A_201 : memref<1x125xi32, #tpu.memory_space<vmem>> -> memref<125xi32, #tpu.memory_space<vmem>>
    %dma_wait3A_203 = arith.constant 0 : i32
    %dma_wait3A_204 = arith.constant 0 : i32
    %dma_wait3A_205 = tpu.memref_slice %arg2[%dma_wait3A_203, %dma_wait3A_204] : memref<20000x64xf32, #tpu.memory_space<hbm>> -> memref<20000x64xf32, #tpu.memory_space<hbm>>
    tpu.wait_indirect_dma semaphore(%arg20 : memref<!tpu.dma_semaphore, #tpu.memory_space<semaphore_mem>>) src(%dma_wait3A_205 : memref<20000x64xf32, #tpu.memory_space<hbm>>) dst(%arg15 : memref<125x64xf32, #tpu.memory_space<vmem>>)
    %dma_start3A_206 = arith.constant 79 : i32
    %dma_start3A_207 = arith.constant 0 : i32
    %dma_start3A_208 = tpu.memref_slice %arg11[%dma_start3A_206, %dma_start3A_207] : memref<80x125xi32, #tpu.memory_space<vmem>> -> memref<1x125xi32, #tpu.memory_space<vmem>>
    %dma_start3A_209 = tpu.memref_squeeze %dma_start3A_208 : memref<1x125xi32, #tpu.memory_space<vmem>> -> memref<125xi32, #tpu.memory_space<vmem>>
    %dma_start3A_210 = arith.constant 0 : i32
    %dma_start3A_211 = arith.constant 0 : i32
    %dma_start3A_212 = tpu.memref_slice %arg16[%dma_start3A_210, %dma_start3A_211] : memref<10000x64xf32, #tpu.memory_space<vmem_shared>> -> memref<10000x64xf32, #tpu.memory_space<vmem_shared>>
    tpu.enqueue_indirect_dma source(%arg15 : memref<125x64xf32, #tpu.memory_space<vmem>>) target(%dma_start3A_212 : memref<10000x64xf32, #tpu.memory_space<vmem_shared>>) offsets(%dma_start3A_209 : memref<125xi32, #tpu.memory_space<vmem>>) semaphore(%arg24 : memref<!tpu.dma_semaphore, #tpu.memory_space<semaphore_mem>>) {add = true}
    %dma_wait3A_213 = arith.constant 76 : i32
    %dma_wait3A_214 = arith.constant 0 : i32
    %dma_wait3A_215 = tpu.memref_slice %arg11[%dma_wait3A_213, %dma_wait3A_214] : memref<80x125xi32, #tpu.memory_space<vmem>> -> memref<1x125xi32, #tpu.memory_space<vmem>>
    %dma_wait3A_216 = tpu.memref_squeeze %dma_wait3A_215 : memref<1x125xi32, #tpu.memory_space<vmem>> -> memref<125xi32, #tpu.memory_space<vmem>>
    %dma_wait3A_217 = arith.constant 0 : i32
    %dma_wait3A_218 = arith.constant 0 : i32
    %dma_wait3A_219 = tpu.memref_slice %arg16[%dma_wait3A_217, %dma_wait3A_218] : memref<10000x64xf32, #tpu.memory_space<vmem_shared>> -> memref<10000x64xf32, #tpu.memory_space<vmem_shared>>
    tpu.wait_indirect_dma semaphore(%arg21 : memref<!tpu.dma_semaphore, #tpu.memory_space<semaphore_mem>>) src(%arg12 : memref<125x64xf32, #tpu.memory_space<vmem>>) dst(%dma_wait3A_219 : memref<10000x64xf32, #tpu.memory_space<vmem_shared>>)
    %dma_wait3A_220 = arith.constant 77 : i32
    %dma_wait3A_221 = arith.constant 0 : i32
    %dma_wait3A_222 = tpu.memref_slice %arg11[%dma_wait3A_220, %dma_wait3A_221] : memref<80x125xi32, #tpu.memory_space<vmem>> -> memref<1x125xi32, #tpu.memory_space<vmem>>
    %dma_wait3A_223 = tpu.memref_squeeze %dma_wait3A_222 : memref<1x125xi32, #tpu.memory_space<vmem>> -> memref<125xi32, #tpu.memory_space<vmem>>
    %dma_wait3A_224 = arith.constant 0 : i32
    %dma_wait3A_225 = arith.constant 0 : i32
    %dma_wait3A_226 = tpu.memref_slice %arg16[%dma_wait3A_224, %dma_wait3A_225] : memref<10000x64xf32, #tpu.memory_space<vmem_shared>> -> memref<10000x64xf32, #tpu.memory_space<vmem_shared>>
    tpu.wait_indirect_dma semaphore(%arg22 : memref<!tpu.dma_semaphore, #tpu.memory_space<semaphore_mem>>) src(%arg13 : memref<125x64xf32, #tpu.memory_space<vmem>>) dst(%dma_wait3A_226 : memref<10000x64xf32, #tpu.memory_space<vmem_shared>>)
    %dma_wait3A_227 = arith.constant 78 : i32
    %dma_wait3A_228 = arith.constant 0 : i32
    %dma_wait3A_229 = tpu.memref_slice %arg11[%dma_wait3A_227, %dma_wait3A_228] : memref<80x125xi32, #tpu.memory_space<vmem>> -> memref<1x125xi32, #tpu.memory_space<vmem>>
    %dma_wait3A_230 = tpu.memref_squeeze %dma_wait3A_229 : memref<1x125xi32, #tpu.memory_space<vmem>> -> memref<125xi32, #tpu.memory_space<vmem>>
    %dma_wait3A_231 = arith.constant 0 : i32
    %dma_wait3A_232 = arith.constant 0 : i32
    %dma_wait3A_233 = tpu.memref_slice %arg16[%dma_wait3A_231, %dma_wait3A_232] : memref<10000x64xf32, #tpu.memory_space<vmem_shared>> -> memref<10000x64xf32, #tpu.memory_space<vmem_shared>>
    tpu.wait_indirect_dma semaphore(%arg23 : memref<!tpu.dma_semaphore, #tpu.memory_space<semaphore_mem>>) src(%arg14 : memref<125x64xf32, #tpu.memory_space<vmem>>) dst(%dma_wait3A_233 : memref<10000x64xf32, #tpu.memory_space<vmem_shared>>)
    %dma_wait3A_234 = arith.constant 79 : i32
    %dma_wait3A_235 = arith.constant 0 : i32
    %dma_wait3A_236 = tpu.memref_slice %arg11[%dma_wait3A_234, %dma_wait3A_235] : memref<80x125xi32, #tpu.memory_space<vmem>> -> memref<1x125xi32, #tpu.memory_space<vmem>>
    %dma_wait3A_237 = tpu.memref_squeeze %dma_wait3A_236 : memref<1x125xi32, #tpu.memory_space<vmem>> -> memref<125xi32, #tpu.memory_space<vmem>>
    %dma_wait3A_238 = arith.constant 0 : i32
    %dma_wait3A_239 = arith.constant 0 : i32
    %dma_wait3A_240 = tpu.memref_slice %arg16[%dma_wait3A_238, %dma_wait3A_239] : memref<10000x64xf32, #tpu.memory_space<vmem_shared>> -> memref<10000x64xf32, #tpu.memory_space<vmem_shared>>
    tpu.wait_indirect_dma semaphore(%arg24 : memref<!tpu.dma_semaphore, #tpu.memory_space<semaphore_mem>>) src(%arg15 : memref<125x64xf32, #tpu.memory_space<vmem>>) dst(%dma_wait3A_240 : memref<10000x64xf32, #tpu.memory_space<vmem_shared>>)
    %barrier3A_241 = arith.constant 0 : index
    tpu.barrier barrier_id(%barrier3A_241)
    %mul3A_242 = arith.constant 624 : i32
    %mul3A_243 = arith.muli %arg1, %mul3A_242 : i32
    %mul3A_244 = arith.constant 624 : i32
    %mul3A_245 = arith.muli %arg1, %mul3A_244 : i32
    %mul3A_246 = arith.constant 64 : i32
    %mul3A_247 = arith.muli %arg0, %mul3A_246 : i32
    "tpu.region"() ({
      %run_scoped3A = tpu.sem_alloc : memref<!tpu.dma_semaphore, #tpu.memory_space<semaphore_mem>>
      %dma_start3A_253 = tpu.memref_slice %arg8[%mul3A_245, %mul3A_247] : memref<10000x128xf32, #tpu.memory_space<hbm>> -> memref<624x64xf32, #tpu.memory_space<hbm>>
      %dma_start3A_254 = arith.constant 0 : i32
      %dma_start3A_255 = tpu.memref_slice %arg16[%mul3A_243, %dma_start3A_254] : memref<10000x64xf32, #tpu.memory_space<vmem_shared>> -> memref<624x64xf32, #tpu.memory_space<vmem_shared>>
      tpu.enqueue_dma source(%dma_start3A_255 : memref<624x64xf32, #tpu.memory_space<vmem_shared>>) target(%dma_start3A_253 : memref<624x64xf32, #tpu.memory_space<hbm>>) target_semaphore(%run_scoped3A : memref<!tpu.dma_semaphore, #tpu.memory_space<semaphore_mem>>)
      %dma_wait3A_256 = tpu.memref_slice %arg8[%mul3A_245, %mul3A_247] : memref<10000x128xf32, #tpu.memory_space<hbm>> -> memref<624x64xf32, #tpu.memory_space<hbm>>
      %dma_wait3A_257 = arith.constant 0 : i32
      %dma_wait3A_258 = tpu.memref_slice %arg16[%mul3A_243, %dma_wait3A_257] : memref<10000x64xf32, #tpu.memory_space<vmem_shared>> -> memref<624x64xf32, #tpu.memory_space<vmem_shared>>
      tpu.wait_dma2 semaphore(%run_scoped3A : memref<!tpu.dma_semaphore, #tpu.memory_space<semaphore_mem>>) src(%dma_wait3A_258 : memref<624x64xf32, #tpu.memory_space<vmem_shared>>) dst(%dma_wait3A_256 : memref<624x64xf32, #tpu.memory_space<hbm>>)
      tpu.yield
    }) : () -> ()
    %eq3A_248 = arith.constant 15 : i32
    %eq3A_249 = arith.cmpi eq, %arg1, %eq3A_248 : i32
    %convert_element_type3A_250 = arith.extui %eq3A_249 : i1 to i32
    %cond3A_251 = arith.constant 0 : i32
    %cond3A_252 = arith.cmpi ne, %convert_element_type3A_250, %cond3A_251 : i32
    scf.if %cond3A_252 {
      %mul3A_253 = arith.constant 64 : i32
      %mul3A_254 = arith.muli %arg0, %mul3A_253 : i32
      "tpu.region"() ({
        %run_scoped3A = tpu.sem_alloc : memref<!tpu.dma_semaphore, #tpu.memory_space<semaphore_mem>>
        %dma_start3A_255 = arith.constant 9984 : i32
        %dma_start3A_256 = tpu.memref_slice %arg8[%dma_start3A_255, %mul3A_254] : memref<10000x128xf32, #tpu.memory_space<hbm>> -> memref<16x64xf32, #tpu.memory_space<hbm>>
        %dma_start3A_257 = arith.constant 9984 : i32
        %dma_start3A_258 = arith.constant 0 : i32
        %dma_start3A_259 = tpu.memref_slice %arg16[%dma_start3A_257, %dma_start3A_258] : memref<10000x64xf32, #tpu.memory_space<vmem_shared>> -> memref<16x64xf32, #tpu.memory_space<vmem_shared>>
        tpu.enqueue_dma source(%dma_start3A_259 : memref<16x64xf32, #tpu.memory_space<vmem_shared>>) target(%dma_start3A_256 : memref<16x64xf32, #tpu.memory_space<hbm>>) target_semaphore(%run_scoped3A : memref<!tpu.dma_semaphore, #tpu.memory_space<semaphore_mem>>)
        %dma_wait3A_260 = arith.constant 9984 : i32
        %dma_wait3A_261 = tpu.memref_slice %arg8[%dma_wait3A_260, %mul3A_254] : memref<10000x128xf32, #tpu.memory_space<hbm>> -> memref<16x64xf32, #tpu.memory_space<hbm>>
        %dma_wait3A_262 = arith.constant 9984 : i32
        %dma_wait3A_263 = arith.constant 0 : i32
        %dma_wait3A_264 = tpu.memref_slice %arg16[%dma_wait3A_262, %dma_wait3A_263] : memref<10000x64xf32, #tpu.memory_space<vmem_shared>> -> memref<16x64xf32, #tpu.memory_space<vmem_shared>>
        tpu.wait_dma2 semaphore(%run_scoped3A : memref<!tpu.dma_semaphore, #tpu.memory_space<semaphore_mem>>) src(%dma_wait3A_264 : memref<16x64xf32, #tpu.memory_space<vmem_shared>>) dst(%dma_wait3A_261 : memref<16x64xf32, #tpu.memory_space<hbm>>)
        tpu.yield
      }) : () -> ()
    } else {
    }
    return
  }
}

module attributes {stable_mosaic.version = 14 : i64} {
  func.func @_mm_body(%arg0: i32, %arg1: memref<1000x128xf32, #tpu.memory_space<vmem>>, %arg2: memref<128x128xf32, #tpu.memory_space<vmem>>, %arg3: memref<1000x128xf32, #tpu.memory_space<vmem>>) attributes {dimension_semantics = [#tpu.dimension_semantics<arbitrary>], iteration_bounds = array<i64: 10>, scalar_prefetch = 0 : i64, scratch_operands = 0 : i64, tpu.core_type = #tpu.core_type<tc>, window_params = [{transform_indices = @transform_0, window_bounds = array<i64: 1000, 128>}, {pipeline_mode = #tpu.pipeline_mode<synchronous>, transform_indices = @transform_1, window_bounds = array<i64: 128, 128>}, {transform_indices = @transform_2, window_bounds = array<i64: 1000, 128>}]} {
    %get3A = arith.constant 0 : index
    %get3A_0 = arith.constant 0 : index
    %get3A_1 = vector.load %arg1[%get3A, %get3A_0] : memref<1000x128xf32, #tpu.memory_space<vmem>>, vector<1000x128xf32>
    %get3A_2 = arith.constant 0 : index
    %get3A_3 = arith.constant 0 : index
    %get3A_4 = vector.load %arg2[%get3A_2, %get3A_3] : memref<128x128xf32, #tpu.memory_space<vmem>>, vector<128x128xf32>
    %dot_general3A = arith.constant dense<0.000000e+00> : vector<1000x128xf32>
    %dot_general3A_5 = tpu.matmul %get3A_1, %get3A_4, %dot_general3A {dimension_numbers = #tpu.dot_dimension_numbers<[1], [0], [0], [1], [0, 0, 1, 1], [], []>, transpose_lhs_hint = false} : vector<1000x128xf32>, vector<128x128xf32>, vector<1000x128xf32> -> vector<1000x128xf32>
    %swap3A = arith.constant 0 : index
    %swap3A_6 = arith.constant 0 : index
    %swap3A_7 = vector.load %arg3[%swap3A, %swap3A_6] : memref<1000x128xf32, #tpu.memory_space<vmem>>, vector<1000x128xf32>
    tpu.vector_store %arg3[%swap3A, %swap3A_6], %dot_general3A_5 {strides = array<i32>} : memref<1000x128xf32, #tpu.memory_space<vmem>>, vector<1000x128xf32>,
    return
  }
  func.func @transform_0(%arg0: i32) -> (i32, i32) {
    %c0_i32 = arith.constant 0 : i32
    %c0_i32_0 = arith.constant 0 : i32
    return %arg0, %c0_i32 : i32, i32
  }
  func.func @transform_1(%arg0: i32) -> (i32, i32) {
    %c0_i32 = arith.constant 0 : i32
    %c0_i32_0 = arith.constant 0 : i32
    %c0_i32_1 = arith.constant 0 : i32
    return %c0_i32, %c0_i32_0 : i32, i32
  }
  func.func @transform_2(%arg0: i32) -> (i32, i32) {
    %c0_i32 = arith.constant 0 : i32
    %c0_i32_0 = arith.constant 0 : i32
    return %arg0, %c0_i32 : i32, i32
  }
}

module attributes {stable_mosaic.version = 14 : i64} {
  func.func @_k2_body(%arg0: i32, %arg1: memref<2x1000x16xf32, #tpu.memory_space<vmem>>, %arg2: memref<1000x128xf32, #tpu.memory_space<vmem>>, %arg3: memref<1000x1xf32, #tpu.memory_space<vmem>>, %arg4: memref<1000x128xf32, #tpu.memory_space<vmem>>) attributes {dimension_semantics = [#tpu.dimension_semantics<arbitrary>], iteration_bounds = array<i64: 10>, scalar_prefetch = 0 : i64, scratch_operands = 0 : i64, tpu.core_type = #tpu.core_type<tc>, window_params = [{transform_indices = @transform_0, window_bounds = array<i64: 2, 1000, 16>}, {transform_indices = @transform_1, window_bounds = array<i64: 1000, 128>}, {transform_indices = @transform_2, window_bounds = array<i64: 1000, 1>}, {transform_indices = @transform_3, window_bounds = array<i64: 1000, 128>}]} {
    %get3A = arith.constant 0 : index
    %get3A_0 = arith.constant 0 : index
    %get3A_1 = arith.constant 0 : index
    %get3A_2 = vector.load %arg1[%get3A, %get3A_0, %get3A_1] : memref<2x1000x16xf32, #tpu.memory_space<vmem>>, vector<2x1000x16xf32>
    %slice3A = vector.extract_strided_slice %get3A_2 {offsets = [0, 0, 0], sizes = [1, 1000, 1], strides = [1, 1, 1]} : vector<2x1000x16xf32> to vector<1x1000x1xf32>
    %squeeze3A = vector.shape_cast %slice3A : vector<1x1000x1xf32> to vector<1000x1xf32>
    %slice3A_3 = vector.extract_strided_slice %get3A_2 {offsets = [1, 0, 0], sizes = [1, 1000, 1], strides = [1, 1, 1]} : vector<2x1000x16xf32> to vector<1x1000x1xf32>
    %squeeze3A_4 = vector.shape_cast %slice3A_3 : vector<1x1000x1xf32> to vector<1000x1xf32>
    %add3A = arith.addf %squeeze3A, %squeeze3A_4 : vector<1000x1xf32>
    %add3A_5 = arith.constant 1.000000e+00 : f32
    %add3A_6 = vector.broadcast %add3A_5 : f32 to vector<1000x1xf32>
    %add3A_7 = arith.addf %add3A, %add3A_6 : vector<1000x1xf32>
    %rsqrt3A = math.rsqrt %add3A_7 : vector<1000x1xf32>
    %swap3A = arith.constant 0 : index
    %swap3A_8 = arith.constant 0 : index
    %swap3A_9 = vector.load %arg3[%swap3A, %swap3A_8] : memref<1000x1xf32, #tpu.memory_space<vmem>>, vector<1000x1xf32>
    tpu.vector_store %arg3[%swap3A, %swap3A_8], %rsqrt3A {strides = array<i32>} : memref<1000x1xf32, #tpu.memory_space<vmem>>, vector<1000x1xf32>,
    %get3A_10 = arith.constant 0 : index
    %get3A_11 = arith.constant 0 : index
    %get3A_12 = vector.load %arg2[%get3A_10, %get3A_11] : memref<1000x128xf32, #tpu.memory_space<vmem>>, vector<1000x128xf32>
    %mul3A = vector.broadcast %rsqrt3A : vector<1000x1xf32> to vector<1000x128xf32>
    %mul3A_13 = arith.mulf %mul3A, %get3A_12 : vector<1000x128xf32>
    %swap3A_14 = arith.constant 0 : index
    %swap3A_15 = arith.constant 0 : index
    %swap3A_16 = vector.load %arg4[%swap3A_14, %swap3A_15] : memref<1000x128xf32, #tpu.memory_space<vmem>>, vector<1000x128xf32>
    tpu.vector_store %arg4[%swap3A_14, %swap3A_15], %mul3A_13 {strides = array<i32>} : memref<1000x128xf32, #tpu.memory_space<vmem>>, vector<1000x128xf32>,
    return
  }
  func.func @transform_0(%arg0: i32) -> (i32, i32, i32) {
    %c0_i32 = arith.constant 0 : i32
    %c0_i32_0 = arith.constant 0 : i32
    %c0_i32_1 = arith.constant 0 : i32
    return %c0_i32, %arg0, %c0_i32_0 : i32, i32, i32
  }
  func.func @transform_1(%arg0: i32) -> (i32, i32) {
    %c0_i32 = arith.constant 0 : i32
    %c0_i32_0 = arith.constant 0 : i32
    return %arg0, %c0_i32 : i32, i32
  }
  func.func @transform_2(%arg0: i32) -> (i32, i32) {
    %c0_i32 = arith.constant 0 : i32
    %c0_i32_0 = arith.constant 0 : i32
    return %arg0, %c0_i32 : i32, i32
  }
  func.func @transform_3(%arg0: i32) -> (i32, i32) {
    %c0_i32 = arith.constant 0 : i32
    %c0_i32_0 = arith.constant 0 : i32
    return %arg0, %c0_i32 : i32, i32
  }
}

module attributes {stable_mosaic.version = 14 : i64} {
  func.func @_k3_body(%arg0: i32, %arg1: memref<1000x128xf32, #tpu.memory_space<vmem>>, %arg2: memref<1000x128xf32, #tpu.memory_space<vmem>>, %arg3: memref<1000x1xf32, #tpu.memory_space<vmem>>, %arg4: memref<1x128xf32, #tpu.memory_space<vmem>>, %arg5: memref<1000x1xi32, #tpu.memory_space<vmem>>, %arg6: memref<128x128xf32, #tpu.memory_space<vmem>>, %arg7: memref<128x128xf32, #tpu.memory_space<vmem>>, %arg8: memref<128x128xf32, #tpu.memory_space<vmem>>, %arg9: memref<1000x128xf32, #tpu.memory_space<vmem>>, %arg10: memref<1000x128xf32, #tpu.memory_space<vmem>>, %arg11: memref<1000x128xf32, #tpu.memory_space<vmem>>) attributes {dimension_semantics = [#tpu.dimension_semantics<arbitrary>], iteration_bounds = array<i64: 10>, scalar_prefetch = 0 : i64, scratch_operands = 0 : i64, tpu.core_type = #tpu.core_type<tc>, window_params = [{transform_indices = @transform_0, window_bounds = array<i64: 1000, 128>}, {transform_indices = @transform_1, window_bounds = array<i64: 1000, 128>}, {transform_indices = @transform_2, window_bounds = array<i64: 1000, 1>}, {pipeline_mode = #tpu.pipeline_mode<synchronous>, transform_indices = @transform_3, window_bounds = array<i64: 1, 128>}, {transform_indices = @transform_4, window_bounds = array<i64: 1000, 1>}, {pipeline_mode = #tpu.pipeline_mode<synchronous>, transform_indices = @transform_5, window_bounds = array<i64: 128, 128>}, {pipeline_mode = #tpu.pipeline_mode<synchronous>, transform_indices = @transform_6, window_bounds = array<i64: 128, 128>}, {pipeline_mode = #tpu.pipeline_mode<synchronous>, transform_indices = @transform_7, window_bounds = array<i64: 128, 128>}, {transform_indices = @transform_8, window_bounds = array<i64: 1000, 128>}, {transform_indices = @transform_9, window_bounds = array<i64: 1000, 128>}, {transform_indices = @transform_10, window_bounds = array<i64: 1000, 128>}]} {
    %get3A = arith.constant 0 : index
    %get3A_0 = arith.constant 0 : index
    %get3A_1 = vector.load %arg1[%get3A, %get3A_0] : memref<1000x128xf32, #tpu.memory_space<vmem>>, vector<1000x128xf32>
    %get3A_2 = arith.constant 0 : index
    %get3A_3 = arith.constant 0 : index
    %get3A_4 = vector.load %arg3[%get3A_2, %get3A_3] : memref<1000x1xf32, #tpu.memory_space<vmem>>, vector<1000x1xf32>
    %get3A_5 = arith.constant 0 : index
    %get3A_6 = arith.constant 0 : index
    %get3A_7 = vector.load %arg2[%get3A_5, %get3A_6] : memref<1000x128xf32, #tpu.memory_space<vmem>>, vector<1000x128xf32>
    %mul3A = vector.broadcast %get3A_4 : vector<1000x1xf32> to vector<1000x128xf32>
    %mul3A_8 = arith.mulf %mul3A, %get3A_1 : vector<1000x128xf32>
    %mul3A_9 = arith.mulf %get3A_4, %get3A_4 : vector<1000x1xf32>
    %mul3A_10 = vector.broadcast %mul3A_9 : vector<1000x1xf32> to vector<1000x128xf32>
    %mul3A_11 = arith.mulf %mul3A_10, %get3A_7 : vector<1000x128xf32>
    %add3A = arith.addf %mul3A_8, %mul3A_11 : vector<1000x128xf32>
    %get3A_12 = arith.constant 0 : index
    %get3A_13 = arith.constant 0 : index
    %get3A_14 = vector.load %arg4[%get3A_12, %get3A_13] : memref<1x128xf32, #tpu.memory_space<vmem>>, vector<1x128xf32>
    %add3A_15 = vector.broadcast %get3A_14 : vector<1x128xf32> to vector<1000x128xf32>
    %add3A_16 = arith.addf %add3A, %add3A_15 : vector<1000x128xf32>
    %swap3A = arith.constant 0 : index
    %swap3A_17 = arith.constant 0 : index
    %swap3A_18 = vector.load %arg9[%swap3A, %swap3A_17] : memref<1000x128xf32, #tpu.memory_space<vmem>>, vector<1000x128xf32>
    tpu.vector_store %arg9[%swap3A, %swap3A_17], %add3A_16 {strides = array<i32>} : memref<1000x128xf32, #tpu.memory_space<vmem>>, vector<1000x128xf32>,
    %max3A = arith.constant 0.000000e+00 : f32
    %max3A_19 = vector.broadcast %max3A : f32 to vector<1000x128xf32>
    %max3A_20 = arith.maximumf %add3A_16, %max3A_19 : vector<1000x128xf32>
    %get3A_21 = arith.constant 0 : index
    %get3A_22 = arith.constant 0 : index
    %get3A_23 = vector.load %arg7[%get3A_21, %get3A_22] : memref<128x128xf32, #tpu.memory_space<vmem>>, vector<128x128xf32>
    %max3A_24 = arith.constant 0.000000e+00 : f32
    %max3A_25 = vector.broadcast %max3A_24 : f32 to vector<128x128xf32>
    %max3A_26 = arith.maximumf %get3A_23, %max3A_25 : vector<128x128xf32>
    %get3A_27 = arith.constant 0 : index
    %get3A_28 = arith.constant 0 : index
    %get3A_29 = vector.load %arg8[%get3A_27, %get3A_28] : memref<128x128xf32, #tpu.memory_space<vmem>>, vector<128x128xf32>
    %dot_general3A = arith.constant dense<0.000000e+00> : vector<128x128xf32>
    %dot_general3A_30 = tpu.matmul %max3A_26, %get3A_29, %dot_general3A {dimension_numbers = #tpu.dot_dimension_numbers<[1], [0], [0], [1], [0, 0, 1, 1], [], []>, transpose_lhs_hint = false} : vector<128x128xf32>, vector<128x128xf32>, vector<128x128xf32> -> vector<128x128xf32>
    %get3A_31 = arith.constant 0 : index
    %get3A_32 = arith.constant 0 : index
    %get3A_33 = vector.load %arg5[%get3A_31, %get3A_32] : memref<1000x1xi32, #tpu.memory_space<vmem>>, vector<1000x1xi32>
    %iota3A = tpu.iota {dimensions = array<i32: 1>} : vector<1000x128xi32>
    %eq3A = vector.broadcast %get3A_33 : vector<1000x1xi32> to vector<1000x128xi32>
    %eq3A_34 = arith.cmpi eq, %eq3A, %iota3A : vector<1000x128xi32>
    %convert_element_type3A = arith.extui %eq3A_34 : vector<1000x128xi1> to vector<1000x128xi32>
    %convert_element_type3A_35 = arith.sitofp %convert_element_type3A : vector<1000x128xi32> to vector<1000x128xf32>
    %get3A_36 = arith.constant 0 : index
    %get3A_37 = arith.constant 0 : index
    %get3A_38 = vector.load %arg6[%get3A_36, %get3A_37] : memref<128x128xf32, #tpu.memory_space<vmem>>, vector<128x128xf32>
    %dot_general3A_39 = arith.constant dense<0.000000e+00> : vector<1000x128xf32>
    %dot_general3A_40 = tpu.matmul %max3A_20, %get3A_38, %dot_general3A_39 {dimension_numbers = #tpu.dot_dimension_numbers<[1], [0], [0], [1], [0, 0, 1, 1], [], []>, transpose_lhs_hint = false} : vector<1000x128xf32>, vector<128x128xf32>, vector<1000x128xf32> -> vector<1000x128xf32>
    %dot_general3A_41 = arith.constant dense<0.000000e+00> : vector<1000x128xf32>
    %dot_general3A_42 = tpu.matmul %convert_element_type3A_35, %dot_general3A_30, %dot_general3A_41 {dimension_numbers = #tpu.dot_dimension_numbers<[1], [0], [0], [1], [0, 0, 1, 1], [], []>, transpose_lhs_hint = false} : vector<1000x128xf32>, vector<128x128xf32>, vector<1000x128xf32> -> vector<1000x128xf32>
    %add3A_43 = arith.addf %dot_general3A_40, %dot_general3A_42 : vector<1000x128xf32>
    %swap3A_44 = arith.constant 0 : index
    %swap3A_45 = arith.constant 0 : index
    %swap3A_46 = vector.load %arg10[%swap3A_44, %swap3A_45] : memref<1000x128xf32, #tpu.memory_space<vmem>>, vector<1000x128xf32>
    tpu.vector_store %arg10[%swap3A_44, %swap3A_45], %add3A_43 {strides = array<i32>} : memref<1000x128xf32, #tpu.memory_space<vmem>>, vector<1000x128xf32>,
    %mul3A_47 = vector.broadcast %get3A_4 : vector<1000x1xf32> to vector<1000x128xf32>
    %mul3A_48 = arith.mulf %mul3A_47, %add3A_43 : vector<1000x128xf32>
    %swap3A_49 = arith.constant 0 : index
    %swap3A_50 = arith.constant 0 : index
    %swap3A_51 = vector.load %arg11[%swap3A_49, %swap3A_50] : memref<1000x128xf32, #tpu.memory_space<vmem>>, vector<1000x128xf32>
    tpu.vector_store %arg11[%swap3A_49, %swap3A_50], %mul3A_48 {strides = array<i32>} : memref<1000x128xf32, #tpu.memory_space<vmem>>, vector<1000x128xf32>,
    return
  }
  func.func @transform_0(%arg0: i32) -> (i32, i32) {
    %c0_i32 = arith.constant 0 : i32
    %c0_i32_0 = arith.constant 0 : i32
    return %arg0, %c0_i32 : i32, i32
  }
  func.func @transform_1(%arg0: i32) -> (i32, i32) {
    %c0_i32 = arith.constant 0 : i32
    %c0_i32_0 = arith.constant 0 : i32
    return %arg0, %c0_i32 : i32, i32
  }
  func.func @transform_2(%arg0: i32) -> (i32, i32) {
    %c0_i32 = arith.constant 0 : i32
    %c0_i32_0 = arith.constant 0 : i32
    return %arg0, %c0_i32 : i32, i32
  }
  func.func @transform_3(%arg0: i32) -> (i32, i32) {
    %c0_i32 = arith.constant 0 : i32
    %c0_i32_0 = arith.constant 0 : i32
    %c0_i32_1 = arith.constant 0 : i32
    return %c0_i32, %c0_i32_0 : i32, i32
  }
  func.func @transform_4(%arg0: i32) -> (i32, i32) {
    %c0_i32 = arith.constant 0 : i32
    %c0_i32_0 = arith.constant 0 : i32
    return %arg0, %c0_i32 : i32, i32
  }
  func.func @transform_5(%arg0: i32) -> (i32, i32) {
    %c0_i32 = arith.constant 0 : i32
    %c0_i32_0 = arith.constant 0 : i32
    %c0_i32_1 = arith.constant 0 : i32
    return %c0_i32, %c0_i32_0 : i32, i32
  }
  func.func @transform_6(%arg0: i32) -> (i32, i32) {
    %c0_i32 = arith.constant 0 : i32
    %c0_i32_0 = arith.constant 0 : i32
    %c0_i32_1 = arith.constant 0 : i32
    return %c0_i32, %c0_i32_0 : i32, i32
  }
  func.func @transform_7(%arg0: i32) -> (i32, i32) {
    %c0_i32 = arith.constant 0 : i32
    %c0_i32_0 = arith.constant 0 : i32
    %c0_i32_1 = arith.constant 0 : i32
    return %c0_i32, %c0_i32_0 : i32, i32
  }
  func.func @transform_8(%arg0: i32) -> (i32, i32) {
    %c0_i32 = arith.constant 0 : i32
    %c0_i32_0 = arith.constant 0 : i32
    return %arg0, %c0_i32 : i32, i32
  }
  func.func @transform_9(%arg0: i32) -> (i32, i32) {
    %c0_i32 = arith.constant 0 : i32
    %c0_i32_0 = arith.constant 0 : i32
    return %arg0, %c0_i32 : i32, i32
  }
  func.func @transform_10(%arg0: i32) -> (i32, i32) {
    %c0_i32 = arith.constant 0 : i32
    %c0_i32_0 = arith.constant 0 : i32
    return %arg0, %c0_i32 : i32, i32
  }
}

module attributes {stable_mosaic.version = 14 : i64} {
  func.func @_k5_body(%arg0: i32, %arg1: memref<1000x128xf32, #tpu.memory_space<vmem>>, %arg2: memref<1000x128xf32, #tpu.memory_space<vmem>>, %arg3: memref<1000x1xf32, #tpu.memory_space<vmem>>, %arg4: memref<1x128xf32, #tpu.memory_space<vmem>>, %arg5: memref<1000x1xi32, #tpu.memory_space<vmem>>, %arg6: memref<128x128xf32, #tpu.memory_space<vmem>>, %arg7: memref<128x256xf32, #tpu.memory_space<vmem>>, %arg8: memref<128x128xf32, #tpu.memory_space<vmem>>, %arg9: memref<128x1xf32, #tpu.memory_space<vmem>>) attributes {dimension_semantics = [#tpu.dimension_semantics<arbitrary>], iteration_bounds = array<i64: 10>, scalar_prefetch = 0 : i64, scratch_operands = 2 : i64, tpu.core_type = #tpu.core_type<tc>, window_params = [{transform_indices = @transform_0, window_bounds = array<i64: 1000, 128>}, {transform_indices = @transform_1, window_bounds = array<i64: 1000, 128>}, {transform_indices = @transform_2, window_bounds = array<i64: 1000, 1>}, {pipeline_mode = #tpu.pipeline_mode<synchronous>, transform_indices = @transform_3, window_bounds = array<i64: 1, 128>}, {transform_indices = @transform_4, window_bounds = array<i64: 1000, 1>}, {pipeline_mode = #tpu.pipeline_mode<synchronous>, transform_indices = @transform_5, window_bounds = array<i64: 128, 128>}, {pipeline_mode = #tpu.pipeline_mode<synchronous>, transform_indices = @transform_6, window_bounds = array<i64: 128, 256>}]} {
    %get3A = arith.constant 0 : index
    %get3A_0 = arith.constant 0 : index
    %get3A_1 = vector.load %arg1[%get3A, %get3A_0] : memref<1000x128xf32, #tpu.memory_space<vmem>>, vector<1000x128xf32>
    %get3A_2 = arith.constant 0 : index
    %get3A_3 = arith.constant 0 : index
    %get3A_4 = vector.load %arg3[%get3A_2, %get3A_3] : memref<1000x1xf32, #tpu.memory_space<vmem>>, vector<1000x1xf32>
    %mul3A = vector.broadcast %get3A_4 : vector<1000x1xf32> to vector<1000x128xf32>
    %mul3A_5 = arith.mulf %mul3A, %get3A_1 : vector<1000x128xf32>
    %mul3A_6 = arith.mulf %get3A_4, %get3A_4 : vector<1000x1xf32>
    %get3A_7 = arith.constant 0 : index
    %get3A_8 = arith.constant 0 : index
    %get3A_9 = vector.load %arg2[%get3A_7, %get3A_8] : memref<1000x128xf32, #tpu.memory_space<vmem>>, vector<1000x128xf32>
    %mul3A_10 = vector.broadcast %mul3A_6 : vector<1000x1xf32> to vector<1000x128xf32>
    %mul3A_11 = arith.mulf %mul3A_10, %get3A_9 : vector<1000x128xf32>
    %add3A = arith.addf %mul3A_5, %mul3A_11 : vector<1000x128xf32>
    %get3A_12 = arith.constant 0 : index
    %get3A_13 = arith.constant 0 : index
    %get3A_14 = vector.load %arg4[%get3A_12, %get3A_13] : memref<1x128xf32, #tpu.memory_space<vmem>>, vector<1x128xf32>
    %add3A_15 = vector.broadcast %get3A_14 : vector<1x128xf32> to vector<1000x128xf32>
    %add3A_16 = arith.addf %add3A, %add3A_15 : vector<1000x128xf32>
    %max3A = arith.constant 0.000000e+00 : f32
    %max3A_17 = vector.broadcast %max3A : f32 to vector<1000x128xf32>
    %max3A_18 = arith.maximumf %add3A_16, %max3A_17 : vector<1000x128xf32>
    %get3A_19 = arith.constant 0 : index
    %get3A_20 = arith.constant 0 : index
    %get3A_21 = vector.load %arg5[%get3A_19, %get3A_20] : memref<1000x1xi32, #tpu.memory_space<vmem>>, vector<1000x1xi32>
    %iota3A = tpu.iota {dimensions = array<i32: 1>} : vector<1000x128xi32>
    %eq3A = vector.broadcast %get3A_21 : vector<1000x1xi32> to vector<1000x128xi32>
    %eq3A_22 = arith.cmpi eq, %eq3A, %iota3A : vector<1000x128xi32>
    %convert_element_type3A = arith.extui %eq3A_22 : vector<1000x128xi1> to vector<1000x128xi32>
    %convert_element_type3A_23 = arith.sitofp %convert_element_type3A : vector<1000x128xi32> to vector<1000x128xf32>
    %dot_general3A = arith.constant dense<0.000000e+00> : vector<128x128xf32>
    %dot_general3A_24 = tpu.matmul %convert_element_type3A_23, %max3A_18, %dot_general3A {dimension_numbers = #tpu.dot_dimension_numbers<[0], [0], [1], [1], [0, 1, 1, 1], [], []>, transpose_lhs_hint = false} : vector<1000x128xf32>, vector<1000x128xf32>, vector<128x128xf32> -> vector<128x128xf32>
    %broadcast_in_dim3A = arith.constant 1.000000e+00 : f32
    %broadcast_in_dim3A_25 = vector.broadcast %broadcast_in_dim3A : f32 to vector<1000x1xf32>
    %dot_general3A_26 = arith.constant dense<0.000000e+00> : vector<128x1xf32>
    %dot_general3A_27 = tpu.matmul %convert_element_type3A_23, %broadcast_in_dim3A_25, %dot_general3A_26 {dimension_numbers = #tpu.dot_dimension_numbers<[0], [0], [1], [1], [0, 1, 1, 1], [], []>, transpose_lhs_hint = false} : vector<1000x128xf32>, vector<1000x1xf32>, vector<128x1xf32> -> vector<128x1xf32>
    %eq3A_28 = arith.constant 0 : i32
    %eq3A_29 = arith.cmpi eq, %arg0, %eq3A_28 : i32
    %convert_element_type3A_30 = arith.extui %eq3A_29 : i1 to i32
    %cond3A = arith.constant 0 : i32
    %cond3A_31 = arith.cmpi ne, %convert_element_type3A_30, %cond3A : i32
    scf.if %cond3A_31 {
      %broadcast_in_dim3A_50 = arith.constant 0.000000e+00 : f32
      %broadcast_in_dim3A_51 = vector.broadcast %broadcast_in_dim3A_50 : f32 to vector<128x128xf32>
      %swap3A_52 = arith.constant 0 : index
      %swap3A_53 = arith.constant 0 : index
      %swap3A_54 = vector.load %arg8[%swap3A_52, %swap3A_53] : memref<128x128xf32, #tpu.memory_space<vmem>>, vector<128x128xf32>
      tpu.vector_store %arg8[%swap3A_52, %swap3A_53], %broadcast_in_dim3A_51 {strides = array<i32>} : memref<128x128xf32, #tpu.memory_space<vmem>>, vector<128x128xf32>,
      %broadcast_in_dim3A_55 = arith.constant 0.000000e+00 : f32
      %broadcast_in_dim3A_56 = vector.broadcast %broadcast_in_dim3A_55 : f32 to vector<128x1xf32>
      %swap3A_57 = arith.constant 0 : index
      %swap3A_58 = arith.constant 0 : index
      %swap3A_59 = vector.load %arg9[%swap3A_57, %swap3A_58] : memref<128x1xf32, #tpu.memory_space<vmem>>, vector<128x1xf32>
      tpu.vector_store %arg9[%swap3A_57, %swap3A_58], %broadcast_in_dim3A_56 {strides = array<i32>} : memref<128x1xf32, #tpu.memory_space<vmem>>, vector<128x1xf32>,
    } else {
    }
    %get3A_32 = arith.constant 0 : index
    %get3A_33 = arith.constant 0 : index
    %get3A_34 = vector.load %arg8[%get3A_32, %get3A_33] : memref<128x128xf32, #tpu.memory_space<vmem>>, vector<128x128xf32>
    %add3A_35 = arith.addf %get3A_34, %dot_general3A_24 : vector<128x128xf32>
    %swap3A = arith.constant 0 : index
    %swap3A_36 = arith.constant 0 : index
    %swap3A_37 = vector.load %arg8[%swap3A, %swap3A_36] : memref<128x128xf32, #tpu.memory_space<vmem>>, vector<128x128xf32>
    tpu.vector_store %arg8[%swap3A, %swap3A_36], %add3A_35 {strides = array<i32>} : memref<128x128xf32, #tpu.memory_space<vmem>>, vector<128x128xf32>,
    %get3A_38 = arith.constant 0 : index
    %get3A_39 = arith.constant 0 : index
    %get3A_40 = vector.load %arg9[%get3A_38, %get3A_39] : memref<128x1xf32, #tpu.memory_space<vmem>>, vector<128x1xf32>
    %add3A_41 = arith.addf %get3A_40, %dot_general3A_27 : vector<128x1xf32>
    %swap3A_42 = arith.constant 0 : index
    %swap3A_43 = arith.constant 0 : index
    %swap3A_44 = vector.load %arg9[%swap3A_42, %swap3A_43] : memref<128x1xf32, #tpu.memory_space<vmem>>, vector<128x1xf32>
    tpu.vector_store %arg9[%swap3A_42, %swap3A_43], %add3A_41 {strides = array<i32>} : memref<128x1xf32, #tpu.memory_space<vmem>>, vector<128x1xf32>,
    %eq3A_45 = arith.constant 9 : i32
    %eq3A_46 = arith.cmpi eq, %arg0, %eq3A_45 : i32
    %convert_element_type3A_47 = arith.extui %eq3A_46 : i1 to i32
    %cond3A_48 = arith.constant 0 : i32
    %cond3A_49 = arith.cmpi ne, %convert_element_type3A_47, %cond3A_48 : i32
    scf.if %cond3A_49 {
      %get3A_50 = arith.constant 0 : index
      %get3A_51 = arith.constant 0 : index
      %get3A_52 = vector.load %arg9[%get3A_50, %get3A_51] : memref<128x1xf32, #tpu.memory_space<vmem>>, vector<128x1xf32>
      %get3A_53 = arith.constant 0 : index
      %get3A_54 = arith.constant 0 : index
      %get3A_55 = vector.load %arg8[%get3A_53, %get3A_54] : memref<128x128xf32, #tpu.memory_space<vmem>>, vector<128x128xf32>
      %max3A_56 = arith.constant 1.000000e+00 : f32
      %max3A_57 = vector.broadcast %max3A_56 : f32 to vector<128x1xf32>
      %max3A_58 = arith.maximumf %get3A_52, %max3A_57 : vector<128x1xf32>
      %div3A = vector.broadcast %max3A_58 : vector<128x1xf32> to vector<128x128xf32>
      %div3A_59 = arith.divf %get3A_55, %div3A : vector<128x128xf32>
      %swap3A_60 = arith.constant 0 : index
      %swap3A_61 = arith.constant 0 : index
      %swap3A_62 = vector.load %arg7[%swap3A_60, %swap3A_61] : memref<128x256xf32, #tpu.memory_space<vmem>>, vector<128x128xf32>
      tpu.vector_store %arg7[%swap3A_60, %swap3A_61], %div3A_59 {strides = array<i32>} : memref<128x256xf32, #tpu.memory_space<vmem>>, vector<128x128xf32>,
      %gt3A = arith.constant 0.000000e+00 : f32
      %gt3A_63 = vector.broadcast %gt3A : f32 to vector<128x1xf32>
      %gt3A_64 = arith.cmpf ogt, %get3A_52, %gt3A_63 : vector<128x1xf32>
      %get3A_65 = arith.constant 0 : index
      %get3A_66 = arith.constant 0 : index
      %get3A_67 = vector.load %arg6[%get3A_65, %get3A_66] : memref<128x128xf32, #tpu.memory_space<vmem>>, vector<128x128xf32>
      %jit3A = arith.constant 0.000000e+00 : f32
      %broadcast_in_dim3A_68 = vector.shape_cast %gt3A_64 : vector<128x1xi1> to vector<128x1xi1>
      %broadcast_in_dim3A_69 = vector.broadcast %broadcast_in_dim3A_68 : vector<128x1xi1> to vector<128x128xi1>
      %broadcast_in_dim3A_70 = vector.broadcast %jit3A : f32 to vector<128x128xf32>
      %select_n3A = arith.select %broadcast_in_dim3A_69, %get3A_67, %broadcast_in_dim3A_70 : vector<128x128xi1>, vector<128x128xf32>
      %swap3A_71 = arith.constant 0 : index
      %swap3A_72 = arith.constant 128 : index
      %swap3A_73 = vector.load %arg7[%swap3A_71, %swap3A_72] : memref<128x256xf32, #tpu.memory_space<vmem>>, vector<128x128xf32>
      tpu.vector_store %arg7[%swap3A_71, %swap3A_72], %select_n3A {strides = array<i32>} : memref<128x256xf32, #tpu.memory_space<vmem>>, vector<128x128xf32>,
    } else {
    }
    return
  }
  func.func @transform_0(%arg0: i32) -> (i32, i32) {
    %c0_i32 = arith.constant 0 : i32
    %c0_i32_0 = arith.constant 0 : i32
    return %arg0, %c0_i32 : i32, i32
  }
  func.func @transform_1(%arg0: i32) -> (i32, i32) {
    %c0_i32 = arith.constant 0 : i32
    %c0_i32_0 = arith.constant 0 : i32
    return %arg0, %c0_i32 : i32, i32
  }
  func.func @transform_2(%arg0: i32) -> (i32, i32) {
    %c0_i32 = arith.constant 0 : i32
    %c0_i32_0 = arith.constant 0 : i32
    return %arg0, %c0_i32 : i32, i32
  }
  func.func @transform_3(%arg0: i32) -> (i32, i32) {
    %c0_i32 = arith.constant 0 : i32
    %c0_i32_0 = arith.constant 0 : i32
    %c0_i32_1 = arith.constant 0 : i32
    return %c0_i32, %c0_i32_0 : i32, i32
  }
  func.func @transform_4(%arg0: i32) -> (i32, i32) {
    %c0_i32 = arith.constant 0 : i32
    %c0_i32_0 = arith.constant 0 : i32
    return %arg0, %c0_i32 : i32, i32
  }
  func.func @transform_5(%arg0: i32) -> (i32, i32) {
    %c0_i32 = arith.constant 0 : i32
    %c0_i32_0 = arith.constant 0 : i32
    %c0_i32_1 = arith.constant 0 : i32
    return %c0_i32, %c0_i32_0 : i32, i32
  }
  func.func @transform_6(%arg0: i32) -> (i32, i32) {
    %c0_i32 = arith.constant 0 : i32
    %c0_i32_0 = arith.constant 0 : i32
    %c0_i32_1 = arith.constant 0 : i32
    return %c0_i32, %c0_i32_0 : i32, i32
  }
}

</mosaic_0001>

<sc_bundles>
// kernel: kernel.12.cloned.1.call-start
scs
__scs_entry_jumppad:
0x0: {  	(pc) =	sbr.rel $0x88, $3  }
0x1: {  	(tag) =	ssettag $0x0;
	lr =	simm.s32 $0x1  }
0x2: {  	[smem:$0x3F99] =	sst lr;
	_ =	strace $0xD0000000  }
0x3: {  	_ = 	snop  }
0x4: {  	_ = 	snop  }
0x5: {  	_ = 	snop  }
0x6: {  	_ = 	snop  }
0x7: {  	_ = 	snop  }
__scs_overlays_trampoline_lowered:
0x8: {  	[smem:$0x3FA8] =	sst s0  }
0x9: {  	[smem:$0x3FA9] =	sst s1  }
0xa: {  	[smem:$0x3FAA] =	sst s2  }
0xb: {  	[smem:$0x3FAB] =	sst s3  }
0xc: {  	[smem:$0x3FAC] =	sst s4  }
0xd: {  	[smem:$0x3FAD] =	sst s5  }
0xe: {  	[smem:$0x3FAE] =	sst s6  }
0xf: {  	[smem:$0x3FAF] =	sst s7  }
0x10: {  	[smem:$0x3FB0] =	sst s8  }
0x11: {  	[smem:$0x3FB1] =	sst s9;
	s0 =	simm.s32 @!p0 $0x0  }
0x12: {  	s1 =	sld [smem:$0x3F97];
	s0 =	simm.s32 @p0 $0x1  }
0x13: {  	[smem:$0x3FB2] =	sst s0;
	s0 =	simm.s32 @!p1 $0x0  }
0x14: {  	s2 =	sld [smem:$0x3F96];
	s0 =	simm.s32 @p1 $0x1  }
0x15: {  	[smem:$0x3FB3] =	sst s0;
	s0 =	simm.s32 @!p2 $0x0  }
0x16: {  	s3 =	sld [smem:$0x3FDB];
	s0 =	simm.s32 @p2 $0x1  }
0x17: {  	s4 =	simm.s32 $0x1BF5;
	[smem:$0x3FB5] =	sst s0  }
0x18: {  	s0 =	sld [smem:$0x3F98];
	_ =	swait.ge [sflag:s4], $0x0  }
0x19: {  	s7 =	sld [smem:$0x3F99]  }
0x1a: {  	s8 =	sadd.s32 $0xFFFFE003, lr  }
0x1b: {  	s9 =	sadd.s32 $0xFFFFFEF7, lr;
	s5 =	simm.s32 $0xFFFFFFFF;
	p2 =	slt.u32 s8, $0xFFFFF086  }
0x1c: {  	p1 =	slt.u32 s9, $0xF7A;
	s5 =	simm.s32 @!p2 $0x0  }
0x1d: {  	s5 =	simm.s32 @p1 $0x1;
	p0 =	seq.s32 s7, s2  }
0x1e: {  	s7 =	smul.u32 @!p0 $0xF7A, s2;
	p2 =	seq.s32 @!p0 s5, $0x0  }
0x1f: {  	s9 =	smul.u32 $0xF7A, s1;
	s8 =	simm.s32 @!p0 $0x1BF5;
	p2 =	por !p2, p0  }
0x20: {  	[sflag:s8] =	ssyncset.s32 @!p0 $0xFFFFF086;
	s6 =	sadd.s32 @!p0 s3, s7;
	s7 =	simm.s32 @!p0 $0x108  }
0x21: {  	s3 =	sadd.s32 s3, s9;
	s6 =	sadd.s32 @!p0 $0x88, s6;
	s7 =	simm.s32 @p2 $0x1082  }
0x22: {  	[simem:s7], [sflag:s8] =	dma.local @!p0 [hbm:s6], $0xF7A  }
0x23: {  	s9 =	sor.u32 $0xD0000000, s2;
	s6 =	simm.s32 $0x108;
	_ =	swait.ge @!p0 [sflag:s8], $0x0  }
0x24: {  	s3 =	sadd.s32 $0x88, s3;
	s6 =	simm.s32 @!p1 $0x1082;
	[sflag:s4] =	ssyncset.s32 $0xFFFFF086  }
0x25: {  	[simem:s6], [sflag:s4] =	dma.local [hbm:s3], $0xF7A  }
0x26: {  	[smem:$0x3F99] =	sst s1;
	(tag) =	ssettag s2;
	_ =	strace s9  }
0x27: {  	s1 =	sld [smem:$0x3FA9]  }
0x28: {  	s2 =	sld [smem:$0x3FAA]  }
0x29: {  	s4 =	sld [smem:$0x3FAC]  }
0x2a: {  	p0 =	seq.s32 s5, $0x0;
	s5 =	sld [smem:$0x3FAD]  }
0x2b: {  	s6 =	sld [smem:$0x3FAE]  }
0x2c: {  	s7 =	sld [smem:$0x3FAF]  }
0x2d: {  	s3 =	simm.s32 $0x108;
	s8 =	sld [smem:$0x3FB0]  }
0x2e: {  	s3 =	simm.s32 @!p0 $0x1082;
	s9 =	sld [smem:$0x3FB1]  }
0x2f: {  	lr =	sadd.s32 s0, s3;
	s0 =	sld [smem:$0x3FA8]  }
0x30: {  	s3 =	sld [smem:$0x3FAB]  }
0x31: {  	[smem:$0x3FB4] =	sst s10  }
0x32: {  	s10 =	sld [smem:$0x3FB2];
	_ =	sdelay $0x3  }
0x33: {  	p0 =	seq.s32 s10, $0x1;
	s10 =	sld [smem:$0x3FB4];
	_ =	sdelay $0x3  }
0x34: {  	[smem:$0x3FB4] =	sst s10  }
0x35: {  	s10 =	sld [smem:$0x3FB3];
	_ =	sdelay $0x3  }
0x36: {  	p1 =	seq.s32 s10, $0x1;
	s10 =	sld [smem:$0x3FB4];
	_ =	sdelay $0x3  }
0x37: {  	[smem:$0x3FB4] =	sst s10  }
0x38: {  	s10 =	sld [smem:$0x3FB5]  }
0x39: {  	_ = 	snop;
	(pc) =	sbr.ind lr, $3  }
0x3a: {  	_ = 	snop  }
0x3b: {  	_ = 	snop  }
0x3c: {  	p2 =	seq.s32 s10, $0x1;
	s10 =	sld [smem:$0x3FB4]  }
0x3d: {  	_ =	shalt  }
0x3e: {  	_ =	shalt  }
0x3f: {  	_ =	shalt  }
0x40: {  	_ =	shalt  }
0x41: {  	_ =	shalt  }
0x42: {  	_ =	shalt  }
0x43: {  	_ =	shalt  }
0x44: {  	_ =	shalt  }
0x45: {  	_ =	shalt  }
0x46: {  	_ =	shalt  }
0x47: {  	_ =	shalt  }
0x48: {  	_ =	shalt  }
0x49: {  	_ =	shalt  }
0x4a: {  	_ =	shalt  }
0x4b: {  	_ =	shalt  }
0x4c: {  	_ =	shalt  }
0x4d: {  	_ =	shalt  }
0x4e: {  	_ =	shalt  }
0x4f: {  	_ =	shalt  }
0x50: {  	_ =	shalt  }
0x51: {  	_ =	shalt  }
0x52: {  	_ =	shalt  }
0x53: {  	_ =	shalt  }
0x54: {  	_ =	shalt  }
0x55: {  	_ =	shalt  }
0x56: {  	_ =	shalt  }
0x57: {  	_ =	shalt  }
0x58: {  	_ =	shalt  }
0x59: {  	_ =	shalt  }
0x5a: {  	_ =	shalt  }
0x5b: {  	_ =	shalt  }
0x5c: {  	_ =	shalt  }
0x5d: {  	_ =	shalt  }
0x5e: {  	_ =	shalt  }
0x5f: {  	_ =	shalt  }
0x60: {  	_ =	shalt  }
0x61: {  	_ =	shalt  }
0x62: {  	_ =	shalt  }
0x63: {  	_ =	shalt  }
0x64: {  	_ =	shalt  }
0x65: {  	_ =	shalt  }
0x66: {  	_ =	shalt  }
0x67: {  	_ =	shalt  }
0x68: {  	_ =	shalt  }
0x69: {  	_ =	shalt  }
0x6a: {  	_ =	shalt  }
0x6b: {  	_ =	shalt  }
0x6c: {  	_ =	shalt  }
0x6d: {  	_ =	shalt  }
0x6e: {  	_ =	shalt  }
0x6f: {  	_ =	shalt  }
0x70: {  	_ =	shalt  }
0x71: {  	_ =	shalt  }
0x72: {  	_ =	shalt  }
0x73: {  	_ =	shalt  }
0x74: {  	_ =	shalt  }
0x75: {  	_ =	shalt  }
0x76: {  	_ =	shalt  }
0x77: {  	_ =	shalt  }
0x78: {  	_ =	shalt  }
0x79: {  	_ =	shalt  }
0x7a: {  	_ =	shalt  }
0x7b: {  	_ =	shalt  }
0x7c: {  	_ =	shalt  }
0x7d: {  	_ =	shalt  }
0x7e: {  	_ =	shalt  }
0x7f: {  	_ =	shalt  }
0x80: {  	_ =	shalt  }
0x81: {  	_ =	shalt  }
0x82: {  	_ =	shalt  }
0x83: {  	_ =	shalt  }
0x84: {  	_ =	shalt  }
0x85: {  	_ =	shalt  }
0x86: {  	_ =	shalt  }
0x87: {  	_ =	shalt  }
.Lfunc_end0:
.L_simem_size_0:
called_computation.1_lowered:
.L_overlay_start_0:
0x88: {  	s2 =	sld [smem:$0x3FD9]  }
0x89: {  	s3 =	sld [smem:$0x3FFE];
	_ =	sdelay $0x1  }
0x8a: {  	s1 =	srdreg.scid  }
0x8b: {  	s0 =	sand.u32 $0x1, s1  }
0x8c: {  	s16 =	sshll.u32 s0, $0xA;
	s2 =	sadd.s32 s3, s2  }
0x8d: {  	s2 =	sadd.s32 s2, s16  }
0x8e: {  	[smem:$0x3FC0] =	sst s2  }
0x8f: {  	_ = 	snop  }
0x90: {  	(tm) =	ssettm $0x1  }
0x91: {  	s17 =	sld [smem:$0x3FFB];
	_ =	sdelay $0x3  }
0x92: {  	_ =	strace s17  }
0x93: {  	s2 =	sld [smem:$0x3FFC];
	_ =	sdelay $0x3  }
0x94: {  	_ =	strace s2  }
0x95: {  	s2 =	sld [smem:$0x3FFD];
	_ =	sdelay $0x3  }
0x96: {  	_ =	strace s2  }
0x97: {  	_ =	strace $0x8FFFFFFF  }
0x98: {  	s18 =	sld [smem:$0x3FDB];
	_ =	sdelay $0x1  }
0x99: {  	s19 =	simm.s32 $_scs_section_size  }
0x9a: {  	s4 =	simm.s32 $_size__tile_overlayer_lowered;
	s5 =	simm.s32 $_tile_overlayer_lowered  }
0x9b: {  	s22 =	simm.s32 $0x1BFF;
	s21 =	sshll.u32 s5, $0x1;
	s2 =	sadd.s32 s19, s18  }
0x9c: {  	s6 =	simm.s32 $0x0;
	s20 =	sshll.u32 s4, $0x1;
	s4 =	sadd.s32 s21, s2  }
0x9d: {  	[timem:s6], [sflag:s22] =	dma.local [hbm:s4], s20  }
0x9e: {  	_ =	swait.ge [sflag:s22], s20  }
0x9f: {  	s3 =	ssub.s32 $0x0, s20;
	[sflag:s22] =	ssyncset.done $0x0  }
0xa0: {  	[sflag:s22] =	ssyncadd.s32 s3;
	_ =	sdelay $0x1  }
0xa1: {  	s23 =	simm.s32 $0x1B8B  }
0xa2: {  	_ =	swait.ge [sflag:s23], $0x1  }
0xa3: {  	[sflag:s23] =	ssyncset.done $0x0  }
0xa4: {  	s25 =	simm.s32 $0x1B8E;
	s24 =	sld [smem:$0x3FFE];
	[sflag:s23] =	ssyncadd.s32 $0xFFFFFFFF  }
0xa5: {  	s26 =	simm.s32 $execute0_lowered;
	[smem:$0x3FD2] =	sst s25  }
0xa6: {  	s4 =	sshll.u32 s26, $0x1;
	_ =	strace $0x80000049;
	[dreg:$0x1] =	wrdreg $0xFFFFFFFF  }
0xa7: {  	s28 =	simm.s32 $_size_execute0_lowered;
	s2 =	sadd.s32 s2, s4;
	[dreg:$0x0] =	wrdreg $0x0  }
0xa8: {  	s4 =	sshll.u32 s28, $0x1;
	[dreg:$0x2] =	wrdreg s2  }
0xa9: {  	[dreg:$0x3] =	wrdreg s4  }
0xaa: {  	[dreg:$0x4] =	wrdreg $0xC0  }
0xab: {  	_ =	task [dreg:s6], $0x5FFFF  }
0xac: {  	[dreg:$0x1] =	wrdreg $0xFFFFFFFF  }
0xad: {  	[dreg:$0x0] =	wrdreg $0x60  }
0xae: {  	[dreg:$0x2] =	wrdreg s24  }
0xaf: {  	[dreg:$0x3] =	wrdreg $0xCD000  }
0xb0: {  	[dreg:$0x4] =	wrdreg $0x9  }
0xb1: {  	_ =	task.clear_ibuf [dreg:s6], $0x5FFFF;
	_ =	strace $0x90000049  }
0xb2: {  	s29 =	simm.s32 $0x9;
	_ =	strace $0x8000004B  }
0xb3: {  	_ =	swait.ge [sflag:s29], $0x1  }
0xb4: {  	[sflag:s29] =	ssyncadd.s32 $0xFFFFFFFF  }
0xb5: {  	_ =	strace $0x9000004B  }
0xb6: {  	_ =	sfence  }
0xb7: {  	s30 =	sld [smem:$0x0];
	_ =	sdelay $0x2  }
0xb8: {  	s31 =	sshll.u32 s1, $0xD;
	s1 =	sshrl.u32 s1, $0x2  }
0xb9: {  	s3 =	sand.u32 $0x4000, s31;
	s1 =	sadd.s32 s1, s30  }
0xba: {  	s0 =	sor.u32 s3, s0;
	s1 =	sshll.u32 s1, $0x11  }
0xbb: {  	s0 =	sor.u32 s1, s0  }
0xbc: {  	s0 =	sadd.s32 $0x8F2B, s0  }
0xbd: {  	[sflag:s0] =	ssyncadd.remote.s32 $0x1  }
0xbe: {  	_ =	sfence.sel $0xFFFF  }
0xbf: {  	[dreg:$0x0] =	wrdreg $0xFFFFFFFF;
	(pc) =	sbr.abs _section_cstart, $3  }
0xc0: {  	[dreg:$0x1] =	wrdreg $0xFFFFFFFF  }
0xc1: {  	_ =	task.clear_ibuf [dreg:s6], $0x2FFFF;
	_ =	strace $0x9FFFFFFF  }
0xc2: {  	(tm) =	ssettm $0x7FFFFFFF  }
0xc3: {  	_ =	shalt  }
tec
execute0_lowered:
.L_overlay_start_1:
0x0: {  	(tag) =	ssettag $0x1  }
0x1: {  	s0 =	srdreg.scid;
	s5 =	rddreg [dreg:$0x0]  }
0x2: {  	s13 =	stileid.u32;
	s2 =	rddreg [dreg:$0x1]  }
0x3: {  	s3 =	simm.s32 $0x0;
	s16 =	simm.s32 $0x9;
	s28 =	simm.s32 $0x1  }
0x4: {  	s29 =	simm.s32 $0x2;
	s30 =	simm.s32 $0x3;
	s31 =	simm.s32 $0x4  }
0x5: {  	s0 =	sand.u32 $0x1, s0;
	s6 =	smul.u32 $0x5000, s13;
	[smem:$0x7FF] =	sst s3  }
0x6: {  	s7 =	smul.u32 $0x9C00, s13;
	s4 =	sadd.s32 $0x4000, s5;
	s11 =	sadd.s32 $0xCEC00, s5  }
0x7: {  	s20 =	sshll.u32 s13, $0x6;
	s21 =	smul.u32 $0x13800, s13;
	p0 =	sne.s32 s13, $0xF  }
0x8: {  	s1 =	smul.u32 $0x50000, s0;
	_ =	strace $0x8000004A;
	s9 =	ssub.s32 $0x2, s0  }
0x9: {  	s23 =	sshll.u32 s0, $0x6;
	s0 =	sshll.u32 s0, $0x3;
	s8 =	sshrl.u32 s7, $0x3  }
0xa: {  	s19 =	sshrl.u32 s9, $0x1;
	s7 =	sadd.s32 s7, s2;
	s24 =	sor.u32 s23, s21  }
0xb: {  	s0 =	sadd.s32 s0, s11;
	s21 =	simm.s32 $0x2800;
	s23 =	simm.s32 $0x100  }
0xc: {  	s1 =	sadd.s32 s6, s1;
	s6 =	sshrl.u32 s6, $0x3;
	s18 =	sadd.s32 s8, s5  }
0xd: {  	s8 =	ssub.s32 s9, s19;
	s9 =	sadd.s32 $0x9C000, s2;
	s0 =	sadd.s32 $0x27000, s0  }
0xe: {  	s15 =	sshrl.u32 s7, $0x3;
	s19 =	simm.s32 $0x7D;
	s7 =	simm.s32 $0x8  }
0xf: {  	s1 =	sshrl.u32 s1, $0x3;
	s10 =	sadd.s32 s6, s5;
	s6 =	sadd.s32 $0x52400, s18  }
0x10: {  	[dreg:$0xa] =	wrdreg s0;
	s26 =	smax.u32 s8, $0x1;
	s17 =	sshrl.u32 @!p0 s9, $0x3  }
0x11: {  	s0 =	simm.s32 $0x6;
	s8 =	simm.s32 $0x4E00;
	s9 =	simm.s32 $0x4E80  }
0x12: {  	s1 =	sadd.s32 s1, s5;
	[dreg:$0x3] =	wrdreg s6;
	s6 =	sor.u32 $0x1C09, s20  }
0x13: {  	s5 =	sadd.s32 $0x65C00, s5;
	s22 =	sadd.s32 $0xB0C00, s10;
	[dreg:$0xb] =	wrdreg s26  }
0x14: {  	s25 =	sadd.s32 $0xB1100, s10;
	s20 =	simm.s32 $0x5000;
	[dreg:$0x4] =	wrdreg s5  }
0x15: {  	s26 =	simm.s32 $0xADC0;
	s10 =	simm.s32 $0x4F00;
	[dreg:$0x6] =	wrdreg s22  }
0x16: {  	s12 =	sadd.s32 $0xBAC00, s1;
	s1 =	sadd.s32 $0xBB100, s1;
	[dreg:$0x8] =	wrdreg s25  }
0x17: {  	s22 =	simm.s32 $0x6F40;
	s25 =	simm.s32 $0x180;
	[dreg:$0x5] =	wrdreg s12  }
0x18: {  	s5 =	simm.s32 $0x7;
	[dreg:$0x7] =	wrdreg s1;
	s1 =	sshrl.u32 s24, $0x3  }
0x19: {  	s24 =	simm.s32 $0x8E80;
	s12 =	simm.s32 $0x0;
	s1 =	sadd.s32 s11, s1  }
0x1a: {  	s11 =	simm.s32 $0x4F80;
	[dreg:$0x9] =	wrdreg s1;
	s1 =	simm.s32 $0x5  }
.LBB2_1:
0x1b: {  	s13 =	rddreg [dreg:$0x3]  }
0x1c: {  	[spmem:s15], [sflag:s6] =	dma.local [hbm:s13], $0x1380  }
0x1d: {  	_ =	swait.ge [sflag:s16], $0x1380  }
0x1e: {  	[sflag:s16] =	ssyncset.done $0x0  }
0x1f: {  	s13 =	rddreg [dreg:$0x4];
	[sflag:s16] =	ssyncadd.s32 $0xFFFFEC80  }
0x20: {  	[spmem:s17], [sflag:s6] =	dma.local @!p0 [hbm:s13], $0x80  }
0x21: {  	s13 =	simm.s32 @!p0 $0x9  }
0x22: {  	_ =	swait.ge @!p0 [sflag:s13], $0x80  }
0x23: {  	[sflag:s13] =	ssyncset.done @!p0 $0x0  }
0x24: {  	[sflag:s13] =	ssyncadd.s32 @!p0 $0xFFFFFF80  }
0x25: {  	[bflag:$0x0] =	sbarrier.arrive $0xFFFF  }
0x26: {  	s14 =	rddreg [dreg:$0x5]  }
0x27: {  	[tilespmem:s3], [sflag:$0x9] =	stream.linear.gather [hbm4b:s14+s3], $0x2800, $0x38;
	[tilespmem:$0x16940] =	vst v63  }
0x28: {  	_ =	swait.ge [sflag:s16], $0x2800  }
0x29: {  	[sflag:s16] =	ssyncset.done $0x0  }
0x2a: {  	s18 =	rddreg [dreg:$0x6];
	[sflag:s16] =	ssyncadd.s32 $0xFFFFD800  }
0x2b: {  	[tilespmem:s21], [sflag:$0x9] =	stream.linear.gather [hbm4b:s18+s3], $0x2800, $0x38;
	[tilespmem:$0x16940] =	vst v63  }
0x2c: {  	_ =	swait.ge [sflag:s16], $0x2800  }
0x2d: {  	[sflag:s16] =	ssyncset.done $0x0  }
0x2e: {  	[sflag:s16] =	ssyncadd.s32 $0xFFFFD800  }
0x2f: {  	[tilespmem:s20], [sflag:$0x1] =	stream.indirect.gather [hbm4b:s4+s19], $0x40, s3, s19, $0xb8;
	[tilespmem:$0x16940] =	vst v63  }
0x30: {  	s14 =	simm.s32 $0x80  }
0x31: {  	[tilespmem:s22], [sflag:$0x2] =	stream.indirect.gather [hbm4b:s4+s19], $0x40, s14, s19, $0xb8;
	[tilespmem:$0x16940] =	vst v63  }
0x32: {  	_ = 	snop  }
0x33: {  	[tilespmem:s24], [sflag:$0x3] =	stream.indirect.gather [hbm4b:s4+s19], $0x40, s23, s19, $0xb8;
	[tilespmem:$0x16940] =	vst v63  }
0x34: {  	_ = 	snop  }
0x35: {  	[tilespmem:s26], [sflag:$0x4] =	stream.indirect.gather [hbm4b:s4+s19], $0x40, s25, s19, $0xb8;
	[tilespmem:$0x16940] =	vst v63  }
0x36: {  	_ =	swait.ge [sflag:s28], $0x1F40  }
0x37: {  	[sflag:s28] =	ssyncset.done $0x0  }
0x38: {  	s18 =	simm.s32 $0x2800;
	[sflag:s28] =	ssyncadd.s32 $0xFFFFE0C0  }
0x39: {  	[spmem:s2] =	stream.indirect.scatter.add.f32 [tilespmem:s20], [sflag:$0x5], $0x40, s18, s19, $0xb8;
	[tilespmem:$0x16940] =	vst v63  }
0x3a: {  	_ =	swait.ge [sflag:s29], $0x1F40  }
0x3b: {  	[sflag:s29] =	ssyncset.done $0x0  }
0x3c: {  	s14 =	simm.s32 $0x2880;
	[sflag:s29] =	ssyncadd.s32 $0xFFFFE0C0  }
0x3d: {  	[spmem:s2] =	stream.indirect.scatter.add.f32 [tilespmem:s22], [sflag:$0x6], $0x40, s14, s19, $0xb8;
	[tilespmem:$0x16940] =	vst v63  }
0x3e: {  	_ =	swait.ge [sflag:s30], $0x1F40  }
0x3f: {  	[sflag:s30] =	ssyncset.done $0x0  }
0x40: {  	s18 =	simm.s32 $0x2900;
	[sflag:s30] =	ssyncadd.s32 $0xFFFFE0C0  }
0x41: {  	[spmem:s2] =	stream.indirect.scatter.add.f32 [tilespmem:s24], [sflag:$0x7], $0x40, s18, s19, $0xb8;
	[tilespmem:$0x16940] =	vst v63  }
0x42: {  	_ =	swait.ge [sflag:s31], $0x1F40  }
0x43: {  	[sflag:s31] =	ssyncset.done $0x0  }
0x44: {  	s14 =	simm.s32 $0x2980;
	[sflag:s31] =	ssyncadd.s32 $0xFFFFE0C0  }
0x45: {  	[spmem:s2] =	stream.indirect.scatter.add.f32 [tilespmem:s26], [sflag:$0x8], $0x40, s14, s19, $0xb8;
	[tilespmem:$0x16940] =	vst v63  }
0x46: {  	_ =	swait.ge [sflag:s1], $0x1F40  }
0x47: {  	[sflag:s1] =	ssyncset.done $0x0  }
0x48: {  	s18 =	simm.s32 $0x200;
	[sflag:s1] =	ssyncadd.s32 $0xFFFFE0C0  }
0x49: {  	[tilespmem:s20], [sflag:$0x1] =	stream.indirect.gather [hbm4b:s4+s19], $0x40, s18, s19, $0xb8;
	[tilespmem:$0x16940] =	vst v63  }
0x4a: {  	_ =	swait.ge [sflag:s0], $0x1F40  }
0x4b: {  	[sflag:s0] =	ssyncset.done $0x0  }
0x4c: {  	s14 =	simm.s32 $0x280;
	[sflag:s0] =	ssyncadd.s32 $0xFFFFE0C0  }
0x4d: {  	[tilespmem:s22], [sflag:$0x2] =	stream.indirect.gather [hbm4b:s4+s19], $0x40, s14, s19, $0xb8;
	[tilespmem:$0x16940] =	vst v63  }
0x4e: {  	_ =	swait.ge [sflag:s5], $0x1F40  }
0x4f: {  	[sflag:s5] =	ssyncset.done $0x0  }
0x50: {  	s18 =	simm.s32 $0x300;
	[sflag:s5] =	ssyncadd.s32 $0xFFFFE0C0  }
0x51: {  	[tilespmem:s24], [sflag:$0x3] =	stream.indirect.gather [hbm4b:s4+s19], $0x40, s18, s19, $0xb8;
	[tilespmem:$0x16940] =	vst v63  }
0x52: {  	_ =	swait.ge [sflag:s7], $0x1F40  }
0x53: {  	[sflag:s7] =	ssyncset.done $0x0  }
0x54: {  	s13 =	simm.s32 $0x380;
	s18 =	simm.s32 $0x800;
	[sflag:s7] =	ssyncadd.s32 $0xFFFFE0C0  }
.LBB2_2:
0x55: {  	[tilespmem:s26], [sflag:$0x4] =	stream.indirect.gather [hbm4b:s4+s19], $0x40, s13, s19, $0xb8;
	[tilespmem:$0x16940] =	vst v63  }
0x56: {  	s13 =	smov.u32 s18  }
0x57: {  	p1 =	sne.s32 s18, $0x9000;
	s18 =	sadd.s32 $0x800, s18;
	_ =	swait.ge [sflag:s28], $0x1F40  }
0x58: {  	s13 =	sshra.s32 s13, $0x2;
	[sflag:s28] =	ssyncset.done $0x0  }
0x59: {  	s14 =	sadd.s32 $0x2800, s13;
	[sflag:s28] =	ssyncadd.s32 $0xFFFFE0C0  }
0x5a: {  	[spmem:s2] =	stream.indirect.scatter.add.f32 [tilespmem:s20], [sflag:$0x5], $0x40, s14, s19, $0xb8;
	[tilespmem:$0x16940] =	vst v63  }
0x5b: {  	_ =	swait.ge [sflag:s29], $0x1F40  }
0x5c: {  	[sflag:s29] =	ssyncset.done $0x0  }
0x5d: {  	s14 =	sadd.s32 $0x2880, s13;
	[sflag:s29] =	ssyncadd.s32 $0xFFFFE0C0  }
0x5e: {  	[spmem:s2] =	stream.indirect.scatter.add.f32 [tilespmem:s22], [sflag:$0x6], $0x40, s14, s19, $0xb8;
	[tilespmem:$0x16940] =	vst v63  }
0x5f: {  	_ =	swait.ge [sflag:s30], $0x1F40  }
0x60: {  	[sflag:s30] =	ssyncset.done $0x0  }
0x61: {  	s14 =	sadd.s32 $0x2900, s13;
	[sflag:s30] =	ssyncadd.s32 $0xFFFFE0C0  }
0x62: {  	[spmem:s2] =	stream.indirect.scatter.add.f32 [tilespmem:s24], [sflag:$0x7], $0x40, s14, s19, $0xb8;
	[tilespmem:$0x16940] =	vst v63  }
0x63: {  	_ =	swait.ge [sflag:s31], $0x1F40  }
0x64: {  	[sflag:s31] =	ssyncset.done $0x0  }
0x65: {  	s14 =	sadd.s32 $0x2980, s13;
	[sflag:s31] =	ssyncadd.s32 $0xFFFFE0C0  }
0x66: {  	[spmem:s2] =	stream.indirect.scatter.add.f32 [tilespmem:s26], [sflag:$0x8], $0x40, s14, s19, $0xb8;
	[tilespmem:$0x16940] =	vst v63  }
0x67: {  	_ =	swait.ge [sflag:s1], $0x1F40  }
0x68: {  	[sflag:s1] =	ssyncset.done $0x0  }
0x69: {  	s14 =	sadd.s32 $0x200, s13;
	[sflag:s1] =	ssyncadd.s32 $0xFFFFE0C0  }
0x6a: {  	[tilespmem:s20], [sflag:$0x1] =	stream.indirect.gather [hbm4b:s4+s19], $0x40, s14, s19, $0xb8;
	[tilespmem:$0x16940] =	vst v63  }
0x6b: {  	_ =	swait.ge [sflag:s0], $0x1F40  }
0x6c: {  	[sflag:s0] =	ssyncset.done $0x0  }
0x6d: {  	s14 =	sadd.s32 $0x280, s13;
	[sflag:s0] =	ssyncadd.s32 $0xFFFFE0C0  }
0x6e: {  	[tilespmem:s22], [sflag:$0x2] =	stream.indirect.gather [hbm4b:s4+s19], $0x40, s14, s19, $0xb8;
	[tilespmem:$0x16940] =	vst v63  }
0x6f: {  	_ =	swait.ge [sflag:s5], $0x1F40  }
0x70: {  	[sflag:s5] =	ssyncset.done $0x0  }
.Ltmp0:
0x71: {  	s14 =	sadd.s32 $0x300, s13;
	[sflag:s5] =	ssyncadd.s32 $0xFFFFE0C0;
	(pc) =	sbr.rel @p1 .LBB2_2-.Ltmp0, $4  }
0x72: {  	[tilespmem:s24], [sflag:$0x3] =	stream.indirect.gather [hbm4b:s4+s19], $0x40, s14, s19, $0xb8;
	[tilespmem:$0x16940] =	vst v63  }
0x73: {  	_ =	swait.ge [sflag:s7], $0x1F40  }
0x74: {  	[sflag:s7] =	ssyncset.done $0x0  }
0x75: {  	s13 =	sadd.s32 $0x380, s13;
	[sflag:s7] =	ssyncadd.s32 $0xFFFFE0C0  }
0x76: {  	[tilespmem:s26], [sflag:$0x4] =	stream.indirect.gather [hbm4b:s4+s19], $0x40, s13, s19, $0xb8;
	[tilespmem:$0x16940] =	vst v63  }
0x77: {  	_ =	swait.ge [sflag:s28], $0x1F40  }
0x78: {  	[sflag:s28] =	ssyncset.done $0x0  }
0x79: {  	[sflag:s28] =	ssyncadd.s32 $0xFFFFE0C0  }
0x7a: {  	[spmem:s2] =	stream.indirect.scatter.add.f32 [tilespmem:s20], [sflag:$0x5], $0x40, s8, s19, $0xb8;
	[tilespmem:$0x16940] =	vst v63  }
0x7b: {  	_ =	swait.ge [sflag:s29], $0x1F40  }
0x7c: {  	[sflag:s29] =	ssyncset.done $0x0  }
0x7d: {  	[sflag:s29] =	ssyncadd.s32 $0xFFFFE0C0  }
0x7e: {  	[spmem:s2] =	stream.indirect.scatter.add.f32 [tilespmem:s22], [sflag:$0x6], $0x40, s9, s19, $0xb8;
	[tilespmem:$0x16940] =	vst v63  }
0x7f: {  	_ =	swait.ge [sflag:s30], $0x1F40  }
0x80: {  	[sflag:s30] =	ssyncset.done $0x0  }
0x81: {  	[sflag:s30] =	ssyncadd.s32 $0xFFFFE0C0  }
0x82: {  	[spmem:s2] =	stream.indirect.scatter.add.f32 [tilespmem:s24], [sflag:$0x7], $0x40, s10, s19, $0xb8;
	[tilespmem:$0x16940] =	vst v63  }
0x83: {  	_ =	swait.ge [sflag:s31], $0x1F40  }
0x84: {  	[sflag:s31] =	ssyncset.done $0x0  }
0x85: {  	[sflag:s31] =	ssyncadd.s32 $0xFFFFE0C0  }
0x86: {  	[spmem:s2] =	stream.indirect.scatter.add.f32 [tilespmem:s26], [sflag:$0x8], $0x40, s11, s19, $0xb8;
	[tilespmem:$0x16940] =	vst v63  }
0x87: {  	_ =	swait.ge [sflag:s1], $0x1F40  }
0x88: {  	[sflag:s1] =	ssyncset.done $0x0  }
0x89: {  	[sflag:s1] =	ssyncadd.s32 $0xFFFFE0C0  }
0x8a: {  	_ =	swait.ge [sflag:s0], $0x1F40  }
0x8b: {  	[sflag:s0] =	ssyncset.done $0x0  }
0x8c: {  	[sflag:s0] =	ssyncadd.s32 $0xFFFFE0C0  }
0x8d: {  	_ =	swait.ge [sflag:s5], $0x1F40  }
0x8e: {  	[sflag:s5] =	ssyncset.done $0x0  }
0x8f: {  	[sflag:s5] =	ssyncadd.s32 $0xFFFFE0C0  }
0x90: {  	_ =	swait.ge [sflag:s7], $0x1F40  }
0x91: {  	[sflag:s7] =	ssyncset.done $0x0  }
0x92: {  	s13 =	simm.s32 $0x0;
	s14 =	rddreg [dreg:$0x7];
	[sflag:s7] =	ssyncadd.s32 $0xFFFFE0C0  }
0x93: {  	[tilespmem:s13], [sflag:$0x9] =	stream.linear.gather [hbm4b:s14+s13], $0x2800, $0x38;
	[tilespmem:$0x16940] =	vst v63  }
0x94: {  	_ =	swait.ge [sflag:s16], $0x2800  }
0x95: {  	[sflag:s16] =	ssyncset.done $0x0  }
0x96: {  	s18 =	rddreg [dreg:$0x8];
	[sflag:s16] =	ssyncadd.s32 $0xFFFFD800  }
0x97: {  	[tilespmem:s21], [sflag:$0x9] =	stream.linear.gather [hbm4b:s18+s13], $0x2800, $0x38;
	[tilespmem:$0x16940] =	vst v63  }
0x98: {  	_ =	swait.ge [sflag:s16], $0x2800  }
0x99: {  	[sflag:s16] =	ssyncset.done $0x0  }
0x9a: {  	[sflag:s16] =	ssyncadd.s32 $0xFFFFD800  }
0x9b: {  	[tilespmem:s20], [sflag:$0x1] =	stream.indirect.gather [hbm4b:s4+s19], $0x40, s13, s19, $0xb8;
	[tilespmem:$0x16940] =	vst v63  }
0x9c: {  	s18 =	simm.s32 $0x80  }
0x9d: {  	[tilespmem:s22], [sflag:$0x2] =	stream.indirect.gather [hbm4b:s4+s19], $0x40, s18, s19, $0xb8;
	[tilespmem:$0x16940] =	vst v63  }
0x9e: {  	_ = 	snop  }
0x9f: {  	[tilespmem:s24], [sflag:$0x3] =	stream.indirect.gather [hbm4b:s4+s19], $0x40, s23, s19, $0xb8;
	[tilespmem:$0x16940] =	vst v63  }
0xa0: {  	_ = 	snop  }
0xa1: {  	[tilespmem:s26], [sflag:$0x4] =	stream.indirect.gather [hbm4b:s4+s19], $0x40, s25, s19, $0xb8;
	[tilespmem:$0x16940] =	vst v63  }
0xa2: {  	_ =	swait.ge [sflag:s28], $0x1F40  }
0xa3: {  	[sflag:s28] =	ssyncset.done $0x0  }
0xa4: {  	s21 =	simm.s32 $0x2800;
	[sflag:s28] =	ssyncadd.s32 $0xFFFFE0C0  }
0xa5: {  	[spmem:s2] =	stream.indirect.scatter.add.f32 [tilespmem:s20], [sflag:$0x5], $0x40, s21, s19, $0xb8;
	[tilespmem:$0x16940] =	vst v63  }
0xa6: {  	_ =	swait.ge [sflag:s29], $0x1F40  }
0xa7: {  	[sflag:s29] =	ssyncset.done $0x0  }
0xa8: {  	s14 =	simm.s32 $0x2880;
	[sflag:s29] =	ssyncadd.s32 $0xFFFFE0C0  }
0xa9: {  	[spmem:s2] =	stream.indirect.scatter.add.f32 [tilespmem:s22], [sflag:$0x6], $0x40, s14, s19, $0xb8;
	[tilespmem:$0x16940] =	vst v63  }
0xaa: {  	_ =	swait.ge [sflag:s30], $0x1F40  }
0xab: {  	[sflag:s30] =	ssyncset.done $0x0  }
0xac: {  	s18 =	simm.s32 $0x2900;
	[sflag:s30] =	ssyncadd.s32 $0xFFFFE0C0  }
0xad: {  	[spmem:s2] =	stream.indirect.scatter.add.f32 [tilespmem:s24], [sflag:$0x7], $0x40, s18, s19, $0xb8;
	[tilespmem:$0x16940] =	vst v63  }
0xae: {  	_ =	swait.ge [sflag:s31], $0x1F40  }
0xaf: {  	[sflag:s31] =	ssyncset.done $0x0  }
0xb0: {  	s21 =	simm.s32 $0x2980;
	[sflag:s31] =	ssyncadd.s32 $0xFFFFE0C0  }
0xb1: {  	[spmem:s2] =	stream.indirect.scatter.add.f32 [tilespmem:s26], [sflag:$0x8], $0x40, s21, s19, $0xb8;
	[tilespmem:$0x16940] =	vst v63  }
0xb2: {  	_ =	swait.ge [sflag:s1], $0x1F40  }
0xb3: {  	[sflag:s1] =	ssyncset.done $0x0  }
0xb4: {  	s14 =	simm.s32 $0x200;
	[sflag:s1] =	ssyncadd.s32 $0xFFFFE0C0  }
0xb5: {  	[tilespmem:s20], [sflag:$0x1] =	stream.indirect.gather [hbm4b:s4+s19], $0x40, s14, s19, $0xb8;
	[tilespmem:$0x16940] =	vst v63  }
0xb6: {  	_ =	swait.ge [sflag:s0], $0x1F40  }
0xb7: {  	[sflag:s0] =	ssyncset.done $0x0  }
0xb8: {  	s18 =	simm.s32 $0x280;
	[sflag:s0] =	ssyncadd.s32 $0xFFFFE0C0  }
0xb9: {  	[tilespmem:s22], [sflag:$0x2] =	stream.indirect.gather [hbm4b:s4+s19], $0x40, s18, s19, $0xb8;
	[tilespmem:$0x16940] =	vst v63  }
0xba: {  	_ =	swait.ge [sflag:s5], $0x1F40  }
0xbb: {  	[sflag:s5] =	ssyncset.done $0x0  }
0xbc: {  	s21 =	simm.s32 $0x300;
	[sflag:s5] =	ssyncadd.s32 $0xFFFFE0C0  }
0xbd: {  	[tilespmem:s24], [sflag:$0x3] =	stream.indirect.gather [hbm4b:s4+s19], $0x40, s21, s19, $0xb8;
	[tilespmem:$0x16940] =	vst v63  }
0xbe: {  	_ =	swait.ge [sflag:s7], $0x1F40  }
0xbf: {  	[sflag:s7] =	ssyncset.done $0x0  }
0xc0: {  	s13 =	simm.s32 $0x380;
	s18 =	simm.s32 $0x800;
	[sflag:s7] =	ssyncadd.s32 $0xFFFFE0C0  }
.LBB2_4:
0xc1: {  	[tilespmem:s26], [sflag:$0x4] =	stream.indirect.gather [hbm4b:s4+s19], $0x40, s13, s19, $0xb8;
	[tilespmem:$0x16940] =	vst v63  }
0xc2: {  	s13 =	smov.u32 s18  }
0xc3: {  	p1 =	sne.s32 s18, $0x9000;
	s18 =	sadd.s32 $0x800, s18;
	_ =	swait.ge [sflag:s28], $0x1F40  }
0xc4: {  	s13 =	sshra.s32 s13, $0x2;
	[sflag:s28] =	ssyncset.done $0x0  }
0xc5: {  	s14 =	sadd.s32 $0x2800, s13;
	[sflag:s28] =	ssyncadd.s32 $0xFFFFE0C0  }
0xc6: {  	[spmem:s2] =	stream.indirect.scatter.add.f32 [tilespmem:s20], [sflag:$0x5], $0x40, s14, s19, $0xb8;
	[tilespmem:$0x16940] =	vst v63  }
0xc7: {  	_ =	swait.ge [sflag:s29], $0x1F40  }
0xc8: {  	[sflag:s29] =	ssyncset.done $0x0  }
0xc9: {  	s14 =	sadd.s32 $0x2880, s13;
	[sflag:s29] =	ssyncadd.s32 $0xFFFFE0C0  }
0xca: {  	[spmem:s2] =	stream.indirect.scatter.add.f32 [tilespmem:s22], [sflag:$0x6], $0x40, s14, s19, $0xb8;
	[tilespmem:$0x16940] =	vst v63  }
0xcb: {  	_ =	swait.ge [sflag:s30], $0x1F40  }
0xcc: {  	[sflag:s30] =	ssyncset.done $0x0  }
0xcd: {  	s14 =	sadd.s32 $0x2900, s13;
	[sflag:s30] =	ssyncadd.s32 $0xFFFFE0C0  }
0xce: {  	[spmem:s2] =	stream.indirect.scatter.add.f32 [tilespmem:s24], [sflag:$0x7], $0x40, s14, s19, $0xb8;
	[tilespmem:$0x16940] =	vst v63  }
0xcf: {  	_ =	swait.ge [sflag:s31], $0x1F40  }
0xd0: {  	[sflag:s31] =	ssyncset.done $0x0  }
0xd1: {  	s14 =	sadd.s32 $0x2980, s13;
	[sflag:s31] =	ssyncadd.s32 $0xFFFFE0C0  }
0xd2: {  	[spmem:s2] =	stream.indirect.scatter.add.f32 [tilespmem:s26], [sflag:$0x8], $0x40, s14, s19, $0xb8;
	[tilespmem:$0x16940] =	vst v63  }
0xd3: {  	_ =	swait.ge [sflag:s1], $0x1F40  }
0xd4: {  	[sflag:s1] =	ssyncset.done $0x0  }
0xd5: {  	s14 =	sadd.s32 $0x200, s13;
	[sflag:s1] =	ssyncadd.s32 $0xFFFFE0C0  }
0xd6: {  	[tilespmem:s20], [sflag:$0x1] =	stream.indirect.gather [hbm4b:s4+s19], $0x40, s14, s19, $0xb8;
	[tilespmem:$0x16940] =	vst v63  }
0xd7: {  	_ =	swait.ge [sflag:s0], $0x1F40  }
0xd8: {  	[sflag:s0] =	ssyncset.done $0x0  }
0xd9: {  	s14 =	sadd.s32 $0x280, s13;
	[sflag:s0] =	ssyncadd.s32 $0xFFFFE0C0  }
0xda: {  	[tilespmem:s22], [sflag:$0x2] =	stream.indirect.gather [hbm4b:s4+s19], $0x40, s14, s19, $0xb8;
	[tilespmem:$0x16940] =	vst v63  }
0xdb: {  	_ =	swait.ge [sflag:s5], $0x1F40  }
0xdc: {  	[sflag:s5] =	ssyncset.done $0x0  }
.Ltmp1:
0xdd: {  	s14 =	sadd.s32 $0x300, s13;
	[sflag:s5] =	ssyncadd.s32 $0xFFFFE0C0;
	(pc) =	sbr.rel @p1 .LBB2_4-.Ltmp1, $4  }
0xde: {  	[tilespmem:s24], [sflag:$0x3] =	stream.indirect.gather [hbm4b:s4+s19], $0x40, s14, s19, $0xb8;
	[tilespmem:$0x16940] =	vst v63  }
0xdf: {  	_ =	swait.ge [sflag:s7], $0x1F40  }
0xe0: {  	[sflag:s7] =	ssyncset.done $0x0  }
0xe1: {  	s13 =	sadd.s32 $0x380, s13;
	[sflag:s7] =	ssyncadd.s32 $0xFFFFE0C0  }
0xe2: {  	[tilespmem:s26], [sflag:$0x4] =	stream.indirect.gather [hbm4b:s4+s19], $0x40, s13, s19, $0xb8;
	[tilespmem:$0x16940] =	vst v63  }
0xe3: {  	_ =	swait.ge [sflag:s28], $0x1F40  }
0xe4: {  	[sflag:s28] =	ssyncset.done $0x0  }
0xe5: {  	[sflag:s28] =	ssyncadd.s32 $0xFFFFE0C0  }
0xe6: {  	[spmem:s2] =	stream.indirect.scatter.add.f32 [tilespmem:s20], [sflag:$0x5], $0x40, s8, s19, $0xb8;
	[tilespmem:$0x16940] =	vst v63  }
0xe7: {  	_ =	swait.ge [sflag:s29], $0x1F40  }
0xe8: {  	[sflag:s29] =	ssyncset.done $0x0  }
0xe9: {  	[sflag:s29] =	ssyncadd.s32 $0xFFFFE0C0  }
0xea: {  	[spmem:s2] =	stream.indirect.scatter.add.f32 [tilespmem:s22], [sflag:$0x6], $0x40, s9, s19, $0xb8;
	[tilespmem:$0x16940] =	vst v63  }
0xeb: {  	_ =	swait.ge [sflag:s30], $0x1F40  }
0xec: {  	[sflag:s30] =	ssyncset.done $0x0  }
0xed: {  	[sflag:s30] =	ssyncadd.s32 $0xFFFFE0C0  }
0xee: {  	[spmem:s2] =	stream.indirect.scatter.add.f32 [tilespmem:s24], [sflag:$0x7], $0x40, s10, s19, $0xb8;
	[tilespmem:$0x16940] =	vst v63  }
0xef: {  	_ =	swait.ge [sflag:s31], $0x1F40  }
0xf0: {  	[sflag:s31] =	ssyncset.done $0x0  }
0xf1: {  	[sflag:s31] =	ssyncadd.s32 $0xFFFFE0C0  }
0xf2: {  	[spmem:s2] =	stream.indirect.scatter.add.f32 [tilespmem:s26], [sflag:$0x8], $0x40, s11, s19, $0xb8;
	[tilespmem:$0x16940] =	vst v63  }
0xf3: {  	_ =	swait.ge [sflag:s1], $0x1F40  }
0xf4: {  	[sflag:s1] =	ssyncset.done $0x0  }
0xf5: {  	[sflag:s1] =	ssyncadd.s32 $0xFFFFE0C0  }
0xf6: {  	_ =	swait.ge [sflag:s0], $0x1F40  }
0xf7: {  	[sflag:s0] =	ssyncset.done $0x0  }
0xf8: {  	[sflag:s0] =	ssyncadd.s32 $0xFFFFE0C0  }
0xf9: {  	_ =	swait.ge [sflag:s5], $0x1F40  }
0xfa: {  	[sflag:s5] =	ssyncset.done $0x0  }
0xfb: {  	[sflag:s5] =	ssyncadd.s32 $0xFFFFE0C0  }
0xfc: {  	_ =	swait.ge [sflag:s7], $0x1F40  }
0xfd: {  	[sflag:s7] =	ssyncset.done $0x0  }
0xfe: {  	[sflag:s7] =	ssyncadd.s32 $0xFFFFE0C0  }
0xff: {  	[bflag:$0x0] =	sbarrier.arrive $0xFFFF  }
0x100: {  	s14 =	simm.s32 $0x10;
	s18 =	rddreg [dreg:$0x9]  }
0x101: {  	[hbm:s18@s14], [sflag:s6] =	dma.strided [spmem:s15@s7], $0x1380, s28, $0x8   }
0x102: {  	_ =	swait.ge [sflag:s16], $0x1380  }
0x103: {  	s13 =	simm.s32 @!p0 $0x1;
	s14 =	simm.s32 @!p0 $0x10;
	[sflag:s16] =	ssyncset.done $0x0  }
0x104: {  	s18 =	simm.s32 @!p0 $0x8;
	s21 =	rddreg [dreg:$0xa];
	[sflag:s16] =	ssyncadd.s32 $0xFFFFEC80  }
0x105: {  	[hbm:s21@s14], [sflag:s6] =	dma.strided @!p0 [spmem:s17@s18], $0x80, s13, $0x8   }
0x106: {  	s13 =	simm.s32 @!p0 $0x9  }
0x107: {  	_ =	swait.ge @!p0 [sflag:s13], $0x80  }
0x108: {  	s12 =	sadd.s32 $0x1, s12;
	s21 =	rddreg [dreg:$0xb]  }
0x109: {  	p1 =	sne.s32 s12, s21  }
.Ltmp2:
0x10a: {  	_ = 	snop;
	(pc) =	sbr.rel @p1 .LBB2_1-.Ltmp2, $3  }
0x10b: {  	_ =	sdelay $0x1  }
0x10c: {  	[sflag:s13] =	ssyncset.done @!p0 $0x0  }
0x10d: {  	[sflag:s13] =	ssyncadd.s32 @!p0 $0xFFFFFF80;
	s21 =	simm.s32 $0x2800  }
0x10e: {  	_ =	sfence.sel $0x180000  }
0x10f: {  	[bflag:$0x0] =	sbarrier.arrive $0xFFFF  }
0x110: {  	_ =	strace $0x9000004A  }
0x111: {  	s0 =	stileid.u32;
	[bflag:$0x2] =	sbarrier.arrive $0xFFFF  }
0x112: {  	p0 =	sne.s32 s0, $0x0;
	s0 =	rddreg [dreg:$0x2]  }
0x113: {  	s0 =	sadd.s32 @!p0 $0x100000, s0  }
0x114: {  	[sflag:s0] =	ssyncadd.tile.s32 @!p0 $0x1;
	_ =	shalt  }
.Lfunc_end2:
_tile_overlayer_lowered:
.L_overlay_start_2:
0x115: {  	(tag) =	ssettag $0x2  }
0x116: {  	s0 =	rddreg [dreg:$0x0];
	s2 =	stileid.u32  }
0x117: {  	s1 =	rddreg [dreg:$0x1];
	p0 =	sne.s32 s2, $0x0  }
0x118: {  	s3 =	rddreg [dreg:$0x2];
	[bflag:$0x3] =	sbarrier.arrive $0xFFFF;
	s2 =	simm.s32 @!p0 $0x1C09  }
0x119: {  	[timem:s3], [sflag:s2] =	dma.local @!p0 [hbm:s0], s1  }
0x11a: {  	s0 =	simm.s32 @!p0 $0x9  }
0x11b: {  	_ =	swait.ge @!p0 [sflag:s0], s1  }
0x11c: {  	s1 =	ssub.s32 @!p0 $0x0, s1;
	[sflag:s0] =	ssyncset.done @!p0 $0x0  }
0x11d: {  	[sflag:s0] =	ssyncadd.s32 @!p0 s1  }
0x11e: {  	[bflag:$0x3] =	sbarrier.arrive $0xFFFF  }
0x11f: {  	_ =	shalt  }

// kernel: kernel.15.cloned.1.call-start
scs
__scs_entry_jumppad:
0x0: {  	(pc) =	sbr.rel $0x88, $3  }
0x1: {  	(tag) =	ssettag $0x0;
	lr =	simm.s32 $0x1  }
0x2: {  	[smem:$0x3F99] =	sst lr;
	_ =	strace $0xD0000000  }
0x3: {  	_ = 	snop  }
0x4: {  	_ = 	snop  }
0x5: {  	_ = 	snop  }
0x6: {  	_ = 	snop  }
0x7: {  	_ = 	snop  }
__scs_overlays_trampoline_lowered:
0x8: {  	[smem:$0x3FA8] =	sst s0  }
0x9: {  	[smem:$0x3FA9] =	sst s1  }
0xa: {  	[smem:$0x3FAA] =	sst s2  }
0xb: {  	[smem:$0x3FAB] =	sst s3  }
0xc: {  	[smem:$0x3FAC] =	sst s4  }
0xd: {  	[smem:$0x3FAD] =	sst s5  }
0xe: {  	[smem:$0x3FAE] =	sst s6  }
0xf: {  	[smem:$0x3FAF] =	sst s7  }
0x10: {  	[smem:$0x3FB0] =	sst s8  }
0x11: {  	[smem:$0x3FB1] =	sst s9;
	s0 =	simm.s32 @!p0 $0x0  }
0x12: {  	s1 =	sld [smem:$0x3F97];
	s0 =	simm.s32 @p0 $0x1  }
0x13: {  	[smem:$0x3FB2] =	sst s0;
	s0 =	simm.s32 @!p1 $0x0  }
0x14: {  	s2 =	sld [smem:$0x3F96];
	s0 =	simm.s32 @p1 $0x1  }
0x15: {  	[smem:$0x3FB3] =	sst s0;
	s0 =	simm.s32 @!p2 $0x0  }
0x16: {  	s3 =	sld [smem:$0x3FDB];
	s0 =	simm.s32 @p2 $0x1  }
0x17: {  	s4 =	simm.s32 $0x1BF5;
	[smem:$0x3FB5] =	sst s0  }
0x18: {  	s0 =	sld [smem:$0x3F98];
	_ =	swait.ge [sflag:s4], $0x0  }
0x19: {  	s7 =	sld [smem:$0x3F99]  }
0x1a: {  	s8 =	sadd.s32 $0xFFFFE003, lr  }
0x1b: {  	s9 =	sadd.s32 $0xFFFFFEF7, lr;
	s5 =	simm.s32 $0xFFFFFFFF;
	p2 =	slt.u32 s8, $0xFFFFF086  }
0x1c: {  	p1 =	slt.u32 s9, $0xF7A;
	s5 =	simm.s32 @!p2 $0x0  }
0x1d: {  	s5 =	simm.s32 @p1 $0x1;
	p0 =	seq.s32 s7, s2  }
0x1e: {  	s7 =	smul.u32 @!p0 $0xF7A, s2;
	p2 =	seq.s32 @!p0 s5, $0x0  }
0x1f: {  	s9 =	smul.u32 $0xF7A, s1;
	s8 =	simm.s32 @!p0 $0x1BF5;
	p2 =	por !p2, p0  }
0x20: {  	[sflag:s8] =	ssyncset.s32 @!p0 $0xFFFFF086;
	s6 =	sadd.s32 @!p0 s3, s7;
	s7 =	simm.s32 @!p0 $0x108  }
0x21: {  	s3 =	sadd.s32 s3, s9;
	s6 =	sadd.s32 @!p0 $0x88, s6;
	s7 =	simm.s32 @p2 $0x1082  }
0x22: {  	[simem:s7], [sflag:s8] =	dma.local @!p0 [hbm:s6], $0xF7A  }
0x23: {  	s9 =	sor.u32 $0xD0000000, s2;
	s6 =	simm.s32 $0x108;
	_ =	swait.ge @!p0 [sflag:s8], $0x0  }
0x24: {  	s3 =	sadd.s32 $0x88, s3;
	s6 =	simm.s32 @!p1 $0x1082;
	[sflag:s4] =	ssyncset.s32 $0xFFFFF086  }
0x25: {  	[simem:s6], [sflag:s4] =	dma.local [hbm:s3], $0xF7A  }
0x26: {  	[smem:$0x3F99] =	sst s1;
	(tag) =	ssettag s2;
	_ =	strace s9  }
0x27: {  	s1 =	sld [smem:$0x3FA9]  }
0x28: {  	s2 =	sld [smem:$0x3FAA]  }
0x29: {  	s4 =	sld [smem:$0x3FAC]  }
0x2a: {  	p0 =	seq.s32 s5, $0x0;
	s5 =	sld [smem:$0x3FAD]  }
0x2b: {  	s6 =	sld [smem:$0x3FAE]  }
0x2c: {  	s7 =	sld [smem:$0x3FAF]  }
0x2d: {  	s3 =	simm.s32 $0x108;
	s8 =	sld [smem:$0x3FB0]  }
0x2e: {  	s3 =	simm.s32 @!p0 $0x1082;
	s9 =	sld [smem:$0x3FB1]  }
0x2f: {  	lr =	sadd.s32 s0, s3;
	s0 =	sld [smem:$0x3FA8]  }
0x30: {  	s3 =	sld [smem:$0x3FAB]  }
0x31: {  	[smem:$0x3FB4] =	sst s10  }
0x32: {  	s10 =	sld [smem:$0x3FB2];
	_ =	sdelay $0x3  }
0x33: {  	p0 =	seq.s32 s10, $0x1;
	s10 =	sld [smem:$0x3FB4];
	_ =	sdelay $0x3  }
0x34: {  	[smem:$0x3FB4] =	sst s10  }
0x35: {  	s10 =	sld [smem:$0x3FB3];
	_ =	sdelay $0x3  }
0x36: {  	p1 =	seq.s32 s10, $0x1;
	s10 =	sld [smem:$0x3FB4];
	_ =	sdelay $0x3  }
0x37: {  	[smem:$0x3FB4] =	sst s10  }
0x38: {  	s10 =	sld [smem:$0x3FB5]  }
0x39: {  	_ = 	snop;
	(pc) =	sbr.ind lr, $3  }
0x3a: {  	_ = 	snop  }
0x3b: {  	_ = 	snop  }
0x3c: {  	p2 =	seq.s32 s10, $0x1;
	s10 =	sld [smem:$0x3FB4]  }
0x3d: {  	_ =	shalt  }
0x3e: {  	_ =	shalt  }
0x3f: {  	_ =	shalt  }
0x40: {  	_ =	shalt  }
0x41: {  	_ =	shalt  }
0x42: {  	_ =	shalt  }
0x43: {  	_ =	shalt  }
0x44: {  	_ =	shalt  }
0x45: {  	_ =	shalt  }
0x46: {  	_ =	shalt  }
0x47: {  	_ =	shalt  }
0x48: {  	_ =	shalt  }
0x49: {  	_ =	shalt  }
0x4a: {  	_ =	shalt  }
0x4b: {  	_ =	shalt  }
0x4c: {  	_ =	shalt  }
0x4d: {  	_ =	shalt  }
0x4e: {  	_ =	shalt  }
0x4f: {  	_ =	shalt  }
0x50: {  	_ =	shalt  }
0x51: {  	_ =	shalt  }
0x52: {  	_ =	shalt  }
0x53: {  	_ =	shalt  }
0x54: {  	_ =	shalt  }
0x55: {  	_ =	shalt  }
0x56: {  	_ =	shalt  }
0x57: {  	_ =	shalt  }
0x58: {  	_ =	shalt  }
0x59: {  	_ =	shalt  }
0x5a: {  	_ =	shalt  }
0x5b: {  	_ =	shalt  }
0x5c: {  	_ =	shalt  }
0x5d: {  	_ =	shalt  }
0x5e: {  	_ =	shalt  }
0x5f: {  	_ =	shalt  }
0x60: {  	_ =	shalt  }
0x61: {  	_ =	shalt  }
0x62: {  	_ =	shalt  }
0x63: {  	_ =	shalt  }
0x64: {  	_ =	shalt  }
0x65: {  	_ =	shalt  }
0x66: {  	_ =	shalt  }
0x67: {  	_ =	shalt  }
0x68: {  	_ =	shalt  }
0x69: {  	_ =	shalt  }
0x6a: {  	_ =	shalt  }
0x6b: {  	_ =	shalt  }
0x6c: {  	_ =	shalt  }
0x6d: {  	_ =	shalt  }
0x6e: {  	_ =	shalt  }
0x6f: {  	_ =	shalt  }
0x70: {  	_ =	shalt  }
0x71: {  	_ =	shalt  }
0x72: {  	_ =	shalt  }
0x73: {  	_ =	shalt  }
0x74: {  	_ =	shalt  }
0x75: {  	_ =	shalt  }
0x76: {  	_ =	shalt  }
0x77: {  	_ =	shalt  }
0x78: {  	_ =	shalt  }
0x79: {  	_ =	shalt  }
0x7a: {  	_ =	shalt  }
0x7b: {  	_ =	shalt  }
0x7c: {  	_ =	shalt  }
0x7d: {  	_ =	shalt  }
0x7e: {  	_ =	shalt  }
0x7f: {  	_ =	shalt  }
0x80: {  	_ =	shalt  }
0x81: {  	_ =	shalt  }
0x82: {  	_ =	shalt  }
0x83: {  	_ =	shalt  }
0x84: {  	_ =	shalt  }
0x85: {  	_ =	shalt  }
0x86: {  	_ =	shalt  }
0x87: {  	_ =	shalt  }
.Lfunc_end0:
.L_simem_size_0:
called_computation.2_lowered:
.L_overlay_start_0:
0x88: {  	s2 =	sld [smem:$0x3FD9]  }
0x89: {  	s3 =	sld [smem:$0x3FFE];
	_ =	sdelay $0x1  }
0x8a: {  	s1 =	srdreg.scid  }
0x8b: {  	s0 =	sand.u32 $0x1, s1  }
0x8c: {  	s17 =	sshll.u32 s0, $0xA;
	s2 =	sadd.s32 s3, s2  }
0x8d: {  	s2 =	sadd.s32 s2, s17  }
0x8e: {  	[smem:$0x3FC0] =	sst s2  }
0x8f: {  	_ = 	snop  }
0x90: {  	s2 =	sld [smem:$0x3FC6]  }
0x91: {  	s18 =	sld [smem:$0x3FD0];
	(tm) =	ssettm $0x1  }
0x92: {  	s4 =	sld [smem:$0x3FFB];
	_ =	sdelay $0x3  }
0x93: {  	_ =	strace s4  }
0x94: {  	s4 =	sld [smem:$0x3FFC];
	_ =	sdelay $0x3  }
0x95: {  	_ =	strace s4  }
0x96: {  	s4 =	sld [smem:$0x3FFD];
	_ =	sdelay $0x3  }
0x97: {  	_ =	strace s4  }
0x98: {  	_ =	strace $0x8FFFFFFF  }
0x99: {  	s19 =	sld [smem:$0x3FDB];
	_ =	sdelay $0x1  }
0x9a: {  	s5 =	simm.s32 $_scs_section_size  }
0x9b: {  	s6 =	simm.s32 $_size__tile_overlayer_lowered;
	s7 =	simm.s32 $_tile_overlayer_lowered  }
0x9c: {  	s22 =	simm.s32 $0x1BFF;
	s21 =	sshll.u32 s7, $0x1;
	s4 =	sadd.s32 s5, s19  }
0x9d: {  	s8 =	simm.s32 $0x0;
	s20 =	sshll.u32 s6, $0x1;
	s6 =	sadd.s32 s21, s4  }
0x9e: {  	[timem:s8], [sflag:s22] =	dma.local [hbm:s6], s20  }
0x9f: {  	_ =	swait.ge [sflag:s22], s20  }
0xa0: {  	s5 =	ssub.s32 $0x0, s20;
	[sflag:s22] =	ssyncset.done $0x0  }
0xa1: {  	[sflag:s22] =	ssyncadd.s32 s5;
	_ =	sdelay $0x1  }
0xa2: {  	s23 =	simm.s32 $0x1B8B  }
0xa3: {  	_ =	swait.ge [sflag:s23], $0x1  }
0xa4: {  	[sflag:s23] =	ssyncset.done $0x0  }
0xa5: {  	s25 =	simm.s32 $0x1B8E;
	s24 =	sld [smem:$0x3FFE];
	[sflag:s23] =	ssyncadd.s32 $0xFFFFFFFF  }
0xa6: {  	s26 =	simm.s32 $execute0_lowered;
	[smem:$0x3FD2] =	sst s25  }
0xa7: {  	s6 =	sshll.u32 s26, $0x1;
	_ =	strace $0x8000004C;
	[dreg:$0x1] =	wrdreg $0xFFFFFFFF  }
0xa8: {  	s28 =	simm.s32 $_size_execute0_lowered;
	s4 =	sadd.s32 s4, s6;
	[dreg:$0x0] =	wrdreg $0x0  }
0xa9: {  	s6 =	sshll.u32 s28, $0x1;
	[dreg:$0x2] =	wrdreg s4  }
0xaa: {  	[dreg:$0x3] =	wrdreg s6  }
0xab: {  	[dreg:$0x4] =	wrdreg $0xC0  }
0xac: {  	_ =	task [dreg:s8], $0x5FFFF  }
0xad: {  	[dreg:$0x1] =	wrdreg $0xFFFFFFFF  }
0xae: {  	[dreg:$0x0] =	wrdreg $0x60  }
0xaf: {  	[dreg:$0x2] =	wrdreg s24  }
0xb0: {  	[dreg:$0x3] =	wrdreg s2  }
0xb1: {  	[dreg:$0x4] =	wrdreg s18  }
0xb2: {  	[dreg:$0x5] =	wrdreg $0xCD000  }
0xb3: {  	[dreg:$0x6] =	wrdreg $0x9  }
0xb4: {  	_ =	task.clear_ibuf [dreg:s8], $0x7FFFF;
	_ =	strace $0x9000004C  }
0xb5: {  	s29 =	simm.s32 $0x9;
	_ =	strace $0x8000004E  }
0xb6: {  	_ =	swait.ge [sflag:s29], $0x1  }
0xb7: {  	[sflag:s29] =	ssyncadd.s32 $0xFFFFFFFF  }
0xb8: {  	_ =	strace $0x9000004E  }
0xb9: {  	_ =	sfence  }
0xba: {  	s30 =	sld [smem:$0x0];
	_ =	sdelay $0x2  }
0xbb: {  	s31 =	sshll.u32 s1, $0xD;
	s1 =	sshrl.u32 s1, $0x2  }
0xbc: {  	s3 =	sand.u32 $0x4000, s31;
	s1 =	sadd.s32 s1, s30  }
0xbd: {  	s0 =	sor.u32 s3, s0;
	s1 =	sshll.u32 s1, $0x11  }
0xbe: {  	s0 =	sor.u32 s1, s0  }
0xbf: {  	s0 =	sadd.s32 $0x8F2B, s0  }
0xc0: {  	[sflag:s0] =	ssyncadd.remote.s32 $0x1  }
0xc1: {  	_ =	sfence.sel $0xFFFF  }
0xc2: {  	[dreg:$0x0] =	wrdreg $0xFFFFFFFF;
	(pc) =	sbr.abs _section_cstart, $3  }
0xc3: {  	[dreg:$0x1] =	wrdreg $0xFFFFFFFF  }
0xc4: {  	_ =	task.clear_ibuf [dreg:s8], $0x2FFFF;
	_ =	strace $0x9FFFFFFF  }
0xc5: {  	(tm) =	ssettm $0x7FFFFFFF  }
tec
execute0_lowered:
.L_overlay_start_1:
0x0: {  	(tag) =	ssettag $0x1  }
0x1: {  	s0 =	rddreg [dreg:$0x0]  }
0x2: {  	s1 =	rddreg [dreg:$0x1];
	s2 =	srdreg.scid  }
0x3: {  	s5 =	rddreg [dreg:$0x2];
	s15 =	stileid.u32  }
0x4: {  	s3 =	simm.s32 $0x0;
	s28 =	simm.s32 $0x8E80;
	s30 =	simm.s32 $0xADC0  }
0x5: {  	s6 =	sand.u32 $0x1, s2;
	s2 =	rddreg [dreg:$0x3];
	s7 =	smul.u32 $0x5000, s15  }
0x6: {  	s31 =	simm.s32 $0x1;
	[smem:$0x7FF] =	sst s3;
	s9 =	smul.u32 $0x9C00, s15  }
0x7: {  	s12 =	sadd.s32 $0xCEC00, s0;
	s17 =	sadd.s32 $0x65E00, s0;
	s18 =	sshll.u32 s15, $0x6  }
0x8: {  	s19 =	sshll.u32 s15, $0x7;
	s1 =	sadd.s32 s1, s15;
	p0 =	sne.s32 s15, $0xF  }
0x9: {  	s4 =	smul.u32 $0x50000, s6;
	_ =	strace $0x8000004D;
	[dreg:$0x5] =	wrdreg s12  }
0xa: {  	s16 =	ssub.s32 $0x2, s6;
	[dreg:$0x8] =	wrdreg s1;
	s20 =	sshll.u32 s6, $0x6  }
0xb: {  	s24 =	sshll.u32 s6, $0x3;
	p1 =	sne.s32 s6, $0x0;
	s1 =	simm.s32 $0x2  }
0xc: {  	s6 =	simm.s32 $0x5;
	s12 =	simm.s32 $0x4E80;
	s10 =	sshrl.u32 s9, $0x3  }
0xd: {  	s13 =	sshrl.u32 s16, $0x1;
	s9 =	sadd.s32 s9, s2;
	s26 =	sadd.s32 s24, s17  }
0xe: {  	s8 =	sadd.s32 s7, s4;
	s4 =	sadd.s32 $0x4000, s0;
	s7 =	sshrl.u32 s7, $0x3  }
0xf: {  	s14 =	sadd.s32 s10, s0;
	s10 =	ssub.s32 s16, s13;
	s13 =	sadd.s32 $0x9C000, s2  }
0x10: {  	s8 =	sshrl.u32 s8, $0x3;
	s11 =	sadd.s32 s7, s0;
	s7 =	sadd.s32 $0x52400, s14  }
0x11: {  	s14 =	smul.u32 $0x13800, s15;
	s29 =	smax.u32 s10, $0x1;
	s10 =	simm.s32 $0x8  }
0x12: {  	s15 =	simm.s32 $0x0;
	s8 =	sadd.s32 s8, s0;
	[dreg:$0x6] =	wrdreg s7  }
0x13: {  	s7 =	sor.u32 $0x1C0A, s18;
	s0 =	sadd.s32 $0x65C00, s0;
	s22 =	sadd.s32 $0xB0C00, s11  }
0x14: {  	s25 =	sadd.s32 $0xB1100, s11;
	[dreg:$0x10] =	wrdreg s29;
	s18 =	sshrl.u32 s9, $0x3  }
0x15: {  	s9 =	simm.s32 $0x7;
	s11 =	simm.s32 $0x4E00;
	[dreg:$0x7] =	wrdreg s0  }
0x16: {  	s0 =	sadd.s32 s5, s19;
	s21 =	sadd.s32 $0xBAC00, s8;
	[dreg:$0xb] =	wrdreg s22  }
0x17: {  	s23 =	sadd.s32 $0xBB100, s8;
	[dreg:$0xd] =	wrdreg s25;
	s19 =	simm.s32 $0xA  }
0x18: {  	s22 =	simm.s32 $0x7D;
	s25 =	simm.s32 $0x6F40;
	[dreg:$0x9] =	wrdreg s0  }
0x19: {  	s5 =	simm.s32 $0x4;
	[dreg:$0xa] =	wrdreg s21;
	s0 =	sor.u32 s20, s14  }
0x1a: {  	s8 =	simm.s32 $0x6;
	[dreg:$0xc] =	wrdreg s23;
	s0 =	sshrl.u32 s0, $0x3  }
0x1b: {  	s20 =	sshrl.u32 @!p0 s13, $0x3;
	s23 =	simm.s32 $0x5000;
	s0 =	sadd.s32 s17, s0  }
0x1c: {  	s13 =	simm.s32 $0x4F00;
	[dreg:$0xe] =	wrdreg s0;
	s0 =	sadd.s32 $0x27000, s26  }
0x1d: {  	s14 =	simm.s32 $0x4F80;
	[dreg:$0xf] =	wrdreg s0;
	s0 =	simm.s32 $0x3  }
.LBB2_1:
0x1e: {  	s16 =	rddreg [dreg:$0x6]  }
0x1f: {  	[spmem:s18], [sflag:s7] =	dma.local [hbm:s16], $0x1380  }
0x20: {  	_ =	swait.ge [sflag:s19], $0x1380  }
0x21: {  	[sflag:s19] =	ssyncset.done $0x0  }
0x22: {  	s16 =	rddreg [dreg:$0x7];
	[sflag:s19] =	ssyncadd.s32 $0xFFFFEC80  }
0x23: {  	[spmem:s20], [sflag:s7] =	dma.local @!p0 [hbm:s16], $0x80  }
0x24: {  	s16 =	simm.s32 @!p0 $0xA  }
0x25: {  	_ =	swait.ge @!p0 [sflag:s16], $0x80  }
0x26: {  	[sflag:s16] =	ssyncset.done @!p0 $0x0  }
0x27: {  	[sflag:s16] =	ssyncadd.s32 @!p0 $0xFFFFFF80  }
0x28: {  	[bflag:$0x0] =	sbarrier.arrive $0xFFFF  }
0x29: {  	s21 =	simm.s32 @!p1 $0x16940;
	s16 =	simm.s32 @!p1 $0x0;
	s17 =	rddreg [dreg:$0x8]  }
0x2a: {  	[tilespmem:s21], [sflag:$0xA] =	stream.linear.gather @!p1 [hbm4b:s17+s16], $0x8, $0x38;
	[tilespmem:$0x16D48] =	vst v63  }
0x2b: {  	s17 =	simm.s32 @!p1 $0xA  }
0x2c: {  	_ =	swait.ge @!p1 [sflag:s17], $0x8  }
0x2d: {  	s24 =	simm.s32 @!p1 $0x8;
	[sflag:s17] =	ssyncset.done @!p1 $0x0  }
0x2e: {  	s26 =	simm.s32 @!p1 $0x16948;
	s29 =	rddreg [dreg:$0x5];
	[sflag:s17] =	ssyncadd.s32 @!p1 $0xFFFFFFF8  }
0x2f: {  	[tilespmem:s26], [sflag:$0x9] =	stream.indirect.gather @!p1 [hbm4b:s29+s24], $0x80, s21, s24, $0xb8;
	[tilespmem:$0x16D48] =	vst v63  }
0x30: {  	s21 =	simm.s32 @!p1 $0x9  }
0x31: {  	_ =	swait.ge @!p1 [sflag:s21], $0x400  }
0x32: {  	[sflag:s21] =	ssyncset.done @!p1 $0x0  }
0x33: {  	[sflag:s21] =	ssyncadd.s32 @!p1 $0xFFFFFC00;
	s21 =	rddreg [dreg:$0x9]  }
0x34: {  	[hbm4b:s21+s16] =	stream.linear.scatter @!p1 [tilespmem:s26], [sflag:$0xA], $0x400, $0x38;
	[tilespmem:$0x16D48] =	vst v63  }
0x35: {  	_ =	swait.ge @!p1 [sflag:s17], $0x400  }
0x36: {  	[sflag:s17] =	ssyncset.done @!p1 $0x0  }
0x37: {  	s24 =	rddreg [dreg:$0xa];
	[sflag:s17] =	ssyncadd.s32 @!p1 $0xFFFFFC00  }
0x38: {  	[tilespmem:s3], [sflag:$0xA] =	stream.linear.gather [hbm4b:s24+s3], $0x2800, $0x38;
	[tilespmem:$0x16D48] =	vst v63  }
0x39: {  	_ =	swait.ge [sflag:s19], $0x2800  }
0x3a: {  	[sflag:s19] =	ssyncset.done $0x0  }
0x3b: {  	s29 =	simm.s32 $0x2800;
	s26 =	rddreg [dreg:$0xb];
	[sflag:s19] =	ssyncadd.s32 $0xFFFFD800  }
0x3c: {  	[tilespmem:s29], [sflag:$0xA] =	stream.linear.gather [hbm4b:s26+s3], $0x2800, $0x38;
	[tilespmem:$0x16D48] =	vst v63  }
0x3d: {  	_ =	swait.ge [sflag:s19], $0x2800  }
0x3e: {  	[sflag:s19] =	ssyncset.done $0x0  }
0x3f: {  	[sflag:s19] =	ssyncadd.s32 $0xFFFFD800  }
0x40: {  	[tilespmem:s23], [sflag:$0x1] =	stream.indirect.gather [hbm4b:s4+s22], $0x40, s3, s22, $0xb8;
	[tilespmem:$0x16D48] =	vst v63  }
0x41: {  	s17 =	simm.s32 $0x80  }
0x42: {  	[tilespmem:s25], [sflag:$0x2] =	stream.indirect.gather [hbm4b:s4+s22], $0x40, s17, s22, $0xb8;
	[tilespmem:$0x16D48] =	vst v63  }
0x43: {  	s21 =	simm.s32 $0x100  }
0x44: {  	[tilespmem:s28], [sflag:$0x3] =	stream.indirect.gather [hbm4b:s4+s22], $0x40, s21, s22, $0xb8;
	[tilespmem:$0x16D48] =	vst v63  }
0x45: {  	s24 =	simm.s32 $0x180  }
0x46: {  	[tilespmem:s30], [sflag:$0x4] =	stream.indirect.gather [hbm4b:s4+s22], $0x40, s24, s22, $0xb8;
	[tilespmem:$0x16D48] =	vst v63  }
0x47: {  	_ =	swait.ge [sflag:s31], $0x1F40  }
0x48: {  	[sflag:s31] =	ssyncset.done $0x0  }
0x49: {  	s26 =	simm.s32 $0x2800;
	[sflag:s31] =	ssyncadd.s32 $0xFFFFE0C0  }
0x4a: {  	[spmem:s2] =	stream.indirect.scatter.add.f32 [tilespmem:s23], [sflag:$0x5], $0x40, s26, s22, $0xb8;
	[tilespmem:$0x16D48] =	vst v63  }
0x4b: {  	_ =	swait.ge [sflag:s1], $0x1F40  }
0x4c: {  	[sflag:s1] =	ssyncset.done $0x0  }
0x4d: {  	s29 =	simm.s32 $0x2880;
	[sflag:s1] =	ssyncadd.s32 $0xFFFFE0C0  }
0x4e: {  	[spmem:s2] =	stream.indirect.scatter.add.f32 [tilespmem:s25], [sflag:$0x6], $0x40, s29, s22, $0xb8;
	[tilespmem:$0x16D48] =	vst v63  }
0x4f: {  	_ =	swait.ge [sflag:s0], $0x1F40  }
0x50: {  	[sflag:s0] =	ssyncset.done $0x0  }
0x51: {  	s17 =	simm.s32 $0x2900;
	[sflag:s0] =	ssyncadd.s32 $0xFFFFE0C0  }
0x52: {  	[spmem:s2] =	stream.indirect.scatter.add.f32 [tilespmem:s28], [sflag:$0x7], $0x40, s17, s22, $0xb8;
	[tilespmem:$0x16D48] =	vst v63  }
0x53: {  	_ =	swait.ge [sflag:s5], $0x1F40  }
0x54: {  	[sflag:s5] =	ssyncset.done $0x0  }
0x55: {  	s21 =	simm.s32 $0x2980;
	[sflag:s5] =	ssyncadd.s32 $0xFFFFE0C0  }
0x56: {  	[spmem:s2] =	stream.indirect.scatter.add.f32 [tilespmem:s30], [sflag:$0x8], $0x40, s21, s22, $0xb8;
	[tilespmem:$0x16D48] =	vst v63  }
0x57: {  	_ =	swait.ge [sflag:s6], $0x1F40  }
0x58: {  	[sflag:s6] =	ssyncset.done $0x0  }
0x59: {  	s24 =	simm.s32 $0x200;
	[sflag:s6] =	ssyncadd.s32 $0xFFFFE0C0  }
0x5a: {  	[tilespmem:s23], [sflag:$0x1] =	stream.indirect.gather [hbm4b:s4+s22], $0x40, s24, s22, $0xb8;
	[tilespmem:$0x16D48] =	vst v63  }
0x5b: {  	_ =	swait.ge [sflag:s8], $0x1F40  }
0x5c: {  	[sflag:s8] =	ssyncset.done $0x0  }
0x5d: {  	s26 =	simm.s32 $0x280;
	[sflag:s8] =	ssyncadd.s32 $0xFFFFE0C0  }
0x5e: {  	[tilespmem:s25], [sflag:$0x2] =	stream.indirect.gather [hbm4b:s4+s22], $0x40, s26, s22, $0xb8;
	[tilespmem:$0x16D48] =	vst v63  }
0x5f: {  	_ =	swait.ge [sflag:s9], $0x1F40  }
0x60: {  	[sflag:s9] =	ssyncset.done $0x0  }
0x61: {  	s29 =	simm.s32 $0x300;
	[sflag:s9] =	ssyncadd.s32 $0xFFFFE0C0  }
0x62: {  	[tilespmem:s28], [sflag:$0x3] =	stream.indirect.gather [hbm4b:s4+s22], $0x40, s29, s22, $0xb8;
	[tilespmem:$0x16D48] =	vst v63  }
0x63: {  	_ =	swait.ge [sflag:s10], $0x1F40  }
0x64: {  	[sflag:s10] =	ssyncset.done $0x0  }
0x65: {  	s16 =	simm.s32 $0x800;
	s21 =	simm.s32 $0x380;
	[sflag:s10] =	ssyncadd.s32 $0xFFFFE0C0  }
.LBB2_2:
0x66: {  	[tilespmem:s30], [sflag:$0x4] =	stream.indirect.gather [hbm4b:s4+s22], $0x40, s21, s22, $0xb8;
	[tilespmem:$0x16D48] =	vst v63  }
0x67: {  	s17 =	smov.u32 s16  }
0x68: {  	p2 =	sne.s32 s16, $0x9000;
	s16 =	sadd.s32 $0x800, s16;
	_ =	swait.ge [sflag:s31], $0x1F40  }
0x69: {  	s21 =	sshra.s32 s17, $0x2;
	[sflag:s31] =	ssyncset.done $0x0  }
0x6a: {  	s17 =	sadd.s32 $0x2800, s21;
	[sflag:s31] =	ssyncadd.s32 $0xFFFFE0C0  }
0x6b: {  	[spmem:s2] =	stream.indirect.scatter.add.f32 [tilespmem:s23], [sflag:$0x5], $0x40, s17, s22, $0xb8;
	[tilespmem:$0x16D48] =	vst v63  }
0x6c: {  	_ =	swait.ge [sflag:s1], $0x1F40  }
0x6d: {  	[sflag:s1] =	ssyncset.done $0x0  }
0x6e: {  	s17 =	sadd.s32 $0x2880, s21;
	[sflag:s1] =	ssyncadd.s32 $0xFFFFE0C0  }
0x6f: {  	[spmem:s2] =	stream.indirect.scatter.add.f32 [tilespmem:s25], [sflag:$0x6], $0x40, s17, s22, $0xb8;
	[tilespmem:$0x16D48] =	vst v63  }
0x70: {  	_ =	swait.ge [sflag:s0], $0x1F40  }
0x71: {  	[sflag:s0] =	ssyncset.done $0x0  }
0x72: {  	s17 =	sadd.s32 $0x2900, s21;
	[sflag:s0] =	ssyncadd.s32 $0xFFFFE0C0  }
0x73: {  	[spmem:s2] =	stream.indirect.scatter.add.f32 [tilespmem:s28], [sflag:$0x7], $0x40, s17, s22, $0xb8;
	[tilespmem:$0x16D48] =	vst v63  }
0x74: {  	_ =	swait.ge [sflag:s5], $0x1F40  }
0x75: {  	[sflag:s5] =	ssyncset.done $0x0  }
0x76: {  	s17 =	sadd.s32 $0x2980, s21;
	[sflag:s5] =	ssyncadd.s32 $0xFFFFE0C0  }
0x77: {  	[spmem:s2] =	stream.indirect.scatter.add.f32 [tilespmem:s30], [sflag:$0x8], $0x40, s17, s22, $0xb8;
	[tilespmem:$0x16D48] =	vst v63  }
0x78: {  	_ =	swait.ge [sflag:s6], $0x1F40  }
0x79: {  	[sflag:s6] =	ssyncset.done $0x0  }
0x7a: {  	s17 =	sadd.s32 $0x200, s21;
	[sflag:s6] =	ssyncadd.s32 $0xFFFFE0C0  }
0x7b: {  	[tilespmem:s23], [sflag:$0x1] =	stream.indirect.gather [hbm4b:s4+s22], $0x40, s17, s22, $0xb8;
	[tilespmem:$0x16D48] =	vst v63  }
0x7c: {  	_ =	swait.ge [sflag:s8], $0x1F40  }
0x7d: {  	[sflag:s8] =	ssyncset.done $0x0  }
0x7e: {  	s17 =	sadd.s32 $0x280, s21;
	[sflag:s8] =	ssyncadd.s32 $0xFFFFE0C0  }
0x7f: {  	[tilespmem:s25], [sflag:$0x2] =	stream.indirect.gather [hbm4b:s4+s22], $0x40, s17, s22, $0xb8;
	[tilespmem:$0x16D48] =	vst v63  }
0x80: {  	_ =	swait.ge [sflag:s9], $0x1F40  }
0x81: {  	[sflag:s9] =	ssyncset.done $0x0  }
.Ltmp0:
0x82: {  	s17 =	sadd.s32 $0x300, s21;
	[sflag:s9] =	ssyncadd.s32 $0xFFFFE0C0;
	(pc) =	sbr.rel @p2 .LBB2_2-.Ltmp0, $4  }
0x83: {  	[tilespmem:s28], [sflag:$0x3] =	stream.indirect.gather [hbm4b:s4+s22], $0x40, s17, s22, $0xb8;
	[tilespmem:$0x16D48] =	vst v63  }
0x84: {  	_ =	swait.ge [sflag:s10], $0x1F40  }
0x85: {  	[sflag:s10] =	ssyncset.done $0x0  }
0x86: {  	s21 =	sadd.s32 $0x380, s21;
	[sflag:s10] =	ssyncadd.s32 $0xFFFFE0C0  }
0x87: {  	[tilespmem:s30], [sflag:$0x4] =	stream.indirect.gather [hbm4b:s4+s22], $0x40, s21, s22, $0xb8;
	[tilespmem:$0x16D48] =	vst v63  }
0x88: {  	_ =	swait.ge [sflag:s31], $0x1F40  }
0x89: {  	[sflag:s31] =	ssyncset.done $0x0  }
0x8a: {  	[sflag:s31] =	ssyncadd.s32 $0xFFFFE0C0  }
0x8b: {  	[spmem:s2] =	stream.indirect.scatter.add.f32 [tilespmem:s23], [sflag:$0x5], $0x40, s11, s22, $0xb8;
	[tilespmem:$0x16D48] =	vst v63  }
0x8c: {  	_ =	swait.ge [sflag:s1], $0x1F40  }
0x8d: {  	[sflag:s1] =	ssyncset.done $0x0  }
0x8e: {  	[sflag:s1] =	ssyncadd.s32 $0xFFFFE0C0  }
0x8f: {  	[spmem:s2] =	stream.indirect.scatter.add.f32 [tilespmem:s25], [sflag:$0x6], $0x40, s12, s22, $0xb8;
	[tilespmem:$0x16D48] =	vst v63  }
0x90: {  	_ =	swait.ge [sflag:s0], $0x1F40  }
0x91: {  	[sflag:s0] =	ssyncset.done $0x0  }
0x92: {  	[sflag:s0] =	ssyncadd.s32 $0xFFFFE0C0  }
0x93: {  	[spmem:s2] =	stream.indirect.scatter.add.f32 [tilespmem:s28], [sflag:$0x7], $0x40, s13, s22, $0xb8;
	[tilespmem:$0x16D48] =	vst v63  }
0x94: {  	_ =	swait.ge [sflag:s5], $0x1F40  }
0x95: {  	[sflag:s5] =	ssyncset.done $0x0  }
0x96: {  	[sflag:s5] =	ssyncadd.s32 $0xFFFFE0C0  }
0x97: {  	[spmem:s2] =	stream.indirect.scatter.add.f32 [tilespmem:s30], [sflag:$0x8], $0x40, s14, s22, $0xb8;
	[tilespmem:$0x16D48] =	vst v63  }
0x98: {  	_ =	swait.ge [sflag:s6], $0x1F40  }
0x99: {  	[sflag:s6] =	ssyncset.done $0x0  }
0x9a: {  	[sflag:s6] =	ssyncadd.s32 $0xFFFFE0C0  }
0x9b: {  	_ =	swait.ge [sflag:s8], $0x1F40  }
0x9c: {  	[sflag:s8] =	ssyncset.done $0x0  }
0x9d: {  	[sflag:s8] =	ssyncadd.s32 $0xFFFFE0C0  }
0x9e: {  	_ =	swait.ge [sflag:s9], $0x1F40  }
0x9f: {  	[sflag:s9] =	ssyncset.done $0x0  }
0xa0: {  	[sflag:s9] =	ssyncadd.s32 $0xFFFFE0C0  }
0xa1: {  	_ =	swait.ge [sflag:s10], $0x1F40  }
0xa2: {  	[sflag:s10] =	ssyncset.done $0x0  }
0xa3: {  	s16 =	simm.s32 $0x0;
	s17 =	rddreg [dreg:$0xc];
	[sflag:s10] =	ssyncadd.s32 $0xFFFFE0C0  }
0xa4: {  	[tilespmem:s16], [sflag:$0xA] =	stream.linear.gather [hbm4b:s17+s16], $0x2800, $0x38;
	[tilespmem:$0x16D48] =	vst v63  }
0xa5: {  	_ =	swait.ge [sflag:s19], $0x2800  }
0xa6: {  	[sflag:s19] =	ssyncset.done $0x0  }
0xa7: {  	s29 =	simm.s32 $0x2800;
	s26 =	rddreg [dreg:$0xd];
	[sflag:s19] =	ssyncadd.s32 $0xFFFFD800  }
0xa8: {  	[tilespmem:s29], [sflag:$0xA] =	stream.linear.gather [hbm4b:s26+s16], $0x2800, $0x38;
	[tilespmem:$0x16D48] =	vst v63  }
0xa9: {  	_ =	swait.ge [sflag:s19], $0x2800  }
0xaa: {  	[sflag:s19] =	ssyncset.done $0x0  }
0xab: {  	[sflag:s19] =	ssyncadd.s32 $0xFFFFD800  }
0xac: {  	[tilespmem:s23], [sflag:$0x1] =	stream.indirect.gather [hbm4b:s4+s22], $0x40, s16, s22, $0xb8;
	[tilespmem:$0x16D48] =	vst v63  }
0xad: {  	s17 =	simm.s32 $0x80  }
0xae: {  	[tilespmem:s25], [sflag:$0x2] =	stream.indirect.gather [hbm4b:s4+s22], $0x40, s17, s22, $0xb8;
	[tilespmem:$0x16D48] =	vst v63  }
0xaf: {  	s21 =	simm.s32 $0x100  }
0xb0: {  	[tilespmem:s28], [sflag:$0x3] =	stream.indirect.gather [hbm4b:s4+s22], $0x40, s21, s22, $0xb8;
	[tilespmem:$0x16D48] =	vst v63  }
0xb1: {  	s24 =	simm.s32 $0x180  }
0xb2: {  	[tilespmem:s30], [sflag:$0x4] =	stream.indirect.gather [hbm4b:s4+s22], $0x40, s24, s22, $0xb8;
	[tilespmem:$0x16D48] =	vst v63  }
0xb3: {  	_ =	swait.ge [sflag:s31], $0x1F40  }
0xb4: {  	[sflag:s31] =	ssyncset.done $0x0  }
0xb5: {  	s26 =	simm.s32 $0x2800;
	[sflag:s31] =	ssyncadd.s32 $0xFFFFE0C0  }
0xb6: {  	[spmem:s2] =	stream.indirect.scatter.add.f32 [tilespmem:s23], [sflag:$0x5], $0x40, s26, s22, $0xb8;
	[tilespmem:$0x16D48] =	vst v63  }
0xb7: {  	_ =	swait.ge [sflag:s1], $0x1F40  }
0xb8: {  	[sflag:s1] =	ssyncset.done $0x0  }
0xb9: {  	s29 =	simm.s32 $0x2880;
	[sflag:s1] =	ssyncadd.s32 $0xFFFFE0C0  }
0xba: {  	[spmem:s2] =	stream.indirect.scatter.add.f32 [tilespmem:s25], [sflag:$0x6], $0x40, s29, s22, $0xb8;
	[tilespmem:$0x16D48] =	vst v63  }
0xbb: {  	_ =	swait.ge [sflag:s0], $0x1F40  }
0xbc: {  	[sflag:s0] =	ssyncset.done $0x0  }
0xbd: {  	s17 =	simm.s32 $0x2900;
	[sflag:s0] =	ssyncadd.s32 $0xFFFFE0C0  }
0xbe: {  	[spmem:s2] =	stream.indirect.scatter.add.f32 [tilespmem:s28], [sflag:$0x7], $0x40, s17, s22, $0xb8;
	[tilespmem:$0x16D48] =	vst v63  }
0xbf: {  	_ =	swait.ge [sflag:s5], $0x1F40  }
0xc0: {  	[sflag:s5] =	ssyncset.done $0x0  }
0xc1: {  	s21 =	simm.s32 $0x2980;
	[sflag:s5] =	ssyncadd.s32 $0xFFFFE0C0  }
0xc2: {  	[spmem:s2] =	stream.indirect.scatter.add.f32 [tilespmem:s30], [sflag:$0x8], $0x40, s21, s22, $0xb8;
	[tilespmem:$0x16D48] =	vst v63  }
0xc3: {  	_ =	swait.ge [sflag:s6], $0x1F40  }
0xc4: {  	[sflag:s6] =	ssyncset.done $0x0  }
0xc5: {  	s24 =	simm.s32 $0x200;
	[sflag:s6] =	ssyncadd.s32 $0xFFFFE0C0  }
0xc6: {  	[tilespmem:s23], [sflag:$0x1] =	stream.indirect.gather [hbm4b:s4+s22], $0x40, s24, s22, $0xb8;
	[tilespmem:$0x16D48] =	vst v63  }
0xc7: {  	_ =	swait.ge [sflag:s8], $0x1F40  }
0xc8: {  	[sflag:s8] =	ssyncset.done $0x0  }
0xc9: {  	s26 =	simm.s32 $0x280;
	[sflag:s8] =	ssyncadd.s32 $0xFFFFE0C0  }
0xca: {  	[tilespmem:s25], [sflag:$0x2] =	stream.indirect.gather [hbm4b:s4+s22], $0x40, s26, s22, $0xb8;
	[tilespmem:$0x16D48] =	vst v63  }
0xcb: {  	_ =	swait.ge [sflag:s9], $0x1F40  }
0xcc: {  	[sflag:s9] =	ssyncset.done $0x0  }
0xcd: {  	s29 =	simm.s32 $0x300;
	[sflag:s9] =	ssyncadd.s32 $0xFFFFE0C0  }
0xce: {  	[tilespmem:s28], [sflag:$0x3] =	stream.indirect.gather [hbm4b:s4+s22], $0x40, s29, s22, $0xb8;
	[tilespmem:$0x16D48] =	vst v63  }
0xcf: {  	_ =	swait.ge [sflag:s10], $0x1F40  }
0xd0: {  	[sflag:s10] =	ssyncset.done $0x0  }
0xd1: {  	s16 =	simm.s32 $0x800;
	s21 =	simm.s32 $0x380;
	[sflag:s10] =	ssyncadd.s32 $0xFFFFE0C0  }
.LBB2_4:
0xd2: {  	[tilespmem:s30], [sflag:$0x4] =	stream.indirect.gather [hbm4b:s4+s22], $0x40, s21, s22, $0xb8;
	[tilespmem:$0x16D48] =	vst v63  }
0xd3: {  	s17 =	smov.u32 s16  }
0xd4: {  	p2 =	sne.s32 s16, $0x9000;
	s16 =	sadd.s32 $0x800, s16;
	_ =	swait.ge [sflag:s31], $0x1F40  }
0xd5: {  	s21 =	sshra.s32 s17, $0x2;
	[sflag:s31] =	ssyncset.done $0x0  }
0xd6: {  	s17 =	sadd.s32 $0x2800, s21;
	[sflag:s31] =	ssyncadd.s32 $0xFFFFE0C0  }
0xd7: {  	[spmem:s2] =	stream.indirect.scatter.add.f32 [tilespmem:s23], [sflag:$0x5], $0x40, s17, s22, $0xb8;
	[tilespmem:$0x16D48] =	vst v63  }
0xd8: {  	_ =	swait.ge [sflag:s1], $0x1F40  }
0xd9: {  	[sflag:s1] =	ssyncset.done $0x0  }
0xda: {  	s17 =	sadd.s32 $0x2880, s21;
	[sflag:s1] =	ssyncadd.s32 $0xFFFFE0C0  }
0xdb: {  	[spmem:s2] =	stream.indirect.scatter.add.f32 [tilespmem:s25], [sflag:$0x6], $0x40, s17, s22, $0xb8;
	[tilespmem:$0x16D48] =	vst v63  }
0xdc: {  	_ =	swait.ge [sflag:s0], $0x1F40  }
0xdd: {  	[sflag:s0] =	ssyncset.done $0x0  }
0xde: {  	s17 =	sadd.s32 $0x2900, s21;
	[sflag:s0] =	ssyncadd.s32 $0xFFFFE0C0  }
0xdf: {  	[spmem:s2] =	stream.indirect.scatter.add.f32 [tilespmem:s28], [sflag:$0x7], $0x40, s17, s22, $0xb8;
	[tilespmem:$0x16D48] =	vst v63  }
0xe0: {  	_ =	swait.ge [sflag:s5], $0x1F40  }
0xe1: {  	[sflag:s5] =	ssyncset.done $0x0  }
0xe2: {  	s17 =	sadd.s32 $0x2980, s21;
	[sflag:s5] =	ssyncadd.s32 $0xFFFFE0C0  }
0xe3: {  	[spmem:s2] =	stream.indirect.scatter.add.f32 [tilespmem:s30], [sflag:$0x8], $0x40, s17, s22, $0xb8;
	[tilespmem:$0x16D48] =	vst v63  }
0xe4: {  	_ =	swait.ge [sflag:s6], $0x1F40  }
0xe5: {  	[sflag:s6] =	ssyncset.done $0x0  }
0xe6: {  	s17 =	sadd.s32 $0x200, s21;
	[sflag:s6] =	ssyncadd.s32 $0xFFFFE0C0  }
0xe7: {  	[tilespmem:s23], [sflag:$0x1] =	stream.indirect.gather [hbm4b:s4+s22], $0x40, s17, s22, $0xb8;
	[tilespmem:$0x16D48] =	vst v63  }
0xe8: {  	_ =	swait.ge [sflag:s8], $0x1F40  }
0xe9: {  	[sflag:s8] =	ssyncset.done $0x0  }
0xea: {  	s17 =	sadd.s32 $0x280, s21;
	[sflag:s8] =	ssyncadd.s32 $0xFFFFE0C0  }
0xeb: {  	[tilespmem:s25], [sflag:$0x2] =	stream.indirect.gather [hbm4b:s4+s22], $0x40, s17, s22, $0xb8;
	[tilespmem:$0x16D48] =	vst v63  }
0xec: {  	_ =	swait.ge [sflag:s9], $0x1F40  }
0xed: {  	[sflag:s9] =	ssyncset.done $0x0  }
.Ltmp1:
0xee: {  	s17 =	sadd.s32 $0x300, s21;
	[sflag:s9] =	ssyncadd.s32 $0xFFFFE0C0;
	(pc) =	sbr.rel @p2 .LBB2_4-.Ltmp1, $4  }
0xef: {  	[tilespmem:s28], [sflag:$0x3] =	stream.indirect.gather [hbm4b:s4+s22], $0x40, s17, s22, $0xb8;
	[tilespmem:$0x16D48] =	vst v63  }
0xf0: {  	_ =	swait.ge [sflag:s10], $0x1F40  }
0xf1: {  	[sflag:s10] =	ssyncset.done $0x0  }
0xf2: {  	s21 =	sadd.s32 $0x380, s21;
	[sflag:s10] =	ssyncadd.s32 $0xFFFFE0C0  }
0xf3: {  	[tilespmem:s30], [sflag:$0x4] =	stream.indirect.gather [hbm4b:s4+s22], $0x40, s21, s22, $0xb8;
	[tilespmem:$0x16D48] =	vst v63  }
0xf4: {  	_ =	swait.ge [sflag:s31], $0x1F40  }
0xf5: {  	[sflag:s31] =	ssyncset.done $0x0  }
0xf6: {  	[sflag:s31] =	ssyncadd.s32 $0xFFFFE0C0  }
0xf7: {  	[spmem:s2] =	stream.indirect.scatter.add.f32 [tilespmem:s23], [sflag:$0x5], $0x40, s11, s22, $0xb8;
	[tilespmem:$0x16D48] =	vst v63  }
0xf8: {  	_ =	swait.ge [sflag:s1], $0x1F40  }
0xf9: {  	[sflag:s1] =	ssyncset.done $0x0  }
0xfa: {  	[sflag:s1] =	ssyncadd.s32 $0xFFFFE0C0  }
0xfb: {  	[spmem:s2] =	stream.indirect.scatter.add.f32 [tilespmem:s25], [sflag:$0x6], $0x40, s12, s22, $0xb8;
	[tilespmem:$0x16D48] =	vst v63  }
0xfc: {  	_ =	swait.ge [sflag:s0], $0x1F40  }
0xfd: {  	[sflag:s0] =	ssyncset.done $0x0  }
0xfe: {  	[sflag:s0] =	ssyncadd.s32 $0xFFFFE0C0  }
0xff: {  	[spmem:s2] =	stream.indirect.scatter.add.f32 [tilespmem:s28], [sflag:$0x7], $0x40, s13, s22, $0xb8;
	[tilespmem:$0x16D48] =	vst v63  }
0x100: {  	_ =	swait.ge [sflag:s5], $0x1F40  }
0x101: {  	[sflag:s5] =	ssyncset.done $0x0  }
0x102: {  	[sflag:s5] =	ssyncadd.s32 $0xFFFFE0C0  }
0x103: {  	[spmem:s2] =	stream.indirect.scatter.add.f32 [tilespmem:s30], [sflag:$0x8], $0x40, s14, s22, $0xb8;
	[tilespmem:$0x16D48] =	vst v63  }
0x104: {  	_ =	swait.ge [sflag:s6], $0x1F40  }
0x105: {  	[sflag:s6] =	ssyncset.done $0x0  }
0x106: {  	[sflag:s6] =	ssyncadd.s32 $0xFFFFE0C0  }
0x107: {  	_ =	swait.ge [sflag:s8], $0x1F40  }
0x108: {  	[sflag:s8] =	ssyncset.done $0x0  }
0x109: {  	[sflag:s8] =	ssyncadd.s32 $0xFFFFE0C0  }
0x10a: {  	_ =	swait.ge [sflag:s9], $0x1F40  }
0x10b: {  	[sflag:s9] =	ssyncset.done $0x0  }
0x10c: {  	[sflag:s9] =	ssyncadd.s32 $0xFFFFE0C0  }
0x10d: {  	_ =	swait.ge [sflag:s10], $0x1F40  }
0x10e: {  	[sflag:s10] =	ssyncset.done $0x0  }
0x10f: {  	[sflag:s10] =	ssyncadd.s32 $0xFFFFE0C0  }
0x110: {  	[bflag:$0x0] =	sbarrier.arrive $0xFFFF  }
0x111: {  	s17 =	simm.s32 $0x10;
	s16 =	rddreg [dreg:$0xe]  }
0x112: {  	[hbm:s16@s17], [sflag:s7] =	dma.strided [spmem:s18@s10], $0x1380, s31, $0x8   }
0x113: {  	_ =	swait.ge [sflag:s19], $0x1380  }
0x114: {  	s21 =	simm.s32 @!p0 $0x8;
	s16 =	simm.s32 @!p0 $0x1;
	[sflag:s19] =	ssyncset.done $0x0  }
0x115: {  	s17 =	simm.s32 @!p0 $0x10;
	s24 =	rddreg [dreg:$0xf];
	[sflag:s19] =	ssyncadd.s32 $0xFFFFEC80  }
0x116: {  	[hbm:s24@s17], [sflag:s7] =	dma.strided @!p0 [spmem:s20@s21], $0x80, s16, $0x8   }
0x117: {  	s16 =	simm.s32 @!p0 $0xA  }
0x118: {  	_ =	swait.ge @!p0 [sflag:s16], $0x80  }
0x119: {  	s15 =	sadd.s32 $0x1, s15;
	s29 =	rddreg [dreg:$0x10]  }
0x11a: {  	p2 =	sne.s32 s15, s29  }
.Ltmp2:
0x11b: {  	_ = 	snop;
	(pc) =	sbr.rel @p2 .LBB2_1-.Ltmp2, $3  }
0x11c: {  	_ =	sdelay $0x1  }
0x11d: {  	[sflag:s16] =	ssyncset.done @!p0 $0x0  }
0x11e: {  	[sflag:s16] =	ssyncadd.s32 @!p0 $0xFFFFFF80  }
0x11f: {  	_ =	sfence.sel $0x180000  }
0x120: {  	[bflag:$0x0] =	sbarrier.arrive $0xFFFF  }
0x121: {  	_ =	strace $0x9000004D  }
0x122: {  	s0 =	stileid.u32;
	[bflag:$0x2] =	sbarrier.arrive $0xFFFF  }
0x123: {  	p0 =	sne.s32 s0, $0x0;
	s0 =	rddreg [dreg:$0x4]  }
0x124: {  	s0 =	sadd.s32 @!p0 $0x100000, s0  }
0x125: {  	[sflag:s0] =	ssyncadd.tile.s32 @!p0 $0x1;
	_ =	shalt  }
.Lfunc_end2:
_tile_overlayer_lowered:
.L_overlay_start_2:
0x126: {  	(tag) =	ssettag $0x2  }
0x127: {  	s0 =	rddreg [dreg:$0x0];
	s2 =	stileid.u32  }
0x128: {  	s1 =	rddreg [dreg:$0x1];
	p0 =	sne.s32 s2, $0x0  }
0x129: {  	s3 =	rddreg [dreg:$0x2];
	[bflag:$0x3] =	sbarrier.arrive $0xFFFF;
	s2 =	simm.s32 @!p0 $0x1C0A  }
0x12a: {  	[timem:s3], [sflag:s2] =	dma.local @!p0 [hbm:s0], s1  }
0x12b: {  	s0 =	simm.s32 @!p0 $0xA  }
0x12c: {  	_ =	swait.ge @!p0 [sflag:s0], s1  }
0x12d: {  	s1 =	ssub.s32 @!p0 $0x0, s1;
	[sflag:s0] =	ssyncset.done @!p0 $0x0  }
0x12e: {  	[sflag:s0] =	ssyncadd.s32 @!p0 s1  }
0x12f: {  	[bflag:$0x3] =	sbarrier.arrive $0xFFFF  }
0x130: {  	_ =	shalt  }

// kernel: kernel.9.cloned.1.call-start
scs
__scs_entry_jumppad:
0x0: {  	(pc) =	sbr.rel $0x88, $3  }
0x1: {  	(tag) =	ssettag $0x0;
	lr =	simm.s32 $0x1  }
0x2: {  	[smem:$0x3F99] =	sst lr;
	_ =	strace $0xD0000000  }
0x3: {  	_ = 	snop  }
0x4: {  	_ = 	snop  }
0x5: {  	_ = 	snop  }
0x6: {  	_ = 	snop  }
0x7: {  	_ = 	snop  }
__scs_overlays_trampoline_lowered:
0x8: {  	[smem:$0x3FA8] =	sst s0  }
0x9: {  	[smem:$0x3FA9] =	sst s1  }
0xa: {  	[smem:$0x3FAA] =	sst s2  }
0xb: {  	[smem:$0x3FAB] =	sst s3  }
0xc: {  	[smem:$0x3FAC] =	sst s4  }
0xd: {  	[smem:$0x3FAD] =	sst s5  }
0xe: {  	[smem:$0x3FAE] =	sst s6  }
0xf: {  	[smem:$0x3FAF] =	sst s7  }
0x10: {  	[smem:$0x3FB0] =	sst s8  }
0x11: {  	[smem:$0x3FB1] =	sst s9;
	s0 =	simm.s32 @!p0 $0x0  }
0x12: {  	s1 =	sld [smem:$0x3F97];
	s0 =	simm.s32 @p0 $0x1  }
0x13: {  	[smem:$0x3FB2] =	sst s0;
	s0 =	simm.s32 @!p1 $0x0  }
0x14: {  	s2 =	sld [smem:$0x3F96];
	s0 =	simm.s32 @p1 $0x1  }
0x15: {  	[smem:$0x3FB3] =	sst s0;
	s0 =	simm.s32 @!p2 $0x0  }
0x16: {  	s3 =	sld [smem:$0x3FDB];
	s0 =	simm.s32 @p2 $0x1  }
0x17: {  	s4 =	simm.s32 $0x1BF5;
	[smem:$0x3FB5] =	sst s0  }
0x18: {  	s0 =	sld [smem:$0x3F98];
	_ =	swait.ge [sflag:s4], $0x0  }
0x19: {  	s7 =	sld [smem:$0x3F99]  }
0x1a: {  	s8 =	sadd.s32 $0xFFFFE003, lr  }
0x1b: {  	s9 =	sadd.s32 $0xFFFFFEF7, lr;
	s5 =	simm.s32 $0xFFFFFFFF;
	p2 =	slt.u32 s8, $0xFFFFF086  }
0x1c: {  	p1 =	slt.u32 s9, $0xF7A;
	s5 =	simm.s32 @!p2 $0x0  }
0x1d: {  	s5 =	simm.s32 @p1 $0x1;
	p0 =	seq.s32 s7, s2  }
0x1e: {  	s7 =	smul.u32 @!p0 $0xF7A, s2;
	p2 =	seq.s32 @!p0 s5, $0x0  }
0x1f: {  	s9 =	smul.u32 $0xF7A, s1;
	s8 =	simm.s32 @!p0 $0x1BF5;
	p2 =	por !p2, p0  }
0x20: {  	[sflag:s8] =	ssyncset.s32 @!p0 $0xFFFFF086;
	s6 =	sadd.s32 @!p0 s3, s7;
	s7 =	simm.s32 @!p0 $0x108  }
0x21: {  	s3 =	sadd.s32 s3, s9;
	s6 =	sadd.s32 @!p0 $0x88, s6;
	s7 =	simm.s32 @p2 $0x1082  }
0x22: {  	[simem:s7], [sflag:s8] =	dma.local @!p0 [hbm:s6], $0xF7A  }
0x23: {  	s9 =	sor.u32 $0xD0000000, s2;
	s6 =	simm.s32 $0x108;
	_ =	swait.ge @!p0 [sflag:s8], $0x0  }
0x24: {  	s3 =	sadd.s32 $0x88, s3;
	s6 =	simm.s32 @!p1 $0x1082;
	[sflag:s4] =	ssyncset.s32 $0xFFFFF086  }
0x25: {  	[simem:s6], [sflag:s4] =	dma.local [hbm:s3], $0xF7A  }
0x26: {  	[smem:$0x3F99] =	sst s1;
	(tag) =	ssettag s2;
	_ =	strace s9  }
0x27: {  	s1 =	sld [smem:$0x3FA9]  }
0x28: {  	s2 =	sld [smem:$0x3FAA]  }
0x29: {  	s4 =	sld [smem:$0x3FAC]  }
0x2a: {  	p0 =	seq.s32 s5, $0x0;
	s5 =	sld [smem:$0x3FAD]  }
0x2b: {  	s6 =	sld [smem:$0x3FAE]  }
0x2c: {  	s7 =	sld [smem:$0x3FAF]  }
0x2d: {  	s3 =	simm.s32 $0x108;
	s8 =	sld [smem:$0x3FB0]  }
0x2e: {  	s3 =	simm.s32 @!p0 $0x1082;
	s9 =	sld [smem:$0x3FB1]  }
0x2f: {  	lr =	sadd.s32 s0, s3;
	s0 =	sld [smem:$0x3FA8]  }
0x30: {  	s3 =	sld [smem:$0x3FAB]  }
0x31: {  	[smem:$0x3FB4] =	sst s10  }
0x32: {  	s10 =	sld [smem:$0x3FB2];
	_ =	sdelay $0x3  }
0x33: {  	p0 =	seq.s32 s10, $0x1;
	s10 =	sld [smem:$0x3FB4];
	_ =	sdelay $0x3  }
0x34: {  	[smem:$0x3FB4] =	sst s10  }
0x35: {  	s10 =	sld [smem:$0x3FB3];
	_ =	sdelay $0x3  }
0x36: {  	p1 =	seq.s32 s10, $0x1;
	s10 =	sld [smem:$0x3FB4];
	_ =	sdelay $0x3  }
0x37: {  	[smem:$0x3FB4] =	sst s10  }
0x38: {  	s10 =	sld [smem:$0x3FB5]  }
0x39: {  	_ = 	snop;
	(pc) =	sbr.ind lr, $3  }
0x3a: {  	_ = 	snop  }
0x3b: {  	_ = 	snop  }
0x3c: {  	p2 =	seq.s32 s10, $0x1;
	s10 =	sld [smem:$0x3FB4]  }
0x3d: {  	_ =	shalt  }
0x3e: {  	_ =	shalt  }
0x3f: {  	_ =	shalt  }
0x40: {  	_ =	shalt  }
0x41: {  	_ =	shalt  }
0x42: {  	_ =	shalt  }
0x43: {  	_ =	shalt  }
0x44: {  	_ =	shalt  }
0x45: {  	_ =	shalt  }
0x46: {  	_ =	shalt  }
0x47: {  	_ =	shalt  }
0x48: {  	_ =	shalt  }
0x49: {  	_ =	shalt  }
0x4a: {  	_ =	shalt  }
0x4b: {  	_ =	shalt  }
0x4c: {  	_ =	shalt  }
0x4d: {  	_ =	shalt  }
0x4e: {  	_ =	shalt  }
0x4f: {  	_ =	shalt  }
0x50: {  	_ =	shalt  }
0x51: {  	_ =	shalt  }
0x52: {  	_ =	shalt  }
0x53: {  	_ =	shalt  }
0x54: {  	_ =	shalt  }
0x55: {  	_ =	shalt  }
0x56: {  	_ =	shalt  }
0x57: {  	_ =	shalt  }
0x58: {  	_ =	shalt  }
0x59: {  	_ =	shalt  }
0x5a: {  	_ =	shalt  }
0x5b: {  	_ =	shalt  }
0x5c: {  	_ =	shalt  }
0x5d: {  	_ =	shalt  }
0x5e: {  	_ =	shalt  }
0x5f: {  	_ =	shalt  }
0x60: {  	_ =	shalt  }
0x61: {  	_ =	shalt  }
0x62: {  	_ =	shalt  }
0x63: {  	_ =	shalt  }
0x64: {  	_ =	shalt  }
0x65: {  	_ =	shalt  }
0x66: {  	_ =	shalt  }
0x67: {  	_ =	shalt  }
0x68: {  	_ =	shalt  }
0x69: {  	_ =	shalt  }
0x6a: {  	_ =	shalt  }
0x6b: {  	_ =	shalt  }
0x6c: {  	_ =	shalt  }
0x6d: {  	_ =	shalt  }
0x6e: {  	_ =	shalt  }
0x6f: {  	_ =	shalt  }
0x70: {  	_ =	shalt  }
0x71: {  	_ =	shalt  }
0x72: {  	_ =	shalt  }
0x73: {  	_ =	shalt  }
0x74: {  	_ =	shalt  }
0x75: {  	_ =	shalt  }
0x76: {  	_ =	shalt  }
0x77: {  	_ =	shalt  }
0x78: {  	_ =	shalt  }
0x79: {  	_ =	shalt  }
0x7a: {  	_ =	shalt  }
0x7b: {  	_ =	shalt  }
0x7c: {  	_ =	shalt  }
0x7d: {  	_ =	shalt  }
0x7e: {  	_ =	shalt  }
0x7f: {  	_ =	shalt  }
0x80: {  	_ =	shalt  }
0x81: {  	_ =	shalt  }
0x82: {  	_ =	shalt  }
0x83: {  	_ =	shalt  }
0x84: {  	_ =	shalt  }
0x85: {  	_ =	shalt  }
0x86: {  	_ =	shalt  }
0x87: {  	_ =	shalt  }
.Lfunc_end0:
.L_simem_size_0:
called_computation_lowered:
.L_overlay_start_0:
0x88: {  	s2 =	sld [smem:$0x3FD9]  }
0x89: {  	s3 =	sld [smem:$0x3FFE];
	_ =	sdelay $0x1  }
0x8a: {  	s1 =	srdreg.scid  }
0x8b: {  	s0 =	sand.u32 $0x1, s1  }
0x8c: {  	s17 =	sshll.u32 s0, $0xA;
	s2 =	sadd.s32 s3, s2  }
0x8d: {  	s2 =	sadd.s32 s2, s17  }
0x8e: {  	[smem:$0x3FC0] =	sst s2  }
0x8f: {  	_ = 	snop  }
0x90: {  	s2 =	sld [smem:$0x3FC9]  }
0x91: {  	s18 =	sld [smem:$0x3FC6]  }
0x92: {  	s4 =	sld [smem:$0x3FD0];
	(tm) =	ssettm $0x1  }
0x93: {  	s5 =	sld [smem:$0x3FFB];
	_ =	sdelay $0x3  }
0x94: {  	_ =	strace s5  }
0x95: {  	s5 =	sld [smem:$0x3FFC];
	_ =	sdelay $0x3  }
0x96: {  	_ =	strace s5  }
0x97: {  	s5 =	sld [smem:$0x3FFD];
	_ =	sdelay $0x3  }
0x98: {  	_ =	strace s5  }
0x99: {  	_ =	strace $0x8FFFFFFF  }
0x9a: {  	s19 =	sld [smem:$0x3FDB];
	_ =	sdelay $0x1  }
0x9b: {  	s6 =	simm.s32 $_scs_section_size  }
0x9c: {  	s7 =	simm.s32 $_size__tile_overlayer_lowered;
	s8 =	simm.s32 $_tile_overlayer_lowered  }
0x9d: {  	s22 =	simm.s32 $0x1BFF;
	s21 =	sshll.u32 s8, $0x1;
	s5 =	sadd.s32 s6, s19  }
0x9e: {  	s9 =	simm.s32 $0x0;
	s20 =	sshll.u32 s7, $0x1;
	s7 =	sadd.s32 s21, s5  }
0x9f: {  	[timem:s9], [sflag:s22] =	dma.local [hbm:s7], s20  }
0xa0: {  	_ =	swait.ge [sflag:s22], s20  }
0xa1: {  	s6 =	ssub.s32 $0x0, s20;
	[sflag:s22] =	ssyncset.done $0x0  }
0xa2: {  	[sflag:s22] =	ssyncadd.s32 s6;
	_ =	sdelay $0x1  }
0xa3: {  	s23 =	simm.s32 $0x1B8B  }
0xa4: {  	_ =	swait.ge [sflag:s23], $0x1  }
0xa5: {  	[sflag:s23] =	ssyncset.done $0x0  }
0xa6: {  	s25 =	simm.s32 $0x1B8E;
	s24 =	sld [smem:$0x3FFE];
	[sflag:s23] =	ssyncadd.s32 $0xFFFFFFFF  }
0xa7: {  	s26 =	simm.s32 $execute0_lowered;
	[smem:$0x3FD2] =	sst s25  }
0xa8: {  	s7 =	sshll.u32 s26, $0x1;
	_ =	strace $0x80000046;
	[dreg:$0x1] =	wrdreg $0xFFFFFFFF  }
0xa9: {  	s28 =	simm.s32 $_size_execute0_lowered;
	s5 =	sadd.s32 s5, s7;
	[dreg:$0x0] =	wrdreg $0x0  }
0xaa: {  	s7 =	sshll.u32 s28, $0x1;
	[dreg:$0x2] =	wrdreg s5  }
0xab: {  	[dreg:$0x3] =	wrdreg s7  }
0xac: {  	[dreg:$0x4] =	wrdreg $0xC0  }
0xad: {  	_ =	task [dreg:s9], $0x5FFFF  }
0xae: {  	[dreg:$0x1] =	wrdreg $0xFFFFFFFF  }
0xaf: {  	[dreg:$0x0] =	wrdreg $0x60  }
0xb0: {  	[dreg:$0x2] =	wrdreg s2  }
0xb1: {  	[dreg:$0x3] =	wrdreg s24  }
0xb2: {  	[dreg:$0x4] =	wrdreg s18  }
0xb3: {  	[dreg:$0x5] =	wrdreg s4  }
0xb4: {  	[dreg:$0x6] =	wrdreg $0x68000  }
0xb5: {  	[dreg:$0x7] =	wrdreg $0x9  }
0xb6: {  	_ =	task.clear_ibuf [dreg:s9], $0x8FFFF;
	_ =	strace $0x90000046  }
0xb7: {  	s29 =	simm.s32 $0x9;
	_ =	strace $0x80000048  }
0xb8: {  	_ =	swait.ge [sflag:s29], $0x1  }
0xb9: {  	[sflag:s29] =	ssyncadd.s32 $0xFFFFFFFF  }
0xba: {  	_ =	strace $0x90000048  }
0xbb: {  	_ =	sfence  }
0xbc: {  	s30 =	sld [smem:$0x0];
	_ =	sdelay $0x2  }
0xbd: {  	s31 =	sshll.u32 s1, $0xD;
	s1 =	sshrl.u32 s1, $0x2  }
0xbe: {  	s3 =	sand.u32 $0x4000, s31;
	s1 =	sadd.s32 s1, s30  }
0xbf: {  	s0 =	sor.u32 s3, s0;
	s1 =	sshll.u32 s1, $0x11  }
0xc0: {  	s0 =	sor.u32 s1, s0  }
0xc1: {  	s0 =	sadd.s32 $0x8F2B, s0  }
0xc2: {  	[sflag:s0] =	ssyncadd.remote.s32 $0x1  }
0xc3: {  	_ =	sfence.sel $0xFFFF  }
0xc4: {  	[dreg:$0x0] =	wrdreg $0xFFFFFFFF;
	(pc) =	sbr.abs _section_cstart, $3  }
0xc5: {  	[dreg:$0x1] =	wrdreg $0xFFFFFFFF  }
0xc6: {  	_ =	task.clear_ibuf [dreg:s9], $0x2FFFF;
	_ =	strace $0x9FFFFFFF  }
0xc7: {  	(tm) =	ssettm $0x7FFFFFFF  }
tec
execute0_lowered:
.L_overlay_start_1:
0x0: {  	(tag) =	ssettag $0x1  }
0x1: {  	s9 =	rddreg [dreg:$0x1]  }
0x2: {  	s10 =	rddreg [dreg:$0x2]  }
0x3: {  	s11 =	rddreg [dreg:$0x3]  }
0x4: {  	s3 =	rddreg [dreg:$0x4];
	s4 =	simm.s32 $0x0;
	s0 =	stileid.u32  }
0x5: {  	s7 =	srdreg.scid;
	s21 =	simm.s32 $0x100;
	s22 =	simm.s32 $0x180  }
0x6: {  	s23 =	simm.s32 $0x200;
	s24 =	simm.s32 $0x280;
	s28 =	simm.s32 $0x2  }
0x7: {  	s29 =	simm.s32 $0x0;
	[smem:$0x7FF] =	sst s4;
	s5 =	smul.u32 $0x2700, s0  }
0x8: {  	s6 =	sshll.u32 s0, $0xB;
	s19 =	sand.u32 $0x1, s7;
	s15 =	smul.u32 $0x4E000, s0  }
0x9: {  	s18 =	sadd.s32 $0x138000, s3;
	s10 =	sadd.s32 s10, s0;
	s30 =	sshll.u32 s0, $0x7  }
0xa: {  	p0 =	sne.s32 s0, $0xF;
	s31 =	sshll.u32 s0, $0x6;
	_ =	strace $0x80000047  }
0xb: {  	s8 =	sadd.s32 s6, s9;
	s6 =	sadd.s32 $0x14000, s9;
	s7 =	smul.u32 $0x27100, s19  }
0xc: {  	s13 =	ssub.s32 $0x2, s19;
	s14 =	sshll.u32 s19, $0xF;
	s11 =	sadd.s32 s11, s30  }
0xd: {  	s18 =	sshrl.u32 @!p0 s18, $0x3;
	p1 =	sne.s32 s19, $0x0;
	s19 =	simm.s32 $0x50  }
0xe: {  	s12 =	sadd.s32 s5, s9;
	s25 =	sshrl.u32 s13, $0x1;
	s8 =	sadd.s32 s14, s8  }
0xf: {  	s26 =	sshrl.u32 s15, $0x2;
	s14 =	simm.s32 $0x3;
	s15 =	simm.s32 $0x4000  }
0x10: {  	s16 =	sadd.s32 s7, s9;
	s13 =	ssub.s32 s13, s25;
	s7 =	sadd.s32 $0x4000, s8  }
0x11: {  	s17 =	sadd.s32 s26, s3;
	s8 =	sadd.s32 $0x14600, s12;
	s9 =	sadd.s32 $0x3B600, s9  }
0x12: {  	s25 =	simm.s32 $0x300;
	s26 =	simm.s32 $0x380;
	s12 =	sadd.s32 $0x3B800, s16  }
0x13: {  	s13 =	smax.u32 s13, $0x1;
	s16 =	sor.u32 $0x1C03, s31;
	s17 =	sshrl.u32 s17, $0x3  }
.LBB2_1:
0x14: {  	[tilespmem:s4], [sflag:$0x3] =	stream.linear.gather [hbm4b:s7+s4], $0x3E80, $0x38;
	[tilespmem:$0x9390] =	vst v63  }
0x15: {  	_ =	swait.ge [sflag:s14], $0x3E80  }
0x16: {  	[sflag:s14] =	ssyncset.done $0x0  }
0x17: {  	[sflag:s14] =	ssyncadd.s32 $0xFFFFC180  }
0x18: {  	[tilespmem:s15], [sflag:$0x3] =	stream.linear.gather [hbm4b:s6+s4], $0x2800, $0x38;
	[tilespmem:$0x9390] =	vst v63  }
0x19: {  	_ =	swait.ge [sflag:s14], $0x2800  }
0x1a: {  	[sflag:s14] =	ssyncset.done $0x0  }
0x1b: {  	[sflag:s14] =	ssyncadd.s32 $0xFFFFD800  }
0x1c: {  	[spmem:s17], [sflag:s16] =	dma.local [hbm:s8], $0x2700  }
0x1d: {  	_ =	swait.ge [sflag:s14], $0x2700  }
0x1e: {  	[sflag:s14] =	ssyncset.done $0x0  }
0x1f: {  	s30 =	simm.s32 @!p0 $0x3;
	[sflag:s14] =	ssyncadd.s32 $0xFFFFD900  }
0x20: {  	[spmem:s18], [sflag:s16] =	dma.local @!p0 [hbm:s9], $0x100  }
0x21: {  	_ =	swait.ge @!p0 [sflag:s30], $0x100  }
0x22: {  	[sflag:s30] =	ssyncset.done @!p0 $0x0  }
0x23: {  	s31 =	simm.s32 @!p1 $0x8F10;
	[sflag:s30] =	ssyncadd.s32 @!p0 $0xFFFFFF00  }
0x24: {  	s0 =	simm.s32 @!p1 $0x3;
	s30 =	simm.s32 @!p1 $0x0;
	[bflag:$0x0] =	sbarrier.arrive $0xFFFF  }
0x25: {  	[tilespmem:s31], [sflag:$0x3] =	stream.linear.gather @!p1 [hbm4b:s10+s30], $0x8, $0x38;
	[tilespmem:$0x9390] =	vst v63  }
0x26: {  	_ =	swait.ge @!p1 [sflag:s0], $0x8  }
0x27: {  	[sflag:s0] =	ssyncset.done @!p1 $0x0  }
0x28: {  	[sflag:s0] =	ssyncadd.s32 @!p1 $0xFFFFFFF8  }
0x29: {  	s2 =	simm.s32 @!p1 $0x8;
	s1 =	simm.s32 @!p1 $0x8F90;
	s20 =	rddreg [dreg:$0x0]  }
0x2a: {  	[tilespmem:s1], [sflag:$0x1] =	stream.indirect.gather @!p1 [hbm4b:s20+s2], $0x80, s31, s2, $0xb8;
	[tilespmem:$0x9390] =	vst v63  }
0x2b: {  	s2 =	simm.s32 @!p1 $0x1  }
0x2c: {  	_ =	swait.ge @!p1 [sflag:s2], $0x400  }
0x2d: {  	[sflag:s2] =	ssyncset.done @!p1 $0x0  }
0x2e: {  	[sflag:s2] =	ssyncadd.s32 @!p1 $0xFFFFFC00  }
0x2f: {  	[hbm4b:s11+s30] =	stream.linear.scatter @!p1 [tilespmem:s1], [sflag:$0x3], $0x400, $0x38;
	[tilespmem:$0x9390] =	vst v63  }
0x30: {  	_ =	swait.ge @!p1 [sflag:s0], $0x400  }
0x31: {  	[sflag:s0] =	ssyncset.done @!p1 $0x0  }
0x32: {  	[sflag:s0] =	ssyncadd.s32 @!p1 $0xFFFFFC00  }
0x33: {  	[spmem:s3] =	stream.indirect.scatter.add.f32 [tilespmem:s15], [sflag:$0x2], $0x10, s4, s19, $0xb8;
	[tilespmem:$0x9390] =	vst v63  }
0x34: {  	s20 =	simm.s32 $0x80  }
0x35: {  	[spmem:s3] =	stream.indirect.scatter.add.f32 [tilespmem:s15], [sflag:$0x2], $0x10, s20, s19, $0xb8;
	[tilespmem:$0x9390] =	vst v63  }
0x36: {  	_ = 	snop  }
0x37: {  	[spmem:s3] =	stream.indirect.scatter.add.f32 [tilespmem:s15], [sflag:$0x2], $0x10, s21, s19, $0xb8;
	[tilespmem:$0x9390] =	vst v63  }
0x38: {  	_ = 	snop  }
0x39: {  	[spmem:s3] =	stream.indirect.scatter.add.f32 [tilespmem:s15], [sflag:$0x2], $0x10, s22, s19, $0xb8;
	[tilespmem:$0x9390] =	vst v63  }
0x3a: {  	_ = 	snop  }
0x3b: {  	[spmem:s3] =	stream.indirect.scatter.add.f32 [tilespmem:s15], [sflag:$0x2], $0x10, s23, s19, $0xb8;
	[tilespmem:$0x9390] =	vst v63  }
0x3c: {  	_ = 	snop  }
0x3d: {  	[spmem:s3] =	stream.indirect.scatter.add.f32 [tilespmem:s15], [sflag:$0x2], $0x10, s24, s19, $0xb8;
	[tilespmem:$0x9390] =	vst v63  }
0x3e: {  	_ = 	snop  }
0x3f: {  	[spmem:s3] =	stream.indirect.scatter.add.f32 [tilespmem:s15], [sflag:$0x2], $0x10, s25, s19, $0xb8;
	[tilespmem:$0x9390] =	vst v63  }
0x40: {  	_ = 	snop  }
0x41: {  	[spmem:s3] =	stream.indirect.scatter.add.f32 [tilespmem:s15], [sflag:$0x2], $0x10, s26, s19, $0xb8;
	[tilespmem:$0x9390] =	vst v63  }
0x42: {  	_ =	swait.ge [sflag:s28], $0x500  }
0x43: {  	[sflag:s28] =	ssyncset.done $0x0  }
0x44: {  	s31 =	simm.s32 $0x400;
	s30 =	simm.s32 $0x1200;
	[sflag:s28] =	ssyncadd.s32 $0xFFFFFB00  }
.LBB2_2:
0x45: {  	[spmem:s3] =	stream.indirect.scatter.add.f32 [tilespmem:s15], [sflag:$0x2], $0x10, s31, s19, $0xb8;
	[tilespmem:$0x9390] =	vst v63  }
0x46: {  	s0 =	smov.u32 s30;
	p2 =	sne.s32 s30, $0xF800  }
.Ltmp0:
0x47: {  	s30 =	sadd.s32 $0x200, s30;
	(pc) =	sbr.rel @p2 .LBB2_2-.Ltmp0, $4  }
0x48: {  	_ = 	snop  }
0x49: {  	_ =	swait.ge [sflag:s28], $0x500  }
0x4a: {  	[sflag:s28] =	ssyncset.done $0x0  }
0x4b: {  	s31 =	sshra.s32 s0, $0x2;
	[sflag:s28] =	ssyncadd.s32 $0xFFFFFB00  }
0x4c: {  	[spmem:s3] =	stream.indirect.scatter.add.f32 [tilespmem:s15], [sflag:$0x2], $0x10, s31, s19, $0xb8;
	[tilespmem:$0x9390] =	vst v63  }
0x4d: {  	_ =	swait.ge [sflag:s28], $0x500  }
0x4e: {  	[sflag:s28] =	ssyncset.done $0x0  }
0x4f: {  	[sflag:s28] =	ssyncadd.s32 $0xFFFFFB00  }
0x50: {  	_ =	swait.ge [sflag:s28], $0x500  }
0x51: {  	[sflag:s28] =	ssyncset.done $0x0  }
0x52: {  	[sflag:s28] =	ssyncadd.s32 $0xFFFFFB00  }
0x53: {  	_ =	swait.ge [sflag:s28], $0x500  }
0x54: {  	[sflag:s28] =	ssyncset.done $0x0  }
0x55: {  	[sflag:s28] =	ssyncadd.s32 $0xFFFFFB00  }
0x56: {  	_ =	swait.ge [sflag:s28], $0x500  }
0x57: {  	[sflag:s28] =	ssyncset.done $0x0  }
0x58: {  	[sflag:s28] =	ssyncadd.s32 $0xFFFFFB00  }
0x59: {  	_ =	swait.ge [sflag:s28], $0x500  }
0x5a: {  	[sflag:s28] =	ssyncset.done $0x0  }
0x5b: {  	[sflag:s28] =	ssyncadd.s32 $0xFFFFFB00  }
0x5c: {  	_ =	swait.ge [sflag:s28], $0x500  }
0x5d: {  	[sflag:s28] =	ssyncset.done $0x0  }
0x5e: {  	[sflag:s28] =	ssyncadd.s32 $0xFFFFFB00  }
0x5f: {  	_ =	swait.ge [sflag:s28], $0x500  }
0x60: {  	[sflag:s28] =	ssyncset.done $0x0  }
0x61: {  	[sflag:s28] =	ssyncadd.s32 $0xFFFFFB00  }
0x62: {  	_ =	swait.ge [sflag:s28], $0x500  }
0x63: {  	[sflag:s28] =	ssyncset.done $0x0  }
0x64: {  	[sflag:s28] =	ssyncadd.s32 $0xFFFFFB00  }
0x65: {  	s0 =	sadd.s32 s5, s12;
	[bflag:$0x0] =	sbarrier.arrive $0xFFFF  }
0x66: {  	[hbm:s0], [sflag:s16] =	dma.local [spmem:s17], $0x2700  }
0x67: {  	_ =	swait.ge [sflag:s14], $0x2700  }
0x68: {  	s29 =	sadd.s32 $0x1, s29;
	[sflag:s14] =	ssyncset.done $0x0  }
0x69: {  	p2 =	sne.s32 s29, s13;
	s0 =	sadd.s32 @!p0 $0x27000, s12;
	[sflag:s14] =	ssyncadd.s32 $0xFFFFD900  }
0x6a: {  	[hbm:s0], [sflag:s16] =	dma.local @!p0 [spmem:s18], $0x100  }
.Ltmp1:
0x6b: {  	_ = 	snop;
	(pc) =	sbr.rel @p2 .LBB2_1-.Ltmp1, $4  }
0x6c: {  	s0 =	simm.s32 @!p0 $0x3  }
0x6d: {  	_ =	swait.ge @!p0 [sflag:s0], $0x100  }
0x6e: {  	[sflag:s0] =	ssyncset.done @!p0 $0x0  }
0x6f: {  	[sflag:s0] =	ssyncadd.s32 @!p0 $0xFFFFFF00  }
0x70: {  	_ =	sfence.sel $0x180000  }
0x71: {  	[bflag:$0x0] =	sbarrier.arrive $0xFFFF  }
0x72: {  	_ =	strace $0x90000047  }
0x73: {  	s0 =	stileid.u32;
	[bflag:$0x2] =	sbarrier.arrive $0xFFFF  }
0x74: {  	p0 =	sne.s32 s0, $0x0;
	s0 =	rddreg [dreg:$0x5]  }
0x75: {  	s0 =	sadd.s32 @!p0 $0x100000, s0  }
0x76: {  	[sflag:s0] =	ssyncadd.tile.s32 @!p0 $0x1;
	_ =	shalt  }
.Lfunc_end2:
_tile_overlayer_lowered:
.L_overlay_start_2:
0x77: {  	(tag) =	ssettag $0x2  }
0x78: {  	s0 =	rddreg [dreg:$0x0];
	s2 =	stileid.u32  }
0x79: {  	s1 =	rddreg [dreg:$0x1];
	p0 =	sne.s32 s2, $0x0  }
0x7a: {  	s3 =	rddreg [dreg:$0x2];
	[bflag:$0x3] =	sbarrier.arrive $0xFFFF;
	s2 =	simm.s32 @!p0 $0x1C03  }
0x7b: {  	[timem:s3], [sflag:s2] =	dma.local @!p0 [hbm:s0], s1  }
0x7c: {  	s0 =	simm.s32 @!p0 $0x3  }
0x7d: {  	_ =	swait.ge @!p0 [sflag:s0], s1  }
0x7e: {  	s1 =	ssub.s32 @!p0 $0x0, s1;
	[sflag:s0] =	ssyncset.done @!p0 $0x0  }
0x7f: {  	[sflag:s0] =	ssyncadd.s32 @!p0 s1  }
0x80: {  	[bflag:$0x3] =	sbarrier.arrive $0xFFFF  }
0x81: {  	_ =	shalt  }

</sc_bundles>
